<compile_context>
chip_gen: v7x
topology: tpu7x:2x2x1
jax: 0.10.2.dev20260603
libtpu: 0.0.44.dev20260713+nightly
codegen_flags: <defaults>
</compile_context>

<pallas_src>
import functools

import jax
import jax.numpy as jnp
from jax import lax
from jax.experimental import pallas as pl
from jax.experimental.pallas import tpu as pltpu
from jax.experimental.pallas import tpu_sc as plsc

TOP_P = 0.7

B = 16
V = 1_000_000
HALF = V // 2
CHUNK = 10_000
NCHUNK = HALF // CHUNK
STEPS = CHUNK // 16
NBINS = 4096
HWORDS = NBINS * 16
CAP = 24576

def _sc_select(logits, temperature):
    mesh = plsc.VectorSubcoreMesh(core_axis_name="c", subcore_axis_name="s")

    @functools.partial(
        pl.kernel,
        mesh=mesh,
        out_type=jax.ShapeDtypeStruct((B * 16,), jnp.float32),
        scratch_types=[
            pltpu.VMEM((HWORDS,), jnp.float32),
            pltpu.VMEM((CHUNK,), jnp.float32),
            pltpu.VMEM((CHUNK,), jnp.float32),
            pltpu.VMEM((NBINS,), jnp.float32),
            pltpu.VMEM((NBINS,), jnp.float32),
            pltpu.VMEM((16,), jnp.float32),
            pltpu.VMEM((16,), jnp.float32),
            pltpu.VMEM((CAP,), jnp.float32),
            pltpu.VMEM_SHARED((8, 2, NBINS), jnp.float32),
            pltpu.SemaphoreType.DMA,
            pltpu.SemaphoreType.DMA,
        ],
        compiler_params=pltpu.CompilerParams(needs_layout_passes=False),
    )
    def body(lg_hbm, temp_hbm, stats_hbm, hist_v, bufa_v, bufb_v, comp_v,
             part_v, tv_v, ov_v, cand_v, shared, sema, semb):
        c = lax.axis_index("c")
        s = lax.axis_index("s")
        rl = s & 7
        half = s >> 3
        row = c * 8 + rl

        pltpu.sync_copy(temp_hbm, tv_v.at[pl.ds(0, 1)])
        t = tv_v[...][0]
        rinv = 1.0 / jnp.full((16,), t, jnp.float32)
        lane = lax.iota(jnp.int32, 16)
        zeros = jnp.zeros((16,), jnp.float32)

        def zero_hist(i):
            hist_v[pl.ds(i * 16, 16)] = zeros

        def load_u(buf, i):
            x = buf[pl.ds(i * 16, 16)]
            xs = x * rinv
            ui = plsc.bitcast(xs, jnp.int32)
            um = plsc.bitcast(
                ui ^ ((ui >> 31) | jnp.int32(-0x80000000)), jnp.uint32)
            return xs, um

        laneoff = lane * NBINS

        def make_step(buf, shift, nbins, pshift, pfx):
            def step(i):
                xs, um = load_u(buf, i)
                b = plsc.bitcast(
                    (um >> jnp.uint32(shift)) & jnp.uint32(nbins - 1), jnp.int32)
                w = jnp.exp(xs)
                if pshift is not None:
                    match = (um >> jnp.uint32(pshift)) == jnp.full(
                        (16,), pfx, jnp.uint32)
                    w = jnp.where(match, w, 0.0)
                plsc.addupdate_scatter(hist_v, [b + laneoff], w)
            return step

        def copy_chunk(k, buf, sem):
            return pltpu.make_async_copy(
                lg_hbm.at[pl.ds(row * V + half * HALF + k * CHUNK, CHUNK)],
                buf, sem)

        def stream_full(shift, nbins, pshift, pfx):
            step_a = make_step(bufa_v, shift, nbins, pshift, pfx)
            step_b = make_step(bufb_v, shift, nbins, pshift, pfx)

            copy_chunk(0, bufa_v, sema).start()

            def pair(k2, _):
                e = k2 * 2
                copy_chunk(e + 1, bufb_v, semb).start()
                copy_chunk(e, bufa_v, sema).wait()
                plsc.parallel_loop(0, STEPS, 1, unroll=8)(step_a)

                @pl.when(k2 < NCHUNK // 2 - 1)
                def _():
                    copy_chunk(e + 2, bufa_v, sema).start()

                copy_chunk(e + 1, bufb_v, semb).wait()
                plsc.parallel_loop(0, STEPS, 1, unroll=8)(step_b)
                return 0

            lax.fori_loop(0, NCHUNK // 2, pair, 0)

        def merge_publish():
            def compact(g):
                acc = zeros
                for l in range(16):
                    acc = acc + hist_v[pl.ds(l * NBINS + g * 16, 16)]
                comp_v[pl.ds(g * 16, 16)] = acc

            plsc.parallel_loop(0, NBINS // 16, 1, unroll=2)(compact)

            pltpu.sync_copy(comp_v, shared.at[rl, half])
            plsc.subcore_barrier()
            pltpu.sync_copy(shared.at[rl, 1 - half], part_v)

            def madd(g):
                comp_v[pl.ds(g * 16, 16)] = (comp_v[pl.ds(g * 16, 16)]
                                             + part_v[pl.ds(g * 16, 16)])

            plsc.parallel_loop(0, NBINS // 16, 1, unroll=4)(madd)
            plsc.subcore_barrier()

        def scan_round(nbins, w_above, thr):
            def tot(g, acc):
                return acc + comp_v[pl.ds(g * 16, 16)]

            svec = lax.fori_loop(0, nbins // 16, tot, zeros)
            s_tot = jnp.sum(svec)

            def find(g, carry):
                p_run, found, bsel, wab, wts = carry
                v = comp_v[pl.ds(g * 16, 16)]
                p_vec = plsc.cumsum(v) + p_run
                above = (s_tot - p_vec) + w_above
                qual = jnp.logical_and(v > 0.0, above <= thr)
                anyq = jnp.any(qual)
                ffs = plsc.all_reduce_ffs(qual)
                sel = lane == ffs
                bcand = jnp.sum(jnp.where(sel, g * 16 + lane, 0))
                wabc = jnp.sum(jnp.where(sel, above, 0.0))
                wtsc = jnp.sum(jnp.where(sel, v, 0.0))
                take = jnp.logical_and(anyq, jnp.logical_not(found))
                bsel = jnp.where(take, bcand, bsel)
                wab = jnp.where(take, wabc, wab)
                wts = jnp.where(take, wtsc, wts)
                found = jnp.logical_or(found, anyq)
                return p_run + jnp.sum(v), found, bsel, wab, wts

            init = (jnp.float32(0.0), False, jnp.int32(0),
                    jnp.float32(0.0), jnp.float32(0.0))
            _, _, bsel, wab, wts = lax.fori_loop(0, nbins // 16, find, init)
            return s_tot, bsel, wab, wts

        plsc.parallel_loop(0, HWORDS // 16, 1, unroll=8)(zero_hist)
        stream_full(20, NBINS, None, None)
        merge_publish()
        z, p1, wab, wts = scan_round(NBINS, jnp.float32(0.0), jnp.float32(jnp.inf))
        thr = jnp.float32(TOP_P) * z
        _, p1, wab, wts = scan_round(NBINS, jnp.float32(0.0), thr)
        p1u = lax.convert_element_type(p1, jnp.uint32)

        plsc.parallel_loop(0, HWORDS // 16, 1, unroll=8)(zero_hist)
        p1v = jnp.full((16,), p1u, jnp.uint32)

        def make_step2(buf):
            def step(i, pos):
                xs, um = load_u(buf, i)
                b = plsc.bitcast(
                    (um >> jnp.uint32(8)) & jnp.uint32(NBINS - 1), jnp.int32)
                match = (um >> jnp.uint32(20)) == p1v
                w = jnp.where(match, jnp.exp(xs), 0.0)
                plsc.addupdate_scatter(hist_v, [b + laneoff], w)
                pstore = jnp.minimum(pos, CAP - 16)
                plsc.store_compressed(cand_v.at[pl.ds(pstore, 16)], xs,
                                      mask=match)
                cnt = plsc.all_reduce_population_count(match)
                return pos + cnt[0]
            return step

        step2a = make_step2(bufa_v)
        step2b = make_step2(bufb_v)
        copy_chunk(0, bufa_v, sema).start()

        def pair2(k2, pos):
            e = k2 * 2
            copy_chunk(e + 1, bufb_v, semb).start()
            copy_chunk(e, bufa_v, sema).wait()
            pos = plsc.parallel_loop(0, STEPS, 1, unroll=8, carry=pos)(step2a)

            @pl.when(k2 < NCHUNK // 2 - 1)
            def _():
                copy_chunk(e + 2, bufa_v, sema).start()

            copy_chunk(e + 1, bufb_v, semb).wait()
            pos = plsc.parallel_loop(0, STEPS, 1, unroll=8, carry=pos)(step2b)
            return pos

        pos_f = lax.fori_loop(0, NCHUNK // 2, pair2, jnp.int32(0))
        merge_publish()
        _, p2, wab, wts = scan_round(NBINS, wab, thr)
        p2u = lax.convert_element_type(p2, jnp.uint32)

        pfx3 = (p1u << jnp.uint32(12)) | p2u
        pfx3v = jnp.full((16,), pfx3, jnp.uint32)
        plsc.parallel_loop(0, HWORDS // 16, 1, unroll=8)(zero_hist)

        def cand_hist():
            def step(i, _):
                x = cand_v[pl.ds(i * 16, 16)]
                ui = plsc.bitcast(x, jnp.int32)
                um = plsc.bitcast(
                    ui ^ ((ui >> 31) | jnp.int32(-0x80000000)), jnp.uint32)
                b = plsc.bitcast(um & jnp.uint32(255), jnp.int32)
                ok = jnp.logical_and((um >> jnp.uint32(8)) == pfx3v,
                                     (i * 16 + lane) < pos_f)
                w = jnp.where(ok, jnp.exp(x), 0.0)
                plsc.addupdate_scatter(hist_v, [b + laneoff], w)
                return 0

            lax.fori_loop(0, (pos_f + 15) >> 4, step, 0)

        def full_hist():
            stream_full(0, 256, 8, pfx3)

        lax.cond(pos_f <= CAP, cand_hist, full_hist)
        merge_publish()
        _, p3, wab, wts = scan_round(256, wab, thr)
        p3u = lax.convert_element_type(p3, jnp.uint32)

        u_star = (p1u << jnp.uint32(20)) | (p2u << jnp.uint32(8)) | p3u
        zkept = wab + wts

        uvec = jnp.full((16,), u_star, jnp.uint32)
        is_pos = uvec >= jnp.uint32(0x80000000)
        bits = jnp.where(is_pos, uvec & jnp.uint32(0x7FFFFFFF),
                         jnp.uint32(0xFFFFFFFF) - uvec)
        tvec = plsc.bitcast(bits, jnp.float32)
        zvec = jnp.full((16,), zkept, jnp.float32)
        out = jnp.where(lane == 0, tvec, jnp.where(lane == 1, zvec, 0.0))
        ov_v[...] = out

        @pl.when(half == 0)
        def _():
            pltpu.sync_copy(ov_v, stats_hbm.at[pl.ds(row * 16, 16)])

    return body(logits.reshape(-1), temperature).reshape(B, 16)


TCW = 65536
NBLK = pl.cdiv(V, TCW)


def _tc_finish(logits, temperature, noise, stats):
    def body(lg_ref, temp_ref, nz_ref, st_ref, sc_ref, idx_ref, bv_ref, bi_ref):
        j = pl.program_id(1)
        t = temp_ref[0]
        stv = st_ref[...]
        th = stv[:, 0:1]
        zk = stv[:, 1:2]
        x = lg_ref[...] / t
        col = lax.broadcasted_iota(jnp.int32, (8, TCW), 1) + j * TCW
        valid = col < V
        keep = jnp.logical_and(x >= th, valid)
        scores = jnp.where(keep, jnp.exp(x) / zk, 0.0)
        sc_ref[...] = scores
        g = -jnp.log(-jnp.log(nz_ref[...] + 1e-10) + 1e-10)
        key = jnp.log(scores + 1e-20) + g
        key = jnp.where(valid, key, -jnp.inf)
        m = jnp.max(key, axis=1)
        li = jnp.min(jnp.where(key == m[:, None], col, jnp.int32(2**31 - 1)),
                     axis=1)

        @pl.when(j == 0)
        def _():
            bv_ref[...] = jnp.full((8, 128), -jnp.inf, jnp.float32)
            bi_ref[...] = jnp.zeros((8, 128), jnp.int32)

        bv = bv_ref[...]
        bi = bi_ref[...]
        better = m[:, None] > bv
        bv_ref[...] = jnp.where(better, m[:, None], bv)
        bi_ref[...] = jnp.where(better, jnp.broadcast_to(li[:, None], (8, 128)),
                                bi)

        @pl.when(j == NBLK - 1)
        def _():
            idx_ref[...] = bi_ref[...]

    return pl.pallas_call(
        body,
        grid=(B // 8, NBLK),
        in_specs=[
            pl.BlockSpec((8, TCW), lambda r, j: (r, j)),
            pl.BlockSpec(memory_space=pltpu.SMEM),
            pl.BlockSpec((8, TCW), lambda r, j: (r, j)),
            pl.BlockSpec((8, 16), lambda r, j: (r, 0)),
        ],
        out_specs=[
            pl.BlockSpec((8, TCW), lambda r, j: (r, j)),
            pl.BlockSpec((8, 128), lambda r, j: (r, 0)),
        ],
        out_shape=[
            jax.ShapeDtypeStruct((B, V), jnp.float32),
            jax.ShapeDtypeStruct((B, 128), jnp.int32),
        ],
        scratch_shapes=[
            pltpu.VMEM((8, 128), jnp.float32),
            pltpu.VMEM((8, 128), jnp.int32),
        ],
    )(logits, temperature, noise, stats)


def kernel(logits, temperature, noise):
    stats = _sc_select(logits, temperature)
    scores, idxmat = _tc_finish(logits, temperature, noise, stats)
    return scores, idxmat[:, 0]

# --- scband reference (transcript-rebuilt; emitter-appended) ---
"""Pipeline reference for scband-gpt-warpper-13821204759012 (READ-ONLY COPY).

The authoritative reference and input builder live on the scoring server;
editing this copy changes nothing except your own understanding.
"""

import jax, jax.numpy as jnp
import numpy as np

TOP_P = 0.7

def setup_inputs(seed: int = 0) -> dict:
    key = jax.random.key(seed)
    k1, k2 = jax.random.split(key)
    B, V = 16, 1000000
    logits = jax.random.normal(k1, (B, V), dtype=jnp.float32)
    temperature = jnp.ones((1,), dtype=jnp.float32) * 0.7
    noise = jax.random.uniform(k2, (B, V), dtype=jnp.float32)
    return {"logits": logits, "temperature": temperature, "noise": noise}

def reference(logits, temperature, noise):
    # temperature scaling (logits = logits / temperature in generate_code)
    scaled = logits / temperature
    # TopPLogitsWarper (self.gpt.top_p = 0.7): keep smallest set of tokens with cum prob > top_p
    sorted_logits = -jnp.sort(-scaled, axis=-1)  # descending
    probs_sorted = jax.nn.softmax(sorted_logits, axis=-1)
    cum = jnp.cumsum(probs_sorted, axis=-1)
    remove_sorted = cum > TOP_P
    # shift right so the first token above threshold is kept
    remove_sorted = jnp.concatenate([jnp.zeros_like(remove_sorted[..., :1]), remove_sorted[..., :-1]], axis=-1)
    thresh = jnp.min(jnp.where(remove_sorted, jnp.inf, sorted_logits), axis=-1, keepdims=True)
    thresh = jax.lax.stop_gradient(thresh)
    masked = jnp.where(scaled >= thresh, scaled, -jnp.inf)
    # scores = F.softmax(logits, dim=-1)
    scores = jax.nn.softmax(masked, axis=-1)
    # idx_next = torch.multinomial(scores, num_samples=1) -> Gumbel-max with explicit uniform noise
    gumbel = -jnp.log(-jnp.log(noise + 1e-10) + 1e-10)
    idx_next = jnp.argmax(jnp.log(scores + 1e-20) + gumbel, axis=-1)
    return scores, idx_next

if __name__ == "__main__":
    import jax
    _d = setup_inputs()
    print(jax.jit(kernel)(*tuple(_d.values())))

</pallas_src>

<mosaic_0001>
#map = affine_map<(d0, d1) -> (0)>
module attributes {stable_mosaic.version = 14 : i64} {
  func.func @body(%arg0: i32, %arg1: i32, %arg2: memref<16000000xf32, #tpu.memory_space<hbm>>, %arg3: memref<1xf32, #tpu.memory_space<hbm>>, %arg4: memref<256xf32, #tpu.memory_space<hbm>>, %arg5: memref<65536xf32, #tpu.memory_space<vmem>>, %arg6: memref<10000xf32, #tpu.memory_space<vmem>>, %arg7: memref<10000xf32, #tpu.memory_space<vmem>>, %arg8: memref<4096xf32, #tpu.memory_space<vmem>>, %arg9: memref<4096xf32, #tpu.memory_space<vmem>>, %arg10: memref<16xf32, #tpu.memory_space<vmem>>, %arg11: memref<16xf32, #tpu.memory_space<vmem>>, %arg12: memref<24576xf32, #tpu.memory_space<vmem>>, %arg13: memref<8x2x4096xf32, #tpu.memory_space<vmem_shared>>, %arg14: memref<!tpu.dma_semaphore, #tpu.memory_space<semaphore_mem>>, %arg15: memref<!tpu.dma_semaphore, #tpu.memory_space<semaphore_mem>>) attributes {dimension_semantics = [#tpu.dimension_semantics<core_parallel>, #tpu.dimension_semantics<subcore_parallel>], iteration_bounds = array<i64: 2, 16>, scalar_prefetch = 0 : i64, scratch_operands = 11 : i64, tpu.core_type = #tpu.core_type<sc_vector_subcore>, window_params = [{transform_indices = #map}, {transform_indices = #map}, {transform_indices = #map}]} {
    %and3A = arith.constant 7 : i32
    %and3A_0 = arith.andi %arg1, %and3A : i32
    %shift_right_arithmetic3A = arith.constant 3 : i32
    %shift_right_arithmetic3A_1 = arith.shrsi %arg1, %shift_right_arithmetic3A : i32
    %mul3A = arith.constant 8 : i32
    %mul3A_2 = arith.muli %arg0, %mul3A : i32
    %add3A = arith.addi %mul3A_2, %and3A_0 : i32
    "tpu.region"() ({
      %run_scoped3A = tpu.sem_alloc : memref<!tpu.dma_semaphore, #tpu.memory_space<semaphore_mem>>
      %dma_start3A_201 = arith.constant 0 : i32
      %dma_start3A_202 = tpu.memref_slice %arg10[%dma_start3A_201] : memref<16xf32, #tpu.memory_space<vmem>> -> memref<1xf32, #tpu.memory_space<vmem>>
      %dma_start3A_203 = arith.constant 0 : i32
      %dma_start3A_204 = tpu.memref_slice %arg10[%dma_start3A_203] : memref<16xf32, #tpu.memory_space<vmem>> -> memref<1xf32, #tpu.memory_space<vmem>>
      tpu.enqueue_dma source(%arg3 : memref<1xf32, #tpu.memory_space<hbm>>) target(%dma_start3A_204 : memref<1xf32, #tpu.memory_space<vmem>>) target_semaphore(%run_scoped3A : memref<!tpu.dma_semaphore, #tpu.memory_space<semaphore_mem>>)
      %dma_wait3A = arith.constant 0 : i32
      %dma_wait3A_205 = tpu.memref_slice %arg10[%dma_wait3A] : memref<16xf32, #tpu.memory_space<vmem>> -> memref<1xf32, #tpu.memory_space<vmem>>
      %dma_wait3A_206 = arith.constant 0 : i32
      %dma_wait3A_207 = tpu.memref_slice %arg10[%dma_wait3A_206] : memref<16xf32, #tpu.memory_space<vmem>> -> memref<1xf32, #tpu.memory_space<vmem>>
      tpu.wait_dma2 semaphore(%run_scoped3A : memref<!tpu.dma_semaphore, #tpu.memory_space<semaphore_mem>>) src(%arg3 : memref<1xf32, #tpu.memory_space<hbm>>) dst(%dma_wait3A_207 : memref<1xf32, #tpu.memory_space<vmem>>)
      tpu.yield
    }) : () -> ()
    %get3A = arith.constant 0 : index
    %get3A_3 = tpu.vector_load %arg10[%get3A] {strides = array<i32>} : memref<16xf32, #tpu.memory_space<vmem>>, vector<16xf32>,
    %slice3A = vector.extract_strided_slice %get3A_3 {offsets = [0], sizes = [1], strides = [1]} : vector<16xf32> to vector<1xf32>
    %squeeze3A = vector.extract %slice3A[0] : f32 from vector<1xf32>
    %broadcast_in_dim3A = vector.broadcast %squeeze3A : f32 to vector<16xf32>
    %div3A = arith.constant 1.000000e+00 : f32
    %div3A_4 = vector.broadcast %div3A : f32 to vector<16xf32>
    %div3A_5 = arith.divf %div3A_4, %broadcast_in_dim3A : vector<16xf32>
    %iota3A = tpu.iota {dimensions = array<i32: 0>} : vector<16xi32>
    %broadcast_in_dim3A_6 = arith.constant 0.000000e+00 : f32
    %broadcast_in_dim3A_7 = vector.broadcast %broadcast_in_dim3A_6 : f32 to vector<16xf32>
    %mul3A_8 = arith.constant 4096 : i32
    %mul3A_9 = vector.broadcast %mul3A_8 : i32 to vector<16xi32>
    %mul3A_10 = arith.muli %iota3A, %mul3A_9 : vector<16xi32>
    %parallel_loop3A = arith.constant 0 : i32
    %parallel_loop3A_11 = arith.constant 4096 : i32
    %parallel_loop3A_12 = arith.constant 1 : i32
    scf.for %parallel_loop3A_201 = %parallel_loop3A to %parallel_loop3A_11 step %parallel_loop3A_12  : i32 {
      %parallel_loop3A_202 = arith.constant 16 : i32
      %parallel_loop3A_203 = arith.muli %parallel_loop3A_201, %parallel_loop3A_202 : i32
      %parallel_loop3A_204 = arith.index_cast %parallel_loop3A_203 : i32 to index
      %parallel_loop3A_205 = tpu.vector_load %arg5[%parallel_loop3A_204] {strides = array<i32>} : memref<65536xf32, #tpu.memory_space<vmem>>, vector<16xf32>,
      tpu.vector_store %arg5[%parallel_loop3A_204], %broadcast_in_dim3A_7 {strides = array<i32>} : memref<65536xf32, #tpu.memory_space<vmem>>, vector<16xf32>,
    } {sc.loop_unroll_factor = 8 : i64, sc.parallel_access}
    %mul3A_13 = arith.constant 1000000 : i32
    %mul3A_14 = arith.muli %add3A, %mul3A_13 : i32
    %mul3A_15 = arith.constant 500000 : i32
    %mul3A_16 = arith.muli %shift_right_arithmetic3A_1, %mul3A_15 : i32
    %add3A_17 = arith.addi %mul3A_14, %mul3A_16 : i32
    %add3A_18 = arith.constant 0 : i32
    %add3A_19 = arith.addi %add3A_17, %add3A_18 : i32
    %dma_start3A = tpu.memref_slice %arg2[%add3A_19] : memref<16000000xf32, #tpu.memory_space<hbm>> -> memref<10000xf32, #tpu.memory_space<hbm>>
    %dma_start3A_20 = tpu.memref_slice %arg2[%add3A_19] : memref<16000000xf32, #tpu.memory_space<hbm>> -> memref<10000xf32, #tpu.memory_space<hbm>>
    tpu.enqueue_dma source(%dma_start3A_20 : memref<10000xf32, #tpu.memory_space<hbm>>) target(%arg6 : memref<10000xf32, #tpu.memory_space<vmem>>) target_semaphore(%arg14 : memref<!tpu.dma_semaphore, #tpu.memory_space<semaphore_mem>>)
    %scan3A = arith.constant 0 : i32
    %scan3A_21 = arith.constant 0 : i32
    %scan3A_22 = arith.constant 25 : i32
    %scan3A_23 = arith.addi %scan3A_21, %scan3A_22 : i32
    %scan3A_24 = arith.constant 1 : i32
    %scan3A_25 = scf.for %scan3A_201 = %scan3A_21 to %scan3A_23 step %scan3A_24 iter_args(%scan3A_202 = %scan3A) -> (i32)  : i32 {
      %mul3A_203 = arith.constant 2 : i32
      %mul3A_204 = arith.muli %scan3A_201, %mul3A_203 : i32
      %add3A_205 = arith.constant 1 : i32
      %add3A_206 = arith.addi %mul3A_204, %add3A_205 : i32
      %mul3A_207 = arith.constant 1000000 : i32
      %mul3A_208 = arith.muli %add3A, %mul3A_207 : i32
      %mul3A_209 = arith.constant 500000 : i32
      %mul3A_210 = arith.muli %shift_right_arithmetic3A_1, %mul3A_209 : i32
      %add3A_211 = arith.addi %mul3A_208, %mul3A_210 : i32
      %mul3A_212 = arith.constant 10000 : i32
      %mul3A_213 = arith.muli %add3A_206, %mul3A_212 : i32
      %add3A_214 = arith.addi %add3A_211, %mul3A_213 : i32
      %dma_start3A_215 = tpu.memref_slice %arg2[%add3A_214] : memref<16000000xf32, #tpu.memory_space<hbm>> -> memref<10000xf32, #tpu.memory_space<hbm>>
      %dma_start3A_216 = tpu.memref_slice %arg2[%add3A_214] : memref<16000000xf32, #tpu.memory_space<hbm>> -> memref<10000xf32, #tpu.memory_space<hbm>>
      tpu.enqueue_dma source(%dma_start3A_216 : memref<10000xf32, #tpu.memory_space<hbm>>) target(%arg7 : memref<10000xf32, #tpu.memory_space<vmem>>) target_semaphore(%arg15 : memref<!tpu.dma_semaphore, #tpu.memory_space<semaphore_mem>>)
      %mul3A_217 = arith.constant 1000000 : i32
      %mul3A_218 = arith.muli %add3A, %mul3A_217 : i32
      %mul3A_219 = arith.constant 500000 : i32
      %mul3A_220 = arith.muli %shift_right_arithmetic3A_1, %mul3A_219 : i32
      %add3A_221 = arith.addi %mul3A_218, %mul3A_220 : i32
      %mul3A_222 = arith.constant 10000 : i32
      %mul3A_223 = arith.muli %mul3A_204, %mul3A_222 : i32
      %add3A_224 = arith.addi %add3A_221, %mul3A_223 : i32
      %dma_wait3A = tpu.memref_slice %arg2[%add3A_224] : memref<16000000xf32, #tpu.memory_space<hbm>> -> memref<10000xf32, #tpu.memory_space<hbm>>
      %dma_wait3A_225 = tpu.memref_slice %arg2[%add3A_224] : memref<16000000xf32, #tpu.memory_space<hbm>> -> memref<10000xf32, #tpu.memory_space<hbm>>
      tpu.wait_dma2 semaphore(%arg14 : memref<!tpu.dma_semaphore, #tpu.memory_space<semaphore_mem>>) src(%dma_wait3A_225 : memref<10000xf32, #tpu.memory_space<hbm>>) dst(%arg6 : memref<10000xf32, #tpu.memory_space<vmem>>)
      %parallel_loop3A_226 = arith.constant 0 : i32
      %parallel_loop3A_227 = arith.constant 625 : i32
      %parallel_loop3A_228 = arith.constant 1 : i32
      scf.for %parallel_loop3A_249 = %parallel_loop3A_226 to %parallel_loop3A_227 step %parallel_loop3A_228  : i32 {
        %parallel_loop3A_250 = arith.constant 16 : i32
        %parallel_loop3A_251 = arith.muli %parallel_loop3A_249, %parallel_loop3A_250 : i32
        %parallel_loop3A_252 = arith.index_cast %parallel_loop3A_251 : i32 to index
        %parallel_loop3A_253 = tpu.vector_load %arg6[%parallel_loop3A_252] {strides = array<i32>} : memref<10000xf32, #tpu.memory_space<vmem>>, vector<16xf32>,
        %parallel_loop3A_254 = arith.mulf %parallel_loop3A_253, %div3A_5 : vector<16xf32>
        %parallel_loop3A_255 = vector.bitcast %parallel_loop3A_254 : vector<16xf32> to vector<16xi32>
        %parallel_loop3A_256 = arith.constant 31 : i32
        %parallel_loop3A_257 = vector.broadcast %parallel_loop3A_256 : i32 to vector<16xi32>
        %parallel_loop3A_258 = arith.shrsi %parallel_loop3A_255, %parallel_loop3A_257 : vector<16xi32>
        %parallel_loop3A_259 = arith.constant -2147483648 : i32
        %parallel_loop3A_260 = vector.broadcast %parallel_loop3A_259 : i32 to vector<16xi32>
        %parallel_loop3A_261 = arith.ori %parallel_loop3A_258, %parallel_loop3A_260 : vector<16xi32>
        %parallel_loop3A_262 = arith.xori %parallel_loop3A_255, %parallel_loop3A_261 : vector<16xi32>
        %parallel_loop3A_263 = vector.bitcast %parallel_loop3A_262 : vector<16xi32> to vector<16xi32>
        %parallel_loop3A_264 = arith.constant 20 : i32
        %parallel_loop3A_265 = vector.broadcast %parallel_loop3A_264 : i32 to vector<16xi32>
        %parallel_loop3A_266 = arith.shrui %parallel_loop3A_263, %parallel_loop3A_265 : vector<16xi32>
        %parallel_loop3A_267 = arith.constant 4095 : i32
        %parallel_loop3A_268 = vector.broadcast %parallel_loop3A_267 : i32 to vector<16xi32>
        %parallel_loop3A_269 = arith.andi %parallel_loop3A_266, %parallel_loop3A_268 : vector<16xi32>
        %parallel_loop3A_270 = vector.bitcast %parallel_loop3A_269 : vector<16xi32> to vector<16xi32>
        %parallel_loop3A_271 = math.exp %parallel_loop3A_254 : vector<16xf32>
        %parallel_loop3A_272 = arith.addi %parallel_loop3A_270, %mul3A_10 : vector<16xi32>
        tpu.vector_store_idx %arg5[%parallel_loop3A_272], %parallel_loop3A_271 {add = true} : memref<65536xf32, #tpu.memory_space<vmem>>[vector<16xi32>], vector<16xf32>,
      } {sc.loop_unroll_factor = 8 : i64, sc.parallel_access}
      %lt3A = arith.constant 24 : i32
      %lt3A_229 = arith.cmpi slt, %scan3A_201, %lt3A : i32
      %convert_element_type3A_230 = arith.extui %lt3A_229 : i1 to i32
      %cond3A_231 = arith.constant 0 : i32
      %cond3A_232 = arith.cmpi ne, %convert_element_type3A_230, %cond3A_231 : i32
      scf.if %cond3A_232 {
        %add3A_249 = arith.constant 2 : i32
        %add3A_250 = arith.addi %mul3A_204, %add3A_249 : i32
        %mul3A_251 = arith.constant 1000000 : i32
        %mul3A_252 = arith.muli %add3A, %mul3A_251 : i32
        %mul3A_253 = arith.constant 500000 : i32
        %mul3A_254 = arith.muli %shift_right_arithmetic3A_1, %mul3A_253 : i32
        %add3A_255 = arith.addi %mul3A_252, %mul3A_254 : i32
        %mul3A_256 = arith.constant 10000 : i32
        %mul3A_257 = arith.muli %add3A_250, %mul3A_256 : i32
        %add3A_258 = arith.addi %add3A_255, %mul3A_257 : i32
        %dma_start3A_259 = tpu.memref_slice %arg2[%add3A_258] : memref<16000000xf32, #tpu.memory_space<hbm>> -> memref<10000xf32, #tpu.memory_space<hbm>>
        %dma_start3A_260 = tpu.memref_slice %arg2[%add3A_258] : memref<16000000xf32, #tpu.memory_space<hbm>> -> memref<10000xf32, #tpu.memory_space<hbm>>
        tpu.enqueue_dma source(%dma_start3A_260 : memref<10000xf32, #tpu.memory_space<hbm>>) target(%arg6 : memref<10000xf32, #tpu.memory_space<vmem>>) target_semaphore(%arg14 : memref<!tpu.dma_semaphore, #tpu.memory_space<semaphore_mem>>)
      } else {
      }
      %add3A_233 = arith.constant 1 : i32
      %add3A_234 = arith.addi %mul3A_204, %add3A_233 : i32
      %mul3A_235 = arith.constant 1000000 : i32
      %mul3A_236 = arith.muli %add3A, %mul3A_235 : i32
      %mul3A_237 = arith.constant 500000 : i32
      %mul3A_238 = arith.muli %shift_right_arithmetic3A_1, %mul3A_237 : i32
      %add3A_239 = arith.addi %mul3A_236, %mul3A_238 : i32
      %mul3A_240 = arith.constant 10000 : i32
      %mul3A_241 = arith.muli %add3A_234, %mul3A_240 : i32
      %add3A_242 = arith.addi %add3A_239, %mul3A_241 : i32
      %dma_wait3A_243 = tpu.memref_slice %arg2[%add3A_242] : memref<16000000xf32, #tpu.memory_space<hbm>> -> memref<10000xf32, #tpu.memory_space<hbm>>
      %dma_wait3A_244 = tpu.memref_slice %arg2[%add3A_242] : memref<16000000xf32, #tpu.memory_space<hbm>> -> memref<10000xf32, #tpu.memory_space<hbm>>
      tpu.wait_dma2 semaphore(%arg15 : memref<!tpu.dma_semaphore, #tpu.memory_space<semaphore_mem>>) src(%dma_wait3A_244 : memref<10000xf32, #tpu.memory_space<hbm>>) dst(%arg7 : memref<10000xf32, #tpu.memory_space<vmem>>)
      %parallel_loop3A_245 = arith.constant 0 : i32
      %parallel_loop3A_246 = arith.constant 625 : i32
      %parallel_loop3A_247 = arith.constant 1 : i32
      scf.for %parallel_loop3A_249 = %parallel_loop3A_245 to %parallel_loop3A_246 step %parallel_loop3A_247  : i32 {
        %parallel_loop3A_250 = arith.constant 16 : i32
        %parallel_loop3A_251 = arith.muli %parallel_loop3A_249, %parallel_loop3A_250 : i32
        %parallel_loop3A_252 = arith.index_cast %parallel_loop3A_251 : i32 to index
        %parallel_loop3A_253 = tpu.vector_load %arg7[%parallel_loop3A_252] {strides = array<i32>} : memref<10000xf32, #tpu.memory_space<vmem>>, vector<16xf32>,
        %parallel_loop3A_254 = arith.mulf %parallel_loop3A_253, %div3A_5 : vector<16xf32>
        %parallel_loop3A_255 = vector.bitcast %parallel_loop3A_254 : vector<16xf32> to vector<16xi32>
        %parallel_loop3A_256 = arith.constant 31 : i32
        %parallel_loop3A_257 = vector.broadcast %parallel_loop3A_256 : i32 to vector<16xi32>
        %parallel_loop3A_258 = arith.shrsi %parallel_loop3A_255, %parallel_loop3A_257 : vector<16xi32>
        %parallel_loop3A_259 = arith.constant -2147483648 : i32
        %parallel_loop3A_260 = vector.broadcast %parallel_loop3A_259 : i32 to vector<16xi32>
        %parallel_loop3A_261 = arith.ori %parallel_loop3A_258, %parallel_loop3A_260 : vector<16xi32>
        %parallel_loop3A_262 = arith.xori %parallel_loop3A_255, %parallel_loop3A_261 : vector<16xi32>
        %parallel_loop3A_263 = vector.bitcast %parallel_loop3A_262 : vector<16xi32> to vector<16xi32>
        %parallel_loop3A_264 = arith.constant 20 : i32
        %parallel_loop3A_265 = vector.broadcast %parallel_loop3A_264 : i32 to vector<16xi32>
        %parallel_loop3A_266 = arith.shrui %parallel_loop3A_263, %parallel_loop3A_265 : vector<16xi32>
        %parallel_loop3A_267 = arith.constant 4095 : i32
        %parallel_loop3A_268 = vector.broadcast %parallel_loop3A_267 : i32 to vector<16xi32>
        %parallel_loop3A_269 = arith.andi %parallel_loop3A_266, %parallel_loop3A_268 : vector<16xi32>
        %parallel_loop3A_270 = vector.bitcast %parallel_loop3A_269 : vector<16xi32> to vector<16xi32>
        %parallel_loop3A_271 = math.exp %parallel_loop3A_254 : vector<16xf32>
        %parallel_loop3A_272 = arith.addi %parallel_loop3A_270, %mul3A_10 : vector<16xi32>
        tpu.vector_store_idx %arg5[%parallel_loop3A_272], %parallel_loop3A_271 {add = true} : memref<65536xf32, #tpu.memory_space<vmem>>[vector<16xi32>], vector<16xf32>,
      } {sc.loop_unroll_factor = 8 : i64, sc.parallel_access}
      %scan3A_248 = arith.constant 0 : i32
      scf.yield %scan3A_248 : i32
    }
    %scan3A_26 = arith.constant 25 : i32
    %parallel_loop3A_27 = arith.constant 0 : i32
    %parallel_loop3A_28 = arith.constant 256 : i32
    %parallel_loop3A_29 = arith.constant 1 : i32
    scf.for %parallel_loop3A_201 = %parallel_loop3A_27 to %parallel_loop3A_28 step %parallel_loop3A_29  : i32 {
      %parallel_loop3A_202 = arith.constant 16 : i32
      %parallel_loop3A_203 = arith.muli %parallel_loop3A_201, %parallel_loop3A_202 : i32
      %parallel_loop3A_204 = arith.constant 0 : i32
      %parallel_loop3A_205 = arith.addi %parallel_loop3A_204, %parallel_loop3A_203 : i32
      %parallel_loop3A_206 = arith.index_cast %parallel_loop3A_205 : i32 to index
      %parallel_loop3A_207 = tpu.vector_load %arg5[%parallel_loop3A_206] {strides = array<i32>} : memref<65536xf32, #tpu.memory_space<vmem>>, vector<16xf32>,
      %parallel_loop3A_208 = arith.addf %broadcast_in_dim3A_7, %parallel_loop3A_207 : vector<16xf32>
      %parallel_loop3A_209 = arith.constant 16 : i32
      %parallel_loop3A_210 = arith.muli %parallel_loop3A_201, %parallel_loop3A_209 : i32
      %parallel_loop3A_211 = arith.constant 4096 : i32
      %parallel_loop3A_212 = arith.addi %parallel_loop3A_211, %parallel_loop3A_210 : i32
      %parallel_loop3A_213 = arith.index_cast %parallel_loop3A_212 : i32 to index
      %parallel_loop3A_214 = tpu.vector_load %arg5[%parallel_loop3A_213] {strides = array<i32>} : memref<65536xf32, #tpu.memory_space<vmem>>, vector<16xf32>,
      %parallel_loop3A_215 = arith.addf %parallel_loop3A_208, %parallel_loop3A_214 : vector<16xf32>
      %parallel_loop3A_216 = arith.constant 16 : i32
      %parallel_loop3A_217 = arith.muli %parallel_loop3A_201, %parallel_loop3A_216 : i32
      %parallel_loop3A_218 = arith.constant 8192 : i32
      %parallel_loop3A_219 = arith.addi %parallel_loop3A_218, %parallel_loop3A_217 : i32
      %parallel_loop3A_220 = arith.index_cast %parallel_loop3A_219 : i32 to index
      %parallel_loop3A_221 = tpu.vector_load %arg5[%parallel_loop3A_220] {strides = array<i32>} : memref<65536xf32, #tpu.memory_space<vmem>>, vector<16xf32>,
      %parallel_loop3A_222 = arith.addf %parallel_loop3A_215, %parallel_loop3A_221 : vector<16xf32>
      %parallel_loop3A_223 = arith.constant 16 : i32
      %parallel_loop3A_224 = arith.muli %parallel_loop3A_201, %parallel_loop3A_223 : i32
      %parallel_loop3A_225 = arith.constant 12288 : i32
      %parallel_loop3A_226 = arith.addi %parallel_loop3A_225, %parallel_loop3A_224 : i32
      %parallel_loop3A_227 = arith.index_cast %parallel_loop3A_226 : i32 to index
      %parallel_loop3A_228 = tpu.vector_load %arg5[%parallel_loop3A_227] {strides = array<i32>} : memref<65536xf32, #tpu.memory_space<vmem>>, vector<16xf32>,
      %parallel_loop3A_229 = arith.addf %parallel_loop3A_222, %parallel_loop3A_228 : vector<16xf32>
      %parallel_loop3A_230 = arith.constant 16 : i32
      %parallel_loop3A_231 = arith.muli %parallel_loop3A_201, %parallel_loop3A_230 : i32
      %parallel_loop3A_232 = arith.constant 16384 : i32
      %parallel_loop3A_233 = arith.addi %parallel_loop3A_232, %parallel_loop3A_231 : i32
      %parallel_loop3A_234 = arith.index_cast %parallel_loop3A_233 : i32 to index
      %parallel_loop3A_235 = tpu.vector_load %arg5[%parallel_loop3A_234] {strides = array<i32>} : memref<65536xf32, #tpu.memory_space<vmem>>, vector<16xf32>,
      %parallel_loop3A_236 = arith.addf %parallel_loop3A_229, %parallel_loop3A_235 : vector<16xf32>
      %parallel_loop3A_237 = arith.constant 16 : i32
      %parallel_loop3A_238 = arith.muli %parallel_loop3A_201, %parallel_loop3A_237 : i32
      %parallel_loop3A_239 = arith.constant 20480 : i32
      %parallel_loop3A_240 = arith.addi %parallel_loop3A_239, %parallel_loop3A_238 : i32
      %parallel_loop3A_241 = arith.index_cast %parallel_loop3A_240 : i32 to index
      %parallel_loop3A_242 = tpu.vector_load %arg5[%parallel_loop3A_241] {strides = array<i32>} : memref<65536xf32, #tpu.memory_space<vmem>>, vector<16xf32>,
      %parallel_loop3A_243 = arith.addf %parallel_loop3A_236, %parallel_loop3A_242 : vector<16xf32>
      %parallel_loop3A_244 = arith.constant 16 : i32
      %parallel_loop3A_245 = arith.muli %parallel_loop3A_201, %parallel_loop3A_244 : i32
      %parallel_loop3A_246 = arith.constant 24576 : i32
      %parallel_loop3A_247 = arith.addi %parallel_loop3A_246, %parallel_loop3A_245 : i32
      %parallel_loop3A_248 = arith.index_cast %parallel_loop3A_247 : i32 to index
      %parallel_loop3A_249 = tpu.vector_load %arg5[%parallel_loop3A_248] {strides = array<i32>} : memref<65536xf32, #tpu.memory_space<vmem>>, vector<16xf32>,
      %parallel_loop3A_250 = arith.addf %parallel_loop3A_243, %parallel_loop3A_249 : vector<16xf32>
      %parallel_loop3A_251 = arith.constant 16 : i32
      %parallel_loop3A_252 = arith.muli %parallel_loop3A_201, %parallel_loop3A_251 : i32
      %parallel_loop3A_253 = arith.constant 28672 : i32
      %parallel_loop3A_254 = arith.addi %parallel_loop3A_253, %parallel_loop3A_252 : i32
      %parallel_loop3A_255 = arith.index_cast %parallel_loop3A_254 : i32 to index
      %parallel_loop3A_256 = tpu.vector_load %arg5[%parallel_loop3A_255] {strides = array<i32>} : memref<65536xf32, #tpu.memory_space<vmem>>, vector<16xf32>,
      %parallel_loop3A_257 = arith.addf %parallel_loop3A_250, %parallel_loop3A_256 : vector<16xf32>
      %parallel_loop3A_258 = arith.constant 16 : i32
      %parallel_loop3A_259 = arith.muli %parallel_loop3A_201, %parallel_loop3A_258 : i32
      %parallel_loop3A_260 = arith.constant 32768 : i32
      %parallel_loop3A_261 = arith.addi %parallel_loop3A_260, %parallel_loop3A_259 : i32
      %parallel_loop3A_262 = arith.index_cast %parallel_loop3A_261 : i32 to index
      %parallel_loop3A_263 = tpu.vector_load %arg5[%parallel_loop3A_262] {strides = array<i32>} : memref<65536xf32, #tpu.memory_space<vmem>>, vector<16xf32>,
      %parallel_loop3A_264 = arith.addf %parallel_loop3A_257, %parallel_loop3A_263 : vector<16xf32>
      %parallel_loop3A_265 = arith.constant 16 : i32
      %parallel_loop3A_266 = arith.muli %parallel_loop3A_201, %parallel_loop3A_265 : i32
      %parallel_loop3A_267 = arith.constant 36864 : i32
      %parallel_loop3A_268 = arith.addi %parallel_loop3A_267, %parallel_loop3A_266 : i32
      %parallel_loop3A_269 = arith.index_cast %parallel_loop3A_268 : i32 to index
      %parallel_loop3A_270 = tpu.vector_load %arg5[%parallel_loop3A_269] {strides = array<i32>} : memref<65536xf32, #tpu.memory_space<vmem>>, vector<16xf32>,
      %parallel_loop3A_271 = arith.addf %parallel_loop3A_264, %parallel_loop3A_270 : vector<16xf32>
      %parallel_loop3A_272 = arith.constant 16 : i32
      %parallel_loop3A_273 = arith.muli %parallel_loop3A_201, %parallel_loop3A_272 : i32
      %parallel_loop3A_274 = arith.constant 40960 : i32
      %parallel_loop3A_275 = arith.addi %parallel_loop3A_274, %parallel_loop3A_273 : i32
      %parallel_loop3A_276 = arith.index_cast %parallel_loop3A_275 : i32 to index
      %parallel_loop3A_277 = tpu.vector_load %arg5[%parallel_loop3A_276] {strides = array<i32>} : memref<65536xf32, #tpu.memory_space<vmem>>, vector<16xf32>,
      %parallel_loop3A_278 = arith.addf %parallel_loop3A_271, %parallel_loop3A_277 : vector<16xf32>
      %parallel_loop3A_279 = arith.constant 16 : i32
      %parallel_loop3A_280 = arith.muli %parallel_loop3A_201, %parallel_loop3A_279 : i32
      %parallel_loop3A_281 = arith.constant 45056 : i32
      %parallel_loop3A_282 = arith.addi %parallel_loop3A_281, %parallel_loop3A_280 : i32
      %parallel_loop3A_283 = arith.index_cast %parallel_loop3A_282 : i32 to index
      %parallel_loop3A_284 = tpu.vector_load %arg5[%parallel_loop3A_283] {strides = array<i32>} : memref<65536xf32, #tpu.memory_space<vmem>>, vector<16xf32>,
      %parallel_loop3A_285 = arith.addf %parallel_loop3A_278, %parallel_loop3A_284 : vector<16xf32>
      %parallel_loop3A_286 = arith.constant 16 : i32
      %parallel_loop3A_287 = arith.muli %parallel_loop3A_201, %parallel_loop3A_286 : i32
      %parallel_loop3A_288 = arith.constant 49152 : i32
      %parallel_loop3A_289 = arith.addi %parallel_loop3A_288, %parallel_loop3A_287 : i32
      %parallel_loop3A_290 = arith.index_cast %parallel_loop3A_289 : i32 to index
      %parallel_loop3A_291 = tpu.vector_load %arg5[%parallel_loop3A_290] {strides = array<i32>} : memref<65536xf32, #tpu.memory_space<vmem>>, vector<16xf32>,
      %parallel_loop3A_292 = arith.addf %parallel_loop3A_285, %parallel_loop3A_291 : vector<16xf32>
      %parallel_loop3A_293 = arith.constant 16 : i32
      %parallel_loop3A_294 = arith.muli %parallel_loop3A_201, %parallel_loop3A_293 : i32
      %parallel_loop3A_295 = arith.constant 53248 : i32
      %parallel_loop3A_296 = arith.addi %parallel_loop3A_295, %parallel_loop3A_294 : i32
      %parallel_loop3A_297 = arith.index_cast %parallel_loop3A_296 : i32 to index
      %parallel_loop3A_298 = tpu.vector_load %arg5[%parallel_loop3A_297] {strides = array<i32>} : memref<65536xf32, #tpu.memory_space<vmem>>, vector<16xf32>,
      %parallel_loop3A_299 = arith.addf %parallel_loop3A_292, %parallel_loop3A_298 : vector<16xf32>
      %parallel_loop3A_300 = arith.constant 16 : i32
      %parallel_loop3A_301 = arith.muli %parallel_loop3A_201, %parallel_loop3A_300 : i32
      %parallel_loop3A_302 = arith.constant 57344 : i32
      %parallel_loop3A_303 = arith.addi %parallel_loop3A_302, %parallel_loop3A_301 : i32
      %parallel_loop3A_304 = arith.index_cast %parallel_loop3A_303 : i32 to index
      %parallel_loop3A_305 = tpu.vector_load %arg5[%parallel_loop3A_304] {strides = array<i32>} : memref<65536xf32, #tpu.memory_space<vmem>>, vector<16xf32>,
      %parallel_loop3A_306 = arith.addf %parallel_loop3A_299, %parallel_loop3A_305 : vector<16xf32>
      %parallel_loop3A_307 = arith.constant 16 : i32
      %parallel_loop3A_308 = arith.muli %parallel_loop3A_201, %parallel_loop3A_307 : i32
      %parallel_loop3A_309 = arith.constant 61440 : i32
      %parallel_loop3A_310 = arith.addi %parallel_loop3A_309, %parallel_loop3A_308 : i32
      %parallel_loop3A_311 = arith.index_cast %parallel_loop3A_310 : i32 to index
      %parallel_loop3A_312 = tpu.vector_load %arg5[%parallel_loop3A_311] {strides = array<i32>} : memref<65536xf32, #tpu.memory_space<vmem>>, vector<16xf32>,
      %parallel_loop3A_313 = arith.addf %parallel_loop3A_306, %parallel_loop3A_312 : vector<16xf32>
      %parallel_loop3A_314 = arith.constant 16 : i32
      %parallel_loop3A_315 = arith.muli %parallel_loop3A_201, %parallel_loop3A_314 : i32
      %parallel_loop3A_316 = arith.index_cast %parallel_loop3A_315 : i32 to index
      %parallel_loop3A_317 = tpu.vector_load %arg8[%parallel_loop3A_316] {strides = array<i32>} : memref<4096xf32, #tpu.memory_space<vmem>>, vector<16xf32>,
      tpu.vector_store %arg8[%parallel_loop3A_316], %parallel_loop3A_313 {strides = array<i32>} : memref<4096xf32, #tpu.memory_space<vmem>>, vector<16xf32>,
    } {sc.loop_unroll_factor = 2 : i64, sc.parallel_access}
    "tpu.region"() ({
      %run_scoped3A = tpu.sem_alloc : memref<!tpu.dma_semaphore, #tpu.memory_space<semaphore_mem>>
      %dma_start3A_201 = arith.constant 0 : i32
      %dma_start3A_202 = tpu.memref_slice %arg13[%and3A_0, %shift_right_arithmetic3A_1, %dma_start3A_201] : memref<8x2x4096xf32, #tpu.memory_space<vmem_shared>> -> memref<1x1x4096xf32, #tpu.memory_space<vmem_shared>>
      %dma_start3A_203 = tpu.memref_squeeze %dma_start3A_202 : memref<1x1x4096xf32, #tpu.memory_space<vmem_shared>> -> memref<4096xf32, #tpu.memory_space<vmem_shared>>
      %dma_start3A_204 = arith.constant 0 : i32
      %dma_start3A_205 = tpu.memref_slice %arg13[%and3A_0, %shift_right_arithmetic3A_1, %dma_start3A_204] : memref<8x2x4096xf32, #tpu.memory_space<vmem_shared>> -> memref<1x1x4096xf32, #tpu.memory_space<vmem_shared>>
      %dma_start3A_206 = tpu.memref_squeeze %dma_start3A_205 : memref<1x1x4096xf32, #tpu.memory_space<vmem_shared>> -> memref<4096xf32, #tpu.memory_space<vmem_shared>>
      tpu.enqueue_dma source(%arg8 : memref<4096xf32, #tpu.memory_space<vmem>>) target(%dma_start3A_206 : memref<4096xf32, #tpu.memory_space<vmem_shared>>) target_semaphore(%run_scoped3A : memref<!tpu.dma_semaphore, #tpu.memory_space<semaphore_mem>>)
      %dma_wait3A = arith.constant 0 : i32
      %dma_wait3A_207 = tpu.memref_slice %arg13[%and3A_0, %shift_right_arithmetic3A_1, %dma_wait3A] : memref<8x2x4096xf32, #tpu.memory_space<vmem_shared>> -> memref<1x1x4096xf32, #tpu.memory_space<vmem_shared>>
      %dma_wait3A_208 = tpu.memref_squeeze %dma_wait3A_207 : memref<1x1x4096xf32, #tpu.memory_space<vmem_shared>> -> memref<4096xf32, #tpu.memory_space<vmem_shared>>
      %dma_wait3A_209 = arith.constant 0 : i32
      %dma_wait3A_210 = tpu.memref_slice %arg13[%and3A_0, %shift_right_arithmetic3A_1, %dma_wait3A_209] : memref<8x2x4096xf32, #tpu.memory_space<vmem_shared>> -> memref<1x1x4096xf32, #tpu.memory_space<vmem_shared>>
      %dma_wait3A_211 = tpu.memref_squeeze %dma_wait3A_210 : memref<1x1x4096xf32, #tpu.memory_space<vmem_shared>> -> memref<4096xf32, #tpu.memory_space<vmem_shared>>
      tpu.wait_dma2 semaphore(%run_scoped3A : memref<!tpu.dma_semaphore, #tpu.memory_space<semaphore_mem>>) src(%arg8 : memref<4096xf32, #tpu.memory_space<vmem>>) dst(%dma_wait3A_211 : memref<4096xf32, #tpu.memory_space<vmem_shared>>)
      tpu.yield
    }) : () -> ()
    %barrier3A = arith.constant 0 : index
    tpu.barrier barrier_id(%barrier3A)
    %sub3A = arith.constant 1 : i32
    %sub3A_30 = arith.subi %sub3A, %shift_right_arithmetic3A_1 : i32
    "tpu.region"() ({
      %run_scoped3A = tpu.sem_alloc : memref<!tpu.dma_semaphore, #tpu.memory_space<semaphore_mem>>
      %dma_start3A_201 = arith.constant 0 : i32
      %dma_start3A_202 = tpu.memref_slice %arg13[%and3A_0, %sub3A_30, %dma_start3A_201] : memref<8x2x4096xf32, #tpu.memory_space<vmem_shared>> -> memref<1x1x4096xf32, #tpu.memory_space<vmem_shared>>
      %dma_start3A_203 = tpu.memref_squeeze %dma_start3A_202 : memref<1x1x4096xf32, #tpu.memory_space<vmem_shared>> -> memref<4096xf32, #tpu.memory_space<vmem_shared>>
      %dma_start3A_204 = arith.constant 0 : i32
      %dma_start3A_205 = tpu.memref_slice %arg13[%and3A_0, %sub3A_30, %dma_start3A_204] : memref<8x2x4096xf32, #tpu.memory_space<vmem_shared>> -> memref<1x1x4096xf32, #tpu.memory_space<vmem_shared>>
      %dma_start3A_206 = tpu.memref_squeeze %dma_start3A_205 : memref<1x1x4096xf32, #tpu.memory_space<vmem_shared>> -> memref<4096xf32, #tpu.memory_space<vmem_shared>>
      tpu.enqueue_dma source(%dma_start3A_206 : memref<4096xf32, #tpu.memory_space<vmem_shared>>) target(%arg9 : memref<4096xf32, #tpu.memory_space<vmem>>) target_semaphore(%run_scoped3A : memref<!tpu.dma_semaphore, #tpu.memory_space<semaphore_mem>>)
      %dma_wait3A = arith.constant 0 : i32
      %dma_wait3A_207 = tpu.memref_slice %arg13[%and3A_0, %sub3A_30, %dma_wait3A] : memref<8x2x4096xf32, #tpu.memory_space<vmem_shared>> -> memref<1x1x4096xf32, #tpu.memory_space<vmem_shared>>
      %dma_wait3A_208 = tpu.memref_squeeze %dma_wait3A_207 : memref<1x1x4096xf32, #tpu.memory_space<vmem_shared>> -> memref<4096xf32, #tpu.memory_space<vmem_shared>>
      %dma_wait3A_209 = arith.constant 0 : i32
      %dma_wait3A_210 = tpu.memref_slice %arg13[%and3A_0, %sub3A_30, %dma_wait3A_209] : memref<8x2x4096xf32, #tpu.memory_space<vmem_shared>> -> memref<1x1x4096xf32, #tpu.memory_space<vmem_shared>>
      %dma_wait3A_211 = tpu.memref_squeeze %dma_wait3A_210 : memref<1x1x4096xf32, #tpu.memory_space<vmem_shared>> -> memref<4096xf32, #tpu.memory_space<vmem_shared>>
      tpu.wait_dma2 semaphore(%run_scoped3A : memref<!tpu.dma_semaphore, #tpu.memory_space<semaphore_mem>>) src(%dma_wait3A_211 : memref<4096xf32, #tpu.memory_space<vmem_shared>>) dst(%arg9 : memref<4096xf32, #tpu.memory_space<vmem>>)
      tpu.yield
    }) : () -> ()
    %parallel_loop3A_31 = arith.constant 0 : i32
    %parallel_loop3A_32 = arith.constant 256 : i32
    %parallel_loop3A_33 = arith.constant 1 : i32
    scf.for %parallel_loop3A_201 = %parallel_loop3A_31 to %parallel_loop3A_32 step %parallel_loop3A_33  : i32 {
      %parallel_loop3A_202 = arith.constant 16 : i32
      %parallel_loop3A_203 = arith.muli %parallel_loop3A_201, %parallel_loop3A_202 : i32
      %parallel_loop3A_204 = arith.index_cast %parallel_loop3A_203 : i32 to index
      %parallel_loop3A_205 = tpu.vector_load %arg8[%parallel_loop3A_204] {strides = array<i32>} : memref<4096xf32, #tpu.memory_space<vmem>>, vector<16xf32>,
      %parallel_loop3A_206 = arith.constant 16 : i32
      %parallel_loop3A_207 = arith.muli %parallel_loop3A_201, %parallel_loop3A_206 : i32
      %parallel_loop3A_208 = arith.index_cast %parallel_loop3A_207 : i32 to index
      %parallel_loop3A_209 = tpu.vector_load %arg9[%parallel_loop3A_208] {strides = array<i32>} : memref<4096xf32, #tpu.memory_space<vmem>>, vector<16xf32>,
      %parallel_loop3A_210 = arith.addf %parallel_loop3A_205, %parallel_loop3A_209 : vector<16xf32>
      %parallel_loop3A_211 = arith.constant 16 : i32
      %parallel_loop3A_212 = arith.muli %parallel_loop3A_201, %parallel_loop3A_211 : i32
      %parallel_loop3A_213 = arith.index_cast %parallel_loop3A_212 : i32 to index
      %parallel_loop3A_214 = tpu.vector_load %arg8[%parallel_loop3A_213] {strides = array<i32>} : memref<4096xf32, #tpu.memory_space<vmem>>, vector<16xf32>,
      tpu.vector_store %arg8[%parallel_loop3A_213], %parallel_loop3A_210 {strides = array<i32>} : memref<4096xf32, #tpu.memory_space<vmem>>, vector<16xf32>,
    } {sc.loop_unroll_factor = 4 : i64, sc.parallel_access}
    %barrier3A_34 = arith.constant 0 : index
    tpu.barrier barrier_id(%barrier3A_34)
    %scan3A_35 = arith.constant 0 : i32
    %scan3A_36 = arith.constant 256 : i32
    %scan3A_37 = arith.addi %scan3A_35, %scan3A_36 : i32
    %scan3A_38 = arith.constant 1 : i32
    %scan3A_39 = scf.for %scan3A_201 = %scan3A_35 to %scan3A_37 step %scan3A_38 iter_args(%scan3A_202 = %broadcast_in_dim3A_7) -> (vector<16xf32>)  : i32 {
      %mul3A_203 = arith.constant 16 : i32
      %mul3A_204 = arith.muli %scan3A_201, %mul3A_203 : i32
      %get3A_205 = arith.index_cast %mul3A_204 : i32 to index
      %get3A_206 = tpu.vector_load %arg8[%get3A_205] {strides = array<i32>} : memref<4096xf32, #tpu.memory_space<vmem>>, vector<16xf32>,
      %add3A_207 = arith.addf %scan3A_202, %get3A_206 : vector<16xf32>
      scf.yield %add3A_207 : vector<16xf32>
    }
    %scan3A_40 = arith.constant 256 : i32
    %reduce_sum3A = arith.constant true
    %reduce_sum3A_41 = vector.broadcast %reduce_sum3A : i1 to vector<16xi1>
    %reduce_sum3A_42 = tpu.scan <sum>, %scan3A_39 masked %reduce_sum3A_41 : vector<16xf32>, vector<16xi1> -> vector<16xf32>
    %reduce_sum3A_43 = vector.extract %reduce_sum3A_42[15] : f32 from vector<16xf32>
    %scan3A_44 = arith.constant 0.000000e+00 : f32
    %scan3A_45 = arith.constant 0x7F800000 : f32
    %scan3A_46 = arith.constant 0.000000e+00 : f32
    %scan3A_47 = arith.constant false
    %scan3A_48 = arith.constant 0 : i32
    %scan3A_49 = arith.constant 0.000000e+00 : f32
    %scan3A_50 = arith.constant 0.000000e+00 : f32
    %scan3A_51 = arith.constant 0 : i32
    %scan3A_52 = arith.constant 256 : i32
    %scan3A_53 = arith.addi %scan3A_51, %scan3A_52 : i32
    %scan3A_54 = arith.constant 1 : i32
    %scan3A_55:5 = scf.for %scan3A_201 = %scan3A_51 to %scan3A_53 step %scan3A_54 iter_args(%scan3A_202 = %scan3A_46, %scan3A_203 = %scan3A_47, %scan3A_204 = %scan3A_48, %scan3A_205 = %scan3A_49, %scan3A_206 = %scan3A_50) -> (f32, i1, i32, f32, f32)  : i32 {
      %mul3A_207 = arith.constant 16 : i32
      %mul3A_208 = arith.muli %scan3A_201, %mul3A_207 : i32
      %get3A_209 = arith.index_cast %mul3A_208 : i32 to index
      %get3A_210 = tpu.vector_load %arg8[%get3A_209] {strides = array<i32>} : memref<4096xf32, #tpu.memory_space<vmem>>, vector<16xf32>,
      %broadcast_in_dim3A_211 = arith.constant true
      %broadcast_in_dim3A_212 = vector.broadcast %broadcast_in_dim3A_211 : i1 to vector<16xi1>
      %masked_cumsum3A = tpu.scan <sum>, %get3A_210 masked %broadcast_in_dim3A_212 : vector<16xf32>, vector<16xi1> -> vector<16xf32>
      %add3A_213 = vector.broadcast %scan3A_202 : f32 to vector<16xf32>
      %add3A_214 = arith.addf %masked_cumsum3A, %add3A_213 : vector<16xf32>
      %sub3A_215 = vector.broadcast %reduce_sum3A_43 : f32 to vector<16xf32>
      %sub3A_216 = arith.subf %sub3A_215, %add3A_214 : vector<16xf32>
      %add3A_217 = vector.broadcast %scan3A_44 : f32 to vector<16xf32>
      %add3A_218 = arith.addf %sub3A_216, %add3A_217 : vector<16xf32>
      %gt3A = arith.constant 0.000000e+00 : f32
      %gt3A_219 = vector.broadcast %gt3A : f32 to vector<16xf32>
      %gt3A_220 = arith.cmpf ogt, %get3A_210, %gt3A_219 : vector<16xf32>
      %le3A_221 = vector.broadcast %scan3A_45 : f32 to vector<16xf32>
      %le3A_222 = arith.cmpf ole, %add3A_218, %le3A_221 : vector<16xf32>
      %and3A_223 = arith.andi %gt3A_220, %le3A_222 : vector<16xi1>
      %reduce_or3A = arith.constant 1.000000e+00 : f32
      %reduce_or3A_224 = arith.constant 0.000000e+00 : f32
      %reduce_or3A_225 = vector.broadcast %reduce_or3A : f32 to vector<16xf32>
      %reduce_or3A_226 = vector.broadcast %reduce_or3A_224 : f32 to vector<16xf32>
      %reduce_or3A_227 = arith.select %and3A_223, %reduce_or3A_225, %reduce_or3A_226 : vector<16xi1>, vector<16xf32>
      %reduce_or3A_228 = arith.constant true
      %reduce_or3A_229 = vector.broadcast %reduce_or3A_228 : i1 to vector<16xi1>
      %reduce_or3A_230 = tpu.scan <max>, %reduce_or3A_227 masked %reduce_or3A_229 : vector<16xf32>, vector<16xi1> -> vector<16xf32>
      %reduce_or3A_231 = vector.extract %reduce_or3A_230[15] : f32 from vector<16xf32>
      %reduce_or3A_232 = arith.constant 0.000000e+00 : f32
      %reduce_or3A_233 = arith.cmpf ogt, %reduce_or3A_231, %reduce_or3A_232 : f32
      %all_reduce_ffs3A = tpu.all_reduce %and3A_223 {dim = 0 : i64, kind = #tpu.reduction_kind<find_first_set>} : vector<16xi1> -> vector<16xi32>
      %eq3A_234 = arith.cmpi eq, %iota3A, %all_reduce_ffs3A : vector<16xi32>
      %mul3A_235 = arith.constant 16 : i32
      %mul3A_236 = arith.muli %scan3A_201, %mul3A_235 : i32
      %add3A_237 = vector.broadcast %mul3A_236 : i32 to vector<16xi32>
      %add3A_238 = arith.addi %add3A_237, %iota3A : vector<16xi32>
      %jit3A_239 = arith.constant 0 : i32
      %broadcast_in_dim3A_240 = vector.broadcast %jit3A_239 : i32 to vector<16xi32>
      %select_n3A_241 = arith.select %eq3A_234, %add3A_238, %broadcast_in_dim3A_240 : vector<16xi1>, vector<16xi32>
      %reduce_sum3A_242 = arith.constant true
      %reduce_sum3A_243 = vector.broadcast %reduce_sum3A_242 : i1 to vector<16xi1>
      %reduce_sum3A_244 = tpu.scan <sum>, %select_n3A_241 masked %reduce_sum3A_243 : vector<16xi32>, vector<16xi1> -> vector<16xi32>
      %reduce_sum3A_245 = vector.extract %reduce_sum3A_244[15] : i32 from vector<16xi32>
      %jit3A_246 = arith.constant 0.000000e+00 : f32
      %broadcast_in_dim3A_247 = vector.broadcast %jit3A_246 : f32 to vector<16xf32>
      %select_n3A_248 = arith.select %eq3A_234, %add3A_218, %broadcast_in_dim3A_247 : vector<16xi1>, vector<16xf32>
      %reduce_sum3A_249 = arith.constant true
      %reduce_sum3A_250 = vector.broadcast %reduce_sum3A_249 : i1 to vector<16xi1>
      %reduce_sum3A_251 = tpu.scan <sum>, %select_n3A_248 masked %reduce_sum3A_250 : vector<16xf32>, vector<16xi1> -> vector<16xf32>
      %reduce_sum3A_252 = vector.extract %reduce_sum3A_251[15] : f32 from vector<16xf32>
      %jit3A_253 = arith.constant 0.000000e+00 : f32
      %broadcast_in_dim3A_254 = vector.broadcast %jit3A_253 : f32 to vector<16xf32>
      %select_n3A_255 = arith.select %eq3A_234, %get3A_210, %broadcast_in_dim3A_254 : vector<16xi1>, vector<16xf32>
      %reduce_sum3A_256 = arith.constant true
      %reduce_sum3A_257 = vector.broadcast %reduce_sum3A_256 : i1 to vector<16xi1>
      %reduce_sum3A_258 = tpu.scan <sum>, %select_n3A_255 masked %reduce_sum3A_257 : vector<16xf32>, vector<16xi1> -> vector<16xf32>
      %reduce_sum3A_259 = vector.extract %reduce_sum3A_258[15] : f32 from vector<16xf32>
      %not3A = arith.constant true
      %not3A_260 = arith.xori %scan3A_203, %not3A : i1
      %and3A_261 = arith.andi %reduce_or3A_233, %not3A_260 : i1
      %select_n3A_262 = arith.select %and3A_261, %reduce_sum3A_245, %scan3A_204 : i32
      %select_n3A_263 = arith.select %and3A_261, %reduce_sum3A_252, %scan3A_205 : f32
      %select_n3A_264 = arith.select %and3A_261, %reduce_sum3A_259, %scan3A_206 : f32
      %or3A_265 = arith.ori %scan3A_203, %reduce_or3A_233 : i1
      %reduce_sum3A_266 = arith.constant true
      %reduce_sum3A_267 = vector.broadcast %reduce_sum3A_266 : i1 to vector<16xi1>
      %reduce_sum3A_268 = tpu.scan <sum>, %get3A_210 masked %reduce_sum3A_267 : vector<16xf32>, vector<16xi1> -> vector<16xf32>
      %reduce_sum3A_269 = vector.extract %reduce_sum3A_268[15] : f32 from vector<16xf32>
      %add3A_270 = arith.addf %scan3A_202, %reduce_sum3A_269 : f32
      scf.yield %add3A_270, %or3A_265, %select_n3A_262, %select_n3A_263, %select_n3A_264 : f32, i1, i32, f32, f32
    }
    %scan3A_56 = arith.constant 256 : i32
    %mul3A_57 = arith.constant 0.699999988 : f32
    %mul3A_58 = arith.mulf %mul3A_57, %reduce_sum3A_43 : f32
    %scan3A_59 = arith.constant 0 : i32
    %scan3A_60 = arith.constant 256 : i32
    %scan3A_61 = arith.addi %scan3A_59, %scan3A_60 : i32
    %scan3A_62 = arith.constant 1 : i32
    %scan3A_63 = scf.for %scan3A_201 = %scan3A_59 to %scan3A_61 step %scan3A_62 iter_args(%scan3A_202 = %broadcast_in_dim3A_7) -> (vector<16xf32>)  : i32 {
      %mul3A_203 = arith.constant 16 : i32
      %mul3A_204 = arith.muli %scan3A_201, %mul3A_203 : i32
      %get3A_205 = arith.index_cast %mul3A_204 : i32 to index
      %get3A_206 = tpu.vector_load %arg8[%get3A_205] {strides = array<i32>} : memref<4096xf32, #tpu.memory_space<vmem>>, vector<16xf32>,
      %add3A_207 = arith.addf %scan3A_202, %get3A_206 : vector<16xf32>
      scf.yield %add3A_207 : vector<16xf32>
    }
    %scan3A_64 = arith.constant 256 : i32
    %reduce_sum3A_65 = arith.constant true
    %reduce_sum3A_66 = vector.broadcast %reduce_sum3A_65 : i1 to vector<16xi1>
    %reduce_sum3A_67 = tpu.scan <sum>, %scan3A_63 masked %reduce_sum3A_66 : vector<16xf32>, vector<16xi1> -> vector<16xf32>
    %reduce_sum3A_68 = vector.extract %reduce_sum3A_67[15] : f32 from vector<16xf32>
    %scan3A_69 = arith.constant 0.000000e+00 : f32
    %scan3A_70 = arith.constant 0.000000e+00 : f32
    %scan3A_71 = arith.constant false
    %scan3A_72 = arith.constant 0 : i32
    %scan3A_73 = arith.constant 0.000000e+00 : f32
    %scan3A_74 = arith.constant 0.000000e+00 : f32
    %scan3A_75 = arith.constant 0 : i32
    %scan3A_76 = arith.constant 256 : i32
    %scan3A_77 = arith.addi %scan3A_75, %scan3A_76 : i32
    %scan3A_78 = arith.constant 1 : i32
    %scan3A_79:5 = scf.for %scan3A_201 = %scan3A_75 to %scan3A_77 step %scan3A_78 iter_args(%scan3A_202 = %scan3A_70, %scan3A_203 = %scan3A_71, %scan3A_204 = %scan3A_72, %scan3A_205 = %scan3A_73, %scan3A_206 = %scan3A_74) -> (f32, i1, i32, f32, f32)  : i32 {
      %mul3A_207 = arith.constant 16 : i32
      %mul3A_208 = arith.muli %scan3A_201, %mul3A_207 : i32
      %get3A_209 = arith.index_cast %mul3A_208 : i32 to index
      %get3A_210 = tpu.vector_load %arg8[%get3A_209] {strides = array<i32>} : memref<4096xf32, #tpu.memory_space<vmem>>, vector<16xf32>,
      %broadcast_in_dim3A_211 = arith.constant true
      %broadcast_in_dim3A_212 = vector.broadcast %broadcast_in_dim3A_211 : i1 to vector<16xi1>
      %masked_cumsum3A = tpu.scan <sum>, %get3A_210 masked %broadcast_in_dim3A_212 : vector<16xf32>, vector<16xi1> -> vector<16xf32>
      %add3A_213 = vector.broadcast %scan3A_202 : f32 to vector<16xf32>
      %add3A_214 = arith.addf %masked_cumsum3A, %add3A_213 : vector<16xf32>
      %sub3A_215 = vector.broadcast %reduce_sum3A_68 : f32 to vector<16xf32>
      %sub3A_216 = arith.subf %sub3A_215, %add3A_214 : vector<16xf32>
      %add3A_217 = vector.broadcast %scan3A_69 : f32 to vector<16xf32>
      %add3A_218 = arith.addf %sub3A_216, %add3A_217 : vector<16xf32>
      %gt3A = arith.constant 0.000000e+00 : f32
      %gt3A_219 = vector.broadcast %gt3A : f32 to vector<16xf32>
      %gt3A_220 = arith.cmpf ogt, %get3A_210, %gt3A_219 : vector<16xf32>
      %le3A_221 = vector.broadcast %mul3A_58 : f32 to vector<16xf32>
      %le3A_222 = arith.cmpf ole, %add3A_218, %le3A_221 : vector<16xf32>
      %and3A_223 = arith.andi %gt3A_220, %le3A_222 : vector<16xi1>
      %reduce_or3A = arith.constant 1.000000e+00 : f32
      %reduce_or3A_224 = arith.constant 0.000000e+00 : f32
      %reduce_or3A_225 = vector.broadcast %reduce_or3A : f32 to vector<16xf32>
      %reduce_or3A_226 = vector.broadcast %reduce_or3A_224 : f32 to vector<16xf32>
      %reduce_or3A_227 = arith.select %and3A_223, %reduce_or3A_225, %reduce_or3A_226 : vector<16xi1>, vector<16xf32>
      %reduce_or3A_228 = arith.constant true
      %reduce_or3A_229 = vector.broadcast %reduce_or3A_228 : i1 to vector<16xi1>
      %reduce_or3A_230 = tpu.scan <max>, %reduce_or3A_227 masked %reduce_or3A_229 : vector<16xf32>, vector<16xi1> -> vector<16xf32>
      %reduce_or3A_231 = vector.extract %reduce_or3A_230[15] : f32 from vector<16xf32>
      %reduce_or3A_232 = arith.constant 0.000000e+00 : f32
      %reduce_or3A_233 = arith.cmpf ogt, %reduce_or3A_231, %reduce_or3A_232 : f32
      %all_reduce_ffs3A = tpu.all_reduce %and3A_223 {dim = 0 : i64, kind = #tpu.reduction_kind<find_first_set>} : vector<16xi1> -> vector<16xi32>
      %eq3A_234 = arith.cmpi eq, %iota3A, %all_reduce_ffs3A : vector<16xi32>
      %mul3A_235 = arith.constant 16 : i32
      %mul3A_236 = arith.muli %scan3A_201, %mul3A_235 : i32
      %add3A_237 = vector.broadcast %mul3A_236 : i32 to vector<16xi32>
      %add3A_238 = arith.addi %add3A_237, %iota3A : vector<16xi32>
      %jit3A_239 = arith.constant 0 : i32
      %broadcast_in_dim3A_240 = vector.broadcast %jit3A_239 : i32 to vector<16xi32>
      %select_n3A_241 = arith.select %eq3A_234, %add3A_238, %broadcast_in_dim3A_240 : vector<16xi1>, vector<16xi32>
      %reduce_sum3A_242 = arith.constant true
      %reduce_sum3A_243 = vector.broadcast %reduce_sum3A_242 : i1 to vector<16xi1>
      %reduce_sum3A_244 = tpu.scan <sum>, %select_n3A_241 masked %reduce_sum3A_243 : vector<16xi32>, vector<16xi1> -> vector<16xi32>
      %reduce_sum3A_245 = vector.extract %reduce_sum3A_244[15] : i32 from vector<16xi32>
      %jit3A_246 = arith.constant 0.000000e+00 : f32
      %broadcast_in_dim3A_247 = vector.broadcast %jit3A_246 : f32 to vector<16xf32>
      %select_n3A_248 = arith.select %eq3A_234, %add3A_218, %broadcast_in_dim3A_247 : vector<16xi1>, vector<16xf32>
      %reduce_sum3A_249 = arith.constant true
      %reduce_sum3A_250 = vector.broadcast %reduce_sum3A_249 : i1 to vector<16xi1>
      %reduce_sum3A_251 = tpu.scan <sum>, %select_n3A_248 masked %reduce_sum3A_250 : vector<16xf32>, vector<16xi1> -> vector<16xf32>
      %reduce_sum3A_252 = vector.extract %reduce_sum3A_251[15] : f32 from vector<16xf32>
      %jit3A_253 = arith.constant 0.000000e+00 : f32
      %broadcast_in_dim3A_254 = vector.broadcast %jit3A_253 : f32 to vector<16xf32>
      %select_n3A_255 = arith.select %eq3A_234, %get3A_210, %broadcast_in_dim3A_254 : vector<16xi1>, vector<16xf32>
      %reduce_sum3A_256 = arith.constant true
      %reduce_sum3A_257 = vector.broadcast %reduce_sum3A_256 : i1 to vector<16xi1>
      %reduce_sum3A_258 = tpu.scan <sum>, %select_n3A_255 masked %reduce_sum3A_257 : vector<16xf32>, vector<16xi1> -> vector<16xf32>
      %reduce_sum3A_259 = vector.extract %reduce_sum3A_258[15] : f32 from vector<16xf32>
      %not3A = arith.constant true
      %not3A_260 = arith.xori %scan3A_203, %not3A : i1
      %and3A_261 = arith.andi %reduce_or3A_233, %not3A_260 : i1
      %select_n3A_262 = arith.select %and3A_261, %reduce_sum3A_245, %scan3A_204 : i32
      %select_n3A_263 = arith.select %and3A_261, %reduce_sum3A_252, %scan3A_205 : f32
      %select_n3A_264 = arith.select %and3A_261, %reduce_sum3A_259, %scan3A_206 : f32
      %or3A_265 = arith.ori %scan3A_203, %reduce_or3A_233 : i1
      %reduce_sum3A_266 = arith.constant true
      %reduce_sum3A_267 = vector.broadcast %reduce_sum3A_266 : i1 to vector<16xi1>
      %reduce_sum3A_268 = tpu.scan <sum>, %get3A_210 masked %reduce_sum3A_267 : vector<16xf32>, vector<16xi1> -> vector<16xf32>
      %reduce_sum3A_269 = vector.extract %reduce_sum3A_268[15] : f32 from vector<16xf32>
      %add3A_270 = arith.addf %scan3A_202, %reduce_sum3A_269 : f32
      scf.yield %add3A_270, %or3A_265, %select_n3A_262, %select_n3A_263, %select_n3A_264 : f32, i1, i32, f32, f32
    }
    %scan3A_80 = arith.constant 256 : i32
    %parallel_loop3A_81 = arith.constant 0 : i32
    %parallel_loop3A_82 = arith.constant 4096 : i32
    %parallel_loop3A_83 = arith.constant 1 : i32
    scf.for %parallel_loop3A_201 = %parallel_loop3A_81 to %parallel_loop3A_82 step %parallel_loop3A_83  : i32 {
      %parallel_loop3A_202 = arith.constant 16 : i32
      %parallel_loop3A_203 = arith.muli %parallel_loop3A_201, %parallel_loop3A_202 : i32
      %parallel_loop3A_204 = arith.index_cast %parallel_loop3A_203 : i32 to index
      %parallel_loop3A_205 = tpu.vector_load %arg5[%parallel_loop3A_204] {strides = array<i32>} : memref<65536xf32, #tpu.memory_space<vmem>>, vector<16xf32>,
      tpu.vector_store %arg5[%parallel_loop3A_204], %broadcast_in_dim3A_7 {strides = array<i32>} : memref<65536xf32, #tpu.memory_space<vmem>>, vector<16xf32>,
    } {sc.loop_unroll_factor = 8 : i64, sc.parallel_access}
    %broadcast_in_dim3A_84 = vector.broadcast %scan3A_79#2 : i32 to vector<16xi32>
    %mul3A_85 = arith.constant 1000000 : i32
    %mul3A_86 = arith.muli %add3A, %mul3A_85 : i32
    %mul3A_87 = arith.constant 500000 : i32
    %mul3A_88 = arith.muli %shift_right_arithmetic3A_1, %mul3A_87 : i32
    %add3A_89 = arith.addi %mul3A_86, %mul3A_88 : i32
    %add3A_90 = arith.constant 0 : i32
    %add3A_91 = arith.addi %add3A_89, %add3A_90 : i32
    %dma_start3A_92 = tpu.memref_slice %arg2[%add3A_91] : memref<16000000xf32, #tpu.memory_space<hbm>> -> memref<10000xf32, #tpu.memory_space<hbm>>
    %dma_start3A_93 = tpu.memref_slice %arg2[%add3A_91] : memref<16000000xf32, #tpu.memory_space<hbm>> -> memref<10000xf32, #tpu.memory_space<hbm>>
    tpu.enqueue_dma source(%dma_start3A_93 : memref<10000xf32, #tpu.memory_space<hbm>>) target(%arg6 : memref<10000xf32, #tpu.memory_space<vmem>>) target_semaphore(%arg14 : memref<!tpu.dma_semaphore, #tpu.memory_space<semaphore_mem>>)
    %scan3A_94 = arith.constant 0 : i32
    %scan3A_95 = arith.constant 0 : i32
    %scan3A_96 = arith.constant 25 : i32
    %scan3A_97 = arith.addi %scan3A_95, %scan3A_96 : i32
    %scan3A_98 = arith.constant 1 : i32
    %scan3A_99 = scf.for %scan3A_201 = %scan3A_95 to %scan3A_97 step %scan3A_98 iter_args(%scan3A_202 = %scan3A_94) -> (i32)  : i32 {
      %mul3A_203 = arith.constant 2 : i32
      %mul3A_204 = arith.muli %scan3A_201, %mul3A_203 : i32
      %add3A_205 = arith.constant 1 : i32
      %add3A_206 = arith.addi %mul3A_204, %add3A_205 : i32
      %mul3A_207 = arith.constant 1000000 : i32
      %mul3A_208 = arith.muli %add3A, %mul3A_207 : i32
      %mul3A_209 = arith.constant 500000 : i32
      %mul3A_210 = arith.muli %shift_right_arithmetic3A_1, %mul3A_209 : i32
      %add3A_211 = arith.addi %mul3A_208, %mul3A_210 : i32
      %mul3A_212 = arith.constant 10000 : i32
      %mul3A_213 = arith.muli %add3A_206, %mul3A_212 : i32
      %add3A_214 = arith.addi %add3A_211, %mul3A_213 : i32
      %dma_start3A_215 = tpu.memref_slice %arg2[%add3A_214] : memref<16000000xf32, #tpu.memory_space<hbm>> -> memref<10000xf32, #tpu.memory_space<hbm>>
      %dma_start3A_216 = tpu.memref_slice %arg2[%add3A_214] : memref<16000000xf32, #tpu.memory_space<hbm>> -> memref<10000xf32, #tpu.memory_space<hbm>>
      tpu.enqueue_dma source(%dma_start3A_216 : memref<10000xf32, #tpu.memory_space<hbm>>) target(%arg7 : memref<10000xf32, #tpu.memory_space<vmem>>) target_semaphore(%arg15 : memref<!tpu.dma_semaphore, #tpu.memory_space<semaphore_mem>>)
      %mul3A_217 = arith.constant 1000000 : i32
      %mul3A_218 = arith.muli %add3A, %mul3A_217 : i32
      %mul3A_219 = arith.constant 500000 : i32
      %mul3A_220 = arith.muli %shift_right_arithmetic3A_1, %mul3A_219 : i32
      %add3A_221 = arith.addi %mul3A_218, %mul3A_220 : i32
      %mul3A_222 = arith.constant 10000 : i32
      %mul3A_223 = arith.muli %mul3A_204, %mul3A_222 : i32
      %add3A_224 = arith.addi %add3A_221, %mul3A_223 : i32
      %dma_wait3A = tpu.memref_slice %arg2[%add3A_224] : memref<16000000xf32, #tpu.memory_space<hbm>> -> memref<10000xf32, #tpu.memory_space<hbm>>
      %dma_wait3A_225 = tpu.memref_slice %arg2[%add3A_224] : memref<16000000xf32, #tpu.memory_space<hbm>> -> memref<10000xf32, #tpu.memory_space<hbm>>
      tpu.wait_dma2 semaphore(%arg14 : memref<!tpu.dma_semaphore, #tpu.memory_space<semaphore_mem>>) src(%dma_wait3A_225 : memref<10000xf32, #tpu.memory_space<hbm>>) dst(%arg6 : memref<10000xf32, #tpu.memory_space<vmem>>)
      %parallel_loop3A_226 = arith.constant 0 : i32
      %parallel_loop3A_227 = arith.constant 625 : i32
      %parallel_loop3A_228 = arith.constant 1 : i32
      %parallel_loop3A_229 = scf.for %parallel_loop3A_250 = %parallel_loop3A_226 to %parallel_loop3A_227 step %parallel_loop3A_228 iter_args(%parallel_loop3A_251 = %scan3A_202) -> (i32)  : i32 {
        %parallel_loop3A_252 = arith.constant 16 : i32
        %parallel_loop3A_253 = arith.muli %parallel_loop3A_250, %parallel_loop3A_252 : i32
        %parallel_loop3A_254 = arith.index_cast %parallel_loop3A_253 : i32 to index
        %parallel_loop3A_255 = tpu.vector_load %arg6[%parallel_loop3A_254] {strides = array<i32>} : memref<10000xf32, #tpu.memory_space<vmem>>, vector<16xf32>,
        %parallel_loop3A_256 = arith.mulf %parallel_loop3A_255, %div3A_5 : vector<16xf32>
        %parallel_loop3A_257 = vector.bitcast %parallel_loop3A_256 : vector<16xf32> to vector<16xi32>
        %parallel_loop3A_258 = arith.constant 31 : i32
        %parallel_loop3A_259 = vector.broadcast %parallel_loop3A_258 : i32 to vector<16xi32>
        %parallel_loop3A_260 = arith.shrsi %parallel_loop3A_257, %parallel_loop3A_259 : vector<16xi32>
        %parallel_loop3A_261 = arith.constant -2147483648 : i32
        %parallel_loop3A_262 = vector.broadcast %parallel_loop3A_261 : i32 to vector<16xi32>
        %parallel_loop3A_263 = arith.ori %parallel_loop3A_260, %parallel_loop3A_262 : vector<16xi32>
        %parallel_loop3A_264 = arith.xori %parallel_loop3A_257, %parallel_loop3A_263 : vector<16xi32>
        %parallel_loop3A_265 = vector.bitcast %parallel_loop3A_264 : vector<16xi32> to vector<16xi32>
        %parallel_loop3A_266 = arith.constant 8 : i32
        %parallel_loop3A_267 = vector.broadcast %parallel_loop3A_266 : i32 to vector<16xi32>
        %parallel_loop3A_268 = arith.shrui %parallel_loop3A_265, %parallel_loop3A_267 : vector<16xi32>
        %parallel_loop3A_269 = arith.constant 4095 : i32
        %parallel_loop3A_270 = vector.broadcast %parallel_loop3A_269 : i32 to vector<16xi32>
        %parallel_loop3A_271 = arith.andi %parallel_loop3A_268, %parallel_loop3A_270 : vector<16xi32>
        %parallel_loop3A_272 = vector.bitcast %parallel_loop3A_271 : vector<16xi32> to vector<16xi32>
        %parallel_loop3A_273 = arith.constant 20 : i32
        %parallel_loop3A_274 = vector.broadcast %parallel_loop3A_273 : i32 to vector<16xi32>
        %parallel_loop3A_275 = arith.shrui %parallel_loop3A_265, %parallel_loop3A_274 : vector<16xi32>
        %parallel_loop3A_276 = arith.cmpi eq, %parallel_loop3A_275, %broadcast_in_dim3A_84 : vector<16xi32>
        %parallel_loop3A_277 = math.exp %parallel_loop3A_256 : vector<16xf32>
        %parallel_loop3A_278 = arith.constant 0.000000e+00 : f32
        %parallel_loop3A_279 = vector.broadcast %parallel_loop3A_278 : f32 to vector<16xf32>
        %parallel_loop3A_280 = arith.select %parallel_loop3A_276, %parallel_loop3A_277, %parallel_loop3A_279 : vector<16xi1>, vector<16xf32>
        %parallel_loop3A_281 = arith.addi %parallel_loop3A_272, %mul3A_10 : vector<16xi32>
        tpu.vector_store_idx %arg5[%parallel_loop3A_281], %parallel_loop3A_280 {add = true} : memref<65536xf32, #tpu.memory_space<vmem>>[vector<16xi32>], vector<16xf32>,
        %parallel_loop3A_282 = arith.constant 24560 : i32
        %parallel_loop3A_283 = arith.minsi %parallel_loop3A_251, %parallel_loop3A_282 : i32
        %parallel_loop3A_284 = arith.index_cast %parallel_loop3A_283 : i32 to index
        %parallel_loop3A_285 = tpu.vector_load %arg12[%parallel_loop3A_284] masked %parallel_loop3A_276 {strides = array<i32>} : memref<24576xf32, #tpu.memory_space<vmem>>, vector<16xf32>, vector<16xi1>
        tpu.vector_store %arg12[%parallel_loop3A_284], %parallel_loop3A_256 masked %parallel_loop3A_276 {strides = array<i32>} : memref<24576xf32, #tpu.memory_space<vmem>>, vector<16xf32>, vector<16xi1>
        %parallel_loop3A_286 = tpu.all_reduce %parallel_loop3A_276 {dim = 0 : i64, kind = #tpu.reduction_kind<sum>} : vector<16xi1> -> vector<16xi32>
        %parallel_loop3A_287 = vector.extract_strided_slice %parallel_loop3A_286 {offsets = [0], sizes = [1], strides = [1]} : vector<16xi32> to vector<1xi32>
        %parallel_loop3A_288 = vector.extract %parallel_loop3A_287[0] : i32 from vector<1xi32>
        %parallel_loop3A_289 = arith.addi %parallel_loop3A_251, %parallel_loop3A_288 : i32
        scf.yield %parallel_loop3A_289 : i32
      } {sc.loop_unroll_factor = 8 : i64, sc.parallel_access}
      %lt3A = arith.constant 24 : i32
      %lt3A_230 = arith.cmpi slt, %scan3A_201, %lt3A : i32
      %convert_element_type3A_231 = arith.extui %lt3A_230 : i1 to i32
      %cond3A_232 = arith.constant 0 : i32
      %cond3A_233 = arith.cmpi ne, %convert_element_type3A_231, %cond3A_232 : i32
      scf.if %cond3A_233 {
        %add3A_250 = arith.constant 2 : i32
        %add3A_251 = arith.addi %mul3A_204, %add3A_250 : i32
        %mul3A_252 = arith.constant 1000000 : i32
        %mul3A_253 = arith.muli %add3A, %mul3A_252 : i32
        %mul3A_254 = arith.constant 500000 : i32
        %mul3A_255 = arith.muli %shift_right_arithmetic3A_1, %mul3A_254 : i32
        %add3A_256 = arith.addi %mul3A_253, %mul3A_255 : i32
        %mul3A_257 = arith.constant 10000 : i32
        %mul3A_258 = arith.muli %add3A_251, %mul3A_257 : i32
        %add3A_259 = arith.addi %add3A_256, %mul3A_258 : i32
        %dma_start3A_260 = tpu.memref_slice %arg2[%add3A_259] : memref<16000000xf32, #tpu.memory_space<hbm>> -> memref<10000xf32, #tpu.memory_space<hbm>>
        %dma_start3A_261 = tpu.memref_slice %arg2[%add3A_259] : memref<16000000xf32, #tpu.memory_space<hbm>> -> memref<10000xf32, #tpu.memory_space<hbm>>
        tpu.enqueue_dma source(%dma_start3A_261 : memref<10000xf32, #tpu.memory_space<hbm>>) target(%arg6 : memref<10000xf32, #tpu.memory_space<vmem>>) target_semaphore(%arg14 : memref<!tpu.dma_semaphore, #tpu.memory_space<semaphore_mem>>)
      } else {
      }
      %add3A_234 = arith.constant 1 : i32
      %add3A_235 = arith.addi %mul3A_204, %add3A_234 : i32
      %mul3A_236 = arith.constant 1000000 : i32
      %mul3A_237 = arith.muli %add3A, %mul3A_236 : i32
      %mul3A_238 = arith.constant 500000 : i32
      %mul3A_239 = arith.muli %shift_right_arithmetic3A_1, %mul3A_238 : i32
      %add3A_240 = arith.addi %mul3A_237, %mul3A_239 : i32
      %mul3A_241 = arith.constant 10000 : i32
      %mul3A_242 = arith.muli %add3A_235, %mul3A_241 : i32
      %add3A_243 = arith.addi %add3A_240, %mul3A_242 : i32
      %dma_wait3A_244 = tpu.memref_slice %arg2[%add3A_243] : memref<16000000xf32, #tpu.memory_space<hbm>> -> memref<10000xf32, #tpu.memory_space<hbm>>
      %dma_wait3A_245 = tpu.memref_slice %arg2[%add3A_243] : memref<16000000xf32, #tpu.memory_space<hbm>> -> memref<10000xf32, #tpu.memory_space<hbm>>
      tpu.wait_dma2 semaphore(%arg15 : memref<!tpu.dma_semaphore, #tpu.memory_space<semaphore_mem>>) src(%dma_wait3A_245 : memref<10000xf32, #tpu.memory_space<hbm>>) dst(%arg7 : memref<10000xf32, #tpu.memory_space<vmem>>)
      %parallel_loop3A_246 = arith.constant 0 : i32
      %parallel_loop3A_247 = arith.constant 625 : i32
      %parallel_loop3A_248 = arith.constant 1 : i32
      %parallel_loop3A_249 = scf.for %parallel_loop3A_250 = %parallel_loop3A_246 to %parallel_loop3A_247 step %parallel_loop3A_248 iter_args(%parallel_loop3A_251 = %parallel_loop3A_229) -> (i32)  : i32 {
        %parallel_loop3A_252 = arith.constant 16 : i32
        %parallel_loop3A_253 = arith.muli %parallel_loop3A_250, %parallel_loop3A_252 : i32
        %parallel_loop3A_254 = arith.index_cast %parallel_loop3A_253 : i32 to index
        %parallel_loop3A_255 = tpu.vector_load %arg7[%parallel_loop3A_254] {strides = array<i32>} : memref<10000xf32, #tpu.memory_space<vmem>>, vector<16xf32>,
        %parallel_loop3A_256 = arith.mulf %parallel_loop3A_255, %div3A_5 : vector<16xf32>
        %parallel_loop3A_257 = vector.bitcast %parallel_loop3A_256 : vector<16xf32> to vector<16xi32>
        %parallel_loop3A_258 = arith.constant 31 : i32
        %parallel_loop3A_259 = vector.broadcast %parallel_loop3A_258 : i32 to vector<16xi32>
        %parallel_loop3A_260 = arith.shrsi %parallel_loop3A_257, %parallel_loop3A_259 : vector<16xi32>
        %parallel_loop3A_261 = arith.constant -2147483648 : i32
        %parallel_loop3A_262 = vector.broadcast %parallel_loop3A_261 : i32 to vector<16xi32>
        %parallel_loop3A_263 = arith.ori %parallel_loop3A_260, %parallel_loop3A_262 : vector<16xi32>
        %parallel_loop3A_264 = arith.xori %parallel_loop3A_257, %parallel_loop3A_263 : vector<16xi32>
        %parallel_loop3A_265 = vector.bitcast %parallel_loop3A_264 : vector<16xi32> to vector<16xi32>
        %parallel_loop3A_266 = arith.constant 8 : i32
        %parallel_loop3A_267 = vector.broadcast %parallel_loop3A_266 : i32 to vector<16xi32>
        %parallel_loop3A_268 = arith.shrui %parallel_loop3A_265, %parallel_loop3A_267 : vector<16xi32>
        %parallel_loop3A_269 = arith.constant 4095 : i32
        %parallel_loop3A_270 = vector.broadcast %parallel_loop3A_269 : i32 to vector<16xi32>
        %parallel_loop3A_271 = arith.andi %parallel_loop3A_268, %parallel_loop3A_270 : vector<16xi32>
        %parallel_loop3A_272 = vector.bitcast %parallel_loop3A_271 : vector<16xi32> to vector<16xi32>
        %parallel_loop3A_273 = arith.constant 20 : i32
        %parallel_loop3A_274 = vector.broadcast %parallel_loop3A_273 : i32 to vector<16xi32>
        %parallel_loop3A_275 = arith.shrui %parallel_loop3A_265, %parallel_loop3A_274 : vector<16xi32>
        %parallel_loop3A_276 = arith.cmpi eq, %parallel_loop3A_275, %broadcast_in_dim3A_84 : vector<16xi32>
        %parallel_loop3A_277 = math.exp %parallel_loop3A_256 : vector<16xf32>
        %parallel_loop3A_278 = arith.constant 0.000000e+00 : f32
        %parallel_loop3A_279 = vector.broadcast %parallel_loop3A_278 : f32 to vector<16xf32>
        %parallel_loop3A_280 = arith.select %parallel_loop3A_276, %parallel_loop3A_277, %parallel_loop3A_279 : vector<16xi1>, vector<16xf32>
        %parallel_loop3A_281 = arith.addi %parallel_loop3A_272, %mul3A_10 : vector<16xi32>
        tpu.vector_store_idx %arg5[%parallel_loop3A_281], %parallel_loop3A_280 {add = true} : memref<65536xf32, #tpu.memory_space<vmem>>[vector<16xi32>], vector<16xf32>,
        %parallel_loop3A_282 = arith.constant 24560 : i32
        %parallel_loop3A_283 = arith.minsi %parallel_loop3A_251, %parallel_loop3A_282 : i32
        %parallel_loop3A_284 = arith.index_cast %parallel_loop3A_283 : i32 to index
        %parallel_loop3A_285 = tpu.vector_load %arg12[%parallel_loop3A_284] masked %parallel_loop3A_276 {strides = array<i32>} : memref<24576xf32, #tpu.memory_space<vmem>>, vector<16xf32>, vector<16xi1>
        tpu.vector_store %arg12[%parallel_loop3A_284], %parallel_loop3A_256 masked %parallel_loop3A_276 {strides = array<i32>} : memref<24576xf32, #tpu.memory_space<vmem>>, vector<16xf32>, vector<16xi1>
        %parallel_loop3A_286 = tpu.all_reduce %parallel_loop3A_276 {dim = 0 : i64, kind = #tpu.reduction_kind<sum>} : vector<16xi1> -> vector<16xi32>
        %parallel_loop3A_287 = vector.extract_strided_slice %parallel_loop3A_286 {offsets = [0], sizes = [1], strides = [1]} : vector<16xi32> to vector<1xi32>
        %parallel_loop3A_288 = vector.extract %parallel_loop3A_287[0] : i32 from vector<1xi32>
        %parallel_loop3A_289 = arith.addi %parallel_loop3A_251, %parallel_loop3A_288 : i32
        scf.yield %parallel_loop3A_289 : i32
      } {sc.loop_unroll_factor = 8 : i64, sc.parallel_access}
      scf.yield %parallel_loop3A_249 : i32
    }
    %scan3A_100 = arith.constant 25 : i32
    %parallel_loop3A_101 = arith.constant 0 : i32
    %parallel_loop3A_102 = arith.constant 256 : i32
    %parallel_loop3A_103 = arith.constant 1 : i32
    scf.for %parallel_loop3A_201 = %parallel_loop3A_101 to %parallel_loop3A_102 step %parallel_loop3A_103  : i32 {
      %parallel_loop3A_202 = arith.constant 16 : i32
      %parallel_loop3A_203 = arith.muli %parallel_loop3A_201, %parallel_loop3A_202 : i32
      %parallel_loop3A_204 = arith.constant 0 : i32
      %parallel_loop3A_205 = arith.addi %parallel_loop3A_204, %parallel_loop3A_203 : i32
      %parallel_loop3A_206 = arith.index_cast %parallel_loop3A_205 : i32 to index
      %parallel_loop3A_207 = tpu.vector_load %arg5[%parallel_loop3A_206] {strides = array<i32>} : memref<65536xf32, #tpu.memory_space<vmem>>, vector<16xf32>,
      %parallel_loop3A_208 = arith.addf %broadcast_in_dim3A_7, %parallel_loop3A_207 : vector<16xf32>
      %parallel_loop3A_209 = arith.constant 16 : i32
      %parallel_loop3A_210 = arith.muli %parallel_loop3A_201, %parallel_loop3A_209 : i32
      %parallel_loop3A_211 = arith.constant 4096 : i32
      %parallel_loop3A_212 = arith.addi %parallel_loop3A_211, %parallel_loop3A_210 : i32
      %parallel_loop3A_213 = arith.index_cast %parallel_loop3A_212 : i32 to index
      %parallel_loop3A_214 = tpu.vector_load %arg5[%parallel_loop3A_213] {strides = array<i32>} : memref<65536xf32, #tpu.memory_space<vmem>>, vector<16xf32>,
      %parallel_loop3A_215 = arith.addf %parallel_loop3A_208, %parallel_loop3A_214 : vector<16xf32>
      %parallel_loop3A_216 = arith.constant 16 : i32
      %parallel_loop3A_217 = arith.muli %parallel_loop3A_201, %parallel_loop3A_216 : i32
      %parallel_loop3A_218 = arith.constant 8192 : i32
      %parallel_loop3A_219 = arith.addi %parallel_loop3A_218, %parallel_loop3A_217 : i32
      %parallel_loop3A_220 = arith.index_cast %parallel_loop3A_219 : i32 to index
      %parallel_loop3A_221 = tpu.vector_load %arg5[%parallel_loop3A_220] {strides = array<i32>} : memref<65536xf32, #tpu.memory_space<vmem>>, vector<16xf32>,
      %parallel_loop3A_222 = arith.addf %parallel_loop3A_215, %parallel_loop3A_221 : vector<16xf32>
      %parallel_loop3A_223 = arith.constant 16 : i32
      %parallel_loop3A_224 = arith.muli %parallel_loop3A_201, %parallel_loop3A_223 : i32
      %parallel_loop3A_225 = arith.constant 12288 : i32
      %parallel_loop3A_226 = arith.addi %parallel_loop3A_225, %parallel_loop3A_224 : i32
      %parallel_loop3A_227 = arith.index_cast %parallel_loop3A_226 : i32 to index
      %parallel_loop3A_228 = tpu.vector_load %arg5[%parallel_loop3A_227] {strides = array<i32>} : memref<65536xf32, #tpu.memory_space<vmem>>, vector<16xf32>,
      %parallel_loop3A_229 = arith.addf %parallel_loop3A_222, %parallel_loop3A_228 : vector<16xf32>
      %parallel_loop3A_230 = arith.constant 16 : i32
      %parallel_loop3A_231 = arith.muli %parallel_loop3A_201, %parallel_loop3A_230 : i32
      %parallel_loop3A_232 = arith.constant 16384 : i32
      %parallel_loop3A_233 = arith.addi %parallel_loop3A_232, %parallel_loop3A_231 : i32
      %parallel_loop3A_234 = arith.index_cast %parallel_loop3A_233 : i32 to index
      %parallel_loop3A_235 = tpu.vector_load %arg5[%parallel_loop3A_234] {strides = array<i32>} : memref<65536xf32, #tpu.memory_space<vmem>>, vector<16xf32>,
      %parallel_loop3A_236 = arith.addf %parallel_loop3A_229, %parallel_loop3A_235 : vector<16xf32>
      %parallel_loop3A_237 = arith.constant 16 : i32
      %parallel_loop3A_238 = arith.muli %parallel_loop3A_201, %parallel_loop3A_237 : i32
      %parallel_loop3A_239 = arith.constant 20480 : i32
      %parallel_loop3A_240 = arith.addi %parallel_loop3A_239, %parallel_loop3A_238 : i32
      %parallel_loop3A_241 = arith.index_cast %parallel_loop3A_240 : i32 to index
      %parallel_loop3A_242 = tpu.vector_load %arg5[%parallel_loop3A_241] {strides = array<i32>} : memref<65536xf32, #tpu.memory_space<vmem>>, vector<16xf32>,
      %parallel_loop3A_243 = arith.addf %parallel_loop3A_236, %parallel_loop3A_242 : vector<16xf32>
      %parallel_loop3A_244 = arith.constant 16 : i32
      %parallel_loop3A_245 = arith.muli %parallel_loop3A_201, %parallel_loop3A_244 : i32
      %parallel_loop3A_246 = arith.constant 24576 : i32
      %parallel_loop3A_247 = arith.addi %parallel_loop3A_246, %parallel_loop3A_245 : i32
      %parallel_loop3A_248 = arith.index_cast %parallel_loop3A_247 : i32 to index
      %parallel_loop3A_249 = tpu.vector_load %arg5[%parallel_loop3A_248] {strides = array<i32>} : memref<65536xf32, #tpu.memory_space<vmem>>, vector<16xf32>,
      %parallel_loop3A_250 = arith.addf %parallel_loop3A_243, %parallel_loop3A_249 : vector<16xf32>
      %parallel_loop3A_251 = arith.constant 16 : i32
      %parallel_loop3A_252 = arith.muli %parallel_loop3A_201, %parallel_loop3A_251 : i32
      %parallel_loop3A_253 = arith.constant 28672 : i32
      %parallel_loop3A_254 = arith.addi %parallel_loop3A_253, %parallel_loop3A_252 : i32
      %parallel_loop3A_255 = arith.index_cast %parallel_loop3A_254 : i32 to index
      %parallel_loop3A_256 = tpu.vector_load %arg5[%parallel_loop3A_255] {strides = array<i32>} : memref<65536xf32, #tpu.memory_space<vmem>>, vector<16xf32>,
      %parallel_loop3A_257 = arith.addf %parallel_loop3A_250, %parallel_loop3A_256 : vector<16xf32>
      %parallel_loop3A_258 = arith.constant 16 : i32
      %parallel_loop3A_259 = arith.muli %parallel_loop3A_201, %parallel_loop3A_258 : i32
      %parallel_loop3A_260 = arith.constant 32768 : i32
      %parallel_loop3A_261 = arith.addi %parallel_loop3A_260, %parallel_loop3A_259 : i32
      %parallel_loop3A_262 = arith.index_cast %parallel_loop3A_261 : i32 to index
      %parallel_loop3A_263 = tpu.vector_load %arg5[%parallel_loop3A_262] {strides = array<i32>} : memref<65536xf32, #tpu.memory_space<vmem>>, vector<16xf32>,
      %parallel_loop3A_264 = arith.addf %parallel_loop3A_257, %parallel_loop3A_263 : vector<16xf32>
      %parallel_loop3A_265 = arith.constant 16 : i32
      %parallel_loop3A_266 = arith.muli %parallel_loop3A_201, %parallel_loop3A_265 : i32
      %parallel_loop3A_267 = arith.constant 36864 : i32
      %parallel_loop3A_268 = arith.addi %parallel_loop3A_267, %parallel_loop3A_266 : i32
      %parallel_loop3A_269 = arith.index_cast %parallel_loop3A_268 : i32 to index
      %parallel_loop3A_270 = tpu.vector_load %arg5[%parallel_loop3A_269] {strides = array<i32>} : memref<65536xf32, #tpu.memory_space<vmem>>, vector<16xf32>,
      %parallel_loop3A_271 = arith.addf %parallel_loop3A_264, %parallel_loop3A_270 : vector<16xf32>
      %parallel_loop3A_272 = arith.constant 16 : i32
      %parallel_loop3A_273 = arith.muli %parallel_loop3A_201, %parallel_loop3A_272 : i32
      %parallel_loop3A_274 = arith.constant 40960 : i32
      %parallel_loop3A_275 = arith.addi %parallel_loop3A_274, %parallel_loop3A_273 : i32
      %parallel_loop3A_276 = arith.index_cast %parallel_loop3A_275 : i32 to index
      %parallel_loop3A_277 = tpu.vector_load %arg5[%parallel_loop3A_276] {strides = array<i32>} : memref<65536xf32, #tpu.memory_space<vmem>>, vector<16xf32>,
      %parallel_loop3A_278 = arith.addf %parallel_loop3A_271, %parallel_loop3A_277 : vector<16xf32>
      %parallel_loop3A_279 = arith.constant 16 : i32
      %parallel_loop3A_280 = arith.muli %parallel_loop3A_201, %parallel_loop3A_279 : i32
      %parallel_loop3A_281 = arith.constant 45056 : i32
      %parallel_loop3A_282 = arith.addi %parallel_loop3A_281, %parallel_loop3A_280 : i32
      %parallel_loop3A_283 = arith.index_cast %parallel_loop3A_282 : i32 to index
      %parallel_loop3A_284 = tpu.vector_load %arg5[%parallel_loop3A_283] {strides = array<i32>} : memref<65536xf32, #tpu.memory_space<vmem>>, vector<16xf32>,
      %parallel_loop3A_285 = arith.addf %parallel_loop3A_278, %parallel_loop3A_284 : vector<16xf32>
      %parallel_loop3A_286 = arith.constant 16 : i32
      %parallel_loop3A_287 = arith.muli %parallel_loop3A_201, %parallel_loop3A_286 : i32
      %parallel_loop3A_288 = arith.constant 49152 : i32
      %parallel_loop3A_289 = arith.addi %parallel_loop3A_288, %parallel_loop3A_287 : i32
      %parallel_loop3A_290 = arith.index_cast %parallel_loop3A_289 : i32 to index
      %parallel_loop3A_291 = tpu.vector_load %arg5[%parallel_loop3A_290] {strides = array<i32>} : memref<65536xf32, #tpu.memory_space<vmem>>, vector<16xf32>,
      %parallel_loop3A_292 = arith.addf %parallel_loop3A_285, %parallel_loop3A_291 : vector<16xf32>
      %parallel_loop3A_293 = arith.constant 16 : i32
      %parallel_loop3A_294 = arith.muli %parallel_loop3A_201, %parallel_loop3A_293 : i32
      %parallel_loop3A_295 = arith.constant 53248 : i32
      %parallel_loop3A_296 = arith.addi %parallel_loop3A_295, %parallel_loop3A_294 : i32
      %parallel_loop3A_297 = arith.index_cast %parallel_loop3A_296 : i32 to index
      %parallel_loop3A_298 = tpu.vector_load %arg5[%parallel_loop3A_297] {strides = array<i32>} : memref<65536xf32, #tpu.memory_space<vmem>>, vector<16xf32>,
      %parallel_loop3A_299 = arith.addf %parallel_loop3A_292, %parallel_loop3A_298 : vector<16xf32>
      %parallel_loop3A_300 = arith.constant 16 : i32
      %parallel_loop3A_301 = arith.muli %parallel_loop3A_201, %parallel_loop3A_300 : i32
      %parallel_loop3A_302 = arith.constant 57344 : i32
      %parallel_loop3A_303 = arith.addi %parallel_loop3A_302, %parallel_loop3A_301 : i32
      %parallel_loop3A_304 = arith.index_cast %parallel_loop3A_303 : i32 to index
      %parallel_loop3A_305 = tpu.vector_load %arg5[%parallel_loop3A_304] {strides = array<i32>} : memref<65536xf32, #tpu.memory_space<vmem>>, vector<16xf32>,
      %parallel_loop3A_306 = arith.addf %parallel_loop3A_299, %parallel_loop3A_305 : vector<16xf32>
      %parallel_loop3A_307 = arith.constant 16 : i32
      %parallel_loop3A_308 = arith.muli %parallel_loop3A_201, %parallel_loop3A_307 : i32
      %parallel_loop3A_309 = arith.constant 61440 : i32
      %parallel_loop3A_310 = arith.addi %parallel_loop3A_309, %parallel_loop3A_308 : i32
      %parallel_loop3A_311 = arith.index_cast %parallel_loop3A_310 : i32 to index
      %parallel_loop3A_312 = tpu.vector_load %arg5[%parallel_loop3A_311] {strides = array<i32>} : memref<65536xf32, #tpu.memory_space<vmem>>, vector<16xf32>,
      %parallel_loop3A_313 = arith.addf %parallel_loop3A_306, %parallel_loop3A_312 : vector<16xf32>
      %parallel_loop3A_314 = arith.constant 16 : i32
      %parallel_loop3A_315 = arith.muli %parallel_loop3A_201, %parallel_loop3A_314 : i32
      %parallel_loop3A_316 = arith.index_cast %parallel_loop3A_315 : i32 to index
      %parallel_loop3A_317 = tpu.vector_load %arg8[%parallel_loop3A_316] {strides = array<i32>} : memref<4096xf32, #tpu.memory_space<vmem>>, vector<16xf32>,
      tpu.vector_store %arg8[%parallel_loop3A_316], %parallel_loop3A_313 {strides = array<i32>} : memref<4096xf32, #tpu.memory_space<vmem>>, vector<16xf32>,
    } {sc.loop_unroll_factor = 2 : i64, sc.parallel_access}
    "tpu.region"() ({
      %run_scoped3A = tpu.sem_alloc : memref<!tpu.dma_semaphore, #tpu.memory_space<semaphore_mem>>
      %dma_start3A_201 = arith.constant 0 : i32
      %dma_start3A_202 = tpu.memref_slice %arg13[%and3A_0, %shift_right_arithmetic3A_1, %dma_start3A_201] : memref<8x2x4096xf32, #tpu.memory_space<vmem_shared>> -> memref<1x1x4096xf32, #tpu.memory_space<vmem_shared>>
      %dma_start3A_203 = tpu.memref_squeeze %dma_start3A_202 : memref<1x1x4096xf32, #tpu.memory_space<vmem_shared>> -> memref<4096xf32, #tpu.memory_space<vmem_shared>>
      %dma_start3A_204 = arith.constant 0 : i32
      %dma_start3A_205 = tpu.memref_slice %arg13[%and3A_0, %shift_right_arithmetic3A_1, %dma_start3A_204] : memref<8x2x4096xf32, #tpu.memory_space<vmem_shared>> -> memref<1x1x4096xf32, #tpu.memory_space<vmem_shared>>
      %dma_start3A_206 = tpu.memref_squeeze %dma_start3A_205 : memref<1x1x4096xf32, #tpu.memory_space<vmem_shared>> -> memref<4096xf32, #tpu.memory_space<vmem_shared>>
      tpu.enqueue_dma source(%arg8 : memref<4096xf32, #tpu.memory_space<vmem>>) target(%dma_start3A_206 : memref<4096xf32, #tpu.memory_space<vmem_shared>>) target_semaphore(%run_scoped3A : memref<!tpu.dma_semaphore, #tpu.memory_space<semaphore_mem>>)
      %dma_wait3A = arith.constant 0 : i32
      %dma_wait3A_207 = tpu.memref_slice %arg13[%and3A_0, %shift_right_arithmetic3A_1, %dma_wait3A] : memref<8x2x4096xf32, #tpu.memory_space<vmem_shared>> -> memref<1x1x4096xf32, #tpu.memory_space<vmem_shared>>
      %dma_wait3A_208 = tpu.memref_squeeze %dma_wait3A_207 : memref<1x1x4096xf32, #tpu.memory_space<vmem_shared>> -> memref<4096xf32, #tpu.memory_space<vmem_shared>>
      %dma_wait3A_209 = arith.constant 0 : i32
      %dma_wait3A_210 = tpu.memref_slice %arg13[%and3A_0, %shift_right_arithmetic3A_1, %dma_wait3A_209] : memref<8x2x4096xf32, #tpu.memory_space<vmem_shared>> -> memref<1x1x4096xf32, #tpu.memory_space<vmem_shared>>
      %dma_wait3A_211 = tpu.memref_squeeze %dma_wait3A_210 : memref<1x1x4096xf32, #tpu.memory_space<vmem_shared>> -> memref<4096xf32, #tpu.memory_space<vmem_shared>>
      tpu.wait_dma2 semaphore(%run_scoped3A : memref<!tpu.dma_semaphore, #tpu.memory_space<semaphore_mem>>) src(%arg8 : memref<4096xf32, #tpu.memory_space<vmem>>) dst(%dma_wait3A_211 : memref<4096xf32, #tpu.memory_space<vmem_shared>>)
      tpu.yield
    }) : () -> ()
    %barrier3A_104 = arith.constant 0 : index
    tpu.barrier barrier_id(%barrier3A_104)
    %sub3A_105 = arith.constant 1 : i32
    %sub3A_106 = arith.subi %sub3A_105, %shift_right_arithmetic3A_1 : i32
    "tpu.region"() ({
      %run_scoped3A = tpu.sem_alloc : memref<!tpu.dma_semaphore, #tpu.memory_space<semaphore_mem>>
      %dma_start3A_201 = arith.constant 0 : i32
      %dma_start3A_202 = tpu.memref_slice %arg13[%and3A_0, %sub3A_106, %dma_start3A_201] : memref<8x2x4096xf32, #tpu.memory_space<vmem_shared>> -> memref<1x1x4096xf32, #tpu.memory_space<vmem_shared>>
      %dma_start3A_203 = tpu.memref_squeeze %dma_start3A_202 : memref<1x1x4096xf32, #tpu.memory_space<vmem_shared>> -> memref<4096xf32, #tpu.memory_space<vmem_shared>>
      %dma_start3A_204 = arith.constant 0 : i32
      %dma_start3A_205 = tpu.memref_slice %arg13[%and3A_0, %sub3A_106, %dma_start3A_204] : memref<8x2x4096xf32, #tpu.memory_space<vmem_shared>> -> memref<1x1x4096xf32, #tpu.memory_space<vmem_shared>>
      %dma_start3A_206 = tpu.memref_squeeze %dma_start3A_205 : memref<1x1x4096xf32, #tpu.memory_space<vmem_shared>> -> memref<4096xf32, #tpu.memory_space<vmem_shared>>
      tpu.enqueue_dma source(%dma_start3A_206 : memref<4096xf32, #tpu.memory_space<vmem_shared>>) target(%arg9 : memref<4096xf32, #tpu.memory_space<vmem>>) target_semaphore(%run_scoped3A : memref<!tpu.dma_semaphore, #tpu.memory_space<semaphore_mem>>)
      %dma_wait3A = arith.constant 0 : i32
      %dma_wait3A_207 = tpu.memref_slice %arg13[%and3A_0, %sub3A_106, %dma_wait3A] : memref<8x2x4096xf32, #tpu.memory_space<vmem_shared>> -> memref<1x1x4096xf32, #tpu.memory_space<vmem_shared>>
      %dma_wait3A_208 = tpu.memref_squeeze %dma_wait3A_207 : memref<1x1x4096xf32, #tpu.memory_space<vmem_shared>> -> memref<4096xf32, #tpu.memory_space<vmem_shared>>
      %dma_wait3A_209 = arith.constant 0 : i32
      %dma_wait3A_210 = tpu.memref_slice %arg13[%and3A_0, %sub3A_106, %dma_wait3A_209] : memref<8x2x4096xf32, #tpu.memory_space<vmem_shared>> -> memref<1x1x4096xf32, #tpu.memory_space<vmem_shared>>
      %dma_wait3A_211 = tpu.memref_squeeze %dma_wait3A_210 : memref<1x1x4096xf32, #tpu.memory_space<vmem_shared>> -> memref<4096xf32, #tpu.memory_space<vmem_shared>>
      tpu.wait_dma2 semaphore(%run_scoped3A : memref<!tpu.dma_semaphore, #tpu.memory_space<semaphore_mem>>) src(%dma_wait3A_211 : memref<4096xf32, #tpu.memory_space<vmem_shared>>) dst(%arg9 : memref<4096xf32, #tpu.memory_space<vmem>>)
      tpu.yield
    }) : () -> ()
    %parallel_loop3A_107 = arith.constant 0 : i32
    %parallel_loop3A_108 = arith.constant 256 : i32
    %parallel_loop3A_109 = arith.constant 1 : i32
    scf.for %parallel_loop3A_201 = %parallel_loop3A_107 to %parallel_loop3A_108 step %parallel_loop3A_109  : i32 {
      %parallel_loop3A_202 = arith.constant 16 : i32
      %parallel_loop3A_203 = arith.muli %parallel_loop3A_201, %parallel_loop3A_202 : i32
      %parallel_loop3A_204 = arith.index_cast %parallel_loop3A_203 : i32 to index
      %parallel_loop3A_205 = tpu.vector_load %arg8[%parallel_loop3A_204] {strides = array<i32>} : memref<4096xf32, #tpu.memory_space<vmem>>, vector<16xf32>,
      %parallel_loop3A_206 = arith.constant 16 : i32
      %parallel_loop3A_207 = arith.muli %parallel_loop3A_201, %parallel_loop3A_206 : i32
      %parallel_loop3A_208 = arith.index_cast %parallel_loop3A_207 : i32 to index
      %parallel_loop3A_209 = tpu.vector_load %arg9[%parallel_loop3A_208] {strides = array<i32>} : memref<4096xf32, #tpu.memory_space<vmem>>, vector<16xf32>,
      %parallel_loop3A_210 = arith.addf %parallel_loop3A_205, %parallel_loop3A_209 : vector<16xf32>
      %parallel_loop3A_211 = arith.constant 16 : i32
      %parallel_loop3A_212 = arith.muli %parallel_loop3A_201, %parallel_loop3A_211 : i32
      %parallel_loop3A_213 = arith.index_cast %parallel_loop3A_212 : i32 to index
      %parallel_loop3A_214 = tpu.vector_load %arg8[%parallel_loop3A_213] {strides = array<i32>} : memref<4096xf32, #tpu.memory_space<vmem>>, vector<16xf32>,
      tpu.vector_store %arg8[%parallel_loop3A_213], %parallel_loop3A_210 {strides = array<i32>} : memref<4096xf32, #tpu.memory_space<vmem>>, vector<16xf32>,
    } {sc.loop_unroll_factor = 4 : i64, sc.parallel_access}
    %barrier3A_110 = arith.constant 0 : index
    tpu.barrier barrier_id(%barrier3A_110)
    %scan3A_111 = arith.constant 0 : i32
    %scan3A_112 = arith.constant 256 : i32
    %scan3A_113 = arith.addi %scan3A_111, %scan3A_112 : i32
    %scan3A_114 = arith.constant 1 : i32
    %scan3A_115 = scf.for %scan3A_201 = %scan3A_111 to %scan3A_113 step %scan3A_114 iter_args(%scan3A_202 = %broadcast_in_dim3A_7) -> (vector<16xf32>)  : i32 {
      %mul3A_203 = arith.constant 16 : i32
      %mul3A_204 = arith.muli %scan3A_201, %mul3A_203 : i32
      %get3A_205 = arith.index_cast %mul3A_204 : i32 to index
      %get3A_206 = tpu.vector_load %arg8[%get3A_205] {strides = array<i32>} : memref<4096xf32, #tpu.memory_space<vmem>>, vector<16xf32>,
      %add3A_207 = arith.addf %scan3A_202, %get3A_206 : vector<16xf32>
      scf.yield %add3A_207 : vector<16xf32>
    }
    %scan3A_116 = arith.constant 256 : i32
    %reduce_sum3A_117 = arith.constant true
    %reduce_sum3A_118 = vector.broadcast %reduce_sum3A_117 : i1 to vector<16xi1>
    %reduce_sum3A_119 = tpu.scan <sum>, %scan3A_115 masked %reduce_sum3A_118 : vector<16xf32>, vector<16xi1> -> vector<16xf32>
    %reduce_sum3A_120 = vector.extract %reduce_sum3A_119[15] : f32 from vector<16xf32>
    %scan3A_121 = arith.constant 0.000000e+00 : f32
    %scan3A_122 = arith.constant false
    %scan3A_123 = arith.constant 0 : i32
    %scan3A_124 = arith.constant 0.000000e+00 : f32
    %scan3A_125 = arith.constant 0.000000e+00 : f32
    %scan3A_126 = arith.constant 0 : i32
    %scan3A_127 = arith.constant 256 : i32
    %scan3A_128 = arith.addi %scan3A_126, %scan3A_127 : i32
    %scan3A_129 = arith.constant 1 : i32
    %scan3A_130:5 = scf.for %scan3A_201 = %scan3A_126 to %scan3A_128 step %scan3A_129 iter_args(%scan3A_202 = %scan3A_121, %scan3A_203 = %scan3A_122, %scan3A_204 = %scan3A_123, %scan3A_205 = %scan3A_124, %scan3A_206 = %scan3A_125) -> (f32, i1, i32, f32, f32)  : i32 {
      %mul3A_207 = arith.constant 16 : i32
      %mul3A_208 = arith.muli %scan3A_201, %mul3A_207 : i32
      %get3A_209 = arith.index_cast %mul3A_208 : i32 to index
      %get3A_210 = tpu.vector_load %arg8[%get3A_209] {strides = array<i32>} : memref<4096xf32, #tpu.memory_space<vmem>>, vector<16xf32>,
      %broadcast_in_dim3A_211 = arith.constant true
      %broadcast_in_dim3A_212 = vector.broadcast %broadcast_in_dim3A_211 : i1 to vector<16xi1>
      %masked_cumsum3A = tpu.scan <sum>, %get3A_210 masked %broadcast_in_dim3A_212 : vector<16xf32>, vector<16xi1> -> vector<16xf32>
      %add3A_213 = vector.broadcast %scan3A_202 : f32 to vector<16xf32>
      %add3A_214 = arith.addf %masked_cumsum3A, %add3A_213 : vector<16xf32>
      %sub3A_215 = vector.broadcast %reduce_sum3A_120 : f32 to vector<16xf32>
      %sub3A_216 = arith.subf %sub3A_215, %add3A_214 : vector<16xf32>
      %add3A_217 = vector.broadcast %scan3A_79#3 : f32 to vector<16xf32>
      %add3A_218 = arith.addf %sub3A_216, %add3A_217 : vector<16xf32>
      %gt3A = arith.constant 0.000000e+00 : f32
      %gt3A_219 = vector.broadcast %gt3A : f32 to vector<16xf32>
      %gt3A_220 = arith.cmpf ogt, %get3A_210, %gt3A_219 : vector<16xf32>
      %le3A_221 = vector.broadcast %mul3A_58 : f32 to vector<16xf32>
      %le3A_222 = arith.cmpf ole, %add3A_218, %le3A_221 : vector<16xf32>
      %and3A_223 = arith.andi %gt3A_220, %le3A_222 : vector<16xi1>
      %reduce_or3A = arith.constant 1.000000e+00 : f32
      %reduce_or3A_224 = arith.constant 0.000000e+00 : f32
      %reduce_or3A_225 = vector.broadcast %reduce_or3A : f32 to vector<16xf32>
      %reduce_or3A_226 = vector.broadcast %reduce_or3A_224 : f32 to vector<16xf32>
      %reduce_or3A_227 = arith.select %and3A_223, %reduce_or3A_225, %reduce_or3A_226 : vector<16xi1>, vector<16xf32>
      %reduce_or3A_228 = arith.constant true
      %reduce_or3A_229 = vector.broadcast %reduce_or3A_228 : i1 to vector<16xi1>
      %reduce_or3A_230 = tpu.scan <max>, %reduce_or3A_227 masked %reduce_or3A_229 : vector<16xf32>, vector<16xi1> -> vector<16xf32>
      %reduce_or3A_231 = vector.extract %reduce_or3A_230[15] : f32 from vector<16xf32>
      %reduce_or3A_232 = arith.constant 0.000000e+00 : f32
      %reduce_or3A_233 = arith.cmpf ogt, %reduce_or3A_231, %reduce_or3A_232 : f32
      %all_reduce_ffs3A = tpu.all_reduce %and3A_223 {dim = 0 : i64, kind = #tpu.reduction_kind<find_first_set>} : vector<16xi1> -> vector<16xi32>
      %eq3A_234 = arith.cmpi eq, %iota3A, %all_reduce_ffs3A : vector<16xi32>
      %mul3A_235 = arith.constant 16 : i32
      %mul3A_236 = arith.muli %scan3A_201, %mul3A_235 : i32
      %add3A_237 = vector.broadcast %mul3A_236 : i32 to vector<16xi32>
      %add3A_238 = arith.addi %add3A_237, %iota3A : vector<16xi32>
      %jit3A_239 = arith.constant 0 : i32
      %broadcast_in_dim3A_240 = vector.broadcast %jit3A_239 : i32 to vector<16xi32>
      %select_n3A_241 = arith.select %eq3A_234, %add3A_238, %broadcast_in_dim3A_240 : vector<16xi1>, vector<16xi32>
      %reduce_sum3A_242 = arith.constant true
      %reduce_sum3A_243 = vector.broadcast %reduce_sum3A_242 : i1 to vector<16xi1>
      %reduce_sum3A_244 = tpu.scan <sum>, %select_n3A_241 masked %reduce_sum3A_243 : vector<16xi32>, vector<16xi1> -> vector<16xi32>
      %reduce_sum3A_245 = vector.extract %reduce_sum3A_244[15] : i32 from vector<16xi32>
      %jit3A_246 = arith.constant 0.000000e+00 : f32
      %broadcast_in_dim3A_247 = vector.broadcast %jit3A_246 : f32 to vector<16xf32>
      %select_n3A_248 = arith.select %eq3A_234, %add3A_218, %broadcast_in_dim3A_247 : vector<16xi1>, vector<16xf32>
      %reduce_sum3A_249 = arith.constant true
      %reduce_sum3A_250 = vector.broadcast %reduce_sum3A_249 : i1 to vector<16xi1>
      %reduce_sum3A_251 = tpu.scan <sum>, %select_n3A_248 masked %reduce_sum3A_250 : vector<16xf32>, vector<16xi1> -> vector<16xf32>
      %reduce_sum3A_252 = vector.extract %reduce_sum3A_251[15] : f32 from vector<16xf32>
      %jit3A_253 = arith.constant 0.000000e+00 : f32
      %broadcast_in_dim3A_254 = vector.broadcast %jit3A_253 : f32 to vector<16xf32>
      %select_n3A_255 = arith.select %eq3A_234, %get3A_210, %broadcast_in_dim3A_254 : vector<16xi1>, vector<16xf32>
      %reduce_sum3A_256 = arith.constant true
      %reduce_sum3A_257 = vector.broadcast %reduce_sum3A_256 : i1 to vector<16xi1>
      %reduce_sum3A_258 = tpu.scan <sum>, %select_n3A_255 masked %reduce_sum3A_257 : vector<16xf32>, vector<16xi1> -> vector<16xf32>
      %reduce_sum3A_259 = vector.extract %reduce_sum3A_258[15] : f32 from vector<16xf32>
      %not3A = arith.constant true
      %not3A_260 = arith.xori %scan3A_203, %not3A : i1
      %and3A_261 = arith.andi %reduce_or3A_233, %not3A_260 : i1
      %select_n3A_262 = arith.select %and3A_261, %reduce_sum3A_245, %scan3A_204 : i32
      %select_n3A_263 = arith.select %and3A_261, %reduce_sum3A_252, %scan3A_205 : f32
      %select_n3A_264 = arith.select %and3A_261, %reduce_sum3A_259, %scan3A_206 : f32
      %or3A_265 = arith.ori %scan3A_203, %reduce_or3A_233 : i1
      %reduce_sum3A_266 = arith.constant true
      %reduce_sum3A_267 = vector.broadcast %reduce_sum3A_266 : i1 to vector<16xi1>
      %reduce_sum3A_268 = tpu.scan <sum>, %get3A_210 masked %reduce_sum3A_267 : vector<16xf32>, vector<16xi1> -> vector<16xf32>
      %reduce_sum3A_269 = vector.extract %reduce_sum3A_268[15] : f32 from vector<16xf32>
      %add3A_270 = arith.addf %scan3A_202, %reduce_sum3A_269 : f32
      scf.yield %add3A_270, %or3A_265, %select_n3A_262, %select_n3A_263, %select_n3A_264 : f32, i1, i32, f32, f32
    }
    %scan3A_131 = arith.constant 256 : i32
    %shift_left3A = arith.constant 12 : i32
    %shift_left3A_132 = arith.shli %scan3A_79#2, %shift_left3A : i32
    %or3A = arith.ori %shift_left3A_132, %scan3A_130#2 : i32
    %broadcast_in_dim3A_133 = vector.broadcast %or3A : i32 to vector<16xi32>
    %parallel_loop3A_134 = arith.constant 0 : i32
    %parallel_loop3A_135 = arith.constant 4096 : i32
    %parallel_loop3A_136 = arith.constant 1 : i32
    scf.for %parallel_loop3A_201 = %parallel_loop3A_134 to %parallel_loop3A_135 step %parallel_loop3A_136  : i32 {
      %parallel_loop3A_202 = arith.constant 16 : i32
      %parallel_loop3A_203 = arith.muli %parallel_loop3A_201, %parallel_loop3A_202 : i32
      %parallel_loop3A_204 = arith.index_cast %parallel_loop3A_203 : i32 to index
      %parallel_loop3A_205 = tpu.vector_load %arg5[%parallel_loop3A_204] {strides = array<i32>} : memref<65536xf32, #tpu.memory_space<vmem>>, vector<16xf32>,
      tpu.vector_store %arg5[%parallel_loop3A_204], %broadcast_in_dim3A_7 {strides = array<i32>} : memref<65536xf32, #tpu.memory_space<vmem>>, vector<16xf32>,
    } {sc.loop_unroll_factor = 8 : i64, sc.parallel_access}
    %le3A = arith.constant 24576 : i32
    %le3A_137 = arith.cmpi sle, %scan3A_99, %le3A : i32
    %convert_element_type3A = arith.extui %le3A_137 : i1 to i32
    %cond3A = arith.constant 0 : i32
    %cond3A_138 = arith.cmpi ne, %convert_element_type3A, %cond3A : i32
    scf.if %cond3A_138 {
      %add3A_201 = arith.constant 15 : i32
      %add3A_202 = arith.addi %scan3A_99, %add3A_201 : i32
      %shift_right_arithmetic3A_203 = arith.constant 4 : i32
      %shift_right_arithmetic3A_204 = arith.shrsi %add3A_202, %shift_right_arithmetic3A_203 : i32
      %while3A = arith.constant 0 : i32
      %while3A_205 = arith.constant 0 : i32
      %while3A_206 = arith.subi %shift_right_arithmetic3A_204, %while3A : i32
      %while3A_207 = arith.addi %while3A, %while3A_206 : i32
      %while3A_208 = arith.constant 1 : i32
      %while3A_209 = arith.divsi %while3A_206, %while3A_208 : i32
      %while3A_210 = arith.muli %while3A_209, %while3A_208 : i32
      %while3A_211 = arith.addi %while3A, %while3A_210 : i32
      %while3A_212 = arith.constant 1 : i32
      %while3A_213 = scf.for %while3A_216 = %while3A to %while3A_211 step %while3A_212 iter_args(%while3A_217 = %while3A_205) -> (i32)  : i32 {
        %mul3A_218 = arith.constant 16 : i32
        %mul3A_219 = arith.muli %while3A_216, %mul3A_218 : i32
        %get3A_220 = arith.index_cast %mul3A_219 : i32 to index
        %get3A_221 = tpu.vector_load %arg12[%get3A_220] {strides = array<i32>} : memref<24576xf32, #tpu.memory_space<vmem>>, vector<16xf32>,
        %bitcast3A_222 = vector.bitcast %get3A_221 : vector<16xf32> to vector<16xi32>
        %shift_right_arithmetic3A_223 = arith.constant 31 : i32
        %shift_right_arithmetic3A_224 = vector.broadcast %shift_right_arithmetic3A_223 : i32 to vector<16xi32>
        %shift_right_arithmetic3A_225 = arith.shrsi %bitcast3A_222, %shift_right_arithmetic3A_224 : vector<16xi32>
        %or3A_226 = arith.constant -2147483648 : i32
        %or3A_227 = vector.broadcast %or3A_226 : i32 to vector<16xi32>
        %or3A_228 = arith.ori %shift_right_arithmetic3A_225, %or3A_227 : vector<16xi32>
        %xor3A = arith.xori %bitcast3A_222, %or3A_228 : vector<16xi32>
        %bitcast3A_229 = vector.bitcast %xor3A : vector<16xi32> to vector<16xi32>
        %and3A_230 = arith.constant 255 : i32
        %and3A_231 = vector.broadcast %and3A_230 : i32 to vector<16xi32>
        %and3A_232 = arith.andi %bitcast3A_229, %and3A_231 : vector<16xi32>
        %bitcast3A_233 = vector.bitcast %and3A_232 : vector<16xi32> to vector<16xi32>
        %shift_right_logical3A = arith.constant 8 : i32
        %shift_right_logical3A_234 = vector.broadcast %shift_right_logical3A : i32 to vector<16xi32>
        %shift_right_logical3A_235 = arith.shrui %bitcast3A_229, %shift_right_logical3A_234 : vector<16xi32>
        %eq3A_236 = arith.cmpi eq, %shift_right_logical3A_235, %broadcast_in_dim3A_133 : vector<16xi32>
        %mul3A_237 = arith.constant 16 : i32
        %mul3A_238 = arith.muli %while3A_216, %mul3A_237 : i32
        %add3A_239 = vector.broadcast %mul3A_238 : i32 to vector<16xi32>
        %add3A_240 = arith.addi %add3A_239, %iota3A : vector<16xi32>
        %lt3A = vector.broadcast %scan3A_99 : i32 to vector<16xi32>
        %lt3A_241 = arith.cmpi slt, %add3A_240, %lt3A : vector<16xi32>
        %and3A_242 = arith.andi %eq3A_236, %lt3A_241 : vector<16xi1>
        %exp3A = math.exp %get3A_221 : vector<16xf32>
        %jit3A_243 = arith.constant 0.000000e+00 : f32
        %broadcast_in_dim3A_244 = vector.broadcast %jit3A_243 : f32 to vector<16xf32>
        %select_n3A_245 = arith.select %and3A_242, %exp3A, %broadcast_in_dim3A_244 : vector<16xi1>, vector<16xf32>
        %add3A_246 = arith.addi %bitcast3A_233, %mul3A_10 : vector<16xi32>
        tpu.vector_store_idx %arg5[%add3A_246], %select_n3A_245 {add = true} : memref<65536xf32, #tpu.memory_space<vmem>>[vector<16xi32>], vector<16xf32>,
        %while3A_247 = arith.constant 0 : i32
        scf.yield %while3A_247 : i32
      }
      %while3A_214 = arith.constant 1 : i32
      %while3A_215 = scf.for %while3A_216 = %while3A_211 to %while3A_207 step %while3A_214 iter_args(%while3A_217 = %while3A_213) -> (i32)  : i32 {
        %mul3A_218 = arith.constant 16 : i32
        %mul3A_219 = arith.muli %while3A_216, %mul3A_218 : i32
        %get3A_220 = arith.index_cast %mul3A_219 : i32 to index
        %get3A_221 = tpu.vector_load %arg12[%get3A_220] {strides = array<i32>} : memref<24576xf32, #tpu.memory_space<vmem>>, vector<16xf32>,
        %bitcast3A_222 = vector.bitcast %get3A_221 : vector<16xf32> to vector<16xi32>
        %shift_right_arithmetic3A_223 = arith.constant 31 : i32
        %shift_right_arithmetic3A_224 = vector.broadcast %shift_right_arithmetic3A_223 : i32 to vector<16xi32>
        %shift_right_arithmetic3A_225 = arith.shrsi %bitcast3A_222, %shift_right_arithmetic3A_224 : vector<16xi32>
        %or3A_226 = arith.constant -2147483648 : i32
        %or3A_227 = vector.broadcast %or3A_226 : i32 to vector<16xi32>
        %or3A_228 = arith.ori %shift_right_arithmetic3A_225, %or3A_227 : vector<16xi32>
        %xor3A = arith.xori %bitcast3A_222, %or3A_228 : vector<16xi32>
        %bitcast3A_229 = vector.bitcast %xor3A : vector<16xi32> to vector<16xi32>
        %and3A_230 = arith.constant 255 : i32
        %and3A_231 = vector.broadcast %and3A_230 : i32 to vector<16xi32>
        %and3A_232 = arith.andi %bitcast3A_229, %and3A_231 : vector<16xi32>
        %bitcast3A_233 = vector.bitcast %and3A_232 : vector<16xi32> to vector<16xi32>
        %shift_right_logical3A = arith.constant 8 : i32
        %shift_right_logical3A_234 = vector.broadcast %shift_right_logical3A : i32 to vector<16xi32>
        %shift_right_logical3A_235 = arith.shrui %bitcast3A_229, %shift_right_logical3A_234 : vector<16xi32>
        %eq3A_236 = arith.cmpi eq, %shift_right_logical3A_235, %broadcast_in_dim3A_133 : vector<16xi32>
        %mul3A_237 = arith.constant 16 : i32
        %mul3A_238 = arith.muli %while3A_216, %mul3A_237 : i32
        %add3A_239 = vector.broadcast %mul3A_238 : i32 to vector<16xi32>
        %add3A_240 = arith.addi %add3A_239, %iota3A : vector<16xi32>
        %lt3A = vector.broadcast %scan3A_99 : i32 to vector<16xi32>
        %lt3A_241 = arith.cmpi slt, %add3A_240, %lt3A : vector<16xi32>
        %and3A_242 = arith.andi %eq3A_236, %lt3A_241 : vector<16xi1>
        %exp3A = math.exp %get3A_221 : vector<16xf32>
        %jit3A_243 = arith.constant 0.000000e+00 : f32
        %broadcast_in_dim3A_244 = vector.broadcast %jit3A_243 : f32 to vector<16xf32>
        %select_n3A_245 = arith.select %and3A_242, %exp3A, %broadcast_in_dim3A_244 : vector<16xi1>, vector<16xf32>
        %add3A_246 = arith.addi %bitcast3A_233, %mul3A_10 : vector<16xi32>
        tpu.vector_store_idx %arg5[%add3A_246], %select_n3A_245 {add = true} : memref<65536xf32, #tpu.memory_space<vmem>>[vector<16xi32>], vector<16xf32>,
        %while3A_247 = arith.constant 0 : i32
        scf.yield %while3A_247 : i32
      }
    } else {
      %mul3A_201 = arith.constant 1000000 : i32
      %mul3A_202 = arith.muli %add3A, %mul3A_201 : i32
      %mul3A_203 = arith.constant 500000 : i32
      %mul3A_204 = arith.muli %shift_right_arithmetic3A_1, %mul3A_203 : i32
      %add3A_205 = arith.addi %mul3A_202, %mul3A_204 : i32
      %add3A_206 = arith.constant 0 : i32
      %add3A_207 = arith.addi %add3A_205, %add3A_206 : i32
      %dma_start3A_208 = tpu.memref_slice %arg2[%add3A_207] : memref<16000000xf32, #tpu.memory_space<hbm>> -> memref<10000xf32, #tpu.memory_space<hbm>>
      %dma_start3A_209 = tpu.memref_slice %arg2[%add3A_207] : memref<16000000xf32, #tpu.memory_space<hbm>> -> memref<10000xf32, #tpu.memory_space<hbm>>
      tpu.enqueue_dma source(%dma_start3A_209 : memref<10000xf32, #tpu.memory_space<hbm>>) target(%arg6 : memref<10000xf32, #tpu.memory_space<vmem>>) target_semaphore(%arg14 : memref<!tpu.dma_semaphore, #tpu.memory_space<semaphore_mem>>)
      %scan3A_210 = arith.constant 0 : i32
      %scan3A_211 = arith.constant 0 : i32
      %scan3A_212 = arith.constant 25 : i32
      %scan3A_213 = arith.addi %scan3A_211, %scan3A_212 : i32
      %scan3A_214 = arith.constant 1 : i32
      %scan3A_215 = scf.for %scan3A_217 = %scan3A_211 to %scan3A_213 step %scan3A_214 iter_args(%scan3A_218 = %scan3A_210) -> (i32)  : i32 {
        %mul3A_219 = arith.constant 2 : i32
        %mul3A_220 = arith.muli %scan3A_217, %mul3A_219 : i32
        %add3A_221 = arith.constant 1 : i32
        %add3A_222 = arith.addi %mul3A_220, %add3A_221 : i32
        %mul3A_223 = arith.constant 1000000 : i32
        %mul3A_224 = arith.muli %add3A, %mul3A_223 : i32
        %mul3A_225 = arith.constant 500000 : i32
        %mul3A_226 = arith.muli %shift_right_arithmetic3A_1, %mul3A_225 : i32
        %add3A_227 = arith.addi %mul3A_224, %mul3A_226 : i32
        %mul3A_228 = arith.constant 10000 : i32
        %mul3A_229 = arith.muli %add3A_222, %mul3A_228 : i32
        %add3A_230 = arith.addi %add3A_227, %mul3A_229 : i32
        %dma_start3A_231 = tpu.memref_slice %arg2[%add3A_230] : memref<16000000xf32, #tpu.memory_space<hbm>> -> memref<10000xf32, #tpu.memory_space<hbm>>
        %dma_start3A_232 = tpu.memref_slice %arg2[%add3A_230] : memref<16000000xf32, #tpu.memory_space<hbm>> -> memref<10000xf32, #tpu.memory_space<hbm>>
        tpu.enqueue_dma source(%dma_start3A_232 : memref<10000xf32, #tpu.memory_space<hbm>>) target(%arg7 : memref<10000xf32, #tpu.memory_space<vmem>>) target_semaphore(%arg15 : memref<!tpu.dma_semaphore, #tpu.memory_space<semaphore_mem>>)
        %mul3A_233 = arith.constant 1000000 : i32
        %mul3A_234 = arith.muli %add3A, %mul3A_233 : i32
        %mul3A_235 = arith.constant 500000 : i32
        %mul3A_236 = arith.muli %shift_right_arithmetic3A_1, %mul3A_235 : i32
        %add3A_237 = arith.addi %mul3A_234, %mul3A_236 : i32
        %mul3A_238 = arith.constant 10000 : i32
        %mul3A_239 = arith.muli %mul3A_220, %mul3A_238 : i32
        %add3A_240 = arith.addi %add3A_237, %mul3A_239 : i32
        %dma_wait3A = tpu.memref_slice %arg2[%add3A_240] : memref<16000000xf32, #tpu.memory_space<hbm>> -> memref<10000xf32, #tpu.memory_space<hbm>>
        %dma_wait3A_241 = tpu.memref_slice %arg2[%add3A_240] : memref<16000000xf32, #tpu.memory_space<hbm>> -> memref<10000xf32, #tpu.memory_space<hbm>>
        tpu.wait_dma2 semaphore(%arg14 : memref<!tpu.dma_semaphore, #tpu.memory_space<semaphore_mem>>) src(%dma_wait3A_241 : memref<10000xf32, #tpu.memory_space<hbm>>) dst(%arg6 : memref<10000xf32, #tpu.memory_space<vmem>>)
        %parallel_loop3A_242 = arith.constant 0 : i32
        %parallel_loop3A_243 = arith.constant 625 : i32
        %parallel_loop3A_244 = arith.constant 1 : i32
        scf.for %parallel_loop3A_265 = %parallel_loop3A_242 to %parallel_loop3A_243 step %parallel_loop3A_244  : i32 {
          %parallel_loop3A_266 = arith.constant 16 : i32
          %parallel_loop3A_267 = arith.muli %parallel_loop3A_265, %parallel_loop3A_266 : i32
          %parallel_loop3A_268 = arith.index_cast %parallel_loop3A_267 : i32 to index
          %parallel_loop3A_269 = tpu.vector_load %arg6[%parallel_loop3A_268] {strides = array<i32>} : memref<10000xf32, #tpu.memory_space<vmem>>, vector<16xf32>,
          %parallel_loop3A_270 = arith.mulf %parallel_loop3A_269, %div3A_5 : vector<16xf32>
          %parallel_loop3A_271 = vector.bitcast %parallel_loop3A_270 : vector<16xf32> to vector<16xi32>
          %parallel_loop3A_272 = arith.constant 31 : i32
          %parallel_loop3A_273 = vector.broadcast %parallel_loop3A_272 : i32 to vector<16xi32>
          %parallel_loop3A_274 = arith.shrsi %parallel_loop3A_271, %parallel_loop3A_273 : vector<16xi32>
          %parallel_loop3A_275 = arith.constant -2147483648 : i32
          %parallel_loop3A_276 = vector.broadcast %parallel_loop3A_275 : i32 to vector<16xi32>
          %parallel_loop3A_277 = arith.ori %parallel_loop3A_274, %parallel_loop3A_276 : vector<16xi32>
          %parallel_loop3A_278 = arith.xori %parallel_loop3A_271, %parallel_loop3A_277 : vector<16xi32>
          %parallel_loop3A_279 = vector.bitcast %parallel_loop3A_278 : vector<16xi32> to vector<16xi32>
          %parallel_loop3A_280 = arith.constant 0 : i32
          %parallel_loop3A_281 = vector.broadcast %parallel_loop3A_280 : i32 to vector<16xi32>
          %parallel_loop3A_282 = arith.shrui %parallel_loop3A_279, %parallel_loop3A_281 : vector<16xi32>
          %parallel_loop3A_283 = arith.constant 255 : i32
          %parallel_loop3A_284 = vector.broadcast %parallel_loop3A_283 : i32 to vector<16xi32>
          %parallel_loop3A_285 = arith.andi %parallel_loop3A_282, %parallel_loop3A_284 : vector<16xi32>
          %parallel_loop3A_286 = vector.bitcast %parallel_loop3A_285 : vector<16xi32> to vector<16xi32>
          %parallel_loop3A_287 = math.exp %parallel_loop3A_270 : vector<16xf32>
          %parallel_loop3A_288 = arith.constant 8 : i32
          %parallel_loop3A_289 = vector.broadcast %parallel_loop3A_288 : i32 to vector<16xi32>
          %parallel_loop3A_290 = arith.shrui %parallel_loop3A_279, %parallel_loop3A_289 : vector<16xi32>
          %parallel_loop3A_291 = vector.broadcast %or3A : i32 to vector<16xi32>
          %parallel_loop3A_292 = arith.cmpi eq, %parallel_loop3A_290, %parallel_loop3A_291 : vector<16xi32>
          %parallel_loop3A_293 = arith.constant 0.000000e+00 : f32
          %parallel_loop3A_294 = vector.broadcast %parallel_loop3A_293 : f32 to vector<16xf32>
          %parallel_loop3A_295 = arith.select %parallel_loop3A_292, %parallel_loop3A_287, %parallel_loop3A_294 : vector<16xi1>, vector<16xf32>
          %parallel_loop3A_296 = arith.addi %parallel_loop3A_286, %mul3A_10 : vector<16xi32>
          tpu.vector_store_idx %arg5[%parallel_loop3A_296], %parallel_loop3A_295 {add = true} : memref<65536xf32, #tpu.memory_space<vmem>>[vector<16xi32>], vector<16xf32>,
        } {sc.loop_unroll_factor = 8 : i64, sc.parallel_access}
        %lt3A = arith.constant 24 : i32
        %lt3A_245 = arith.cmpi slt, %scan3A_217, %lt3A : i32
        %convert_element_type3A_246 = arith.extui %lt3A_245 : i1 to i32
        %cond3A_247 = arith.constant 0 : i32
        %cond3A_248 = arith.cmpi ne, %convert_element_type3A_246, %cond3A_247 : i32
        scf.if %cond3A_248 {
          %add3A_265 = arith.constant 2 : i32
          %add3A_266 = arith.addi %mul3A_220, %add3A_265 : i32
          %mul3A_267 = arith.constant 1000000 : i32
          %mul3A_268 = arith.muli %add3A, %mul3A_267 : i32
          %mul3A_269 = arith.constant 500000 : i32
          %mul3A_270 = arith.muli %shift_right_arithmetic3A_1, %mul3A_269 : i32
          %add3A_271 = arith.addi %mul3A_268, %mul3A_270 : i32
          %mul3A_272 = arith.constant 10000 : i32
          %mul3A_273 = arith.muli %add3A_266, %mul3A_272 : i32
          %add3A_274 = arith.addi %add3A_271, %mul3A_273 : i32
          %dma_start3A_275 = tpu.memref_slice %arg2[%add3A_274] : memref<16000000xf32, #tpu.memory_space<hbm>> -> memref<10000xf32, #tpu.memory_space<hbm>>
          %dma_start3A_276 = tpu.memref_slice %arg2[%add3A_274] : memref<16000000xf32, #tpu.memory_space<hbm>> -> memref<10000xf32, #tpu.memory_space<hbm>>
          tpu.enqueue_dma source(%dma_start3A_276 : memref<10000xf32, #tpu.memory_space<hbm>>) target(%arg6 : memref<10000xf32, #tpu.memory_space<vmem>>) target_semaphore(%arg14 : memref<!tpu.dma_semaphore, #tpu.memory_space<semaphore_mem>>)
        } else {
        }
        %add3A_249 = arith.constant 1 : i32
        %add3A_250 = arith.addi %mul3A_220, %add3A_249 : i32
        %mul3A_251 = arith.constant 1000000 : i32
        %mul3A_252 = arith.muli %add3A, %mul3A_251 : i32
        %mul3A_253 = arith.constant 500000 : i32
        %mul3A_254 = arith.muli %shift_right_arithmetic3A_1, %mul3A_253 : i32
        %add3A_255 = arith.addi %mul3A_252, %mul3A_254 : i32
        %mul3A_256 = arith.constant 10000 : i32
        %mul3A_257 = arith.muli %add3A_250, %mul3A_256 : i32
        %add3A_258 = arith.addi %add3A_255, %mul3A_257 : i32
        %dma_wait3A_259 = tpu.memref_slice %arg2[%add3A_258] : memref<16000000xf32, #tpu.memory_space<hbm>> -> memref<10000xf32, #tpu.memory_space<hbm>>
        %dma_wait3A_260 = tpu.memref_slice %arg2[%add3A_258] : memref<16000000xf32, #tpu.memory_space<hbm>> -> memref<10000xf32, #tpu.memory_space<hbm>>
        tpu.wait_dma2 semaphore(%arg15 : memref<!tpu.dma_semaphore, #tpu.memory_space<semaphore_mem>>) src(%dma_wait3A_260 : memref<10000xf32, #tpu.memory_space<hbm>>) dst(%arg7 : memref<10000xf32, #tpu.memory_space<vmem>>)
        %parallel_loop3A_261 = arith.constant 0 : i32
        %parallel_loop3A_262 = arith.constant 625 : i32
        %parallel_loop3A_263 = arith.constant 1 : i32
        scf.for %parallel_loop3A_265 = %parallel_loop3A_261 to %parallel_loop3A_262 step %parallel_loop3A_263  : i32 {
          %parallel_loop3A_266 = arith.constant 16 : i32
          %parallel_loop3A_267 = arith.muli %parallel_loop3A_265, %parallel_loop3A_266 : i32
          %parallel_loop3A_268 = arith.index_cast %parallel_loop3A_267 : i32 to index
          %parallel_loop3A_269 = tpu.vector_load %arg7[%parallel_loop3A_268] {strides = array<i32>} : memref<10000xf32, #tpu.memory_space<vmem>>, vector<16xf32>,
          %parallel_loop3A_270 = arith.mulf %parallel_loop3A_269, %div3A_5 : vector<16xf32>
          %parallel_loop3A_271 = vector.bitcast %parallel_loop3A_270 : vector<16xf32> to vector<16xi32>
          %parallel_loop3A_272 = arith.constant 31 : i32
          %parallel_loop3A_273 = vector.broadcast %parallel_loop3A_272 : i32 to vector<16xi32>
          %parallel_loop3A_274 = arith.shrsi %parallel_loop3A_271, %parallel_loop3A_273 : vector<16xi32>
          %parallel_loop3A_275 = arith.constant -2147483648 : i32
          %parallel_loop3A_276 = vector.broadcast %parallel_loop3A_275 : i32 to vector<16xi32>
          %parallel_loop3A_277 = arith.ori %parallel_loop3A_274, %parallel_loop3A_276 : vector<16xi32>
          %parallel_loop3A_278 = arith.xori %parallel_loop3A_271, %parallel_loop3A_277 : vector<16xi32>
          %parallel_loop3A_279 = vector.bitcast %parallel_loop3A_278 : vector<16xi32> to vector<16xi32>
          %parallel_loop3A_280 = arith.constant 0 : i32
          %parallel_loop3A_281 = vector.broadcast %parallel_loop3A_280 : i32 to vector<16xi32>
          %parallel_loop3A_282 = arith.shrui %parallel_loop3A_279, %parallel_loop3A_281 : vector<16xi32>
          %parallel_loop3A_283 = arith.constant 255 : i32
          %parallel_loop3A_284 = vector.broadcast %parallel_loop3A_283 : i32 to vector<16xi32>
          %parallel_loop3A_285 = arith.andi %parallel_loop3A_282, %parallel_loop3A_284 : vector<16xi32>
          %parallel_loop3A_286 = vector.bitcast %parallel_loop3A_285 : vector<16xi32> to vector<16xi32>
          %parallel_loop3A_287 = math.exp %parallel_loop3A_270 : vector<16xf32>
          %parallel_loop3A_288 = arith.constant 8 : i32
          %parallel_loop3A_289 = vector.broadcast %parallel_loop3A_288 : i32 to vector<16xi32>
          %parallel_loop3A_290 = arith.shrui %parallel_loop3A_279, %parallel_loop3A_289 : vector<16xi32>
          %parallel_loop3A_291 = vector.broadcast %or3A : i32 to vector<16xi32>
          %parallel_loop3A_292 = arith.cmpi eq, %parallel_loop3A_290, %parallel_loop3A_291 : vector<16xi32>
          %parallel_loop3A_293 = arith.constant 0.000000e+00 : f32
          %parallel_loop3A_294 = vector.broadcast %parallel_loop3A_293 : f32 to vector<16xf32>
          %parallel_loop3A_295 = arith.select %parallel_loop3A_292, %parallel_loop3A_287, %parallel_loop3A_294 : vector<16xi1>, vector<16xf32>
          %parallel_loop3A_296 = arith.addi %parallel_loop3A_286, %mul3A_10 : vector<16xi32>
          tpu.vector_store_idx %arg5[%parallel_loop3A_296], %parallel_loop3A_295 {add = true} : memref<65536xf32, #tpu.memory_space<vmem>>[vector<16xi32>], vector<16xf32>,
        } {sc.loop_unroll_factor = 8 : i64, sc.parallel_access}
        %scan3A_264 = arith.constant 0 : i32
        scf.yield %scan3A_264 : i32
      }
      %scan3A_216 = arith.constant 25 : i32
    }
    %parallel_loop3A_139 = arith.constant 0 : i32
    %parallel_loop3A_140 = arith.constant 256 : i32
    %parallel_loop3A_141 = arith.constant 1 : i32
    scf.for %parallel_loop3A_201 = %parallel_loop3A_139 to %parallel_loop3A_140 step %parallel_loop3A_141  : i32 {
      %parallel_loop3A_202 = arith.constant 16 : i32
      %parallel_loop3A_203 = arith.muli %parallel_loop3A_201, %parallel_loop3A_202 : i32
      %parallel_loop3A_204 = arith.constant 0 : i32
      %parallel_loop3A_205 = arith.addi %parallel_loop3A_204, %parallel_loop3A_203 : i32
      %parallel_loop3A_206 = arith.index_cast %parallel_loop3A_205 : i32 to index
      %parallel_loop3A_207 = tpu.vector_load %arg5[%parallel_loop3A_206] {strides = array<i32>} : memref<65536xf32, #tpu.memory_space<vmem>>, vector<16xf32>,
      %parallel_loop3A_208 = arith.addf %broadcast_in_dim3A_7, %parallel_loop3A_207 : vector<16xf32>
      %parallel_loop3A_209 = arith.constant 16 : i32
      %parallel_loop3A_210 = arith.muli %parallel_loop3A_201, %parallel_loop3A_209 : i32
      %parallel_loop3A_211 = arith.constant 4096 : i32
      %parallel_loop3A_212 = arith.addi %parallel_loop3A_211, %parallel_loop3A_210 : i32
      %parallel_loop3A_213 = arith.index_cast %parallel_loop3A_212 : i32 to index
      %parallel_loop3A_214 = tpu.vector_load %arg5[%parallel_loop3A_213] {strides = array<i32>} : memref<65536xf32, #tpu.memory_space<vmem>>, vector<16xf32>,
      %parallel_loop3A_215 = arith.addf %parallel_loop3A_208, %parallel_loop3A_214 : vector<16xf32>
      %parallel_loop3A_216 = arith.constant 16 : i32
      %parallel_loop3A_217 = arith.muli %parallel_loop3A_201, %parallel_loop3A_216 : i32
      %parallel_loop3A_218 = arith.constant 8192 : i32
      %parallel_loop3A_219 = arith.addi %parallel_loop3A_218, %parallel_loop3A_217 : i32
      %parallel_loop3A_220 = arith.index_cast %parallel_loop3A_219 : i32 to index
      %parallel_loop3A_221 = tpu.vector_load %arg5[%parallel_loop3A_220] {strides = array<i32>} : memref<65536xf32, #tpu.memory_space<vmem>>, vector<16xf32>,
      %parallel_loop3A_222 = arith.addf %parallel_loop3A_215, %parallel_loop3A_221 : vector<16xf32>
      %parallel_loop3A_223 = arith.constant 16 : i32
      %parallel_loop3A_224 = arith.muli %parallel_loop3A_201, %parallel_loop3A_223 : i32
      %parallel_loop3A_225 = arith.constant 12288 : i32
      %parallel_loop3A_226 = arith.addi %parallel_loop3A_225, %parallel_loop3A_224 : i32
      %parallel_loop3A_227 = arith.index_cast %parallel_loop3A_226 : i32 to index
      %parallel_loop3A_228 = tpu.vector_load %arg5[%parallel_loop3A_227] {strides = array<i32>} : memref<65536xf32, #tpu.memory_space<vmem>>, vector<16xf32>,
      %parallel_loop3A_229 = arith.addf %parallel_loop3A_222, %parallel_loop3A_228 : vector<16xf32>
      %parallel_loop3A_230 = arith.constant 16 : i32
      %parallel_loop3A_231 = arith.muli %parallel_loop3A_201, %parallel_loop3A_230 : i32
      %parallel_loop3A_232 = arith.constant 16384 : i32
      %parallel_loop3A_233 = arith.addi %parallel_loop3A_232, %parallel_loop3A_231 : i32
      %parallel_loop3A_234 = arith.index_cast %parallel_loop3A_233 : i32 to index
      %parallel_loop3A_235 = tpu.vector_load %arg5[%parallel_loop3A_234] {strides = array<i32>} : memref<65536xf32, #tpu.memory_space<vmem>>, vector<16xf32>,
      %parallel_loop3A_236 = arith.addf %parallel_loop3A_229, %parallel_loop3A_235 : vector<16xf32>
      %parallel_loop3A_237 = arith.constant 16 : i32
      %parallel_loop3A_238 = arith.muli %parallel_loop3A_201, %parallel_loop3A_237 : i32
      %parallel_loop3A_239 = arith.constant 20480 : i32
      %parallel_loop3A_240 = arith.addi %parallel_loop3A_239, %parallel_loop3A_238 : i32
      %parallel_loop3A_241 = arith.index_cast %parallel_loop3A_240 : i32 to index
      %parallel_loop3A_242 = tpu.vector_load %arg5[%parallel_loop3A_241] {strides = array<i32>} : memref<65536xf32, #tpu.memory_space<vmem>>, vector<16xf32>,
      %parallel_loop3A_243 = arith.addf %parallel_loop3A_236, %parallel_loop3A_242 : vector<16xf32>
      %parallel_loop3A_244 = arith.constant 16 : i32
      %parallel_loop3A_245 = arith.muli %parallel_loop3A_201, %parallel_loop3A_244 : i32
      %parallel_loop3A_246 = arith.constant 24576 : i32
      %parallel_loop3A_247 = arith.addi %parallel_loop3A_246, %parallel_loop3A_245 : i32
      %parallel_loop3A_248 = arith.index_cast %parallel_loop3A_247 : i32 to index
      %parallel_loop3A_249 = tpu.vector_load %arg5[%parallel_loop3A_248] {strides = array<i32>} : memref<65536xf32, #tpu.memory_space<vmem>>, vector<16xf32>,
      %parallel_loop3A_250 = arith.addf %parallel_loop3A_243, %parallel_loop3A_249 : vector<16xf32>
      %parallel_loop3A_251 = arith.constant 16 : i32
      %parallel_loop3A_252 = arith.muli %parallel_loop3A_201, %parallel_loop3A_251 : i32
      %parallel_loop3A_253 = arith.constant 28672 : i32
      %parallel_loop3A_254 = arith.addi %parallel_loop3A_253, %parallel_loop3A_252 : i32
      %parallel_loop3A_255 = arith.index_cast %parallel_loop3A_254 : i32 to index
      %parallel_loop3A_256 = tpu.vector_load %arg5[%parallel_loop3A_255] {strides = array<i32>} : memref<65536xf32, #tpu.memory_space<vmem>>, vector<16xf32>,
      %parallel_loop3A_257 = arith.addf %parallel_loop3A_250, %parallel_loop3A_256 : vector<16xf32>
      %parallel_loop3A_258 = arith.constant 16 : i32
      %parallel_loop3A_259 = arith.muli %parallel_loop3A_201, %parallel_loop3A_258 : i32
      %parallel_loop3A_260 = arith.constant 32768 : i32
      %parallel_loop3A_261 = arith.addi %parallel_loop3A_260, %parallel_loop3A_259 : i32
      %parallel_loop3A_262 = arith.index_cast %parallel_loop3A_261 : i32 to index
      %parallel_loop3A_263 = tpu.vector_load %arg5[%parallel_loop3A_262] {strides = array<i32>} : memref<65536xf32, #tpu.memory_space<vmem>>, vector<16xf32>,
      %parallel_loop3A_264 = arith.addf %parallel_loop3A_257, %parallel_loop3A_263 : vector<16xf32>
      %parallel_loop3A_265 = arith.constant 16 : i32
      %parallel_loop3A_266 = arith.muli %parallel_loop3A_201, %parallel_loop3A_265 : i32
      %parallel_loop3A_267 = arith.constant 36864 : i32
      %parallel_loop3A_268 = arith.addi %parallel_loop3A_267, %parallel_loop3A_266 : i32
      %parallel_loop3A_269 = arith.index_cast %parallel_loop3A_268 : i32 to index
      %parallel_loop3A_270 = tpu.vector_load %arg5[%parallel_loop3A_269] {strides = array<i32>} : memref<65536xf32, #tpu.memory_space<vmem>>, vector<16xf32>,
      %parallel_loop3A_271 = arith.addf %parallel_loop3A_264, %parallel_loop3A_270 : vector<16xf32>
      %parallel_loop3A_272 = arith.constant 16 : i32
      %parallel_loop3A_273 = arith.muli %parallel_loop3A_201, %parallel_loop3A_272 : i32
      %parallel_loop3A_274 = arith.constant 40960 : i32
      %parallel_loop3A_275 = arith.addi %parallel_loop3A_274, %parallel_loop3A_273 : i32
      %parallel_loop3A_276 = arith.index_cast %parallel_loop3A_275 : i32 to index
      %parallel_loop3A_277 = tpu.vector_load %arg5[%parallel_loop3A_276] {strides = array<i32>} : memref<65536xf32, #tpu.memory_space<vmem>>, vector<16xf32>,
      %parallel_loop3A_278 = arith.addf %parallel_loop3A_271, %parallel_loop3A_277 : vector<16xf32>
      %parallel_loop3A_279 = arith.constant 16 : i32
      %parallel_loop3A_280 = arith.muli %parallel_loop3A_201, %parallel_loop3A_279 : i32
      %parallel_loop3A_281 = arith.constant 45056 : i32
      %parallel_loop3A_282 = arith.addi %parallel_loop3A_281, %parallel_loop3A_280 : i32
      %parallel_loop3A_283 = arith.index_cast %parallel_loop3A_282 : i32 to index
      %parallel_loop3A_284 = tpu.vector_load %arg5[%parallel_loop3A_283] {strides = array<i32>} : memref<65536xf32, #tpu.memory_space<vmem>>, vector<16xf32>,
      %parallel_loop3A_285 = arith.addf %parallel_loop3A_278, %parallel_loop3A_284 : vector<16xf32>
      %parallel_loop3A_286 = arith.constant 16 : i32
      %parallel_loop3A_287 = arith.muli %parallel_loop3A_201, %parallel_loop3A_286 : i32
      %parallel_loop3A_288 = arith.constant 49152 : i32
      %parallel_loop3A_289 = arith.addi %parallel_loop3A_288, %parallel_loop3A_287 : i32
      %parallel_loop3A_290 = arith.index_cast %parallel_loop3A_289 : i32 to index
      %parallel_loop3A_291 = tpu.vector_load %arg5[%parallel_loop3A_290] {strides = array<i32>} : memref<65536xf32, #tpu.memory_space<vmem>>, vector<16xf32>,
      %parallel_loop3A_292 = arith.addf %parallel_loop3A_285, %parallel_loop3A_291 : vector<16xf32>
      %parallel_loop3A_293 = arith.constant 16 : i32
      %parallel_loop3A_294 = arith.muli %parallel_loop3A_201, %parallel_loop3A_293 : i32
      %parallel_loop3A_295 = arith.constant 53248 : i32
      %parallel_loop3A_296 = arith.addi %parallel_loop3A_295, %parallel_loop3A_294 : i32
      %parallel_loop3A_297 = arith.index_cast %parallel_loop3A_296 : i32 to index
      %parallel_loop3A_298 = tpu.vector_load %arg5[%parallel_loop3A_297] {strides = array<i32>} : memref<65536xf32, #tpu.memory_space<vmem>>, vector<16xf32>,
      %parallel_loop3A_299 = arith.addf %parallel_loop3A_292, %parallel_loop3A_298 : vector<16xf32>
      %parallel_loop3A_300 = arith.constant 16 : i32
      %parallel_loop3A_301 = arith.muli %parallel_loop3A_201, %parallel_loop3A_300 : i32
      %parallel_loop3A_302 = arith.constant 57344 : i32
      %parallel_loop3A_303 = arith.addi %parallel_loop3A_302, %parallel_loop3A_301 : i32
      %parallel_loop3A_304 = arith.index_cast %parallel_loop3A_303 : i32 to index
      %parallel_loop3A_305 = tpu.vector_load %arg5[%parallel_loop3A_304] {strides = array<i32>} : memref<65536xf32, #tpu.memory_space<vmem>>, vector<16xf32>,
      %parallel_loop3A_306 = arith.addf %parallel_loop3A_299, %parallel_loop3A_305 : vector<16xf32>
      %parallel_loop3A_307 = arith.constant 16 : i32
      %parallel_loop3A_308 = arith.muli %parallel_loop3A_201, %parallel_loop3A_307 : i32
      %parallel_loop3A_309 = arith.constant 61440 : i32
      %parallel_loop3A_310 = arith.addi %parallel_loop3A_309, %parallel_loop3A_308 : i32
      %parallel_loop3A_311 = arith.index_cast %parallel_loop3A_310 : i32 to index
      %parallel_loop3A_312 = tpu.vector_load %arg5[%parallel_loop3A_311] {strides = array<i32>} : memref<65536xf32, #tpu.memory_space<vmem>>, vector<16xf32>,
      %parallel_loop3A_313 = arith.addf %parallel_loop3A_306, %parallel_loop3A_312 : vector<16xf32>
      %parallel_loop3A_314 = arith.constant 16 : i32
      %parallel_loop3A_315 = arith.muli %parallel_loop3A_201, %parallel_loop3A_314 : i32
      %parallel_loop3A_316 = arith.index_cast %parallel_loop3A_315 : i32 to index
      %parallel_loop3A_317 = tpu.vector_load %arg8[%parallel_loop3A_316] {strides = array<i32>} : memref<4096xf32, #tpu.memory_space<vmem>>, vector<16xf32>,
      tpu.vector_store %arg8[%parallel_loop3A_316], %parallel_loop3A_313 {strides = array<i32>} : memref<4096xf32, #tpu.memory_space<vmem>>, vector<16xf32>,
    } {sc.loop_unroll_factor = 2 : i64, sc.parallel_access}
    "tpu.region"() ({
      %run_scoped3A = tpu.sem_alloc : memref<!tpu.dma_semaphore, #tpu.memory_space<semaphore_mem>>
      %dma_start3A_201 = arith.constant 0 : i32
      %dma_start3A_202 = tpu.memref_slice %arg13[%and3A_0, %shift_right_arithmetic3A_1, %dma_start3A_201] : memref<8x2x4096xf32, #tpu.memory_space<vmem_shared>> -> memref<1x1x4096xf32, #tpu.memory_space<vmem_shared>>
      %dma_start3A_203 = tpu.memref_squeeze %dma_start3A_202 : memref<1x1x4096xf32, #tpu.memory_space<vmem_shared>> -> memref<4096xf32, #tpu.memory_space<vmem_shared>>
      %dma_start3A_204 = arith.constant 0 : i32
      %dma_start3A_205 = tpu.memref_slice %arg13[%and3A_0, %shift_right_arithmetic3A_1, %dma_start3A_204] : memref<8x2x4096xf32, #tpu.memory_space<vmem_shared>> -> memref<1x1x4096xf32, #tpu.memory_space<vmem_shared>>
      %dma_start3A_206 = tpu.memref_squeeze %dma_start3A_205 : memref<1x1x4096xf32, #tpu.memory_space<vmem_shared>> -> memref<4096xf32, #tpu.memory_space<vmem_shared>>
      tpu.enqueue_dma source(%arg8 : memref<4096xf32, #tpu.memory_space<vmem>>) target(%dma_start3A_206 : memref<4096xf32, #tpu.memory_space<vmem_shared>>) target_semaphore(%run_scoped3A : memref<!tpu.dma_semaphore, #tpu.memory_space<semaphore_mem>>)
      %dma_wait3A = arith.constant 0 : i32
      %dma_wait3A_207 = tpu.memref_slice %arg13[%and3A_0, %shift_right_arithmetic3A_1, %dma_wait3A] : memref<8x2x4096xf32, #tpu.memory_space<vmem_shared>> -> memref<1x1x4096xf32, #tpu.memory_space<vmem_shared>>
      %dma_wait3A_208 = tpu.memref_squeeze %dma_wait3A_207 : memref<1x1x4096xf32, #tpu.memory_space<vmem_shared>> -> memref<4096xf32, #tpu.memory_space<vmem_shared>>
      %dma_wait3A_209 = arith.constant 0 : i32
      %dma_wait3A_210 = tpu.memref_slice %arg13[%and3A_0, %shift_right_arithmetic3A_1, %dma_wait3A_209] : memref<8x2x4096xf32, #tpu.memory_space<vmem_shared>> -> memref<1x1x4096xf32, #tpu.memory_space<vmem_shared>>
      %dma_wait3A_211 = tpu.memref_squeeze %dma_wait3A_210 : memref<1x1x4096xf32, #tpu.memory_space<vmem_shared>> -> memref<4096xf32, #tpu.memory_space<vmem_shared>>
      tpu.wait_dma2 semaphore(%run_scoped3A : memref<!tpu.dma_semaphore, #tpu.memory_space<semaphore_mem>>) src(%arg8 : memref<4096xf32, #tpu.memory_space<vmem>>) dst(%dma_wait3A_211 : memref<4096xf32, #tpu.memory_space<vmem_shared>>)
      tpu.yield
    }) : () -> ()
    %barrier3A_142 = arith.constant 0 : index
    tpu.barrier barrier_id(%barrier3A_142)
    %sub3A_143 = arith.constant 1 : i32
    %sub3A_144 = arith.subi %sub3A_143, %shift_right_arithmetic3A_1 : i32
    "tpu.region"() ({
      %run_scoped3A = tpu.sem_alloc : memref<!tpu.dma_semaphore, #tpu.memory_space<semaphore_mem>>
      %dma_start3A_201 = arith.constant 0 : i32
      %dma_start3A_202 = tpu.memref_slice %arg13[%and3A_0, %sub3A_144, %dma_start3A_201] : memref<8x2x4096xf32, #tpu.memory_space<vmem_shared>> -> memref<1x1x4096xf32, #tpu.memory_space<vmem_shared>>
      %dma_start3A_203 = tpu.memref_squeeze %dma_start3A_202 : memref<1x1x4096xf32, #tpu.memory_space<vmem_shared>> -> memref<4096xf32, #tpu.memory_space<vmem_shared>>
      %dma_start3A_204 = arith.constant 0 : i32
      %dma_start3A_205 = tpu.memref_slice %arg13[%and3A_0, %sub3A_144, %dma_start3A_204] : memref<8x2x4096xf32, #tpu.memory_space<vmem_shared>> -> memref<1x1x4096xf32, #tpu.memory_space<vmem_shared>>
      %dma_start3A_206 = tpu.memref_squeeze %dma_start3A_205 : memref<1x1x4096xf32, #tpu.memory_space<vmem_shared>> -> memref<4096xf32, #tpu.memory_space<vmem_shared>>
      tpu.enqueue_dma source(%dma_start3A_206 : memref<4096xf32, #tpu.memory_space<vmem_shared>>) target(%arg9 : memref<4096xf32, #tpu.memory_space<vmem>>) target_semaphore(%run_scoped3A : memref<!tpu.dma_semaphore, #tpu.memory_space<semaphore_mem>>)
      %dma_wait3A = arith.constant 0 : i32
      %dma_wait3A_207 = tpu.memref_slice %arg13[%and3A_0, %sub3A_144, %dma_wait3A] : memref<8x2x4096xf32, #tpu.memory_space<vmem_shared>> -> memref<1x1x4096xf32, #tpu.memory_space<vmem_shared>>
      %dma_wait3A_208 = tpu.memref_squeeze %dma_wait3A_207 : memref<1x1x4096xf32, #tpu.memory_space<vmem_shared>> -> memref<4096xf32, #tpu.memory_space<vmem_shared>>
      %dma_wait3A_209 = arith.constant 0 : i32
      %dma_wait3A_210 = tpu.memref_slice %arg13[%and3A_0, %sub3A_144, %dma_wait3A_209] : memref<8x2x4096xf32, #tpu.memory_space<vmem_shared>> -> memref<1x1x4096xf32, #tpu.memory_space<vmem_shared>>
      %dma_wait3A_211 = tpu.memref_squeeze %dma_wait3A_210 : memref<1x1x4096xf32, #tpu.memory_space<vmem_shared>> -> memref<4096xf32, #tpu.memory_space<vmem_shared>>
      tpu.wait_dma2 semaphore(%run_scoped3A : memref<!tpu.dma_semaphore, #tpu.memory_space<semaphore_mem>>) src(%dma_wait3A_211 : memref<4096xf32, #tpu.memory_space<vmem_shared>>) dst(%arg9 : memref<4096xf32, #tpu.memory_space<vmem>>)
      tpu.yield
    }) : () -> ()
    %parallel_loop3A_145 = arith.constant 0 : i32
    %parallel_loop3A_146 = arith.constant 256 : i32
    %parallel_loop3A_147 = arith.constant 1 : i32
    scf.for %parallel_loop3A_201 = %parallel_loop3A_145 to %parallel_loop3A_146 step %parallel_loop3A_147  : i32 {
      %parallel_loop3A_202 = arith.constant 16 : i32
      %parallel_loop3A_203 = arith.muli %parallel_loop3A_201, %parallel_loop3A_202 : i32
      %parallel_loop3A_204 = arith.index_cast %parallel_loop3A_203 : i32 to index
      %parallel_loop3A_205 = tpu.vector_load %arg8[%parallel_loop3A_204] {strides = array<i32>} : memref<4096xf32, #tpu.memory_space<vmem>>, vector<16xf32>,
      %parallel_loop3A_206 = arith.constant 16 : i32
      %parallel_loop3A_207 = arith.muli %parallel_loop3A_201, %parallel_loop3A_206 : i32
      %parallel_loop3A_208 = arith.index_cast %parallel_loop3A_207 : i32 to index
      %parallel_loop3A_209 = tpu.vector_load %arg9[%parallel_loop3A_208] {strides = array<i32>} : memref<4096xf32, #tpu.memory_space<vmem>>, vector<16xf32>,
      %parallel_loop3A_210 = arith.addf %parallel_loop3A_205, %parallel_loop3A_209 : vector<16xf32>
      %parallel_loop3A_211 = arith.constant 16 : i32
      %parallel_loop3A_212 = arith.muli %parallel_loop3A_201, %parallel_loop3A_211 : i32
      %parallel_loop3A_213 = arith.index_cast %parallel_loop3A_212 : i32 to index
      %parallel_loop3A_214 = tpu.vector_load %arg8[%parallel_loop3A_213] {strides = array<i32>} : memref<4096xf32, #tpu.memory_space<vmem>>, vector<16xf32>,
      tpu.vector_store %arg8[%parallel_loop3A_213], %parallel_loop3A_210 {strides = array<i32>} : memref<4096xf32, #tpu.memory_space<vmem>>, vector<16xf32>,
    } {sc.loop_unroll_factor = 4 : i64, sc.parallel_access}
    %barrier3A_148 = arith.constant 0 : index
    tpu.barrier barrier_id(%barrier3A_148)
    %scan3A_149 = arith.constant 0 : i32
    %scan3A_150 = arith.constant 16 : i32
    %scan3A_151 = arith.addi %scan3A_149, %scan3A_150 : i32
    %scan3A_152 = arith.constant 1 : i32
    %scan3A_153 = scf.for %scan3A_201 = %scan3A_149 to %scan3A_151 step %scan3A_152 iter_args(%scan3A_202 = %broadcast_in_dim3A_7) -> (vector<16xf32>)  : i32 {
      %mul3A_203 = arith.constant 16 : i32
      %mul3A_204 = arith.muli %scan3A_201, %mul3A_203 : i32
      %get3A_205 = arith.index_cast %mul3A_204 : i32 to index
      %get3A_206 = tpu.vector_load %arg8[%get3A_205] {strides = array<i32>} : memref<4096xf32, #tpu.memory_space<vmem>>, vector<16xf32>,
      %add3A_207 = arith.addf %scan3A_202, %get3A_206 : vector<16xf32>
      scf.yield %add3A_207 : vector<16xf32>
    }
    %scan3A_154 = arith.constant 16 : i32
    %reduce_sum3A_155 = arith.constant true
    %reduce_sum3A_156 = vector.broadcast %reduce_sum3A_155 : i1 to vector<16xi1>
    %reduce_sum3A_157 = tpu.scan <sum>, %scan3A_153 masked %reduce_sum3A_156 : vector<16xf32>, vector<16xi1> -> vector<16xf32>
    %reduce_sum3A_158 = vector.extract %reduce_sum3A_157[15] : f32 from vector<16xf32>
    %scan3A_159 = arith.constant 0.000000e+00 : f32
    %scan3A_160 = arith.constant false
    %scan3A_161 = arith.constant 0 : i32
    %scan3A_162 = arith.constant 0.000000e+00 : f32
    %scan3A_163 = arith.constant 0.000000e+00 : f32
    %scan3A_164 = arith.constant 0 : i32
    %scan3A_165 = arith.constant 16 : i32
    %scan3A_166 = arith.addi %scan3A_164, %scan3A_165 : i32
    %scan3A_167 = arith.constant 1 : i32
    %scan3A_168:5 = scf.for %scan3A_201 = %scan3A_164 to %scan3A_166 step %scan3A_167 iter_args(%scan3A_202 = %scan3A_159, %scan3A_203 = %scan3A_160, %scan3A_204 = %scan3A_161, %scan3A_205 = %scan3A_162, %scan3A_206 = %scan3A_163) -> (f32, i1, i32, f32, f32)  : i32 {
      %mul3A_207 = arith.constant 16 : i32
      %mul3A_208 = arith.muli %scan3A_201, %mul3A_207 : i32
      %get3A_209 = arith.index_cast %mul3A_208 : i32 to index
      %get3A_210 = tpu.vector_load %arg8[%get3A_209] {strides = array<i32>} : memref<4096xf32, #tpu.memory_space<vmem>>, vector<16xf32>,
      %broadcast_in_dim3A_211 = arith.constant true
      %broadcast_in_dim3A_212 = vector.broadcast %broadcast_in_dim3A_211 : i1 to vector<16xi1>
      %masked_cumsum3A = tpu.scan <sum>, %get3A_210 masked %broadcast_in_dim3A_212 : vector<16xf32>, vector<16xi1> -> vector<16xf32>
      %add3A_213 = vector.broadcast %scan3A_202 : f32 to vector<16xf32>
      %add3A_214 = arith.addf %masked_cumsum3A, %add3A_213 : vector<16xf32>
      %sub3A_215 = vector.broadcast %reduce_sum3A_158 : f32 to vector<16xf32>
      %sub3A_216 = arith.subf %sub3A_215, %add3A_214 : vector<16xf32>
      %add3A_217 = vector.broadcast %scan3A_130#3 : f32 to vector<16xf32>
      %add3A_218 = arith.addf %sub3A_216, %add3A_217 : vector<16xf32>
      %gt3A = arith.constant 0.000000e+00 : f32
      %gt3A_219 = vector.broadcast %gt3A : f32 to vector<16xf32>
      %gt3A_220 = arith.cmpf ogt, %get3A_210, %gt3A_219 : vector<16xf32>
      %le3A_221 = vector.broadcast %mul3A_58 : f32 to vector<16xf32>
      %le3A_222 = arith.cmpf ole, %add3A_218, %le3A_221 : vector<16xf32>
      %and3A_223 = arith.andi %gt3A_220, %le3A_222 : vector<16xi1>
      %reduce_or3A = arith.constant 1.000000e+00 : f32
      %reduce_or3A_224 = arith.constant 0.000000e+00 : f32
      %reduce_or3A_225 = vector.broadcast %reduce_or3A : f32 to vector<16xf32>
      %reduce_or3A_226 = vector.broadcast %reduce_or3A_224 : f32 to vector<16xf32>
      %reduce_or3A_227 = arith.select %and3A_223, %reduce_or3A_225, %reduce_or3A_226 : vector<16xi1>, vector<16xf32>
      %reduce_or3A_228 = arith.constant true
      %reduce_or3A_229 = vector.broadcast %reduce_or3A_228 : i1 to vector<16xi1>
      %reduce_or3A_230 = tpu.scan <max>, %reduce_or3A_227 masked %reduce_or3A_229 : vector<16xf32>, vector<16xi1> -> vector<16xf32>
      %reduce_or3A_231 = vector.extract %reduce_or3A_230[15] : f32 from vector<16xf32>
      %reduce_or3A_232 = arith.constant 0.000000e+00 : f32
      %reduce_or3A_233 = arith.cmpf ogt, %reduce_or3A_231, %reduce_or3A_232 : f32
      %all_reduce_ffs3A = tpu.all_reduce %and3A_223 {dim = 0 : i64, kind = #tpu.reduction_kind<find_first_set>} : vector<16xi1> -> vector<16xi32>
      %eq3A_234 = arith.cmpi eq, %iota3A, %all_reduce_ffs3A : vector<16xi32>
      %mul3A_235 = arith.constant 16 : i32
      %mul3A_236 = arith.muli %scan3A_201, %mul3A_235 : i32
      %add3A_237 = vector.broadcast %mul3A_236 : i32 to vector<16xi32>
      %add3A_238 = arith.addi %add3A_237, %iota3A : vector<16xi32>
      %jit3A_239 = arith.constant 0 : i32
      %broadcast_in_dim3A_240 = vector.broadcast %jit3A_239 : i32 to vector<16xi32>
      %select_n3A_241 = arith.select %eq3A_234, %add3A_238, %broadcast_in_dim3A_240 : vector<16xi1>, vector<16xi32>
      %reduce_sum3A_242 = arith.constant true
      %reduce_sum3A_243 = vector.broadcast %reduce_sum3A_242 : i1 to vector<16xi1>
      %reduce_sum3A_244 = tpu.scan <sum>, %select_n3A_241 masked %reduce_sum3A_243 : vector<16xi32>, vector<16xi1> -> vector<16xi32>
      %reduce_sum3A_245 = vector.extract %reduce_sum3A_244[15] : i32 from vector<16xi32>
      %jit3A_246 = arith.constant 0.000000e+00 : f32
      %broadcast_in_dim3A_247 = vector.broadcast %jit3A_246 : f32 to vector<16xf32>
      %select_n3A_248 = arith.select %eq3A_234, %add3A_218, %broadcast_in_dim3A_247 : vector<16xi1>, vector<16xf32>
      %reduce_sum3A_249 = arith.constant true
      %reduce_sum3A_250 = vector.broadcast %reduce_sum3A_249 : i1 to vector<16xi1>
      %reduce_sum3A_251 = tpu.scan <sum>, %select_n3A_248 masked %reduce_sum3A_250 : vector<16xf32>, vector<16xi1> -> vector<16xf32>
      %reduce_sum3A_252 = vector.extract %reduce_sum3A_251[15] : f32 from vector<16xf32>
      %jit3A_253 = arith.constant 0.000000e+00 : f32
      %broadcast_in_dim3A_254 = vector.broadcast %jit3A_253 : f32 to vector<16xf32>
      %select_n3A_255 = arith.select %eq3A_234, %get3A_210, %broadcast_in_dim3A_254 : vector<16xi1>, vector<16xf32>
      %reduce_sum3A_256 = arith.constant true
      %reduce_sum3A_257 = vector.broadcast %reduce_sum3A_256 : i1 to vector<16xi1>
      %reduce_sum3A_258 = tpu.scan <sum>, %select_n3A_255 masked %reduce_sum3A_257 : vector<16xf32>, vector<16xi1> -> vector<16xf32>
      %reduce_sum3A_259 = vector.extract %reduce_sum3A_258[15] : f32 from vector<16xf32>
      %not3A = arith.constant true
      %not3A_260 = arith.xori %scan3A_203, %not3A : i1
      %and3A_261 = arith.andi %reduce_or3A_233, %not3A_260 : i1
      %select_n3A_262 = arith.select %and3A_261, %reduce_sum3A_245, %scan3A_204 : i32
      %select_n3A_263 = arith.select %and3A_261, %reduce_sum3A_252, %scan3A_205 : f32
      %select_n3A_264 = arith.select %and3A_261, %reduce_sum3A_259, %scan3A_206 : f32
      %or3A_265 = arith.ori %scan3A_203, %reduce_or3A_233 : i1
      %reduce_sum3A_266 = arith.constant true
      %reduce_sum3A_267 = vector.broadcast %reduce_sum3A_266 : i1 to vector<16xi1>
      %reduce_sum3A_268 = tpu.scan <sum>, %get3A_210 masked %reduce_sum3A_267 : vector<16xf32>, vector<16xi1> -> vector<16xf32>
      %reduce_sum3A_269 = vector.extract %reduce_sum3A_268[15] : f32 from vector<16xf32>
      %add3A_270 = arith.addf %scan3A_202, %reduce_sum3A_269 : f32
      scf.yield %add3A_270, %or3A_265, %select_n3A_262, %select_n3A_263, %select_n3A_264 : f32, i1, i32, f32, f32
    }
    %scan3A_169 = arith.constant 16 : i32
    %shift_left3A_170 = arith.constant 20 : i32
    %shift_left3A_171 = arith.shli %scan3A_79#2, %shift_left3A_170 : i32
    %shift_left3A_172 = arith.constant 8 : i32
    %shift_left3A_173 = arith.shli %scan3A_130#2, %shift_left3A_172 : i32
    %or3A_174 = arith.ori %shift_left3A_171, %shift_left3A_173 : i32
    %or3A_175 = arith.ori %or3A_174, %scan3A_168#2 : i32
    %add3A_176 = arith.addf %scan3A_168#3, %scan3A_168#4 : f32
    %broadcast_in_dim3A_177 = vector.broadcast %or3A_175 : i32 to vector<16xi32>
    %ge3A = arith.constant -2147483648 : i32
    %ge3A_178 = vector.broadcast %ge3A : i32 to vector<16xi32>
    %ge3A_179 = arith.cmpi uge, %broadcast_in_dim3A_177, %ge3A_178 : vector<16xi32>
    %and3A_180 = arith.constant 2147483647 : i32
    %and3A_181 = vector.broadcast %and3A_180 : i32 to vector<16xi32>
    %and3A_182 = arith.andi %broadcast_in_dim3A_177, %and3A_181 : vector<16xi32>
    %sub3A_183 = arith.constant -1 : i32
    %sub3A_184 = vector.broadcast %sub3A_183 : i32 to vector<16xi32>
    %sub3A_185 = arith.subi %sub3A_184, %broadcast_in_dim3A_177 : vector<16xi32>
    %select_n3A = arith.select %ge3A_179, %and3A_182, %sub3A_185 : vector<16xi1>, vector<16xi32>
    %bitcast3A = vector.bitcast %select_n3A : vector<16xi32> to vector<16xf32>
    %broadcast_in_dim3A_186 = vector.broadcast %add3A_176 : f32 to vector<16xf32>
    %eq3A = arith.constant 0 : i32
    %eq3A_187 = vector.broadcast %eq3A : i32 to vector<16xi32>
    %eq3A_188 = arith.cmpi eq, %iota3A, %eq3A_187 : vector<16xi32>
    %eq3A_189 = arith.constant 1 : i32
    %eq3A_190 = vector.broadcast %eq3A_189 : i32 to vector<16xi32>
    %eq3A_191 = arith.cmpi eq, %iota3A, %eq3A_190 : vector<16xi32>
    %jit3A = arith.constant 0.000000e+00 : f32
    %broadcast_in_dim3A_192 = vector.broadcast %jit3A : f32 to vector<16xf32>
    %select_n3A_193 = arith.select %eq3A_191, %broadcast_in_dim3A_186, %broadcast_in_dim3A_192 : vector<16xi1>, vector<16xf32>
    %select_n3A_194 = arith.select %eq3A_188, %bitcast3A, %select_n3A_193 : vector<16xi1>, vector<16xf32>
    %swap3A = arith.constant 0 : index
    %swap3A_195 = tpu.vector_load %arg11[%swap3A] {strides = array<i32>} : memref<16xf32, #tpu.memory_space<vmem>>, vector<16xf32>,
    tpu.vector_store %arg11[%swap3A], %select_n3A_194 {strides = array<i32>} : memref<16xf32, #tpu.memory_space<vmem>>, vector<16xf32>,
    %eq3A_196 = arith.constant 0 : i32
    %eq3A_197 = arith.cmpi eq, %shift_right_arithmetic3A_1, %eq3A_196 : i32
    %convert_element_type3A_198 = arith.extui %eq3A_197 : i1 to i32
    %cond3A_199 = arith.constant 0 : i32
    %cond3A_200 = arith.cmpi ne, %convert_element_type3A_198, %cond3A_199 : i32
    scf.if %cond3A_200 {
      %mul3A_201 = arith.constant 16 : i32
      %mul3A_202 = arith.muli %add3A, %mul3A_201 : i32
      "tpu.region"() ({
        %run_scoped3A = tpu.sem_alloc : memref<!tpu.dma_semaphore, #tpu.memory_space<semaphore_mem>>
        %dma_start3A_203 = tpu.memref_slice %arg4[%mul3A_202] : memref<256xf32, #tpu.memory_space<hbm>> -> memref<16xf32, #tpu.memory_space<hbm>>
        %dma_start3A_204 = tpu.memref_slice %arg4[%mul3A_202] : memref<256xf32, #tpu.memory_space<hbm>> -> memref<16xf32, #tpu.memory_space<hbm>>
        tpu.enqueue_dma source(%arg11 : memref<16xf32, #tpu.memory_space<vmem>>) target(%dma_start3A_204 : memref<16xf32, #tpu.memory_space<hbm>>) target_semaphore(%run_scoped3A : memref<!tpu.dma_semaphore, #tpu.memory_space<semaphore_mem>>)
        %dma_wait3A = tpu.memref_slice %arg4[%mul3A_202] : memref<256xf32, #tpu.memory_space<hbm>> -> memref<16xf32, #tpu.memory_space<hbm>>
        %dma_wait3A_205 = tpu.memref_slice %arg4[%mul3A_202] : memref<256xf32, #tpu.memory_space<hbm>> -> memref<16xf32, #tpu.memory_space<hbm>>
        tpu.wait_dma2 semaphore(%run_scoped3A : memref<!tpu.dma_semaphore, #tpu.memory_space<semaphore_mem>>) src(%arg11 : memref<16xf32, #tpu.memory_space<vmem>>) dst(%dma_wait3A_205 : memref<16xf32, #tpu.memory_space<hbm>>)
        tpu.yield
      }) : () -> ()
    } else {
    }
    return
  }
}

module attributes {stable_mosaic.version = 14 : i64} {
  func.func @body(%arg0: i32, %arg1: i32, %arg2: memref<8x65536xf32, #tpu.memory_space<vmem>>, %arg3: memref<1xf32, #tpu.memory_space<smem>>, %arg4: memref<8x65536xf32, #tpu.memory_space<vmem>>, %arg5: memref<8x16xf32, #tpu.memory_space<vmem>>, %arg6: memref<8x65536xf32, #tpu.memory_space<vmem>>, %arg7: memref<8x128xi32, #tpu.memory_space<vmem>>, %arg8: memref<8x128xf32, #tpu.memory_space<vmem>>, %arg9: memref<8x128xi32, #tpu.memory_space<vmem>>) attributes {dimension_semantics = [#tpu.dimension_semantics<arbitrary>, #tpu.dimension_semantics<arbitrary>], iteration_bounds = array<i64: 2, 16>, scalar_prefetch = 0 : i64, scratch_operands = 2 : i64, tpu.core_type = #tpu.core_type<tc>, window_params = [{transform_indices = @transform_0, window_bounds = array<i64: 8, 65536>}, {transform_indices = @transform_1, window_bounds = array<i64: 1>}, {transform_indices = @transform_2, window_bounds = array<i64: 8, 65536>}, {transform_indices = @transform_3, window_bounds = array<i64: 8, 16>}, {transform_indices = @transform_4, window_bounds = array<i64: 8, 65536>}, {transform_indices = @transform_5, window_bounds = array<i64: 8, 128>}]} {
    %get3A = arith.constant 0 : index
    %get3A_0 = memref.load %arg3[%get3A] : memref<1xf32, #tpu.memory_space<smem>>
    %get3A_1 = arith.constant 0 : index
    %get3A_2 = arith.constant 0 : index
    %get3A_3 = vector.load %arg5[%get3A_1, %get3A_2] : memref<8x16xf32, #tpu.memory_space<vmem>>, vector<8x16xf32>
    %slice3A = vector.extract_strided_slice %get3A_3 {offsets = [0, 0], sizes = [8, 1], strides = [1, 1]} : vector<8x16xf32> to vector<8x1xf32>
    %slice3A_4 = vector.extract_strided_slice %get3A_3 {offsets = [0, 1], sizes = [8, 1], strides = [1, 1]} : vector<8x16xf32> to vector<8x1xf32>
    %get3A_5 = arith.constant 0 : index
    %get3A_6 = arith.constant 0 : index
    %get3A_7 = vector.load %arg2[%get3A_5, %get3A_6] : memref<8x65536xf32, #tpu.memory_space<vmem>>, vector<8x65536xf32>
    %div3A = vector.broadcast %get3A_0 : f32 to vector<8x65536xf32>
    %div3A_8 = arith.divf %get3A_7, %div3A : vector<8x65536xf32>
    %iota3A = tpu.iota {dimensions = array<i32: 1>} : vector<8x65536xi32>
    %mul3A = arith.constant 65536 : i32
    %mul3A_9 = arith.muli %arg1, %mul3A : i32
    %add3A = vector.broadcast %mul3A_9 : i32 to vector<8x65536xi32>
    %add3A_10 = arith.addi %iota3A, %add3A : vector<8x65536xi32>
    %lt3A = arith.constant 1000000 : i32
    %lt3A_11 = vector.broadcast %lt3A : i32 to vector<8x65536xi32>
    %lt3A_12 = arith.cmpi slt, %add3A_10, %lt3A_11 : vector<8x65536xi32>
    %ge3A = vector.broadcast %slice3A : vector<8x1xf32> to vector<8x65536xf32>
    %ge3A_13 = arith.cmpf oge, %div3A_8, %ge3A : vector<8x65536xf32>
    %and3A = arith.andi %ge3A_13, %lt3A_12 : vector<8x65536xi1>
    %exp3A = math.exp %div3A_8 : vector<8x65536xf32>
    %div3A_14 = vector.broadcast %slice3A_4 : vector<8x1xf32> to vector<8x65536xf32>
    %div3A_15 = arith.divf %exp3A, %div3A_14 : vector<8x65536xf32>
    %jit3A = arith.constant 0.000000e+00 : f32
    %broadcast_in_dim3A = vector.broadcast %jit3A : f32 to vector<8x65536xf32>
    %select_n3A = arith.select %and3A, %div3A_15, %broadcast_in_dim3A : vector<8x65536xi1>, vector<8x65536xf32>
    %swap3A = arith.constant 0 : index
    %swap3A_16 = arith.constant 0 : index
    %swap3A_17 = vector.load %arg6[%swap3A, %swap3A_16] : memref<8x65536xf32, #tpu.memory_space<vmem>>, vector<8x65536xf32>
    tpu.vector_store %arg6[%swap3A, %swap3A_16], %select_n3A {strides = array<i32>} : memref<8x65536xf32, #tpu.memory_space<vmem>>, vector<8x65536xf32>,
    %get3A_18 = arith.constant 0 : index
    %get3A_19 = arith.constant 0 : index
    %get3A_20 = vector.load %arg4[%get3A_18, %get3A_19] : memref<8x65536xf32, #tpu.memory_space<vmem>>, vector<8x65536xf32>
    %add3A_21 = arith.constant 1.000000e-10 : f32
    %add3A_22 = vector.broadcast %add3A_21 : f32 to vector<8x65536xf32>
    %add3A_23 = arith.addf %get3A_20, %add3A_22 : vector<8x65536xf32>
    %log3A = math.log %add3A_23 : vector<8x65536xf32>
    %neg3A = arith.constant 0.000000e+00 : f32
    %neg3A_24 = vector.broadcast %neg3A : f32 to vector<8x65536xf32>
    %neg3A_25 = arith.subf %neg3A_24, %log3A : vector<8x65536xf32>
    %add3A_26 = arith.constant 1.000000e-10 : f32
    %add3A_27 = vector.broadcast %add3A_26 : f32 to vector<8x65536xf32>
    %add3A_28 = arith.addf %neg3A_25, %add3A_27 : vector<8x65536xf32>
    %log3A_29 = math.log %add3A_28 : vector<8x65536xf32>
    %neg3A_30 = arith.constant 0.000000e+00 : f32
    %neg3A_31 = vector.broadcast %neg3A_30 : f32 to vector<8x65536xf32>
    %neg3A_32 = arith.subf %neg3A_31, %log3A_29 : vector<8x65536xf32>
    %add3A_33 = arith.constant 9.99999968E-21 : f32
    %add3A_34 = vector.broadcast %add3A_33 : f32 to vector<8x65536xf32>
    %add3A_35 = arith.addf %select_n3A, %add3A_34 : vector<8x65536xf32>
    %log3A_36 = math.log %add3A_35 : vector<8x65536xf32>
    %add3A_37 = arith.addf %log3A_36, %neg3A_32 : vector<8x65536xf32>
    %jit3A_38 = arith.constant 0xFF800000 : f32
    %broadcast_in_dim3A_39 = vector.broadcast %jit3A_38 : f32 to vector<8x65536xf32>
    %select_n3A_40 = arith.select %lt3A_12, %add3A_37, %broadcast_in_dim3A_39 : vector<8x65536xi1>, vector<8x65536xf32>
    %reduce_max3A = arith.constant dense<0xFF800000> : vector<8xf32>
    %reduce_max3A_41 = vector.multi_reduction <maximumf>, %select_n3A_40, %reduce_max3A [1] : vector<8x65536xf32> to vector<8xf32>
    %broadcast_in_dim3A_42 = vector.shape_cast %reduce_max3A_41 : vector<8xf32> to vector<8x1xf32>
    %eq3A = vector.broadcast %broadcast_in_dim3A_42 : vector<8x1xf32> to vector<8x65536xf32>
    %eq3A_43 = arith.cmpf oeq, %select_n3A_40, %eq3A : vector<8x65536xf32>
    %jit3A_44 = arith.constant 2147483647 : i32
    %broadcast_in_dim3A_45 = vector.broadcast %jit3A_44 : i32 to vector<8x65536xi32>
    %select_n3A_46 = arith.select %eq3A_43, %add3A_10, %broadcast_in_dim3A_45 : vector<8x65536xi1>, vector<8x65536xi32>
    %reduce_min3A = arith.constant dense<2147483647> : vector<8xi32>
    %reduce_min3A_47 = vector.multi_reduction <minsi>, %select_n3A_46, %reduce_min3A [1] : vector<8x65536xi32> to vector<8xi32>
    %eq3A_48 = arith.constant 0 : i32
    %eq3A_49 = arith.cmpi eq, %arg1, %eq3A_48 : i32
    %convert_element_type3A = arith.extui %eq3A_49 : i1 to i32
    %cond3A = arith.constant 0 : i32
    %cond3A_50 = arith.cmpi ne, %convert_element_type3A, %cond3A : i32
    scf.if %cond3A_50 {
      %broadcast_in_dim3A_78 = arith.constant 0xFF800000 : f32
      %broadcast_in_dim3A_79 = vector.broadcast %broadcast_in_dim3A_78 : f32 to vector<8x128xf32>
      %swap3A_80 = arith.constant 0 : index
      %swap3A_81 = arith.constant 0 : index
      %swap3A_82 = vector.load %arg8[%swap3A_80, %swap3A_81] : memref<8x128xf32, #tpu.memory_space<vmem>>, vector<8x128xf32>
      tpu.vector_store %arg8[%swap3A_80, %swap3A_81], %broadcast_in_dim3A_79 {strides = array<i32>} : memref<8x128xf32, #tpu.memory_space<vmem>>, vector<8x128xf32>,
      %broadcast_in_dim3A_83 = arith.constant 0 : i32
      %broadcast_in_dim3A_84 = vector.broadcast %broadcast_in_dim3A_83 : i32 to vector<8x128xi32>
      %swap3A_85 = arith.constant 0 : index
      %swap3A_86 = arith.constant 0 : index
      %swap3A_87 = vector.load %arg9[%swap3A_85, %swap3A_86] : memref<8x128xi32, #tpu.memory_space<vmem>>, vector<8x128xi32>
      tpu.vector_store %arg9[%swap3A_85, %swap3A_86], %broadcast_in_dim3A_84 {strides = array<i32>} : memref<8x128xi32, #tpu.memory_space<vmem>>, vector<8x128xi32>,
    } else {
    }
    %get3A_51 = arith.constant 0 : index
    %get3A_52 = arith.constant 0 : index
    %get3A_53 = vector.load %arg8[%get3A_51, %get3A_52] : memref<8x128xf32, #tpu.memory_space<vmem>>, vector<8x128xf32>
    %get3A_54 = arith.constant 0 : index
    %get3A_55 = arith.constant 0 : index
    %get3A_56 = vector.load %arg9[%get3A_54, %get3A_55] : memref<8x128xi32, #tpu.memory_space<vmem>>, vector<8x128xi32>
    %broadcast_in_dim3A_57 = vector.shape_cast %reduce_max3A_41 : vector<8xf32> to vector<8x1xf32>
    %gt3A = vector.broadcast %broadcast_in_dim3A_57 : vector<8x1xf32> to vector<8x128xf32>
    %gt3A_58 = arith.cmpf ogt, %gt3A, %get3A_53 : vector<8x128xf32>
    %broadcast_in_dim3A_59 = vector.shape_cast %reduce_max3A_41 : vector<8xf32> to vector<8x1xf32>
    %broadcast_in_dim3A_60 = vector.shape_cast %broadcast_in_dim3A_59 : vector<8x1xf32> to vector<8x1xf32>
    %broadcast_in_dim3A_61 = vector.broadcast %broadcast_in_dim3A_60 : vector<8x1xf32> to vector<8x128xf32>
    %select_n3A_62 = arith.select %gt3A_58, %broadcast_in_dim3A_61, %get3A_53 : vector<8x128xi1>, vector<8x128xf32>
    %swap3A_63 = arith.constant 0 : index
    %swap3A_64 = arith.constant 0 : index
    %swap3A_65 = vector.load %arg8[%swap3A_63, %swap3A_64] : memref<8x128xf32, #tpu.memory_space<vmem>>, vector<8x128xf32>
    tpu.vector_store %arg8[%swap3A_63, %swap3A_64], %select_n3A_62 {strides = array<i32>} : memref<8x128xf32, #tpu.memory_space<vmem>>, vector<8x128xf32>,
    %broadcast_in_dim3A_66 = vector.shape_cast %reduce_min3A_47 : vector<8xi32> to vector<8x1xi32>
    %broadcast_in_dim3A_67 = vector.shape_cast %broadcast_in_dim3A_66 : vector<8x1xi32> to vector<8x1xi32>
    %broadcast_in_dim3A_68 = vector.broadcast %broadcast_in_dim3A_67 : vector<8x1xi32> to vector<8x128xi32>
    %select_n3A_69 = arith.select %gt3A_58, %broadcast_in_dim3A_68, %get3A_56 : vector<8x128xi1>, vector<8x128xi32>
    %swap3A_70 = arith.constant 0 : index
    %swap3A_71 = arith.constant 0 : index
    %swap3A_72 = vector.load %arg9[%swap3A_70, %swap3A_71] : memref<8x128xi32, #tpu.memory_space<vmem>>, vector<8x128xi32>
    tpu.vector_store %arg9[%swap3A_70, %swap3A_71], %select_n3A_69 {strides = array<i32>} : memref<8x128xi32, #tpu.memory_space<vmem>>, vector<8x128xi32>,
    %eq3A_73 = arith.constant 15 : i32
    %eq3A_74 = arith.cmpi eq, %arg1, %eq3A_73 : i32
    %convert_element_type3A_75 = arith.extui %eq3A_74 : i1 to i32
    %cond3A_76 = arith.constant 0 : i32
    %cond3A_77 = arith.cmpi ne, %convert_element_type3A_75, %cond3A_76 : i32
    scf.if %cond3A_77 {
      %get3A_78 = arith.constant 0 : index
      %get3A_79 = arith.constant 0 : index
      %get3A_80 = vector.load %arg9[%get3A_78, %get3A_79] : memref<8x128xi32, #tpu.memory_space<vmem>>, vector<8x128xi32>
      %swap3A_81 = arith.constant 0 : index
      %swap3A_82 = arith.constant 0 : index
      %swap3A_83 = vector.load %arg7[%swap3A_81, %swap3A_82] : memref<8x128xi32, #tpu.memory_space<vmem>>, vector<8x128xi32>
      tpu.vector_store %arg7[%swap3A_81, %swap3A_82], %get3A_80 {strides = array<i32>} : memref<8x128xi32, #tpu.memory_space<vmem>>, vector<8x128xi32>,
    } else {
    }
    return
  }
  func.func @transform_0(%arg0: i32, %arg1: i32) -> (i32, i32) {
    %c0_i32 = arith.constant 0 : i32
    return %arg0, %arg1 : i32, i32
  }
  func.func @transform_1(%arg0: i32, %arg1: i32) -> i32 {
    %c0_i32 = arith.constant 0 : i32
    %c0_i32_0 = arith.constant 0 : i32
    return %c0_i32 : i32
  }
  func.func @transform_2(%arg0: i32, %arg1: i32) -> (i32, i32) {
    %c0_i32 = arith.constant 0 : i32
    return %arg0, %arg1 : i32, i32
  }
  func.func @transform_3(%arg0: i32, %arg1: i32) -> (i32, i32) {
    %c0_i32 = arith.constant 0 : i32
    %c0_i32_0 = arith.constant 0 : i32
    return %arg0, %c0_i32 : i32, i32
  }
  func.func @transform_4(%arg0: i32, %arg1: i32) -> (i32, i32) {
    %c0_i32 = arith.constant 0 : i32
    return %arg0, %arg1 : i32, i32
  }
  func.func @transform_5(%arg0: i32, %arg1: i32) -> (i32, i32) {
    %c0_i32 = arith.constant 0 : i32
    %c0_i32_0 = arith.constant 0 : i32
    return %arg0, %c0_i32 : i32, i32
  }
}

</mosaic_0001>

<sc_bundles>
// kernel: kernel.4.cloned.1.call-start
scs
__scs_entry_jumppad:
0x0: {  	(pc) =	sbr.rel $0x88, $3  }
0x1: {  	(tag) =	ssettag $0x0;
	lr =	simm.s32 $0x1  }
0x2: {  	[smem:$0x3F9E] =	sst lr;
	_ =	strace $0xD0000000  }
0x3: {  	_ = 	snop  }
0x4: {  	_ = 	snop  }
0x5: {  	_ = 	snop  }
0x6: {  	_ = 	snop  }
0x7: {  	_ = 	snop  }
__scs_overlays_trampoline_lowered:
0x8: {  	[smem:$0x3FAD] =	sst s0  }
0x9: {  	[smem:$0x3FAE] =	sst s1  }
0xa: {  	[smem:$0x3FAF] =	sst s2  }
0xb: {  	[smem:$0x3FB0] =	sst s3  }
0xc: {  	[smem:$0x3FB1] =	sst s4  }
0xd: {  	[smem:$0x3FB2] =	sst s5  }
0xe: {  	[smem:$0x3FB3] =	sst s6  }
0xf: {  	[smem:$0x3FB4] =	sst s7  }
0x10: {  	[smem:$0x3FB5] =	sst s8  }
0x11: {  	[smem:$0x3FB6] =	sst s9;
	s0 =	simm.s32 @!p0 $0x0  }
0x12: {  	s1 =	sld [smem:$0x3F9C];
	s0 =	simm.s32 @p0 $0x1  }
0x13: {  	[smem:$0x3FB7] =	sst s0;
	s0 =	simm.s32 @!p1 $0x0  }
0x14: {  	s2 =	sld [smem:$0x3F9B];
	s0 =	simm.s32 @p1 $0x1  }
0x15: {  	[smem:$0x3FB8] =	sst s0;
	s0 =	simm.s32 @!p2 $0x0  }
0x16: {  	s3 =	sld [smem:$0x3FDB];
	s0 =	simm.s32 @p2 $0x1  }
0x17: {  	s4 =	simm.s32 $0x1BF5;
	[smem:$0x3FBA] =	sst s0  }
0x18: {  	s0 =	sld [smem:$0x3F9D];
	_ =	swait.ge [sflag:s4], $0x0  }
0x19: {  	s7 =	sld [smem:$0x3F9E]  }
0x1a: {  	s8 =	sadd.s32 $0xFFFFE003, lr  }
0x1b: {  	s9 =	sadd.s32 $0xFFFFFEF7, lr;
	s5 =	simm.s32 $0xFFFFFFFF;
	p2 =	slt.u32 s8, $0xFFFFF086  }
0x1c: {  	p1 =	slt.u32 s9, $0xF7A;
	s5 =	simm.s32 @!p2 $0x0  }
0x1d: {  	s5 =	simm.s32 @p1 $0x1;
	p0 =	seq.s32 s7, s2  }
0x1e: {  	s7 =	smul.u32 @!p0 $0xF7A, s2;
	p2 =	seq.s32 @!p0 s5, $0x0  }
0x1f: {  	s9 =	smul.u32 $0xF7A, s1;
	s8 =	simm.s32 @!p0 $0x1BF5;
	p2 =	por !p2, p0  }
0x20: {  	[sflag:s8] =	ssyncset.s32 @!p0 $0xFFFFF086;
	s6 =	sadd.s32 @!p0 s3, s7;
	s7 =	simm.s32 @!p0 $0x108  }
0x21: {  	s3 =	sadd.s32 s3, s9;
	s6 =	sadd.s32 @!p0 $0x88, s6;
	s7 =	simm.s32 @p2 $0x1082  }
0x22: {  	[simem:s7], [sflag:s8] =	dma.local @!p0 [hbm:s6], $0xF7A  }
0x23: {  	s9 =	sor.u32 $0xD0000000, s2;
	s6 =	simm.s32 $0x108;
	_ =	swait.ge @!p0 [sflag:s8], $0x0  }
0x24: {  	s3 =	sadd.s32 $0x88, s3;
	s6 =	simm.s32 @!p1 $0x1082;
	[sflag:s4] =	ssyncset.s32 $0xFFFFF086  }
0x25: {  	[simem:s6], [sflag:s4] =	dma.local [hbm:s3], $0xF7A  }
0x26: {  	[smem:$0x3F9E] =	sst s1;
	(tag) =	ssettag s2;
	_ =	strace s9  }
0x27: {  	s1 =	sld [smem:$0x3FAE]  }
0x28: {  	s2 =	sld [smem:$0x3FAF]  }
0x29: {  	s4 =	sld [smem:$0x3FB1]  }
0x2a: {  	p0 =	seq.s32 s5, $0x0;
	s5 =	sld [smem:$0x3FB2]  }
0x2b: {  	s6 =	sld [smem:$0x3FB3]  }
0x2c: {  	s7 =	sld [smem:$0x3FB4]  }
0x2d: {  	s3 =	simm.s32 $0x108;
	s8 =	sld [smem:$0x3FB5]  }
0x2e: {  	s3 =	simm.s32 @!p0 $0x1082;
	s9 =	sld [smem:$0x3FB6]  }
0x2f: {  	lr =	sadd.s32 s0, s3;
	s0 =	sld [smem:$0x3FAD]  }
0x30: {  	s3 =	sld [smem:$0x3FB0]  }
0x31: {  	[smem:$0x3FB9] =	sst s10  }
0x32: {  	s10 =	sld [smem:$0x3FB7];
	_ =	sdelay $0x3  }
0x33: {  	p0 =	seq.s32 s10, $0x1;
	s10 =	sld [smem:$0x3FB9];
	_ =	sdelay $0x3  }
0x34: {  	[smem:$0x3FB9] =	sst s10  }
0x35: {  	s10 =	sld [smem:$0x3FB8];
	_ =	sdelay $0x3  }
0x36: {  	p1 =	seq.s32 s10, $0x1;
	s10 =	sld [smem:$0x3FB9];
	_ =	sdelay $0x3  }
0x37: {  	[smem:$0x3FB9] =	sst s10  }
0x38: {  	s10 =	sld [smem:$0x3FBA]  }
0x39: {  	_ = 	snop;
	(pc) =	sbr.ind lr, $3  }
0x3a: {  	_ = 	snop  }
0x3b: {  	_ = 	snop  }
0x3c: {  	p2 =	seq.s32 s10, $0x1;
	s10 =	sld [smem:$0x3FB9]  }
0x3d: {  	_ =	shalt  }
0x3e: {  	_ =	shalt  }
0x3f: {  	_ =	shalt  }
0x40: {  	_ =	shalt  }
0x41: {  	_ =	shalt  }
0x42: {  	_ =	shalt  }
0x43: {  	_ =	shalt  }
0x44: {  	_ =	shalt  }
0x45: {  	_ =	shalt  }
0x46: {  	_ =	shalt  }
0x47: {  	_ =	shalt  }
0x48: {  	_ =	shalt  }
0x49: {  	_ =	shalt  }
0x4a: {  	_ =	shalt  }
0x4b: {  	_ =	shalt  }
0x4c: {  	_ =	shalt  }
0x4d: {  	_ =	shalt  }
0x4e: {  	_ =	shalt  }
0x4f: {  	_ =	shalt  }
0x50: {  	_ =	shalt  }
0x51: {  	_ =	shalt  }
0x52: {  	_ =	shalt  }
0x53: {  	_ =	shalt  }
0x54: {  	_ =	shalt  }
0x55: {  	_ =	shalt  }
0x56: {  	_ =	shalt  }
0x57: {  	_ =	shalt  }
0x58: {  	_ =	shalt  }
0x59: {  	_ =	shalt  }
0x5a: {  	_ =	shalt  }
0x5b: {  	_ =	shalt  }
0x5c: {  	_ =	shalt  }
0x5d: {  	_ =	shalt  }
0x5e: {  	_ =	shalt  }
0x5f: {  	_ =	shalt  }
0x60: {  	_ =	shalt  }
0x61: {  	_ =	shalt  }
0x62: {  	_ =	shalt  }
0x63: {  	_ =	shalt  }
0x64: {  	_ =	shalt  }
0x65: {  	_ =	shalt  }
0x66: {  	_ =	shalt  }
0x67: {  	_ =	shalt  }
0x68: {  	_ =	shalt  }
0x69: {  	_ =	shalt  }
0x6a: {  	_ =	shalt  }
0x6b: {  	_ =	shalt  }
0x6c: {  	_ =	shalt  }
0x6d: {  	_ =	shalt  }
0x6e: {  	_ =	shalt  }
0x6f: {  	_ =	shalt  }
0x70: {  	_ =	shalt  }
0x71: {  	_ =	shalt  }
0x72: {  	_ =	shalt  }
0x73: {  	_ =	shalt  }
0x74: {  	_ =	shalt  }
0x75: {  	_ =	shalt  }
0x76: {  	_ =	shalt  }
0x77: {  	_ =	shalt  }
0x78: {  	_ =	shalt  }
0x79: {  	_ =	shalt  }
0x7a: {  	_ =	shalt  }
0x7b: {  	_ =	shalt  }
0x7c: {  	_ =	shalt  }
0x7d: {  	_ =	shalt  }
0x7e: {  	_ =	shalt  }
0x7f: {  	_ =	shalt  }
0x80: {  	_ =	shalt  }
0x81: {  	_ =	shalt  }
0x82: {  	_ =	shalt  }
0x83: {  	_ =	shalt  }
0x84: {  	_ =	shalt  }
0x85: {  	_ =	shalt  }
0x86: {  	_ =	shalt  }
0x87: {  	_ =	shalt  }
.Lfunc_end0:
.L_simem_size_0:
called_computation_lowered:
.L_overlay_start_0:
0x88: {  	s2 =	sld [smem:$0x3FD9]  }
0x89: {  	s3 =	sld [smem:$0x3FFE];
	_ =	sdelay $0x1  }
0x8a: {  	s1 =	srdreg.scid  }
0x8b: {  	s0 =	sand.u32 $0x1, s1  }
0x8c: {  	s14 =	sshll.u32 s0, $0xA;
	s2 =	sadd.s32 s3, s2  }
0x8d: {  	s2 =	sadd.s32 s2, s14  }
0x8e: {  	[smem:$0x3FC5] =	sst s2  }
0x8f: {  	_ = 	snop  }
0x90: {  	s2 =	sld [smem:$0x3FD0];
	_ =	sdelay $0x2  }
0x91: {  	s4 =	simm.s32 $0xA;
	s5 =	simm.s32 $0x10;
	s15 =	sld [smem:$0x3FC8]  }
0x92: {  	[smem:s5], [sflag:s4] =	dma.local [hbm:s2], $0x1  }
0x93: {  	_ =	swait.eq [sflag:s4], $0x1  }
0x94: {  	[sflag:s4] =	ssyncset.done $0x0  }
0x95: {  	[sflag:s4] =	ssyncadd.s32 $0xFFFFFFFF  }
0x96: {  	s16 =	sld [smem:$0x10];
	(tm) =	ssettm $0x1  }
0x97: {  	s17 =	sld [smem:$0x3FFB];
	_ =	sdelay $0x3  }
0x98: {  	_ =	strace s17  }
0x99: {  	s4 =	sld [smem:$0x3FFC];
	_ =	sdelay $0x3  }
0x9a: {  	_ =	strace s4  }
0x9b: {  	s4 =	sld [smem:$0x3FFD];
	_ =	sdelay $0x3  }
0x9c: {  	_ =	strace s4  }
0x9d: {  	_ =	strace $0x8FFFFFFF  }
0x9e: {  	s18 =	sld [smem:$0x3FDB];
	_ =	sdelay $0x1  }
0x9f: {  	s19 =	simm.s32 $_scs_section_size  }
0xa0: {  	s6 =	simm.s32 $_size__tile_overlayer_lowered;
	s7 =	simm.s32 $_tile_overlayer_lowered  }
0xa1: {  	s22 =	simm.s32 $0x1BFF;
	s21 =	sshll.u32 s7, $0x1;
	s4 =	sadd.s32 s19, s18  }
0xa2: {  	s8 =	simm.s32 $0x0;
	s20 =	sshll.u32 s6, $0x1;
	s6 =	sadd.s32 s21, s4  }
0xa3: {  	[timem:s8], [sflag:s22] =	dma.local [hbm:s6], s20  }
0xa4: {  	_ =	swait.ge [sflag:s22], s20  }
0xa5: {  	s5 =	ssub.s32 $0x0, s20;
	[sflag:s22] =	ssyncset.done $0x0  }
0xa6: {  	[sflag:s22] =	ssyncadd.s32 s5;
	_ =	sdelay $0x1  }
0xa7: {  	s23 =	simm.s32 $0x1B8B  }
0xa8: {  	_ =	swait.ge [sflag:s23], $0x1  }
0xa9: {  	[sflag:s23] =	ssyncset.done $0x0  }
0xaa: {  	s25 =	simm.s32 $0x1B8E;
	s24 =	sld [smem:$0x3FFE];
	[sflag:s23] =	ssyncadd.s32 $0xFFFFFFFF  }
0xab: {  	s26 =	simm.s32 $execute0_lowered;
	[smem:$0x3FD2] =	sst s25  }
0xac: {  	s6 =	sshll.u32 s26, $0x1;
	_ =	strace $0x80000046;
	[dreg:$0x1] =	wrdreg $0xFFFFFFFF  }
0xad: {  	s28 =	simm.s32 $_size_execute0_lowered;
	s4 =	sadd.s32 s4, s6;
	[dreg:$0x0] =	wrdreg $0x0  }
0xae: {  	s6 =	sshll.u32 s28, $0x1;
	[dreg:$0x2] =	wrdreg s4  }
0xaf: {  	[dreg:$0x3] =	wrdreg s6  }
0xb0: {  	[dreg:$0x4] =	wrdreg $0xC0  }
0xb1: {  	_ =	task [dreg:s8], $0x5FFFF  }
0xb2: {  	[dreg:$0x1] =	wrdreg $0xFFFFFFFF  }
0xb3: {  	[dreg:$0x0] =	wrdreg $0x60  }
0xb4: {  	[dreg:$0x2] =	wrdreg s16  }
0xb5: {  	[dreg:$0x3] =	wrdreg s15  }
0xb6: {  	[dreg:$0x4] =	wrdreg s24  }
0xb7: {  	[dreg:$0x5] =	wrdreg $0x1D0000  }
0xb8: {  	[dreg:$0x6] =	wrdreg $0x9  }
0xb9: {  	_ =	task.clear_ibuf [dreg:s8], $0x7FFFF;
	_ =	strace $0x90000046  }
0xba: {  	s29 =	simm.s32 $0x9;
	_ =	strace $0x80000048  }
0xbb: {  	_ =	swait.ge [sflag:s29], $0x1  }
0xbc: {  	[sflag:s29] =	ssyncadd.s32 $0xFFFFFFFF  }
0xbd: {  	_ =	strace $0x90000048  }
0xbe: {  	_ =	sfence  }
0xbf: {  	s30 =	sld [smem:$0x0];
	_ =	sdelay $0x2  }
0xc0: {  	s31 =	sshll.u32 s1, $0xD;
	s1 =	sshrl.u32 s1, $0x2  }
0xc1: {  	s3 =	sand.u32 $0x4000, s31;
	s1 =	sadd.s32 s1, s30  }
0xc2: {  	s0 =	sor.u32 s3, s0;
	s1 =	sshll.u32 s1, $0x11  }
0xc3: {  	s0 =	sor.u32 s1, s0  }
0xc4: {  	s0 =	sadd.s32 $0x8F2B, s0  }
0xc5: {  	[sflag:s0] =	ssyncadd.remote.s32 $0x1  }
0xc6: {  	_ =	sfence.sel $0xFFFF  }
0xc7: {  	[dreg:$0x0] =	wrdreg $0xFFFFFFFF;
	(pc) =	sbr.abs _section_cstart, $3  }
0xc8: {  	[dreg:$0x1] =	wrdreg $0xFFFFFFFF  }
0xc9: {  	_ =	task.clear_ibuf [dreg:s8], $0x2FFFF;
	_ =	strace $0x9FFFFFFF  }
0xca: {  	(tm) =	ssettm $0x7FFFFFFF  }
0xcb: {  	_ =	shalt  }
tec
execute0_lowered:
.L_overlay_start_1:
0x0: {  	(tag) =	ssettag $0x1  }
0x1: {  	s1 =	rddreg [dreg:$0x0]  }
0x2: {  	s0 =	srdreg.scid;
	s5 =	rddreg [dreg:$0x2]  }
0x3: {  	s4 =	stileid.u32;
	s9 =	rddreg [dreg:$0x3];
	s18 =	simm.s32 $0x3  }
0x4: {  	s15 =	simm.s32 $0x12780;
	s16 =	simm.s32 $0x1;
	s17 =	simm.s32 $0x2  }
0x5: {  	s0 =	sand.u32 $0x1, s0;
	s2 =	sand.u32 $0x7, s4;
	s8 =	sshrl.u32 s4, $0x3  }
0x6: {  	s4 =	simm.s32 $0x0;
	s3 =	sshll.u32 s0, $0x3;
	s7 =	smul.u32 $0x7A120, s8  }
0x7: {  	s0 =	ssub.s32 $0x2, s0;
	[smem:$0x7FF] =	sst s4;
	s30 =	sshll.u32 s8, $0x7  }
0x8: {  	p0 =	sne.s32 s8, $0x0;
	s3 =	sor.u32 s2, s3;
	s10 =	sshrl.u32 s0, $0x1  }
0x9: {  	_ =	strace $0x80000047;
	s6 =	smul.u32 $0xF4240, s3;
	s3 =	sshll.u32 s3, $0x1  }
0xa: {  	s2 =	sshll.u32 s2, $0xD;
	s0 =	ssub.s32 s0, s10;
	s31 =	sadd.s32 s5, s3  }
0xb: {  	s2 =	sadd.s32 s2, s9;
	s0 =	smax.u32 s0, $0x1;
	[dreg:$0x7] =	wrdreg s31  }
0xc: {  	s13 =	sadd.s32 s30, s2;
	s2 =	ssub.s32 s2, s30;
	[dreg:$0x8] =	wrdreg s0  }
0xd: {  	v0 =	vlaneseq.u32;
	s7 =	sadd.s32 s7, s6;
	s2 =	sadd.s32 $0x80, s2;
	[dreg:$0x5] =	wrdreg s13  }
0xe: {  	v2 =	vmul.u32 $0x1000, v0;
	s3 =	simm.s32 $0x0;
	s6 =	sshrl.u32 s7, $0x3;
	[dreg:$0x6] =	wrdreg s2  }
0xf: {  	v1 =	vimm.f32 $0.0e+00;
	vm0 =	vcmask $0x704;
	s22 =	sadd.s32 s1, s6;
	s6 =	sadd.s32 $0x2710, s7;
	s7 =	sadd.s32 $0x4E20, s7  }
.LBB2_1:
0x10: {  	[dreg:$0x9] =	wrdreg s3  }
0x11: {  	s0 =	rddreg [dreg:$0x1];
	s2 =	simm.s32 $0x16F00  }
0x12: {  	[tilespmem:s2], [sflag:$0x3] =	stream.linear.gather [hbm4b:s0+s4], $0x1, $0x38;
	[tilespmem:$0x1E000] =	vst v63  }
0x13: {  	_ =	swait.ge [sflag:s18], $0x1  }
0x14: {  	[sflag:s18] =	ssyncset.done $0x0  }
0x15: {  	s0 =	simm.s32 $0x40;
	[sflag:s18] =	ssyncadd.s32 $0xFFFFFFFF  }
0x16: {  	v3 =	vld [tilespmem:$0x16F00];
	[tilespmem:s0+$0xFFFFFFC0] =	vst v1  }
0x17: {  	[tilespmem:s0+$0x30] =	vst v1  }
0x18: {  	[tilespmem:s0+$0x20] =	vst v1  }
0x19: {  	[tilespmem:s0+$0x10] =	vst v1  }
0x1a: {  	[tilespmem:s0+$0x0] =	vst v1  }
0x1b: {  	[tilespmem:s0+$0xFFFFFFF0] =	vst v1  }
0x1c: {  	s2 =	simm.s32 $0x0;
	[tilespmem:s0+$0xFFFFFFE0] =	vst v1  }
.LBB2_2:
0x1d: {  	s2 =	sadd.s32 $0x8, s2;
	[tilespmem:s0+$0xFFFFFFD0] =	vst v1;
	s0 =	sadd.s32 $0x80, s0  }
0x1e: {  	[tilespmem:s0+$0xFFFFFFC0] =	vst v1;
	p1 =	slt.u32 s2, $0xFF8  }
0x1f: {  	[tilespmem:s0+$0x30] =	vst v1  }
.Ltmp0:
0x20: {  	[tilespmem:s0+$0x20] =	vst v1;
	(pc) =	sbr.rel @p1 .LBB2_2-.Ltmp0, $4  }
0x21: {  	[tilespmem:s0+$0x10] =	vst v1  }
0x22: {  	[tilespmem:s0+$0x0] =	vst v1  }
0x23: {  	[tilespmem:s0+$0xFFFFFFF0] =	vst v1  }
0x24: {  	[tilespmem:s0+$0xFFFFFFE0] =	vst v1  }
0x25: {  	v3 =	vbroadcast v3, $0x0;
	_ =	sdelay $0x1  }
0x26: {  	(erf) = vrcp.f32 v3;
	_ =	sdelay $0x7  }
0x27: {  	[tilespmem:s0+$0xFFFFFFD0] =	vst v1;
	s23 =	simm.s32 $0x0;
	s31 =	simm.s32 $0x10000  }
0x28: {  	[tilespmem:s31], [sflag:$0x1] =	stream.linear.gather [hbm4b:s22+s23], $0x2710, $0x38;
	v3 =	vpop (erf);
	[tilespmem:$0x1E000] =	vst v63  }
.LBB2_4:
0x29: {  	s24 =	smul.u32 $0x4E20, s23;
	_ =	sdelay $0x1  }
0x2a: {  	s0 =	sadd.s32 s24, s6  }
0x2b: {  	s0 =	sshrl.u32 s0, $0x3  }
0x2c: {  	s0 =	sadd.s32 s1, s0  }
0x2d: {  	[tilespmem:s15], [sflag:$0x2] =	stream.linear.gather [hbm4b:s0+s4], $0x2710, $0x38;
	[tilespmem:$0x1E000] =	vst v63  }
0x2e: {  	_ =	swait.ge [sflag:s16], $0x2710  }
0x2f: {  	[sflag:s16] =	ssyncset.done $0x0  }
0x30: {  	s31 =	simm.s32 $0x10040;
	[sflag:s16] =	ssyncadd.s32 $0xFFFFD8F0  }
0x31: {  	v4 =	vld [tilespmem:s31+$0x30]  }
0x32: {  	v5 =	vld [tilespmem:s31+$0xFFFFFFD0]  }
0x33: {  	v6 =	vld [tilespmem:s31+$0xFFFFFFE0]  }
0x34: {  	v7 =	vld [tilespmem:s31+$0xFFFFFFF0]  }
0x35: {  	v8 =	vld [tilespmem:s31+$0x0]  }
0x36: {  	v9 =	vld [tilespmem:s31+$0x10]  }
0x37: {  	v10 =	vld [tilespmem:s31+$0x20]  }
0x38: {  	v11 =	vld [tilespmem:s31+$0xFFFFFFC0];
	_ =	sdelay $0x1  }
0x39: {  	v4 =	vmul.f32 v4, v3;
	v5 =	vmul.f32 v5, v3  }
0x3a: {  	v6 =	vmul.f32 v6, v3;
	v7 =	vmul.f32 v7, v3  }
0x3b: {  	v8 =	vmul.f32 v8, v3;
	v9 =	vmul.f32 v9, v3  }
0x3c: {  	v10 =	vmul.f32 v10, v3;
	v11 =	vmul.f32 v11, v3  }
0x3d: {  	v12 =	vmul.f32 $1.442695020e+00, v4;
	v13 =	vmul.f32 $1.442695020e+00, v5  }
0x3e: {  	v14 =	vshra.s32 v4, $0x1F;
	v15 =	vmul.f32 $1.442695020e+00, v8;
	v17 =	vmul.f32 $1.442695020e+00, v9  }
0x3f: {  	v18 =	vmul.f32 $1.442695020e+00, v11;
	v19 =	vmul.f32 $1.442695020e+00, v10;
	v20 =	vshra.s32 v7, $0x1F  }
0x40: {  	v22 =	vshra.s32 v9, $0x1F;
	v14 =	vor.u32 $0x80000000, v14;
	(erf) = vpow2.f32 v12  }
0x41: {  	v12 =	vmul.f32 $1.442695020e+00, v6;
	v4 =	vxor.u32 v4, v14;
	v14 =	vmul.f32 $1.442695020e+00, v7  }
0x42: {  	v4 =	vshrl.u32 v4, $0x14;
	(erf) = vpow2.f32 v13;
	v13 =	vshra.s32 v6, $0x1F  }
0x43: {  	v16 =	vand.u32 $0xF80, v4;
	v4 =	vand.u32 $0x7F, v4;
	(erf) = vpow2.f32 v18  }
0x44: {  	v18 =	vshra.s32 v8, $0x1F;
	v13 =	vor.u32 $0x80000000, v13;
	v16 =	vor.u32 v2, v16  }
0x45: {  	(erf) = vpow2.f32 v12;
	v12 =	vshra.s32 v10, $0x1F;
	v6 =	vxor.u32 v6, v13  }
0x46: {  	v21 =	vor.u32 v4, v16;
	v4 =	vshra.s32 v11, $0x1F;
	(erf) = vpow2.f32 v14  }
0x47: {  	v16 =	vshra.s32 v5, $0x1F;
	v12 =	vor.u32 $0x80000000, v12;
	(erf) = vpow2.f32 v15  }
0x48: {  	v4 =	vor.u32 $0x80000000, v4;
	v14 =	vor.u32 $0x80000000, v16;
	(erf) = vpow2.f32 v17  }
0x49: {  	v15 =	vor.u32 $0x80000000, v20;
	v4 =	vxor.u32 v11, v4;
	(erf) = vpow2.f32 v19  }
0x4a: {  	v16 =	vor.u32 $0x80000000, v18;
	v5 =	vxor.u32 v5, v14;
	v7 =	vxor.u32 v7, v15  }
0x4b: {  	v17 =	vor.u32 $0x80000000, v22;
	v15 =	vshrl.u32 v5, $0x14;
	v5 =	vxor.u32 v10, v12;
	v18 =	vpop (erf)  }
0x4c: {  	v8 =	vxor.u32 v8, v16;
	v16 =	vshrl.u32 v6, $0x14;
	v14 =	vshrl.u32 v4, $0x14;
	v4 =	vpop (erf)  }
0x4d: {  	v9 =	vxor.u32 v9, v17;
	v13 =	vshrl.u32 v7, $0x14;
	v11 =	vshrl.u32 v8, $0x14;
	v7 =	vpop (erf)  }
0x4e: {  	v12 =	vshrl.u32 v9, $0x14;
	v10 =	vshrl.u32 v5, $0x14;
	v9 =	vand.u32 $0xF80, v15;
	v5 =	vpop (erf)  }
0x4f: {  	v24 =	vand.u32 $0xF80, v16;
	v19 =	vand.u32 $0xF80, v14;
	v20 =	vand.u32 $0xF80, v13;
	v6 =	vpop (erf)  }
0x50: {  	v22 =	vand.u32 $0xF80, v11;
	v17 =	vand.u32 $0xF80, v10;
	v23 =	vor.u32 v2, v19;
	v8 =	vpop (erf)  }
0x51: {  	s2 =	simm.s32 $0x100C0;
	s0 =	simm.s32 $0x0;
	v19 =	vor.u32 v2, v9;
	[tilespmem:v21+s4+$0x0] =	vst.idx.add.f32.msk $0xffff, v18;
	v21 =	vand.u32 $0xF80, v12;
	v18 =	vor.u32 v2, v24;
	v9 =	vpop (erf)  }
.LBB2_5:
0x52: {  	v24 =	vld [tilespmem:s2+$0x30];
	s0 =	sadd.s32 $0x8, s0;
	v20 =	vor.u32 v2, v20;
	v22 =	vor.u32 v2, v22;
	v21 =	vor.u32 v2, v21;
	v25 =	vpop (erf)  }
0x53: {  	v14 =	vand.u32 $0x7F, v14;
	v15 =	vand.u32 $0x7F, v15;
	v17 =	vor.u32 v2, v17;
	v26 =	vld [tilespmem:s2+$0xFFFFFFD0];
	p1 =	slt.u32 s0, $0x268  }
0x54: {  	v16 =	vand.u32 $0x7F, v16;
	v13 =	vand.u32 $0x7F, v13;
	v11 =	vand.u32 $0x7F, v11;
	v27 =	vld [tilespmem:s2+$0xFFFFFFE0]  }
0x55: {  	v12 =	vand.u32 $0x7F, v12;
	v10 =	vand.u32 $0x7F, v10;
	v14 =	vor.u32 v14, v23;
	v28 =	vld [tilespmem:s2+$0xFFFFFFF0]  }
0x56: {  	v15 =	vor.u32 v15, v19;
	v16 =	vor.u32 v16, v18;
	v13 =	vor.u32 v13, v20;
	v23 =	vld [tilespmem:s2+$0x0]  }
0x57: {  	v11 =	vor.u32 v11, v22;
	v12 =	vor.u32 v12, v21;
	v18 =	vld [tilespmem:s2+$0x10];
	v19 =	vmul.f32 v24, v3  }
0x58: {  	v10 =	vor.u32 v10, v17;
	v20 =	vmul.f32 v26, v3;
	v21 =	vld [tilespmem:s2+$0x20]  }
0x59: {  	v17 =	vld [tilespmem:s2+$0xFFFFFFC0];
	v22 =	vmul.f32 v27, v3;
	v24 =	vmul.f32 $1.442695020e+00, v19  }
0x5a: {  	v26 =	vmul.f32 $1.442695020e+00, v20;
	v27 =	vmul.f32 v28, v3;
	v28 =	vshra.s32 v19, $0x1F;
	[tilespmem:v14+s4+$0x0] =	vst.idx.add.f32.msk $0xffff, v7  }
0x5b: {  	v7 =	vmul.f32 v23, v3;
	v14 =	vor.u32 $0x80000000, v28;
	(erf) = vpow2.f32 v24;
	[tilespmem:v15+s4+$0x0] =	vst.idx.add.f32.msk $0xffff, v4  }
0x5c: {  	v4 =	vmul.f32 $1.442695020e+00, v22;
	v15 =	vmul.f32 v18, v3;
	v14 =	vxor.u32 v19, v14;
	[tilespmem:v16+s4+$0x0] =	vst.idx.add.f32.msk $0xffff, v5  }
0x5d: {  	v5 =	vmul.f32 $1.442695020e+00, v27;
	v16 =	vmul.f32 v21, v3;
	v14 =	vshrl.u32 v14, $0x14;
	[tilespmem:v13+s4+$0x0] =	vst.idx.add.f32.msk $0xffff, v6  }
0x5e: {  	v13 =	vmul.f32 $1.442695020e+00, v7;
	v6 =	vmul.f32 v17, v3;
	v17 =	vand.u32 $0xF80, v14;
	[tilespmem:v11+s4+$0x0] =	vst.idx.add.f32.msk $0xffff, v8  }
0x5f: {  	v8 =	vmul.f32 $1.442695020e+00, v15;
	v11 =	vand.u32 $0x7F, v14;
	v14 =	vor.u32 v2, v17;
	[tilespmem:v12+s4+$0x0] =	vst.idx.add.f32.msk $0xffff, v9  }
0x60: {  	v12 =	vmul.f32 $1.442695020e+00, v16;
	v9 =	vmul.f32 $1.442695020e+00, v6;
	v11 =	vor.u32 v11, v14;
	[tilespmem:v10+s4+$0x0] =	vst.idx.add.f32.msk $0xffff, v25  }
0x61: {  	v10 =	vshra.s32 v6, $0x1F;
	v14 =	vshra.s32 v20, $0x1F;
	(erf) = vpow2.f32 v26  }
0x62: {  	v18 =	vshra.s32 v27, $0x1F;
	v17 =	vshra.s32 v22, $0x1F;
	(erf) = vpow2.f32 v9  }
0x63: {  	v19 =	vshra.s32 v15, $0x1F;
	v9 =	vshra.s32 v7, $0x1F;
	(erf) = vpow2.f32 v4  }
0x64: {  	v4 =	vor.u32 $0x80000000, v10;
	v10 =	vshra.s32 v16, $0x1F;
	(erf) = vpow2.f32 v5;
	v5 =	vpop (erf)  }
0x65: {  	v17 =	vor.u32 $0x80000000, v17;
	v14 =	vor.u32 $0x80000000, v14;
	[tilespmem:v11+s4+$0x0] =	vst.idx.add.f32.msk $0xffff, v5;
	(erf) = vpow2.f32 v13  }
0x66: {  	v9 =	vor.u32 $0x80000000, v9;
	v5 =	vor.u32 $0x80000000, v18;
	(erf) = vpow2.f32 v8  }
0x67: {  	v10 =	vor.u32 $0x80000000, v10;
	v8 =	vor.u32 $0x80000000, v19;
	(erf) = vpow2.f32 v12  }
0x68: {  	v11 =	vxor.u32 v22, v17;
	v12 =	vxor.u32 v6, v4;
	v6 =	vxor.u32 v20, v14  }
0x69: {  	v9 =	vxor.u32 v7, v9;
	v5 =	vxor.u32 v27, v5;
	v8 =	vxor.u32 v15, v8  }
0x6a: {  	v14 =	vshrl.u32 v12, $0x14;
	v15 =	vshrl.u32 v6, $0x14;
	v6 =	vxor.u32 v16, v10;
	v4 =	vpop (erf)  }
.Ltmp1:
0x6b: {  	v13 =	vshrl.u32 v5, $0x14;
	v16 =	vshrl.u32 v11, $0x14;
	v11 =	vshrl.u32 v9, $0x14;
	v7 =	vpop (erf);
	(pc) =	sbr.rel @p1 .LBB2_5-.Ltmp1, $4  }
0x6c: {  	v12 =	vshrl.u32 v8, $0x14;
	v9 =	vand.u32 $0xF80, v14;
	v10 =	vshrl.u32 v6, $0x14;
	v5 =	vpop (erf)  }
0x6d: {  	v20 =	vand.u32 $0xF80, v13;
	v18 =	vand.u32 $0xF80, v15;
	v24 =	vand.u32 $0xF80, v16;
	v6 =	vpop (erf)  }
0x6e: {  	v22 =	vand.u32 $0xF80, v11;
	v21 =	vand.u32 $0xF80, v12;
	v17 =	vand.u32 $0xF80, v10;
	v8 =	vpop (erf)  }
0x6f: {  	s2 =	sadd.s32 $0x80, s2;
	v23 =	vor.u32 v2, v9;
	v19 =	vor.u32 v2, v18;
	v18 =	vor.u32 v2, v24;
	v9 =	vpop (erf)  }
0x70: {  	v14 =	vand.u32 $0x7F, v14  }
0x71: {  	v15 =	vand.u32 $0x7F, v15;
	v14 =	vor.u32 v14, v23  }
0x72: {  	v16 =	vand.u32 $0x7F, v16;
	v15 =	vor.u32 v15, v19  }
0x73: {  	v13 =	vand.u32 $0x7F, v13;
	v19 =	vor.u32 v2, v20;
	v16 =	vor.u32 v16, v18  }
0x74: {  	v11 =	vand.u32 $0x7F, v11;
	v18 =	vor.u32 v2, v22;
	v13 =	vor.u32 v13, v19  }
0x75: {  	v12 =	vand.u32 $0x7F, v12;
	v19 =	vor.u32 v2, v21;
	v11 =	vor.u32 v11, v18  }
0x76: {  	v17 =	vor.u32 v2, v17;
	v10 =	vand.u32 $0x7F, v10;
	v12 =	vor.u32 v12, v19;
	[tilespmem:v14+s4+$0x0] =	vst.idx.add.f32.msk $0xffff, v7  }
0x77: {  	v7 =	vor.u32 v10, v17;
	[tilespmem:v15+s4+$0x0] =	vst.idx.add.f32.msk $0xffff, v4  }
0x78: {  	[tilespmem:v16+s4+$0x0] =	vst.idx.add.f32.msk $0xffff, v5  }
0x79: {  	[tilespmem:v13+s4+$0x0] =	vst.idx.add.f32.msk $0xffff, v6  }
0x7a: {  	[tilespmem:v11+s4+$0x0] =	vst.idx.add.f32.msk $0xffff, v8  }
0x7b: {  	v4 =	vpop (erf);
	[tilespmem:v12+s4+$0x0] =	vst.idx.add.f32.msk $0xffff, v9  }
0x7c: {  	[tilespmem:v7+s4+$0x0] =	vst.idx.add.f32.msk $0xffff, v4  }
0x7d: {  	v4 =	vld [tilespmem:$0x12700];
	_ =	sdelay $0x4  }
0x7e: {  	v4 =	vmul.f32 v4, v3;
	_ =	sdelay $0x1  }
0x7f: {  	v5 =	vmul.f32 $1.442695020e+00, v4  }
0x80: {  	v6 =	vshra.s32 v4, $0x1F  }
0x81: {  	v6 =	vor.u32 $0x80000000, v6;
	(erf) = vpow2.f32 v5  }
0x82: {  	v4 =	vxor.u32 v4, v6  }
0x83: {  	v4 =	vshrl.u32 v4, $0x14  }
0x84: {  	v5 =	vand.u32 $0xF80, v4  }
0x85: {  	v4 =	vand.u32 $0x7F, v4;
	v5 =	vor.u32 v2, v5  }
0x86: {  	v4 =	vor.u32 v4, v5;
	_ =	sdelay $0x1  }
0x87: {  	p1 =	seq.s32 s23, $0x18  }
0x88: {  	s0 =	sadd.s32 @!p1 s24, s7  }
0x89: {  	s0 =	sshrl.u32 @!p1 s0, $0x3;
	v5 =	vpop (erf)  }
0x8a: {  	s2 =	simm.s32 @!p1 $0x0;
	s3 =	simm.s32 @!p1 $0x10000;
	s0 =	sadd.s32 @!p1 s1, s0;
	[tilespmem:v4+s4+$0x0] =	vst.idx.add.f32.msk $0xffff, v5  }
0x8b: {  	[tilespmem:s3], [sflag:$0x1] =	stream.linear.gather @!p1 [hbm4b:s0+s2], $0x2710, $0x38;
	[tilespmem:$0x1E000] =	vst v63  }
0x8c: {  	_ =	swait.ge [sflag:s17], $0x2710  }
0x8d: {  	[sflag:s17] =	ssyncset.done $0x0  }
0x8e: {  	s31 =	simm.s32 $0x127C0;
	[sflag:s17] =	ssyncadd.s32 $0xFFFFD8F0  }
0x8f: {  	v4 =	vld [tilespmem:s31+$0x30]  }
0x90: {  	v5 =	vld [tilespmem:s31+$0xFFFFFFD0]  }
0x91: {  	v6 =	vld [tilespmem:s31+$0xFFFFFFE0]  }
0x92: {  	v7 =	vld [tilespmem:s31+$0xFFFFFFF0]  }
0x93: {  	v8 =	vld [tilespmem:s31+$0x0]  }
0x94: {  	v9 =	vld [tilespmem:s31+$0x10]  }
0x95: {  	v10 =	vld [tilespmem:s31+$0x20]  }
0x96: {  	v11 =	vld [tilespmem:s31+$0xFFFFFFC0];
	_ =	sdelay $0x1  }
0x97: {  	v4 =	vmul.f32 v4, v3;
	v5 =	vmul.f32 v5, v3  }
0x98: {  	v6 =	vmul.f32 v6, v3;
	v7 =	vmul.f32 v7, v3  }
0x99: {  	v8 =	vmul.f32 v8, v3;
	v9 =	vmul.f32 v9, v3  }
0x9a: {  	v10 =	vmul.f32 v10, v3;
	v11 =	vmul.f32 v11, v3  }
0x9b: {  	v12 =	vmul.f32 $1.442695020e+00, v4;
	v13 =	vmul.f32 $1.442695020e+00, v5  }
0x9c: {  	v14 =	vshra.s32 v4, $0x1F;
	v15 =	vmul.f32 $1.442695020e+00, v8;
	v17 =	vmul.f32 $1.442695020e+00, v9  }
0x9d: {  	v18 =	vmul.f32 $1.442695020e+00, v11;
	v19 =	vmul.f32 $1.442695020e+00, v10;
	v20 =	vshra.s32 v7, $0x1F  }
0x9e: {  	v22 =	vshra.s32 v9, $0x1F;
	v14 =	vor.u32 $0x80000000, v14;
	(erf) = vpow2.f32 v12  }
0x9f: {  	v12 =	vmul.f32 $1.442695020e+00, v6;
	v4 =	vxor.u32 v4, v14;
	v14 =	vmul.f32 $1.442695020e+00, v7  }
0xa0: {  	v4 =	vshrl.u32 v4, $0x14;
	(erf) = vpow2.f32 v13;
	v13 =	vshra.s32 v6, $0x1F  }
0xa1: {  	v16 =	vand.u32 $0xF80, v4;
	v4 =	vand.u32 $0x7F, v4;
	(erf) = vpow2.f32 v18  }
0xa2: {  	v18 =	vshra.s32 v8, $0x1F;
	v13 =	vor.u32 $0x80000000, v13;
	v16 =	vor.u32 v2, v16  }
0xa3: {  	(erf) = vpow2.f32 v12;
	v12 =	vshra.s32 v10, $0x1F;
	v6 =	vxor.u32 v6, v13  }
0xa4: {  	v21 =	vor.u32 v4, v16;
	v4 =	vshra.s32 v11, $0x1F;
	(erf) = vpow2.f32 v14  }
0xa5: {  	v16 =	vshra.s32 v5, $0x1F;
	v12 =	vor.u32 $0x80000000, v12;
	(erf) = vpow2.f32 v15  }
0xa6: {  	v4 =	vor.u32 $0x80000000, v4;
	v14 =	vor.u32 $0x80000000, v16;
	(erf) = vpow2.f32 v17  }
0xa7: {  	v15 =	vor.u32 $0x80000000, v20;
	v4 =	vxor.u32 v11, v4;
	(erf) = vpow2.f32 v19  }
0xa8: {  	v16 =	vor.u32 $0x80000000, v18;
	v5 =	vxor.u32 v5, v14;
	v7 =	vxor.u32 v7, v15  }
0xa9: {  	v17 =	vor.u32 $0x80000000, v22;
	v15 =	vshrl.u32 v5, $0x14;
	v5 =	vxor.u32 v10, v12;
	v18 =	vpop (erf)  }
0xaa: {  	v8 =	vxor.u32 v8, v16;
	v16 =	vshrl.u32 v6, $0x14;
	v14 =	vshrl.u32 v4, $0x14;
	v4 =	vpop (erf)  }
0xab: {  	v9 =	vxor.u32 v9, v17;
	v13 =	vshrl.u32 v7, $0x14;
	v11 =	vshrl.u32 v8, $0x14;
	v7 =	vpop (erf)  }
0xac: {  	v12 =	vshrl.u32 v9, $0x14;
	v10 =	vshrl.u32 v5, $0x14;
	v9 =	vand.u32 $0xF80, v15;
	v5 =	vpop (erf)  }
0xad: {  	v24 =	vand.u32 $0xF80, v16;
	v19 =	vand.u32 $0xF80, v14;
	v20 =	vand.u32 $0xF80, v13;
	v6 =	vpop (erf)  }
0xae: {  	v22 =	vand.u32 $0xF80, v11;
	v17 =	vand.u32 $0xF80, v10;
	v23 =	vor.u32 v2, v19;
	v8 =	vpop (erf)  }
0xaf: {  	s0 =	simm.s32 $0x0;
	s2 =	simm.s32 $0x12840;
	v19 =	vor.u32 v2, v9;
	[tilespmem:v21+s4+$0x0] =	vst.idx.add.f32.msk $0xffff, v18;
	v21 =	vand.u32 $0xF80, v12;
	v18 =	vor.u32 v2, v24;
	v9 =	vpop (erf)  }
.LBB2_7:
0xb0: {  	v24 =	vld [tilespmem:s2+$0x30];
	s0 =	sadd.s32 $0x8, s0;
	v20 =	vor.u32 v2, v20;
	v22 =	vor.u32 v2, v22;
	v21 =	vor.u32 v2, v21;
	v25 =	vpop (erf)  }
0xb1: {  	v14 =	vand.u32 $0x7F, v14;
	v15 =	vand.u32 $0x7F, v15;
	v17 =	vor.u32 v2, v17;
	v26 =	vld [tilespmem:s2+$0xFFFFFFD0];
	p1 =	slt.u32 s0, $0x268  }
0xb2: {  	v16 =	vand.u32 $0x7F, v16;
	v13 =	vand.u32 $0x7F, v13;
	v11 =	vand.u32 $0x7F, v11;
	v27 =	vld [tilespmem:s2+$0xFFFFFFE0]  }
0xb3: {  	v12 =	vand.u32 $0x7F, v12;
	v10 =	vand.u32 $0x7F, v10;
	v14 =	vor.u32 v14, v23;
	v28 =	vld [tilespmem:s2+$0xFFFFFFF0]  }
0xb4: {  	v15 =	vor.u32 v15, v19;
	v16 =	vor.u32 v16, v18;
	v13 =	vor.u32 v13, v20;
	v23 =	vld [tilespmem:s2+$0x0]  }
0xb5: {  	v11 =	vor.u32 v11, v22;
	v12 =	vor.u32 v12, v21;
	v18 =	vld [tilespmem:s2+$0x10];
	v19 =	vmul.f32 v24, v3  }
0xb6: {  	v10 =	vor.u32 v10, v17;
	v20 =	vmul.f32 v26, v3;
	v21 =	vld [tilespmem:s2+$0x20]  }
0xb7: {  	v17 =	vld [tilespmem:s2+$0xFFFFFFC0];
	v22 =	vmul.f32 v27, v3;
	v24 =	vmul.f32 $1.442695020e+00, v19  }
0xb8: {  	v26 =	vmul.f32 $1.442695020e+00, v20;
	v27 =	vmul.f32 v28, v3;
	v28 =	vshra.s32 v19, $0x1F;
	[tilespmem:v14+s4+$0x0] =	vst.idx.add.f32.msk $0xffff, v7  }
0xb9: {  	v7 =	vmul.f32 v23, v3;
	v14 =	vor.u32 $0x80000000, v28;
	(erf) = vpow2.f32 v24;
	[tilespmem:v15+s4+$0x0] =	vst.idx.add.f32.msk $0xffff, v4  }
0xba: {  	v4 =	vmul.f32 $1.442695020e+00, v22;
	v15 =	vmul.f32 v18, v3;
	v14 =	vxor.u32 v19, v14;
	[tilespmem:v16+s4+$0x0] =	vst.idx.add.f32.msk $0xffff, v5  }
0xbb: {  	v5 =	vmul.f32 $1.442695020e+00, v27;
	v16 =	vmul.f32 v21, v3;
	v14 =	vshrl.u32 v14, $0x14;
	[tilespmem:v13+s4+$0x0] =	vst.idx.add.f32.msk $0xffff, v6  }
0xbc: {  	v13 =	vmul.f32 $1.442695020e+00, v7;
	v6 =	vmul.f32 v17, v3;
	v17 =	vand.u32 $0xF80, v14;
	[tilespmem:v11+s4+$0x0] =	vst.idx.add.f32.msk $0xffff, v8  }
0xbd: {  	v8 =	vmul.f32 $1.442695020e+00, v15;
	v11 =	vand.u32 $0x7F, v14;
	v14 =	vor.u32 v2, v17;
	[tilespmem:v12+s4+$0x0] =	vst.idx.add.f32.msk $0xffff, v9  }
0xbe: {  	v12 =	vmul.f32 $1.442695020e+00, v16;
	v9 =	vmul.f32 $1.442695020e+00, v6;
	v11 =	vor.u32 v11, v14;
	[tilespmem:v10+s4+$0x0] =	vst.idx.add.f32.msk $0xffff, v25  }
0xbf: {  	v10 =	vshra.s32 v6, $0x1F;
	v14 =	vshra.s32 v20, $0x1F;
	(erf) = vpow2.f32 v26  }
0xc0: {  	v18 =	vshra.s32 v27, $0x1F;
	v17 =	vshra.s32 v22, $0x1F;
	(erf) = vpow2.f32 v9  }
0xc1: {  	v19 =	vshra.s32 v15, $0x1F;
	v9 =	vshra.s32 v7, $0x1F;
	(erf) = vpow2.f32 v4  }
0xc2: {  	v4 =	vor.u32 $0x80000000, v10;
	v10 =	vshra.s32 v16, $0x1F;
	(erf) = vpow2.f32 v5;
	v5 =	vpop (erf)  }
0xc3: {  	v17 =	vor.u32 $0x80000000, v17;
	v14 =	vor.u32 $0x80000000, v14;
	[tilespmem:v11+s4+$0x0] =	vst.idx.add.f32.msk $0xffff, v5;
	(erf) = vpow2.f32 v13  }
0xc4: {  	v9 =	vor.u32 $0x80000000, v9;
	v5 =	vor.u32 $0x80000000, v18;
	(erf) = vpow2.f32 v8  }
0xc5: {  	v10 =	vor.u32 $0x80000000, v10;
	v8 =	vor.u32 $0x80000000, v19;
	(erf) = vpow2.f32 v12  }
0xc6: {  	v11 =	vxor.u32 v22, v17;
	v12 =	vxor.u32 v6, v4;
	v6 =	vxor.u32 v20, v14  }
0xc7: {  	v9 =	vxor.u32 v7, v9;
	v5 =	vxor.u32 v27, v5;
	v8 =	vxor.u32 v15, v8  }
0xc8: {  	v14 =	vshrl.u32 v12, $0x14;
	v15 =	vshrl.u32 v6, $0x14;
	v6 =	vxor.u32 v16, v10;
	v4 =	vpop (erf)  }
.Ltmp2:
0xc9: {  	v13 =	vshrl.u32 v5, $0x14;
	v16 =	vshrl.u32 v11, $0x14;
	v11 =	vshrl.u32 v9, $0x14;
	v7 =	vpop (erf);
	(pc) =	sbr.rel @p1 .LBB2_7-.Ltmp2, $4  }
0xca: {  	v12 =	vshrl.u32 v8, $0x14;
	v9 =	vand.u32 $0xF80, v14;
	v10 =	vshrl.u32 v6, $0x14;
	v5 =	vpop (erf)  }
0xcb: {  	v20 =	vand.u32 $0xF80, v13;
	v18 =	vand.u32 $0xF80, v15;
	v24 =	vand.u32 $0xF80, v16;
	v6 =	vpop (erf)  }
0xcc: {  	v22 =	vand.u32 $0xF80, v11;
	v21 =	vand.u32 $0xF80, v12;
	v17 =	vand.u32 $0xF80, v10;
	v8 =	vpop (erf)  }
0xcd: {  	s2 =	sadd.s32 $0x80, s2;
	v23 =	vor.u32 v2, v9;
	v19 =	vor.u32 v2, v18;
	v18 =	vor.u32 v2, v24;
	v9 =	vpop (erf)  }
0xce: {  	v14 =	vand.u32 $0x7F, v14  }
0xcf: {  	v15 =	vand.u32 $0x7F, v15;
	v14 =	vor.u32 v14, v23  }
0xd0: {  	v16 =	vand.u32 $0x7F, v16;
	v15 =	vor.u32 v15, v19  }
0xd1: {  	v59 =	vor.u32 v2, v20;
	v13 =	vand.u32 $0x7F, v13;
	v16 =	vor.u32 v16, v18  }
0xd2: {  	v60 =	vor.u32 v2, v22;
	v11 =	vand.u32 $0x7F, v11;
	v13 =	vor.u32 v13, v59  }
0xd3: {  	v61 =	vor.u32 v2, v21;
	v12 =	vand.u32 $0x7F, v12;
	v11 =	vor.u32 v11, v60  }
0xd4: {  	v17 =	vor.u32 v2, v17;
	v10 =	vand.u32 $0x7F, v10;
	v12 =	vor.u32 v12, v61;
	[tilespmem:v14+s4+$0x0] =	vst.idx.add.f32.msk $0xffff, v7  }
0xd5: {  	v62 =	vor.u32 v10, v17;
	[tilespmem:v15+s4+$0x0] =	vst.idx.add.f32.msk $0xffff, v4  }
0xd6: {  	[tilespmem:v16+s4+$0x0] =	vst.idx.add.f32.msk $0xffff, v5  }
0xd7: {  	[tilespmem:v13+s4+$0x0] =	vst.idx.add.f32.msk $0xffff, v6  }
0xd8: {  	[tilespmem:v11+s4+$0x0] =	vst.idx.add.f32.msk $0xffff, v8  }
0xd9: {  	v4 =	vpop (erf);
	[tilespmem:v12+s4+$0x0] =	vst.idx.add.f32.msk $0xffff, v9  }
0xda: {  	[tilespmem:v62+s4+$0x0] =	vst.idx.add.f32.msk $0xffff, v4  }
0xdb: {  	v4 =	vld [tilespmem:$0x14E80];
	_ =	sdelay $0x4  }
0xdc: {  	v4 =	vmul.f32 v4, v3;
	_ =	sdelay $0x1  }
0xdd: {  	v5 =	vmul.f32 $1.442695020e+00, v4  }
0xde: {  	v63 =	vshra.s32 v4, $0x1F  }
0xdf: {  	v6 =	vor.u32 $0x80000000, v63;
	(erf) = vpow2.f32 v5  }
0xe0: {  	v4 =	vxor.u32 v4, v6  }
0xe1: {  	v4 =	vshrl.u32 v4, $0x14  }
0xe2: {  	v5 =	vand.u32 $0xF80, v4  }
0xe3: {  	s23 =	sadd.s32 $0x1, s23;
	v4 =	vand.u32 $0x7F, v4;
	v5 =	vor.u32 v2, v5  }
0xe4: {  	p1 =	sne.s32 s23, $0x19;
	v4 =	vor.u32 v4, v5  }
.Ltmp3:
0xe5: {  	_ = 	snop;
	(pc) =	sbr.rel @p1 .LBB2_4-.Ltmp3, $3  }
0xe6: {  	_ =	sdelay $0x1  }
0xe7: {  	s3 =	simm.s32 $0x0;
	v5 =	vpop (erf)  }
0xe8: {  	[tilespmem:v4+s3+$0x0] =	vst.idx.add.f32.msk $0xffff, v5  }
0xe9: {  	s0 =	simm.s32 $0x0  }
0xea: {  	v4 =	vld [tilespmem:s0+$0x10]  }
0xeb: {  	v5 =	vld [tilespmem:s0+$0x0]  }
0xec: {  	s2 =	sand.u32 $0xFE0, s3;
	v6 =	vld [tilespmem:s0+$0x1010]  }
0xed: {  	v7 =	vld [tilespmem:s2+$0x1000]  }
0xee: {  	v8 =	vld [tilespmem:s0+$0x2010]  }
0xef: {  	v9 =	vld [tilespmem:s2+$0x2000];
	v4 =	vadd.f32 $0.0e+00, v4  }
0xf0: {  	v10 =	vld [tilespmem:s0+$0x3010];
	v5 =	vadd.f32 $0.0e+00, v5  }
0xf1: {  	v11 =	vld [tilespmem:s2+$0x3000];
	v4 =	vadd.f32 v6, v4  }
0xf2: {  	v5 =	vadd.f32 v7, v5;
	v6 =	vld [tilespmem:s0+$0x4010]  }
0xf3: {  	v7 =	vld [tilespmem:s2+$0x4000];
	v4 =	vadd.f32 v8, v4  }
0xf4: {  	v5 =	vadd.f32 v9, v5;
	v8 =	vld [tilespmem:s0+$0x5010]  }
0xf5: {  	v9 =	vld [tilespmem:s2+$0x5000];
	v4 =	vadd.f32 v10, v4  }
0xf6: {  	v5 =	vadd.f32 v11, v5;
	v10 =	vld [tilespmem:s0+$0x6010]  }
0xf7: {  	v11 =	vld [tilespmem:s2+$0x6000];
	v4 =	vadd.f32 v6, v4  }
0xf8: {  	v5 =	vadd.f32 v7, v5;
	v6 =	vld [tilespmem:s0+$0x7010]  }
0xf9: {  	v7 =	vld [tilespmem:s2+$0x7000];
	v4 =	vadd.f32 v8, v4  }
0xfa: {  	v5 =	vadd.f32 v9, v5;
	v8 =	vld [tilespmem:s0+$0x8010]  }
0xfb: {  	v9 =	vld [tilespmem:s2+$0x8000];
	v4 =	vadd.f32 v10, v4  }
0xfc: {  	v5 =	vadd.f32 v11, v5;
	v10 =	vld [tilespmem:s0+$0x9010]  }
0xfd: {  	v11 =	vld [tilespmem:s2+$0x9000];
	v4 =	vadd.f32 v6, v4  }
0xfe: {  	v5 =	vadd.f32 v7, v5;
	v6 =	vld [tilespmem:s0+$0xA010]  }
0xff: {  	v7 =	vld [tilespmem:s2+$0xA000];
	v4 =	vadd.f32 v8, v4  }
0x100: {  	v5 =	vadd.f32 v9, v5;
	v8 =	vld [tilespmem:s0+$0xB010]  }
0x101: {  	v9 =	vld [tilespmem:s2+$0xB000];
	v4 =	vadd.f32 v10, v4  }
0x102: {  	v5 =	vadd.f32 v11, v5;
	v10 =	vld [tilespmem:s0+$0xC010]  }
0x103: {  	v11 =	vld [tilespmem:s2+$0xC000];
	v12 =	vadd.f32 v6, v4  }
0x104: {  	v5 =	vadd.f32 v7, v5;
	v6 =	vld [tilespmem:s0+$0xD010]  }
0x105: {  	v4 =	vld [tilespmem:s2+$0xD000];
	v8 =	vadd.f32 v8, v12  }
0x106: {  	v7 =	vld [tilespmem:s0+$0xE010];
	v9 =	vadd.f32 v9, v5  }
0x107: {  	v5 =	vld [tilespmem:s2+$0xE000];
	v10 =	vadd.f32 v10, v8  }
0x108: {  	s5 =	simm.s32 $0x0;
	s8 =	simm.s32 $0x80;
	v9 =	vadd.f32 v11, v9;
	v8 =	vld [tilespmem:s0+$0xF010]  }
.LBB2_10:
0x109: {  	s9 =	sshra.s32 s8, $0x2;
	s5 =	sadd.s32 $0x2, s5;
	v11 =	vld [tilespmem:s2+$0xF000];
	v6 =	vadd.f32 v6, v10  }
0x10a: {  	v10 =	vld [tilespmem:s9+$0x10];
	p1 =	slt.u32 s5, $0xFE;
	v4 =	vadd.f32 v4, v9  }
0x10b: {  	s3 =	sadd.s32 $0x20, s3;
	v9 =	vld [tilespmem:s9+$0x0];
	v6 =	vadd.f32 v7, v6  }
0x10c: {  	s2 =	sand.u32 $0xFE0, s3;
	v7 =	vld [tilespmem:s9+$0x1010];
	v4 =	vadd.f32 v5, v4  }
0x10d: {  	v5 =	vld [tilespmem:s2+$0x1000];
	v6 =	vadd.f32 v8, v6  }
0x10e: {  	v8 =	vld [tilespmem:s9+$0x2010];
	v4 =	vadd.f32 v11, v4  }
0x10f: {  	v11 =	vld [tilespmem:s2+$0x2000];
	v10 =	vadd.f32 $0.0e+00, v10;
	[tilespmem:s0+$0x14F10] =	vst v6  }
0x110: {  	v6 =	vadd.f32 $0.0e+00, v9;
	v9 =	vld [tilespmem:s9+$0x3010];
	[tilespmem:s0+$0x14F00] =	vst v4;
	s0 =	smov.u32 s9  }
0x111: {  	v4 =	vld [tilespmem:s2+$0x3000];
	v7 =	vadd.f32 v7, v10  }
0x112: {  	v5 =	vadd.f32 v5, v6;
	v6 =	vld [tilespmem:s0+$0x4010]  }
0x113: {  	v10 =	vld [tilespmem:s2+$0x4000];
	v7 =	vadd.f32 v8, v7  }
0x114: {  	v5 =	vadd.f32 v11, v5;
	v8 =	vld [tilespmem:s0+$0x5010]  }
0x115: {  	v11 =	vld [tilespmem:s2+$0x5000];
	v7 =	vadd.f32 v9, v7  }
0x116: {  	v4 =	vadd.f32 v4, v5;
	v5 =	vld [tilespmem:s0+$0x6010]  }
0x117: {  	v9 =	vld [tilespmem:s2+$0x6000];
	v6 =	vadd.f32 v6, v7  }
0x118: {  	v4 =	vadd.f32 v10, v4;
	v7 =	vld [tilespmem:s0+$0x7010]  }
0x119: {  	v10 =	vld [tilespmem:s2+$0x7000];
	v6 =	vadd.f32 v8, v6  }
0x11a: {  	v4 =	vadd.f32 v11, v4;
	v8 =	vld [tilespmem:s0+$0x8010]  }
0x11b: {  	v11 =	vld [tilespmem:s2+$0x8000];
	v5 =	vadd.f32 v5, v6  }
0x11c: {  	v4 =	vadd.f32 v9, v4;
	v6 =	vld [tilespmem:s0+$0x9010]  }
0x11d: {  	v9 =	vld [tilespmem:s2+$0x9000];
	v5 =	vadd.f32 v7, v5  }
0x11e: {  	v4 =	vadd.f32 v10, v4;
	v7 =	vld [tilespmem:s0+$0xA010]  }
0x11f: {  	v10 =	vld [tilespmem:s2+$0xA000];
	v5 =	vadd.f32 v8, v5  }
0x120: {  	v4 =	vadd.f32 v11, v4;
	v8 =	vld [tilespmem:s0+$0xB010]  }
0x121: {  	v11 =	vld [tilespmem:s2+$0xB000];
	v5 =	vadd.f32 v6, v5  }
0x122: {  	v4 =	vadd.f32 v9, v4;
	v9 =	vld [tilespmem:s0+$0xC010]  }
0x123: {  	v12 =	vld [tilespmem:s2+$0xC000];
	v5 =	vadd.f32 v7, v5  }
.Ltmp4:
0x124: {  	v7 =	vadd.f32 v10, v4;
	v6 =	vld [tilespmem:s0+$0xD010];
	(pc) =	sbr.rel @p1 .LBB2_10-.Ltmp4, $4  }
0x125: {  	v4 =	vld [tilespmem:s2+$0xD000];
	v8 =	vadd.f32 v8, v5  }
0x126: {  	v11 =	vadd.f32 v11, v7;
	v7 =	vld [tilespmem:s0+$0xE010]  }
0x127: {  	v5 =	vld [tilespmem:s2+$0xE000];
	v10 =	vadd.f32 v9, v8  }
0x128: {  	s8 =	sadd.s32 $0x80, s8;
	v9 =	vadd.f32 v12, v11;
	v8 =	vld [tilespmem:s0+$0xF010]  }
0x129: {  	v11 =	vld [tilespmem:s2+$0xF000];
	v6 =	vadd.f32 v6, v10  }
0x12a: {  	v4 =	vadd.f32 v4, v9  }
0x12b: {  	v6 =	vadd.f32 v7, v6  }
0x12c: {  	v4 =	vadd.f32 v5, v4  }
0x12d: {  	v5 =	vadd.f32 v8, v6  }
0x12e: {  	v4 =	vadd.f32 v11, v4  }
0x12f: {  	[tilespmem:s0+$0x14F10] =	vst v5  }
0x130: {  	s29 =	simm.s32 $0x80;
	s3 =	simm.s32 $0x100;
	s30 =	simm.s32 $0x14F00;
	[tilespmem:s0+$0x14F00] =	vst v4  }
0x131: {  	[spmem:s13] =	stream.strided.scatter [tilespmem:s30], [sflag:$0x3], $0x1000, s3, s29, $0x38;
	[tilespmem:$0x1E000] =	vst v63  }
0x132: {  	_ =	swait.ge [sflag:s18], $0x1000  }
0x133: {  	[sflag:s18] =	ssyncset.done $0x0  }
0x134: {  	[sflag:s18] =	ssyncadd.s32 $0xFFFFF000  }
0x135: {  	[bflag:$0x0] =	sbarrier.arrive $0xFFFF  }
0x136: {  	s5 =	simm.s32 $0x15F00;
	s31 =	rddreg [dreg:$0x6]  }
0x137: {  	[tilespmem:s5], [sflag:$0x3] =	stream.strided.gather [spmem:s31], $0x1000, s3, s29, $0x38;
	[tilespmem:$0x1E000] =	vst v63  }
0x138: {  	_ =	swait.ge [sflag:s18], $0x1000  }
0x139: {  	[sflag:s18] =	ssyncset.done $0x0  }
0x13a: {  	s0 =	simm.s32 $0x14F20;
	[sflag:s18] =	ssyncadd.s32 $0xFFFFF000  }
0x13b: {  	s2 =	simm.s32 $0x15F20;
	v9 =	vld [tilespmem:s0+$0x10]  }
0x13c: {  	v10 =	vld [tilespmem:s2+$0x10]  }
0x13d: {  	v6 =	vld [tilespmem:s2+$0xFFFFFFE0]  }
0x13e: {  	v4 =	vld [tilespmem:s0+$0xFFFFFFF0]  }
0x13f: {  	v8 =	vld [tilespmem:s2+$0xFFFFFFF0]  }
0x140: {  	v5 =	vld [tilespmem:s0+$0x0]  }
0x141: {  	v7 =	vld [tilespmem:s2+$0x0];
	v10 =	vadd.f32 v10, v9  }
0x142: {  	s3 =	simm.s32 $0x0;
	s5 =	simm.s32 $0x14F60;
	v9 =	vld [tilespmem:s0+$0xFFFFFFE0]  }
.LBB2_12:
0x143: {  	v11 =	vld [tilespmem:s5+$0x10];
	[tilespmem:s0+$0x10] =	vst v10;
	s2 =	sadd.s32 $0x40, s2  }
0x144: {  	s3 =	sadd.s32 $0x4, s3;
	v10 =	vld [tilespmem:s2+$0x10];
	v8 =	vadd.f32 v8, v4  }
0x145: {  	p1 =	slt.u32 s3, $0xFC;
	v12 =	vld [tilespmem:s2+$0xFFFFFFE0]  }
.Ltmp5:
0x146: {  	v4 =	vld [tilespmem:s5+$0xFFFFFFF0];
	[tilespmem:s0+$0xFFFFFFF0] =	vst v8;
	v7 =	vadd.f32 v7, v5;
	(pc) =	sbr.rel @p1 .LBB2_12-.Ltmp5, $4  }
0x147: {  	v8 =	vld [tilespmem:s2+$0xFFFFFFF0];
	v13 =	vadd.f32 v6, v9  }
0x148: {  	v5 =	vld [tilespmem:s5+$0x0];
	[tilespmem:s0+$0x0] =	vst v7  }
0x149: {  	v7 =	vld [tilespmem:s2+$0x0];
	v10 =	vadd.f32 v10, v11;
	[tilespmem:s0+$0xFFFFFFE0] =	vst v13;
	s0 =	smov.u32 s5  }
0x14a: {  	s5 =	sadd.s32 $0x40, s5;
	v9 =	vld [tilespmem:s0+$0xFFFFFFE0];
	v6 =	vmov v12  }
0x14b: {  	_ =	sdelay $0x1  }
0x14c: {  	v4 =	vadd.f32 v8, v4  }
0x14d: {  	[tilespmem:s0+$0x10] =	vst v10;
	v5 =	vadd.f32 v7, v5  }
0x14e: {  	[tilespmem:s0+$0xFFFFFFF0] =	vst v4;
	v4 =	vadd.f32 v6, v9  }
0x14f: {  	[tilespmem:s0+$0x0] =	vst v5  }
0x150: {  	[tilespmem:s0+$0xFFFFFFE0] =	vst v4  }
0x151: {  	s2 =	simm.s32 $0x0;
	[bflag:$0x0] =	sbarrier.arrive $0xFFFF  }
0x152: {  	v4 =	vimm.f32 $0.0e+00;
	s0 =	simm.s32 $0x40;
	v5 =	vld [tilespmem:s2+$0x14F00]  }
.LBB2_14:
0x153: {  	p1 =	sne.s32 s0, $0x3FC0  }
.Ltmp6:
0x154: {  	_ = 	snop;
	(pc) =	sbr.rel @p1 .LBB2_14-.Ltmp6, $3  }
0x155: {  	_ =	sdelay $0x1  }
0x156: {  	s2 =	sshra.s32 s0, $0x2;
	s0 =	sadd.s32 $0x40, s0;
	v4 =	vadd.f32 v5, v4  }
0x157: {  	v5 =	vld [tilespmem:s2+$0x14F00]  }
0x158: {  	_ = 	snop  }
0x159: {  	s0 =	simm.s32 $0x0  }
0x15a: {  	v6 =	vld [tilespmem:s0+$0x14F00]  }
0x15b: {  	s2 =	simm.s32 $0x10  }
0x15c: {  	s30 =	simm.s32 $0x20;
	v7 =	vld [tilespmem:s2+$0x14F00];
	v4 =	vadd.f32 v5, v4  }
0x15d: {  	v5 =	vld [tilespmem:s30+$0x14F00]  }
0x15e: {  	(xrf2) =	vadd.scan.msk.f32 $0xffff, v4  }
0x15f: {  	(xrf2) =	vadd.scan.msk.f32 $0xffff, v6;
	_ =	sdelay $0x1  }
0x160: {  	(xrf2) =	vadd.scan.msk.f32 $0xffff, v7  }
0x161: {  	(xrf2) =	vadd.scan.msk.f32 $0xffff, v5;
	_ =	sdelay $0x5  }
0x162: {  	v4, _, _ =	vpop (xrf2)  }
0x163: {  	v6, _, _ =	vpop (xrf2)  }
0x164: {  	(v2sf) =	vpush v6, $0xF  }
0x165: {  	s31 =	simm.s32 $0x30;
	v6, _, _ =	vpop (xrf2)  }
0x166: {  	v5 =	vld [tilespmem:s31+$0x14F00];
	(v2sf) =	vpush v6, $0xF;
	v6, _, _ =	vpop (xrf2)  }
0x167: {  	(v2sf) =	vpush v6, $0xF;
	_ =	sdelay $0x3  }
0x168: {  	s8 =	simm.s32 $0x40;
	(xrf2) =	vadd.scan.msk.f32 $0xffff, v5  }
0x169: {  	v5 =	vld [tilespmem:s8+$0x14F00];
	_ =	sdelay $0x3  }
0x16a: {  	s3 =	simm.f32 $0.0e+00;
	s5 =	simm.s32 $0x140;
	s2 =	simm.s32 $0x40  }
.LBB2_16:
0x16b: {  	s8 =	sshra.s32 s5, $0x2;
	p1 =	sne.s32 s5, $0x3FC0;
	s5 =	sadd.s32 $0x40, s5;
	(xrf2) =	vadd.scan.msk.f32 $0xffff, v5  }
.Ltmp7:
0x16c: {  	v5 =	vld [tilespmem:s8+$0x14F00];
	(pc) =	sbr.rel @p1 .LBB2_16-.Ltmp7, $4  }
0x16d: {  	s8 =	spop (v2sf)  }
0x16e: {  	s3 =	sadd.f32 s8, s3  }
0x16f: {  	v6, _, _ =	vpop (xrf2)  }
0x170: {  	(v2sf) =	vpush v6, $0xF  }
0x171: {  	(xrf2) =	vadd.scan.msk.f32 $0xffff, v5;
	_ =	sdelay $0x8  }
0x172: {  	v5, _, _ =	vpop (xrf2)  }
0x173: {  	(v2sf) =	vpush v5, $0xF;
	v5, _, _ =	vpop (xrf2)  }
0x174: {  	(v2sf) =	vpush v5, $0xF;
	_ =	sdelay $0xa  }
0x175: {  	s3 =	spop (v2sf)  }
0x176: {  	s3 =	spop (v2sf)  }
0x177: {  	s3 =	spop (v2sf)  }
0x178: {  	s3 =	spop (v2sf)  }
0x179: {  	v6 =	vld [tilespmem:s0+$0x14F00];
	v5 =	vimm.f32 $0.0e+00;
	s3 =	spop (v2sf)  }
.LBB2_18:
0x17a: {  	p1 =	sne.s32 s2, $0x3FC0  }
.Ltmp8:
0x17b: {  	_ = 	snop;
	(pc) =	sbr.rel @p1 .LBB2_18-.Ltmp8, $3  }
0x17c: {  	_ =	sdelay $0x1  }
0x17d: {  	s0 =	sshra.s32 s2, $0x2;
	s2 =	sadd.s32 $0x40, s2;
	v5 =	vadd.f32 v6, v5  }
0x17e: {  	v6 =	vld [tilespmem:s0+$0x14F00]  }
0x17f: {  	_ = 	snop  }
0x180: {  	s0 =	simm.s32 $0x14F00  }
0x181: {  	v8 =	vld [tilespmem:s0+$0x0];
	_ =	sdelay $0x1  }
0x182: {  	v5 =	vadd.f32 v6, v5;
	_ =	sdelay $0x1  }
0x183: {  	(xrf2) =	vadd.scan.msk.f32 $0xffff, v5  }
0x184: {  	(xrf2) =	vadd.scan.msk.f32 $0xffff, v8;
	_ =	sdelay $0x3  }
0x185: {  	s8 =	simm.s32 $0x14F10  }
0x186: {  	v9 =	vld [tilespmem:s8+$0x0];
	_ =	sdelay $0x1  }
0x187: {  	(v2sf) =	vpush v4, $0xF  }
0x188: {  	s9 =	simm.s32 $0x14F20  }
0x189: {  	v10 =	vld [tilespmem:s9+$0x0];
	v4, _, _ =	vpop (xrf2)  }
0x18a: {  	(xrf2) =	vadd.scan.msk.f32 $0xffff, v9;
	v6, _, _ =	vpop (xrf2)  }
0x18b: {  	(v2sf) =	vpush v6, $0xF;
	_ =	sdelay $0x2  }
0x18c: {  	(xrf2) =	vadd.scan.msk.f32 $0xffff, v10;
	_ =	sdelay $0x2  }
0x18d: {  	s10 =	simm.s32 $0x14F30  }
0x18e: {  	v13 =	vld [tilespmem:s10+$0x0];
	_ =	sdelay $0x1  }
0x18f: {  	v11, _, _ =	vpop (xrf2)  }
0x190: {  	s24 =	simm.f32 $0.0e+00;
	(v2sf) =	vpush v11, $0xF  }
0x191: {  	s11 =	spop (v2sf);
	v5 =	vbroadcast v4, $0xF;
	v4 =	vadd.f32 s24, v6  }
0x192: {  	s0 =	smul.f32 $6.999999880e-01, s11;
	(xrf2) =	vadd.scan.msk.f32 $0xffff, v13  }
0x193: {  	v6 =	vsub.f32 v5, v4;
	v12, _, _ =	vpop (xrf2)  }
0x194: {  	v4 =	vmov s0;
	(v2sf) =	vpush v12, $0xF  }
0x195: {  	vm1 =	vgt.f32 v8, $0.0e+00;
	vm2 =	vle.f32 v6, v4;
	s14 =	spop (v2sf)  }
0x196: {  	s12 =	simm.s32 $0x14F40;
	vm1 =	vmand vm1, vm2;
	s0 =	sadd.f32 s14, s24  }
0x197: {  	v7 =	vld [tilespmem:s12+$0x0];
	v8 =	vsel vm1, $0x3F800000, v1  }
0x198: {  	(xrf0) =	vmax.scan.msk.f32 $0xffff, v8;
	v8 =	vmctz.xlane vm1;
	v11 =	vadd.f32 s0, v11;
	_ =	sdelay $0x1  }
0x199: {  	s2 =	simm.s32 $0x14F50;
	v14 =	vadd.f32 $0.0e+00, v6;
	vm1 =	veq.s32 v8, v0;
	v8 =	vsub.f32 v5, v11  }
0x19a: {  	s23 =	simm.s32 $0x0;
	v6 =	vld [tilespmem:s2+$0x0];
	vm2 =	vgt.f32 v9, $0.0e+00  }
0x19b: {  	(xrf2) =	vadd.scan.msk.f32 $0xffff, v7;
	v16, _, _ =	vpop (xrf2);
	v11 =	vnsel vm1, $0x0, v14;
	v14 =	vor.u32 s23, v0;
	vm3 =	vle.f32 v8, v4  }
0x19c: {  	(v2sf) =	vpush v16, $0xF;
	(xrf2) =	vadd.scan.msk.f32 $0xffff, v11;
	v9 =	vnsel vm1, $0x0, v14;
	vm1 =	vmand vm2, vm3  }
0x19d: {  	(xrf0) =	vadd.scan.msk.s32 $0xffff, v9;
	v9 =	vmctz.xlane vm1  }
0x19e: {  	s19 =	spop (v2sf);
	v8 =	vadd.f32 $0.0e+00, v8;
	v11, _, _ =	vpop (xrf0)  }
0x19f: {  	s0 =	sadd.f32 s19, s0;
	(xrf2) =	vadd.scan.msk.f32 $0xffff, v6;
	(v2sf) =	vpush v11, $0xF;
	v11 =	vsel vm1, $0x3F800000, v1;
	vm1 =	veq.s32 v9, v0  }
0x1a0: {  	v8 =	vnsel vm1, $0x0, v8  }
0x1a1: {  	s20 =	simm.s32 $0x10;
	v12 =	vadd.f32 s0, v12;
	(xrf2) =	vadd.scan.msk.f32 $0xffff, v8  }
0x1a2: {  	(xrf0) =	vmax.scan.msk.f32 $0xffff, v11;
	s21 =	spop (v2sf);
	v9 =	vor.u32 s20, v0  }
0x1a3: {  	v11 =	vsub.f32 v5, v12;
	s0 =	sadd.f32 s21, s0;
	v8 =	vnsel vm1, $0x0, v9  }
0x1a4: {  	(xrf0) =	vadd.scan.msk.s32 $0xffff, v8  }
0x1a5: {  	s5 =	simm.s32 $0x14F60;
	v15, _, _ =	vpop (xrf2);
	vm2 =	vle.f32 v11, v4;
	vm1 =	vgt.f32 v10, $0.0e+00;
	v16 =	vadd.f32 s0, v16  }
0x1a6: {  	(v2sf) =	vpush v15, $0xF;
	v19 =	vadd.f32 $0.0e+00, v11;
	v10 =	vld [tilespmem:s5+$0x0];
	v9, _, _ =	vpop (xrf0);
	vm1 =	vmand vm1, vm2  }
0x1a7: {  	s3 =	simm.s32 $0x20;
	(v2sf) =	vpush v9, $0xF;
	v18 =	vmctz.xlane vm1;
	v8, _, _ =	vpop (xrf2)  }
0x1a8: {  	v17 =	vor.u32 s3, v0;
	v9 =	vsel vm1, $0x3F800000, v1;
	(v2sf) =	vpush v8, $0xF;
	v8, _, _ =	vpop (xrf0)  }
0x1a9: {  	vm1 =	veq.s32 v18, v0;
	v18 =	vsub.f32 v5, v16;
	v16, _, _ =	vpop (xrf2);
	(v2sf) =	vpush v8, $0xF  }
0x1aa: {  	v8 =	vnsel vm1, $0x0, v17;
	v17 =	vnsel vm1, $0x0, v19;
	(v2sf) =	vpush v16, $0xF;
	v19, _, _ =	vpop (xrf0)  }
0x1ab: {  	s2 =	simm.s32 $0x14F70;
	s31 =	spop (v2sf);
	(xrf2) =	vadd.scan.msk.f32 $0xffff, v10;
	(v2sf) =	vpush v19, $0xF;
	v21, _, _ =	vpop (xrf2)  }
0x1ac: {  	v11 =	vld [tilespmem:s2+$0x0];
	(xrf0) =	vmax.scan.msk.f32 $0xffff, v9;
	(v2sf) =	vpush v21, $0xF;
	_ =	sdelay $0x1  }
0x1ad: {  	s25 =	simm.s32 $0x30;
	s26 =	simm.s32 $0x40;
	(xrf0) =	vadd.scan.msk.s32 $0xffff, v8  }
0x1ae: {  	s28 =	simm.s32 $0x50;
	v14 =	vor.u32 s25, v0;
	v12 =	vor.u32 s26, v0;
	(xrf2) =	vadd.scan.msk.f32 $0xffff, v17  }
0x1af: {  	s29 =	simm.s32 $0x60;
	v9 =	vor.u32 s28, v0;
	vm1 =	vgt.f32 v13, $0.0e+00;
	vm2 =	vle.f32 v18, v4  }
0x1b0: {  	s30 =	simm.s32 $0x70;
	s3 =	sadd.f32 s31, s0;
	v13 =	vor.u32 s29, v0;
	v18 =	vadd.f32 $0.0e+00, v18;
	vm1 =	vmand vm1, vm2;
	(xrf2) =	vadd.scan.msk.f32 $0xffff, v11  }
0x1b1: {  	p1 =	por $0x0, $0x0;
	s5 =	simm.s32 $0x80;
	v8 =	vor.u32 s30, v0;
	v17 =	vsel vm1, $0x3F800000, v1;
	v19 =	vmctz.xlane vm1;
	v20, _, _ =	vpop (xrf0);
	s0 =	spop (v2sf)  }
.LBB2_20:
0x1b2: {  	p2 =	sne.s32 s5, $0xFF0;
	s2 =	sadd.s32 $0x10, s2;
	v21 =	vadd.f32 s3, v15  }
0x1b3: {  	vm1 =	veq.s32 v19, v0;
	(xrf0) =	vmax.scan.msk.f32 $0xffff, v17;
	(v2sf) =	vpush v20, $0xF;
	v17, _, _ =	vpop (xrf0);
	v15 =	vmov v16;
	s8 =	smov.u32 s5;
	s5 =	sadd.s32 $0x10, s5;
	p3 =	sgt.f32 s0, $0.0e+00  }
0x1b4: {  	p4 =	por !p1, !p1;
	v22 =	vld [tilespmem:s2+$0x0];
	v23 =	vor.u32 s8, v0;
	v16, _, _ =	vpop (xrf2);
	v19 =	vnsel vm1, $0x0, v14;
	v18 =	vnsel vm1, $0x0, v18  }
0x1b5: {  	v14 =	vmovc v12;
	v12 =	vmov v9;
	v9 =	vmov v13;
	v21 =	vsub.f32 v5, v21;
	(xrf0) =	vadd.scan.msk.s32 $0xffff, v19;
	p4 =	por !p3, !p4  }
.Ltmp9:
0x1b6: {  	p1 =	por p1, p3;
	s0 =	spop (v2sf);
	(xrf2) =	vadd.scan.msk.f32 $0xffff, v18;
	(pc) =	sbr.rel @p2 .LBB2_20-.Ltmp9, $4  }
0x1b7: {  	vm1 =	vgt.f32 v7, $0.0e+00;
	v7 =	vmovc v6;
	v6 =	vmovc v10;
	p3 =	por !p4, !p4;
	(v2sf) =	vpush v16, $0xF;
	vm2 =	vle.f32 v21, v4;
	s8 =	spop (v2sf)  }
0x1b8: {  	v10 =	vmov v11;
	vm1 =	vmand vm1, vm2;
	(v2sf) =	vpush v17, $0xF;
	v13, _, _ =	vpop (xrf2);
	s23 =	smov.u32 @p3 s8;
	s8 =	spop (v2sf)  }
0x1b9: {  	s3 =	sadd.f32 s0, s3;
	v17 =	vsel vm1, $0x3F800000, v1;
	v19 =	vmctz.xlane vm1;
	v20, _, _ =	vpop (xrf0);
	(v2sf) =	vpush v13, $0xF;
	s24 =	smov.u32 @p3 s8  }
0x1ba: {  	v18 =	vadd.f32 $0.0e+00, v21;
	v11 =	vmovc v22;
	v13 =	vmov v8;
	v8 =	vmov v23;
	(xrf2) =	vadd.scan.msk.f32 $0xffff, v22;
	s0 =	spop (v2sf)  }
0x1bb: {  	(v2sf) =	vpush v20, $0xF;
	v51, _, _ =	vpop (xrf2)  }
0x1bc: {  	(v2sf) =	vpush v51, $0xF;
	_ =	sdelay $0x6  }
0x1bd: {  	s2 =	spop (v2sf);
	v15 =	vadd.f32 s3, v15  }
0x1be: {  	s9 =	spop (v2sf)  }
0x1bf: {  	s12 =	sadd.f32 s2, s3;
	s8 =	spop (v2sf);
	v15 =	vsub.f32 v5, v15  }
0x1c0: {  	vm1 =	vgt.f32 v7, $0.0e+00;
	vm3 =	veq.s32 v19, v0;
	(xrf0) =	vmax.scan.msk.f32 $0xffff, v17;
	s10 =	spop (v2sf)  }
0x1c1: {  	v53 =	vnsel vm3, $0x0, v18;
	v16 =	vadd.f32 s12, v16;
	vm2 =	vle.f32 v15, v4;
	s11 =	spop (v2sf)  }
0x1c2: {  	v55, _, _ =	vpop (xrf0);
	v14 =	vnsel vm3, $0x0, v14;
	vm3 =	vgt.f32 v6, $0.0e+00;
	vm1 =	vmand vm1, vm2;
	s5 =	spop (v2sf);
	s11 =	sadd.f32 s11, s12  }
0x1c3: {  	(v2sf) =	vpush v55, $0xF;
	v16 =	vsub.f32 v5, v16;
	v54 =	vmctz.xlane vm1;
	s2 =	spop (v2sf)  }
0x1c4: {  	(xrf2) =	vadd.scan.msk.f32 $0xffff, v53;
	v15 =	vadd.f32 $0.0e+00, v15;
	v7, _, _ =	vpop (xrf2);
	v6 =	vsel vm1, $0x3F800000, v1;
	v20 =	vadd.f32 s11, v51;
	s20 =	spop (v2sf)  }
0x1c5: {  	(xrf0) =	vadd.scan.msk.s32 $0xffff, v14;
	(v2sf) =	vpush v7, $0xF;
	vm4 =	vle.f32 v16, v4;
	vm2 =	veq.s32 v54, v0;
	s14 =	spop (v2sf)  }
0x1c6: {  	v59, _, _ =	vpop (xrf0);
	(xrf0) =	vmax.scan.msk.f32 $0xffff, v6;
	vm1 =	vmand vm3, vm4;
	v56 =	vnsel vm2, $0x0, v15;
	v57 =	vsub.f32 v5, v20;
	s21 =	sadd.f32 s14, s11  }
0x1c7: {  	v6 =	vadd.f32 $0.0e+00, v16;
	v52, _, _ =	vpop (xrf2);
	v7 =	vnsel vm2, $0x0, v12;
	v58 =	vmctz.xlane vm1;
	(xrf2) =	vadd.scan.msk.f32 $0xffff, v56  }
0x1c8: {  	vm2 =	vgt.f32 v10, $0.0e+00;
	vm3 =	vle.f32 v57, v4;
	v21 =	vadd.f32 s21, v52  }
0x1c9: {  	(v2sf) =	vpush v59, $0xF;
	vm14 =	veq.s32 v58, v0;
	vm2 =	vmand vm2, vm3  }
0x1ca: {  	(xrf0) =	vadd.scan.msk.s32 $0xffff, v7;
	v6 =	vnsel vm14, $0x0, v6;
	v7 =	vmctz.xlane vm2;
	v5 =	vsub.f32 v5, v21  }
0x1cb: {  	v61 =	vsel vm1, $0x3F800000, v1;
	v9 =	vnsel vm14, $0x0, v9;
	(xrf2) =	vadd.scan.msk.f32 $0xffff, v6;
	v6 =	vadd.f32 $0.0e+00, v57  }
0x1cc: {  	(xrf0) =	vmax.scan.msk.f32 $0xffff, v61;
	vm3 =	vgt.f32 v11, $0.0e+00;
	vm1 =	veq.s32 v7, v0;
	vm15 =	vle.f32 v5, v4  }
0x1cd: {  	v60, _, _ =	vpop (xrf0);
	(v2sf) =	vpush v52, $0xF;
	(xrf0) =	vadd.scan.msk.s32 $0xffff, v9;
	v6 =	vnsel vm1, $0x0, v6;
	vm3 =	vmand vm3, vm15  }
0x1ce: {  	(v2sf) =	vpush v60, $0xF;
	v7, _, _ =	vpop (xrf2);
	(xrf2) =	vadd.scan.msk.f32 $0xffff, v6;
	v63 =	vmctz.xlane vm3  }
0x1cf: {  	v62, _, _ =	vpop (xrf0);
	v5 =	vadd.f32 $0.0e+00, v5;
	v6 =	vsel vm2, $0x3F800000, v1;
	(v2sf) =	vpush v7, $0xF  }
0x1d0: {  	v7, _, _ =	vpop (xrf0);
	(xrf0) =	vmax.scan.msk.f32 $0xffff, v6;
	v6 =	vnsel vm1, $0x0, v13;
	(v2sf) =	vpush v62, $0xF;
	vm1 =	veq.s32 v63, v0  }
0x1d1: {  	(xrf0) =	vadd.scan.msk.s32 $0xffff, v6;
	v6 =	vsel vm3, $0x3F800000, v1;
	(v2sf) =	vpush v7, $0xF;
	v7, _, _ =	vpop (xrf2);
	v5 =	vnsel vm1, $0x0, v5  }
0x1d2: {  	(v2sf) =	vpush v7, $0xF;
	v7, _, _ =	vpop (xrf0);
	(xrf0) =	vmax.scan.msk.f32 $0xffff, v6  }
0x1d3: {  	(xrf2) =	vadd.scan.msk.f32 $0xffff, v5  }
0x1d4: {  	p2 =	sgt.f32 s0, $0.0e+00;
	(v2sf) =	vpush v7, $0xF;
	v5, _, _ =	vpop (xrf0)  }
0x1d5: {  	p3 =	por !p1, !p1;
	v6 =	vnsel vm1, $0x0, v8;
	(v2sf) =	vpush v5, $0xF;
	v5, _, _ =	vpop (xrf2)  }
0x1d6: {  	p3 =	por !p2, !p3;
	p5 =	por p1, p2;
	v7, _, _ =	vpop (xrf0);
	(xrf0) =	vadd.scan.msk.s32 $0xffff, v6;
	(v2sf) =	vpush v5, $0xF  }
0x1d7: {  	p3 =	por !p3, !p3;
	p4 =	por !p5, !p5;
	p6 =	sgt.f32 s10, $0.0e+00;
	v5, _, _ =	vpop (xrf0);
	(v2sf) =	vpush v7, $0xF  }
0x1d8: {  	s23 =	smov.u32 @p3 s9;
	s24 =	smov.u32 @p3 s8;
	s0 =	spop (v2sf);
	(v2sf) =	vpush v5, $0xF;
	v5, _, _ =	vpop (xrf2)  }
0x1d9: {  	p4 =	por !p6, !p4;
	p1 =	por p5, p6;
	s8 =	spop (v2sf);
	v6, _, _ =	vpop (xrf0);
	(v2sf) =	vpush v5, $0xF  }
0x1da: {  	p3 =	por !p4, !p4;
	p4 =	sgt.f32 s20, $0.0e+00;
	s25 =	spop (v2sf);
	(v2sf) =	vpush v6, $0xF  }
0x1db: {  	p5 =	por !p1, !p1;
	s23 =	smov.u32 @p3 s5  }
0x1dc: {  	s24 =	smov.u32 @p3 s2;
	p3 =	por !p4, !p5;
	p1 =	por p1, p4;
	v5, _, _ =	vpop (xrf0)  }
0x1dd: {  	p2 =	por !p3, !p3;
	p3 =	sgt.f32 s25, $0.0e+00;
	s26 =	spop (v2sf);
	(v2sf) =	vpush v5, $0xF;
	v5, _, _ =	vpop (xrf2)  }
0x1de: {  	p6 =	por !p1, !p1;
	s23 =	smov.u32 @p2 s0;
	s3 =	spop (v2sf);
	(v2sf) =	vpush v5, $0xF  }
0x1df: {  	s24 =	smov.u32 @p2 s8;
	p5 =	por !p3, !p6;
	s2 =	spop (v2sf)  }
0x1e0: {  	p1 =	por p1, p3;
	p2 =	por !p5, !p5;
	s28 =	spop (v2sf)  }
0x1e1: {  	p6 =	por !p1, !p1;
	s0 =	spop (v2sf);
	p3 =	sgt.f32 s28, $0.0e+00  }
0x1e2: {  	s23 =	smov.u32 @p2 s3;
	s24 =	smov.u32 @p2 s2;
	s8 =	spop (v2sf)  }
0x1e3: {  	s29 =	spop (v2sf);
	p5 =	por !p3, !p6;
	p1 =	por p1, p3  }
0x1e4: {  	p2 =	por !p5, !p5;
	p3 =	sgt.f32 s29, $0.0e+00;
	s2 =	spop (v2sf)  }
0x1e5: {  	p6 =	por !p1, !p1;
	s23 =	smov.u32 @p2 s0;
	s3 =	spop (v2sf)  }
0x1e6: {  	s24 =	smov.u32 @p2 s8;
	s0 =	simm.s32 $0x40;
	s30 =	spop (v2sf)  }
0x1e7: {  	p5 =	por !p3, !p6;
	p1 =	por p1, p3;
	s8 =	spop (v2sf)  }
0x1e8: {  	[tilespmem:s0+$0xFFFFFFC0] =	vst v1;
	p2 =	por !p5, !p5;
	p3 =	sgt.f32 s30, $0.0e+00;
	s5 =	spop (v2sf)  }
0x1e9: {  	[tilespmem:s0+$0x30] =	vst v1;
	p6 =	por !p1, !p1;
	s23 =	smov.u32 @p2 s2;
	s31 =	spop (v2sf)  }
0x1ea: {  	[tilespmem:s0+$0x20] =	vst v1;
	p4 =	por !p3, !p6;
	p1 =	por p1, p3;
	p5 =	sgt.f32 s31, $0.0e+00  }
0x1eb: {  	[tilespmem:s0+$0x10] =	vst v1;
	s24 =	smov.u32 @p2 s3;
	p2 =	por !p4, !p4;
	p1 =	por !p1, !p1  }
0x1ec: {  	[tilespmem:s0+$0x0] =	vst v1;
	s23 =	smov.u32 @p2 s8;
	s2 =	spop (v2sf);
	p1 =	por !p5, !p1  }
0x1ed: {  	[tilespmem:s0+$0xFFFFFFF0] =	vst v1;
	s24 =	smov.u32 @p2 s5;
	s3 =	spop (v2sf);
	p1 =	por !p1, !p1  }
0x1ee: {  	[tilespmem:s0+$0xFFFFFFE0] =	vst v1;
	s23 =	smov.u32 @p1 s2;
	s24 =	smov.u32 @p1 s3;
	s2 =	simm.s32 $0x0  }
.LBB2_22:
0x1ef: {  	s2 =	sadd.s32 $0x8, s2;
	[tilespmem:s0+$0xFFFFFFD0] =	vst v1;
	s0 =	sadd.s32 $0x80, s0  }
0x1f0: {  	[tilespmem:s0+$0xFFFFFFC0] =	vst v1;
	p1 =	slt.u32 s2, $0xFF8  }
0x1f1: {  	[tilespmem:s0+$0x30] =	vst v1  }
.Ltmp10:
0x1f2: {  	[tilespmem:s0+$0x20] =	vst v1;
	(pc) =	sbr.rel @p1 .LBB2_22-.Ltmp10, $4  }
0x1f3: {  	[tilespmem:s0+$0x10] =	vst v1  }
0x1f4: {  	[tilespmem:s0+$0x0] =	vst v1  }
0x1f5: {  	[tilespmem:s0+$0xFFFFFFF0] =	vst v1  }
0x1f6: {  	[tilespmem:s0+$0xFFFFFFE0] =	vst v1  }
0x1f7: {  	[tilespmem:s0+$0xFFFFFFD0] =	vst v1;
	s26 =	simm.s32 $0x0;
	s31 =	simm.s32 $0x10000;
	s25 =	simm.s32 $0x0  }
0x1f8: {  	v5 =	vmov s23;
	[tilespmem:s31], [sflag:$0x1] =	stream.linear.gather [hbm4b:s22+s26], $0x2710, $0x38;
	[tilespmem:$0x1E000] =	vst v63  }
.LBB2_24:
0x1f9: {  	s28 =	smul.u32 $0x4E20, s25;
	_ =	sdelay $0x1  }
0x1fa: {  	s0 =	sadd.s32 s28, s6  }
0x1fb: {  	s0 =	sshrl.u32 s0, $0x3  }
0x1fc: {  	s0 =	sadd.s32 s1, s0  }
0x1fd: {  	[tilespmem:s15], [sflag:$0x2] =	stream.linear.gather [hbm4b:s0+s4], $0x2710, $0x38;
	[tilespmem:$0x1E000] =	vst v63  }
0x1fe: {  	_ =	swait.ge [sflag:s16], $0x2710  }
0x1ff: {  	[sflag:s16] =	ssyncset.done $0x0  }
0x200: {  	s31 =	simm.s32 $0x10040;
	[sflag:s16] =	ssyncadd.s32 $0xFFFFD8F0  }
0x201: {  	v6 =	vld [tilespmem:s31+$0xFFFFFFD0]  }
0x202: {  	v8 =	vld [tilespmem:s31+$0x10]  }
0x203: {  	v11 =	vld [tilespmem:s31+$0x20]  }
0x204: {  	v15 =	vld [tilespmem:s31+$0x0]  }
0x205: {  	v7 =	vld [tilespmem:s31+$0x30]  }
0x206: {  	v12 =	vld [tilespmem:s31+$0xFFFFFFF0];
	v9 =	vmul.f32 v6, v3  }
0x207: {  	v13 =	vld [tilespmem:s31+$0xFFFFFFC0]  }
0x208: {  	v16 =	vld [tilespmem:s31+$0xFFFFFFE0];
	v10 =	vmul.f32 v8, v3;
	v6 =	vshra.s32 v9, $0x1F  }
0x209: {  	v8 =	vmul.f32 v11, v3;
	v11 =	vmul.f32 v15, v3;
	v6 =	vor.u32 $0x80000000, v6  }
0x20a: {  	v14 =	vxor.u32 v9, v6;
	v6 =	vmul.f32 v7, v3  }
0x20b: {  	v25 =	vmul.f32 $1.442695020e+00, v11;
	v7 =	vshrl.u32 v14, $0x14  }
0x20c: {  	vm2 =	veq.s32 v7, v5;
	v7 =	vmul.f32 v12, v3;
	v17 =	vmul.f32 $1.442695020e+00, v6  }
0x20d: {  	v18 =	vshra.s32 v10, $0x1F;
	v12 =	vmul.f32 v13, v3;
	v13 =	vmul.f32 v16, v3  }
0x20e: {  	v20 =	vshra.s32 v8, $0x1F;
	v16 =	vmul.f32 $1.442695020e+00, v8;
	v19 =	vmpcnt.ones.xlane vm2  }
0x20f: {  	v21 =	vshra.s32 v7, $0x1F;
	(erf) = vpow2.f32 v17;
	v17 =	vor.u32 $0x80000000, v18  }
0x210: {  	v15 =	vor.u32 $0x80000000, v21;
	(v2sf) =	vpush v19, $0x0;
	v19 =	vshra.s32 v12, $0x1F  }
0x211: {  	v21 =	vshra.s32 v13, $0x1F;
	v22 =	vxor.u32 v7, v15;
	v15 =	vor.u32 $0x80000000, v19  }
0x212: {  	v19 =	vor.u32 $0x80000000, v21;
	v21 =	vshra.s32 v11, $0x1F;
	v27 =	vxor.u32 v12, v15  }
0x213: {  	v15 =	vshrl.u32 v22, $0x14;
	v18 =	vor.u32 $0x80000000, v21;
	v21 =	vmul.f32 $1.442695020e+00, v10  }
0x214: {  	v23 =	vxor.u32 v10, v17;
	(erf) = vpow2.f32 v16;
	vm5 =	veq.s32 v15, v5  }
0x215: {  	v15 =	vshrl.u32 v23, $0x14;
	v17 =	vxor.u32 v11, v18;
	(erf) = vpow2.f32 v21  }
0x216: {  	vm3 =	veq.s32 v15, v5;
	v15 =	vshra.s32 v6, $0x1F;
	v21 =	vshrl.u32 v23, $0x8  }
0x217: {  	v23 =	vshrl.u32 v27, $0x14;
	v16 =	vmpcnt.ones.xlane vm3;
	v15 =	vor.u32 $0x80000000, v15  }
0x218: {  	v18 =	vmpcnt.ones.xlane vm5;
	vm1 =	veq.s32 v23, v5;
	v15 =	vxor.u32 v6, v15  }
0x219: {  	v21 =	vand.u32 $0xFFF, v21;
	v24 =	vshrl.u32 v15, $0x14;
	(v2sf) =	vpush v16, $0x0  }
0x21a: {  	v28 =	vmpcnt.ones.xlane vm1;
	v15 =	vshrl.u32 v15, $0x8;
	vm4 =	veq.s32 v24, v5  }
0x21b: {  	v15 =	vand.u32 $0xFFF, v15;
	v23 =	vpop (erf);
	v24 =	vmul.f32 $1.442695020e+00, v9;
	v16 =	vmpcnt.ones.xlane vm4  }
0x21c: {  	v29 =	vnsel vm4, $0x0, v23;
	v30 =	vor.u32 v2, v15;
	v15 =	vor.u32 $0x80000000, v20  }
0x21d: {  	v15 =	vxor.u32 v8, v15;
	(v2sf) =	vpush v16, $0x0;
	v16 =	vxor.u32 v13, v19  }
0x21e: {  	v19 =	vshrl.u32 v17, $0x8;
	v20 =	vshrl.u32 v15, $0x8;
	v26 =	vshrl.u32 v15, $0x14  }
0x21f: {  	(v2sf) =	vpush v18, $0x0;
	v23 =	vshrl.u32 v16, $0x14;
	v15 =	vand.u32 $0xFFF, v19  }
0x220: {  	v18 =	vand.u32 $0xFFF, v20;
	v20 =	vmul.f32 $1.442695020e+00, v7;
	v15 =	vor.u32 v2, v15  }
0x221: {  	v19 =	vor.u32 v2, v18;
	v18 =	vshrl.u32 v16, $0x8;
	vm7 =	veq.s32 v23, v5  }
0x222: {  	v16 =	vshrl.u32 v22, $0x8;
	(v2sf) =	vpush v28, $0x0;
	v28 =	vmul.f32 $1.442695020e+00, v13  }
0x223: {  	s29 =	simm.s32 $0x0;
	(erf) = vpow2.f32 v20;
	v20 =	vshrl.u32 v27, $0x8;
	v16 =	vand.u32 $0xFFF, v16;
	v23 =	vpop (erf)  }
0x224: {  	p1 =	slt.s32 s26, $0x5FF0;
	s30 =	simm.s32 $0x100C0;
	v22 =	vmpcnt.ones.xlane vm7;
	[tilespmem:v30+s4+$0x0] =	vst.idx.add.f32.msk $0xffff, v29;
	s0 =	spop (v2sf);
	v20 =	vand.u32 $0xFFF, v20;
	v16 =	vor.u32 v2, v16;
	v27 =	vpop (erf)  }
.LBB2_25:
0x225: {  	v14 =	vshrl.u32 v14, $0x8;
	v18 =	vand.u32 $0xFFF, v18;
	v27 =	vnsel vm3, $0x0, v27  }
0x226: {  	v29 =	vld [tilespmem:s30+$0xFFFFFFD0];
	s29 =	sadd.s32 $0x8, s29;
	vm12 =	vmmov vm2;
	vm6 =	vmmov vm5;
	vm9 =	vmmov vm3  }
0x227: {  	v30 =	vld [tilespmem:s30+$0x30];
	p2 =	slt.u32 s29, $0x268;
	v14 =	vand.u32 $0xFFF, v14;
	v31 =	vor.u32 v2, v18;
	(erf) = vpow2.f32 v28  }
0x228: {  	v18 =	vmul.f32 $1.442695020e+00, v12;
	v28 =	vld [tilespmem:s30+$0x10];
	v32 =	vor.u32 v2, v14;
	(erf) = vpow2.f32 v24;
	s3 =	spop (v2sf)  }
0x229: {  	vm8 =	vmmov vm4;
	v14 =	vor.u32 v2, v21;
	v33 =	vld [tilespmem:s30+$0x0];
	(erf) = vpow2.f32 v25  }
0x22a: {  	v17 =	vshrl.u32 v17, $0x14;
	v21 =	vld [tilespmem:s30+$0x20];
	(erf) = vpow2.f32 v18  }
0x22b: {  	vm10 =	veq.s32 v26, v5;
	vm11 =	veq.s32 v17, v5;
	v25 =	vld [tilespmem:s30+$0xFFFFFFC0];
	v29 =	vmul.f32 v29, v3  }
0x22c: {  	v26 =	vor.u32 v2, v20;
	v17 =	vld [tilespmem:s30+$0xFFFFFFF0];
	v18 =	vmul.f32 v30, v3;
	(v2sf) =	vpush v22, $0x0;
	v22 =	vpop (erf);
	s2 =	spop (v2sf)  }
0x22d: {  	v23 =	vnsel vm10, $0x0, v23;
	v24 =	vshra.s32 v29, $0x1F;
	v30 =	vld [tilespmem:s30+$0xFFFFFFE0];
	v20 =	vmul.f32 v28, v3  }
0x22e: {  	v36 =	vmpcnt.ones.xlane vm11;
	v24 =	vor.u32 $0x80000000, v24;
	v28 =	vmul.f32 $1.442695020e+00, v18;
	[tilespmem:v14+s4+$0x0] =	vst.idx.add.f32.msk $0xffff, v27;
	s5 =	spop (v2sf)  }
0x22f: {  	v35 =	vnsel vm6, $0x0, v22;
	v14 =	vxor.u32 v29, v24;
	v27 =	vshra.s32 v20, $0x1F  }
0x230: {  	v24 =	vmul.f32 v21, v3;
	v22 =	vshrl.u32 v14, $0x14;
	v21 =	vpop (erf);
	(v2sf) =	vpush v36, $0x0  }
0x231: {  	vm2 =	veq.s32 v22, v5;
	v22 =	vmul.f32 v17, v3;
	v17 =	vmpcnt.ones.xlane vm10;
	v34 =	vpop (erf)  }
0x232: {  	v37 =	vshra.s32 v24, $0x1F;
	v21 =	vnsel vm7, $0x0, v21;
	v36 =	vmpcnt.ones.xlane vm2;
	s8 =	spop (v2sf);
	v38 =	vpop (erf)  }
0x233: {  	v33 =	vmul.f32 v33, v3;
	v30 =	vmul.f32 v30, v3;
	v39 =	vshra.s32 v22, $0x1F;
	s8 =	sadd.s32 s26, s8;
	[tilespmem:v19+s4+$0x0] =	vst.idx.add.f32.msk $0xffff, v23;
	v19 =	vpop (erf)  }
0x234: {  	v23 =	vmul.f32 v25, v3;
	v25 =	vor.u32 $0x80000000, v39;
	p3 =	slt.s32 s8, $0x5FF0;
	s0 =	sadd.s32 s8, s0;
	(v2sf) =	vpush v17, $0x0  }
0x235: {  	v34 =	vnsel vm12, $0x0, v34;
	v17 =	vmul.f32 $1.442695020e+00, v24;
	(v2sf) =	vpush v36, $0x0;
	s8 =	simm.s32 @!p3 $0x5FF0;
	[tilespmem:v31+s4+$0x0] =	vst.idx.add.f32.msk $0xffff, v21;
	p3 =	slt.s32 s0, $0x5FF0;
	s9 =	smov.u32 s0  }
0x236: {  	v21 =	vshra.s32 v23, $0x1F;
	v31 =	vshra.s32 v30, $0x1F;
	v36 =	vxor.u32 v22, v25;
	[tilespmem:v32+s4+$0x0] =	vst.idx.add.f32.msk $0xffff, v34;
	s9 =	simm.s32 @!p3 $0x5FF0  }
0x237: {  	v25 =	vshra.s32 v33, $0x1F;
	v21 =	vor.u32 $0x80000000, v21;
	v31 =	vor.u32 $0x80000000, v31;
	[tilespmem:s8+$0x17000] =	vst.msk vm12, v9;
	v9 =	vmovc v29  }
0x238: {  	v29 =	vxor.u32 v23, v21;
	v21 =	vshrl.u32 v36, $0x14;
	(erf) = vpow2.f32 v28;
	[tilespmem:s9+$0x17000] =	vst.msk vm7, v13;
	v13 =	vmovc v30  }
0x239: {  	v27 =	vor.u32 $0x80000000, v27;
	v25 =	vor.u32 $0x80000000, v25;
	v28 =	vmul.f32 $1.442695020e+00, v20  }
0x23a: {  	v27 =	vxor.u32 v20, v27;
	(erf) = vpow2.f32 v17;
	v17 =	vnsel vm1, $0x0, v19  }
0x23b: {  	vm5 =	veq.s32 v21, v5;
	v19 =	vshrl.u32 v27, $0x14;
	(erf) = vpow2.f32 v28;
	[tilespmem:v26+s4+$0x0] =	vst.idx.add.f32.msk $0xffff, v17;
	s8 =	spop (v2sf)  }
0x23c: {  	s26 =	simm.s32 @!p1 $0x5FF0;
	v17 =	vxor.u32 v33, v25;
	vm3 =	veq.s32 v19, v5;
	v19 =	vshra.s32 v18, $0x1F;
	[tilespmem:v16+s4+$0x0] =	vst.idx.add.f32.msk $0xffff, v35  }
0x23d: {  	v21 =	vnsel vm11, $0x0, v38;
	v16 =	vmpcnt.ones.xlane vm3;
	v19 =	vor.u32 $0x80000000, v19;
	[tilespmem:s26+$0x17000] =	vst.msk vm1, v12;
	v12 =	vmovc v23  }
0x23e: {  	v28 =	vmpcnt.ones.xlane vm5;
	s8 =	sadd.s32 s0, s8;
	v23 =	vshrl.u32 v27, $0x8;
	v19 =	vxor.u32 v18, v19;
	[tilespmem:v15+s4+$0x0] =	vst.idx.add.f32.msk $0xffff, v21  }
0x23f: {  	p1 =	slt.s32 s8, $0x5FF0;
	s0 =	sadd.s32 s8, s5;
	v15 =	vshrl.u32 v29, $0x14;
	v21 =	vshrl.u32 v19, $0x14;
	(v2sf) =	vpush v16, $0x0;
	s5 =	spop (v2sf)  }
0x240: {  	p3 =	slt.s32 s0, $0x5FF0;
	vm1 =	veq.s32 v15, v5;
	v15 =	vshrl.u32 v19, $0x8;
	vm4 =	veq.s32 v21, v5;
	s5 =	sadd.s32 s0, s5  }
0x241: {  	v21 =	vand.u32 $0xFFF, v23;
	v15 =	vand.u32 $0xFFF, v15;
	v16 =	vmpcnt.ones.xlane vm4;
	s0 =	simm.s32 @!p3 $0x5FF0;
	v19 =	vpop (erf);
	p3 =	slt.s32 s5, $0x5FF0;
	s3 =	sadd.s32 s5, s3  }
0x242: {  	v30 =	vmpcnt.ones.xlane vm1;
	v34 =	vor.u32 v2, v15;
	v32 =	vnsel vm4, $0x0, v19;
	[tilespmem:s0+$0x17000] =	vst.msk vm11, v11;
	s5 =	simm.s32 @!p3 $0x5FF0;
	p3 =	slt.s32 s3, $0x5FF0;
	v11 =	vmovc v33  }
0x243: {  	[tilespmem:s5+$0x17000] =	vst.msk vm9, v10;
	s5 =	smov.u32 s3  }
0x244: {  	v15 =	vor.u32 $0x80000000, v37;
	v25 =	vmul.f32 $1.442695020e+00, v11;
	v23 =	vpop (erf);
	(v2sf) =	vpush v16, $0x0;
	s9 =	spop (v2sf);
	s5 =	simm.s32 @!p3 $0x5FF0  }
0x245: {  	v19 =	vshrl.u32 v17, $0x8;
	v16 =	vxor.u32 v13, v31;
	v31 =	vxor.u32 v24, v15;
	s3 =	sadd.s32 s3, s9;
	s0 =	spop (v2sf);
	v27 =	vpop (erf);
	[tilespmem:s5+$0x17000] =	vst.msk vm10, v8  }
0x246: {  	s8 =	simm.s32 @!p1 $0x5FF0;
	v10 =	vmovc v20;
	v15 =	vshrl.u32 v31, $0x8;
	v26 =	vshrl.u32 v31, $0x14;
	p3 =	slt.s32 s3, $0x5FF0;
	s26 =	sadd.s32 s3, s2;
	v8 =	vmovc v24;
	(v2sf) =	vpush v28, $0x0  }
0x247: {  	v19 =	vand.u32 $0xFFF, v19;
	v20 =	vshrl.u32 v16, $0x14;
	v24 =	vand.u32 $0xFFF, v15;
	p1 =	slt.s32 s26, $0x5FF0;
	s3 =	simm.s32 @!p3 $0x5FF0;
	[tilespmem:s8+$0x17000] =	vst.msk vm6, v7;
	v7 =	vmovc v22  }
.Ltmp11:
0x248: {  	v15 =	vor.u32 v2, v19;
	v19 =	vor.u32 v2, v24;
	v22 =	vmul.f32 $1.442695020e+00, v7;
	[tilespmem:s3+$0x17000] =	vst.msk vm8, v6;
	v6 =	vmovc v18;
	(pc) =	sbr.rel @p2 .LBB2_25-.Ltmp11, $4  }
0x249: {  	vm7 =	veq.s32 v20, v5;
	v18 =	vshrl.u32 v16, $0x8;
	v16 =	vshrl.u32 v36, $0x8;
	[tilespmem:v34+s4+$0x0] =	vst.idx.add.f32.msk $0xffff, v32  }
0x24a: {  	v24 =	vmul.f32 $1.442695020e+00, v9;
	(v2sf) =	vpush v30, $0x0;
	(erf) = vpow2.f32 v22  }
0x24b: {  	v20 =	vshrl.u32 v29, $0x8;
	v16 =	vand.u32 $0xFFF, v16;
	v22 =	vmpcnt.ones.xlane vm7  }
0x24c: {  	s30 =	sadd.s32 $0x80, s30;
	v20 =	vand.u32 $0xFFF, v20;
	v28 =	vmul.f32 $1.442695020e+00, v13;
	v16 =	vor.u32 v2, v16  }
0x24d: {  	v17 =	vshrl.u32 v17, $0x14  }
0x24e: {  	vm8 =	veq.s32 v17, v5  }
0x24f: {  	(v2sf) =	vpush v22, $0x0;
	v17 =	vmpcnt.ones.xlane vm8  }
0x250: {  	(erf) = vpow2.f32 v28  }
0x251: {  	vm6 =	veq.s32 v26, v5;
	(erf) = vpow2.f32 v24;
	(v2sf) =	vpush v17, $0x0  }
0x252: {  	v22 =	vmpcnt.ones.xlane vm6;
	v17 =	vmul.f32 $1.442695020e+00, v12  }
0x253: {  	(erf) = vpow2.f32 v25  }
0x254: {  	v21 =	vor.u32 v2, v21;
	(v2sf) =	vpush v22, $0x0;
	(erf) = vpow2.f32 v17  }
0x255: {  	v14 =	vshrl.u32 v14, $0x8;
	v17 =	vand.u32 $0xFFF, v18  }
0x256: {  	s2 =	spop (v2sf);
	v14 =	vand.u32 $0xFFF, v14;
	v18 =	vnsel vm3, $0x0, v27;
	v17 =	vor.u32 v2, v17  }
0x257: {  	v14 =	vor.u32 v2, v14;
	s3 =	spop (v2sf)  }
0x258: {  	v22 =	vpop (erf);
	s5 =	spop (v2sf)  }
0x259: {  	v23 =	vnsel vm6, $0x0, v23;
	[tilespmem:v21+s4+$0x0] =	vst.idx.add.f32.msk $0xffff, v18;
	v18 =	vpop (erf);
	s8 =	spop (v2sf)  }
0x25a: {  	vm2 =	vmmov vm2;
	v20 =	vor.u32 v2, v20;
	[tilespmem:v19+s4+$0x0] =	vst.idx.add.f32.msk $0xffff, v23;
	v21 =	vpop (erf);
	v18 =	vnsel vm7, $0x0, v18;
	s8 =	sadd.s32 s26, s8  }
0x25b: {  	v19 =	vnsel vm2, $0x0, v21;
	[tilespmem:v17+s4+$0x0] =	vst.idx.add.f32.msk $0xffff, v18;
	p2 =	slt.s32 s8, $0x5FF0;
	s0 =	sadd.s32 s8, s0  }
0x25c: {  	v17 =	vpop (erf);
	[tilespmem:v14+s4+$0x0] =	vst.idx.add.f32.msk $0xffff, v19;
	s8 =	simm.s32 @!p2 $0x5FF0;
	p2 =	slt.s32 s0, $0x5FF0;
	s9 =	smov.u32 s0  }
0x25d: {  	v14 =	vpop (erf);
	s9 =	simm.s32 @!p2 $0x5FF0;
	[tilespmem:s8+$0x17000] =	vst.msk vm2, v9  }
0x25e: {  	s20 =	spop (v2sf);
	vm2 =	vmmov vm5;
	v9 =	vnsel vm1, $0x0, v14;
	[tilespmem:s9+$0x17000] =	vst.msk vm7, v13  }
0x25f: {  	s0 =	sadd.s32 s0, s20;
	v13 =	vnsel vm2, $0x0, v22;
	[tilespmem:v20+s4+$0x0] =	vst.idx.add.f32.msk $0xffff, v9  }
0x260: {  	s26 =	simm.s32 @!p1 $0x5FF0;
	s5 =	sadd.s32 s0, s5;
	[tilespmem:v16+s4+$0x0] =	vst.idx.add.f32.msk $0xffff, v13;
	s21 =	spop (v2sf)  }
0x261: {  	v9 =	vnsel vm8, $0x0, v17;
	p2 =	slt.s32 s0, $0x5FF0;
	[tilespmem:s26+$0x17000] =	vst.msk vm1, v12;
	p1 =	slt.s32 s5, $0x5FF0;
	s8 =	sadd.s32 s5, s21  }
0x262: {  	[tilespmem:v15+s4+$0x0] =	vst.idx.add.f32.msk $0xffff, v9;
	s0 =	simm.s32 @!p2 $0x5FF0;
	s5 =	simm.s32 @!p1 $0x5FF0;
	p1 =	slt.s32 s8, $0x5FF0  }
0x263: {  	vm1 =	vmmov vm3;
	s26 =	spop (v2sf);
	s2 =	sadd.s32 s8, s2;
	[tilespmem:s5+$0x17000] =	vst.msk vm8, v11;
	s8 =	simm.s32 @!p1 $0x5FF0  }
0x264: {  	p1 =	slt.s32 s2, $0x5FF0;
	s5 =	smov.u32 s2;
	[tilespmem:s8+$0x17000] =	vst.msk vm1, v10;
	s8 =	sadd.s32 s2, s26  }
0x265: {  	[tilespmem:s0+$0x17000] =	vst.msk vm2, v7;
	s5 =	simm.s32 @!p1 $0x5FF0;
	p1 =	slt.s32 s8, $0x5FF0  }
0x266: {  	vm1 =	vmmov vm4;
	[tilespmem:s5+$0x17000] =	vst.msk vm6, v8;
	s2 =	sadd.s32 s8, s3;
	s8 =	simm.s32 @!p1 $0x5FF0  }
0x267: {  	[tilespmem:s8+$0x17000] =	vst.msk vm1, v6  }
0x268: {  	v6 =	vld [tilespmem:$0x12700];
	_ =	sdelay $0x4  }
0x269: {  	v6 =	vmul.f32 v6, v3;
	_ =	sdelay $0x1  }
0x26a: {  	v7 =	vshra.s32 v6, $0x1F  }
0x26b: {  	v7 =	vor.u32 $0x80000000, v7  }
0x26c: {  	v7 =	vxor.u32 v6, v7  }
0x26d: {  	v8 =	vshrl.u32 v7, $0x14  }
0x26e: {  	vm1 =	veq.s32 v8, v5  }
0x26f: {  	v8 =	vmpcnt.ones.xlane vm1;
	_ =	sdelay $0x1  }
0x270: {  	(v2sf) =	vpush v8, $0x0  }
0x271: {  	v8 =	vmul.f32 $1.442695020e+00, v6;
	_ =	sdelay $0x1  }
0x272: {  	(erf) = vpow2.f32 v8;
	_ =	sdelay $0x3  }
0x273: {  	v7 =	vshrl.u32 v7, $0x8  }
0x274: {  	v7 =	vand.u32 $0xFFF, v7  }
0x275: {  	v7 =	vor.u32 v2, v7;
	_ =	sdelay $0x2  }
0x276: {  	p1 =	seq.s32 s25, $0x18;
	v8 =	vpop (erf)  }
0x277: {  	p2 =	slt.s32 s2, $0x5FF0;
	s0 =	smov.u32 s2;
	s5 =	sadd.s32 @!p1 s28, s7;
	v8 =	vnsel vm1, $0x0, v8  }
0x278: {  	s0 =	simm.s32 @!p2 $0x5FF0;
	s8 =	simm.s32 @!p1 $0x10000;
	s5 =	sshrl.u32 @!p1 s5, $0x3;
	[tilespmem:v7+s4+$0x0] =	vst.idx.add.f32.msk $0xffff, v8  }
0x279: {  	[tilespmem:s0+$0x17000] =	vst.msk vm1, v6;
	s0 =	sadd.s32 @!p1 s1, s5;
	s5 =	simm.s32 @!p1 $0x0;
	s30 =	spop (v2sf)  }
0x27a: {  	[tilespmem:s8], [sflag:$0x1] =	stream.linear.gather @!p1 [hbm4b:s0+s5], $0x2710, $0x38;
	[tilespmem:$0x1E000] =	vst v63  }
0x27b: {  	_ =	swait.ge [sflag:s17], $0x2710  }
0x27c: {  	[sflag:s17] =	ssyncset.done $0x0  }
0x27d: {  	s31 =	simm.s32 $0x127C0;
	[sflag:s17] =	ssyncadd.s32 $0xFFFFD8F0  }
0x27e: {  	v6 =	vld [tilespmem:s31+$0xFFFFFFD0]  }
0x27f: {  	v8 =	vld [tilespmem:s31+$0x10]  }
0x280: {  	v11 =	vld [tilespmem:s31+$0x20]  }
0x281: {  	v15 =	vld [tilespmem:s31+$0x0]  }
0x282: {  	v7 =	vld [tilespmem:s31+$0x30]  }
0x283: {  	v12 =	vld [tilespmem:s31+$0xFFFFFFF0];
	v9 =	vmul.f32 v6, v3  }
0x284: {  	v13 =	vld [tilespmem:s31+$0xFFFFFFC0]  }
0x285: {  	v16 =	vld [tilespmem:s31+$0xFFFFFFE0];
	v10 =	vmul.f32 v8, v3;
	v6 =	vshra.s32 v9, $0x1F  }
0x286: {  	v8 =	vmul.f32 v11, v3;
	v11 =	vmul.f32 v15, v3;
	v6 =	vor.u32 $0x80000000, v6  }
0x287: {  	v14 =	vxor.u32 v9, v6;
	v6 =	vmul.f32 v7, v3  }
0x288: {  	v25 =	vmul.f32 $1.442695020e+00, v11;
	v7 =	vshrl.u32 v14, $0x14  }
0x289: {  	vm2 =	veq.s32 v7, v5;
	v7 =	vmul.f32 v12, v3;
	v17 =	vmul.f32 $1.442695020e+00, v6  }
0x28a: {  	v18 =	vshra.s32 v10, $0x1F;
	v12 =	vmul.f32 v13, v3;
	v13 =	vmul.f32 v16, v3  }
0x28b: {  	v21 =	vshra.s32 v8, $0x1F;
	v16 =	vmul.f32 $1.442695020e+00, v8;
	v19 =	vmpcnt.ones.xlane vm2  }
0x28c: {  	v20 =	vshra.s32 v7, $0x1F;
	(erf) = vpow2.f32 v17;
	v17 =	vor.u32 $0x80000000, v18  }
0x28d: {  	v15 =	vor.u32 $0x80000000, v20;
	(v2sf) =	vpush v19, $0x0;
	v19 =	vshra.s32 v12, $0x1F  }
0x28e: {  	v20 =	vshra.s32 v13, $0x1F;
	v22 =	vxor.u32 v7, v15;
	v15 =	vor.u32 $0x80000000, v19  }
0x28f: {  	v19 =	vor.u32 $0x80000000, v20;
	v20 =	vshra.s32 v11, $0x1F;
	v27 =	vxor.u32 v12, v15  }
0x290: {  	v15 =	vshrl.u32 v22, $0x14;
	v18 =	vor.u32 $0x80000000, v20;
	v20 =	vmul.f32 $1.442695020e+00, v10  }
0x291: {  	v23 =	vxor.u32 v10, v17;
	(erf) = vpow2.f32 v16;
	vm5 =	veq.s32 v15, v5  }
0x292: {  	v15 =	vshrl.u32 v23, $0x14;
	v17 =	vxor.u32 v11, v18;
	(erf) = vpow2.f32 v20  }
0x293: {  	vm3 =	veq.s32 v15, v5;
	v15 =	vshra.s32 v6, $0x1F;
	v20 =	vshrl.u32 v23, $0x8  }
0x294: {  	v23 =	vshrl.u32 v27, $0x14;
	v16 =	vmpcnt.ones.xlane vm3;
	v15 =	vor.u32 $0x80000000, v15  }
0x295: {  	v18 =	vmpcnt.ones.xlane vm5;
	vm1 =	veq.s32 v23, v5;
	v15 =	vxor.u32 v6, v15  }
0x296: {  	v20 =	vand.u32 $0xFFF, v20;
	v24 =	vshrl.u32 v15, $0x14;
	(v2sf) =	vpush v16, $0x0  }
0x297: {  	v28 =	vmpcnt.ones.xlane vm1;
	v15 =	vshrl.u32 v15, $0x8;
	vm4 =	veq.s32 v24, v5  }
0x298: {  	v15 =	vand.u32 $0xFFF, v15;
	v23 =	vpop (erf);
	v24 =	vmul.f32 $1.442695020e+00, v9;
	v16 =	vmpcnt.ones.xlane vm4  }
0x299: {  	v29 =	vnsel vm4, $0x0, v23;
	v30 =	vor.u32 v2, v15;
	v15 =	vor.u32 $0x80000000, v21  }
0x29a: {  	v15 =	vxor.u32 v8, v15;
	(v2sf) =	vpush v16, $0x0;
	v16 =	vxor.u32 v13, v19  }
0x29b: {  	v19 =	vshrl.u32 v17, $0x8;
	v21 =	vshrl.u32 v15, $0x8;
	v26 =	vshrl.u32 v15, $0x14  }
0x29c: {  	(v2sf) =	vpush v18, $0x0;
	v23 =	vshrl.u32 v16, $0x14;
	v15 =	vand.u32 $0xFFF, v19  }
0x29d: {  	v18 =	vand.u32 $0xFFF, v21;
	v21 =	vmul.f32 $1.442695020e+00, v7;
	v15 =	vor.u32 v2, v15  }
0x29e: {  	v19 =	vor.u32 v2, v18;
	v18 =	vshrl.u32 v16, $0x8;
	vm7 =	veq.s32 v23, v5  }
0x29f: {  	v16 =	vshrl.u32 v22, $0x8;
	(v2sf) =	vpush v28, $0x0;
	v28 =	vmul.f32 $1.442695020e+00, v13  }
0x2a0: {  	s29 =	simm.s32 $0x12840;
	s26 =	sadd.s32 s2, s30;
	(erf) = vpow2.f32 v21;
	v21 =	vshrl.u32 v27, $0x8;
	v16 =	vand.u32 $0xFFF, v16;
	v23 =	vpop (erf)  }
0x2a1: {  	s28 =	simm.s32 $0x0;
	p1 =	slt.s32 s26, $0x5FF0;
	v22 =	vmpcnt.ones.xlane vm7;
	[tilespmem:v30+s4+$0x0] =	vst.idx.add.f32.msk $0xffff, v29;
	s0 =	spop (v2sf);
	v21 =	vand.u32 $0xFFF, v21;
	v16 =	vor.u32 v2, v16;
	v27 =	vpop (erf)  }
.LBB2_27:
0x2a2: {  	v14 =	vshrl.u32 v14, $0x8;
	v18 =	vand.u32 $0xFFF, v18;
	v27 =	vnsel vm3, $0x0, v27  }
0x2a3: {  	v29 =	vld [tilespmem:s29+$0xFFFFFFD0];
	s28 =	sadd.s32 $0x8, s28;
	vm12 =	vmmov vm2;
	vm6 =	vmmov vm5;
	vm9 =	vmmov vm3  }
0x2a4: {  	v30 =	vld [tilespmem:s29+$0x30];
	p2 =	slt.u32 s28, $0x268;
	v14 =	vand.u32 $0xFFF, v14;
	v31 =	vor.u32 v2, v18;
	(erf) = vpow2.f32 v28  }
0x2a5: {  	v18 =	vmul.f32 $1.442695020e+00, v12;
	v28 =	vld [tilespmem:s29+$0x10];
	v32 =	vor.u32 v2, v14;
	(erf) = vpow2.f32 v24;
	s3 =	spop (v2sf)  }
0x2a6: {  	vm8 =	vmmov vm4;
	v14 =	vor.u32 v2, v20;
	v33 =	vld [tilespmem:s29+$0x0];
	(erf) = vpow2.f32 v25  }
0x2a7: {  	v17 =	vshrl.u32 v17, $0x14;
	v20 =	vld [tilespmem:s29+$0x20];
	(erf) = vpow2.f32 v18  }
0x2a8: {  	vm10 =	veq.s32 v26, v5;
	vm11 =	veq.s32 v17, v5;
	v25 =	vld [tilespmem:s29+$0xFFFFFFC0];
	v29 =	vmul.f32 v29, v3  }
0x2a9: {  	v26 =	vor.u32 v2, v21;
	v17 =	vld [tilespmem:s29+$0xFFFFFFF0];
	v18 =	vmul.f32 v30, v3;
	(v2sf) =	vpush v22, $0x0;
	v22 =	vpop (erf);
	s2 =	spop (v2sf)  }
0x2aa: {  	v23 =	vnsel vm10, $0x0, v23;
	v24 =	vshra.s32 v29, $0x1F;
	v30 =	vld [tilespmem:s29+$0xFFFFFFE0];
	v21 =	vmul.f32 v28, v3  }
0x2ab: {  	v36 =	vmpcnt.ones.xlane vm11;
	v24 =	vor.u32 $0x80000000, v24;
	v28 =	vmul.f32 $1.442695020e+00, v18;
	[tilespmem:v14+s4+$0x0] =	vst.idx.add.f32.msk $0xffff, v27;
	s5 =	spop (v2sf)  }
0x2ac: {  	v35 =	vnsel vm6, $0x0, v22;
	v14 =	vxor.u32 v29, v24;
	v27 =	vshra.s32 v21, $0x1F  }
0x2ad: {  	v24 =	vmul.f32 v20, v3;
	v22 =	vshrl.u32 v14, $0x14;
	v20 =	vpop (erf);
	(v2sf) =	vpush v36, $0x0  }
0x2ae: {  	vm2 =	veq.s32 v22, v5;
	v22 =	vmul.f32 v17, v3;
	v17 =	vmpcnt.ones.xlane vm10;
	v34 =	vpop (erf)  }
0x2af: {  	v37 =	vshra.s32 v24, $0x1F;
	v20 =	vnsel vm7, $0x0, v20;
	v36 =	vmpcnt.ones.xlane vm2;
	s8 =	spop (v2sf);
	v38 =	vpop (erf)  }
0x2b0: {  	v33 =	vmul.f32 v33, v3;
	v30 =	vmul.f32 v30, v3;
	v39 =	vshra.s32 v22, $0x1F;
	s8 =	sadd.s32 s26, s8;
	[tilespmem:v19+s4+$0x0] =	vst.idx.add.f32.msk $0xffff, v23;
	v19 =	vpop (erf)  }
0x2b1: {  	v23 =	vmul.f32 v25, v3;
	v25 =	vor.u32 $0x80000000, v39;
	p3 =	slt.s32 s8, $0x5FF0;
	s0 =	sadd.s32 s8, s0;
	(v2sf) =	vpush v17, $0x0  }
0x2b2: {  	v34 =	vnsel vm12, $0x0, v34;
	v17 =	vmul.f32 $1.442695020e+00, v24;
	(v2sf) =	vpush v36, $0x0;
	s8 =	simm.s32 @!p3 $0x5FF0;
	[tilespmem:v31+s4+$0x0] =	vst.idx.add.f32.msk $0xffff, v20;
	p3 =	slt.s32 s0, $0x5FF0;
	s9 =	smov.u32 s0  }
0x2b3: {  	v20 =	vshra.s32 v23, $0x1F;
	v31 =	vshra.s32 v30, $0x1F;
	v36 =	vxor.u32 v22, v25;
	[tilespmem:v32+s4+$0x0] =	vst.idx.add.f32.msk $0xffff, v34;
	s9 =	simm.s32 @!p3 $0x5FF0  }
0x2b4: {  	v25 =	vshra.s32 v33, $0x1F;
	v20 =	vor.u32 $0x80000000, v20;
	v31 =	vor.u32 $0x80000000, v31;
	[tilespmem:s8+$0x17000] =	vst.msk vm12, v9;
	v9 =	vmovc v29  }
0x2b5: {  	v29 =	vxor.u32 v23, v20;
	v20 =	vshrl.u32 v36, $0x14;
	(erf) = vpow2.f32 v28;
	[tilespmem:s9+$0x17000] =	vst.msk vm7, v13;
	v13 =	vmovc v30  }
0x2b6: {  	v27 =	vor.u32 $0x80000000, v27;
	v25 =	vor.u32 $0x80000000, v25;
	v28 =	vmul.f32 $1.442695020e+00, v21  }
0x2b7: {  	v27 =	vxor.u32 v21, v27;
	(erf) = vpow2.f32 v17;
	v17 =	vnsel vm1, $0x0, v19  }
0x2b8: {  	vm5 =	veq.s32 v20, v5;
	v19 =	vshrl.u32 v27, $0x14;
	(erf) = vpow2.f32 v28;
	[tilespmem:v26+s4+$0x0] =	vst.idx.add.f32.msk $0xffff, v17;
	s8 =	spop (v2sf)  }
0x2b9: {  	s26 =	simm.s32 @!p1 $0x5FF0;
	v17 =	vxor.u32 v33, v25;
	vm3 =	veq.s32 v19, v5;
	v19 =	vshra.s32 v18, $0x1F;
	[tilespmem:v16+s4+$0x0] =	vst.idx.add.f32.msk $0xffff, v35  }
0x2ba: {  	v20 =	vnsel vm11, $0x0, v38;
	v16 =	vmpcnt.ones.xlane vm3;
	v19 =	vor.u32 $0x80000000, v19;
	[tilespmem:s26+$0x17000] =	vst.msk vm1, v12;
	v12 =	vmovc v23  }
0x2bb: {  	v28 =	vmpcnt.ones.xlane vm5;
	s8 =	sadd.s32 s0, s8;
	v23 =	vshrl.u32 v27, $0x8;
	v19 =	vxor.u32 v18, v19;
	[tilespmem:v15+s4+$0x0] =	vst.idx.add.f32.msk $0xffff, v20  }
0x2bc: {  	p1 =	slt.s32 s8, $0x5FF0;
	s0 =	sadd.s32 s8, s5;
	v15 =	vshrl.u32 v29, $0x14;
	v20 =	vshrl.u32 v19, $0x14;
	(v2sf) =	vpush v16, $0x0;
	s5 =	spop (v2sf)  }
0x2bd: {  	p3 =	slt.s32 s0, $0x5FF0;
	vm1 =	veq.s32 v15, v5;
	v15 =	vshrl.u32 v19, $0x8;
	vm4 =	veq.s32 v20, v5;
	s5 =	sadd.s32 s0, s5  }
0x2be: {  	v20 =	vand.u32 $0xFFF, v23;
	v15 =	vand.u32 $0xFFF, v15;
	v16 =	vmpcnt.ones.xlane vm4;
	s0 =	simm.s32 @!p3 $0x5FF0;
	v19 =	vpop (erf);
	p3 =	slt.s32 s5, $0x5FF0;
	s3 =	sadd.s32 s5, s3  }
0x2bf: {  	v30 =	vmpcnt.ones.xlane vm1;
	v34 =	vor.u32 v2, v15;
	v32 =	vnsel vm4, $0x0, v19;
	[tilespmem:s0+$0x17000] =	vst.msk vm11, v11;
	s5 =	simm.s32 @!p3 $0x5FF0;
	p3 =	slt.s32 s3, $0x5FF0;
	v11 =	vmovc v33  }
0x2c0: {  	[tilespmem:s5+$0x17000] =	vst.msk vm9, v10;
	s5 =	smov.u32 s3  }
0x2c1: {  	v15 =	vor.u32 $0x80000000, v37;
	v25 =	vmul.f32 $1.442695020e+00, v11;
	v23 =	vpop (erf);
	(v2sf) =	vpush v16, $0x0;
	s9 =	spop (v2sf);
	s5 =	simm.s32 @!p3 $0x5FF0  }
0x2c2: {  	v19 =	vshrl.u32 v17, $0x8;
	v16 =	vxor.u32 v13, v31;
	v31 =	vxor.u32 v24, v15;
	s3 =	sadd.s32 s3, s9;
	s0 =	spop (v2sf);
	v27 =	vpop (erf);
	[tilespmem:s5+$0x17000] =	vst.msk vm10, v8  }
0x2c3: {  	s8 =	simm.s32 @!p1 $0x5FF0;
	v10 =	vmovc v21;
	v15 =	vshrl.u32 v31, $0x8;
	v26 =	vshrl.u32 v31, $0x14;
	p3 =	slt.s32 s3, $0x5FF0;
	s26 =	sadd.s32 s3, s2;
	v8 =	vmovc v24;
	(v2sf) =	vpush v28, $0x0  }
0x2c4: {  	v19 =	vand.u32 $0xFFF, v19;
	v21 =	vshrl.u32 v16, $0x14;
	v24 =	vand.u32 $0xFFF, v15;
	p1 =	slt.s32 s26, $0x5FF0;
	s3 =	simm.s32 @!p3 $0x5FF0;
	[tilespmem:s8+$0x17000] =	vst.msk vm6, v7;
	v7 =	vmovc v22  }
.Ltmp12:
0x2c5: {  	v15 =	vor.u32 v2, v19;
	v19 =	vor.u32 v2, v24;
	v22 =	vmul.f32 $1.442695020e+00, v7;
	[tilespmem:s3+$0x17000] =	vst.msk vm8, v6;
	v6 =	vmovc v18;
	(pc) =	sbr.rel @p2 .LBB2_27-.Ltmp12, $4  }
0x2c6: {  	vm7 =	veq.s32 v21, v5;
	v18 =	vshrl.u32 v16, $0x8;
	v16 =	vshrl.u32 v36, $0x8;
	[tilespmem:v34+s4+$0x0] =	vst.idx.add.f32.msk $0xffff, v32  }
0x2c7: {  	v24 =	vmul.f32 $1.442695020e+00, v9;
	(v2sf) =	vpush v30, $0x0;
	(erf) = vpow2.f32 v22  }
0x2c8: {  	v21 =	vshrl.u32 v29, $0x8;
	v16 =	vand.u32 $0xFFF, v16;
	v22 =	vmpcnt.ones.xlane vm7  }
0x2c9: {  	s29 =	sadd.s32 $0x80, s29;
	v21 =	vand.u32 $0xFFF, v21;
	v28 =	vmul.f32 $1.442695020e+00, v13;
	v16 =	vor.u32 v2, v16  }
0x2ca: {  	v17 =	vshrl.u32 v17, $0x14  }
0x2cb: {  	vm8 =	veq.s32 v17, v5  }
0x2cc: {  	(v2sf) =	vpush v22, $0x0;
	v17 =	vmpcnt.ones.xlane vm8  }
0x2cd: {  	vm6 =	veq.s32 v26, v5;
	(erf) = vpow2.f32 v28  }
0x2ce: {  	v48 =	vmul.f32 $1.442695020e+00, v12;
	(erf) = vpow2.f32 v24;
	(v2sf) =	vpush v17, $0x0  }
0x2cf: {  	v49 =	vmpcnt.ones.xlane vm6;
	(erf) = vpow2.f32 v25  }
0x2d0: {  	(erf) = vpow2.f32 v48  }
0x2d1: {  	(v2sf) =	vpush v49, $0x0  }
0x2d2: {  	v20 =	vor.u32 v2, v20;
	v14 =	vshrl.u32 v14, $0x8;
	v50 =	vand.u32 $0xFFF, v18  }
0x2d3: {  	v14 =	vand.u32 $0xFFF, v14;
	v17 =	vor.u32 v2, v50  }
0x2d4: {  	v14 =	vor.u32 v2, v14  }
0x2d5: {  	s2 =	spop (v2sf);
	v23 =	vnsel vm6, $0x0, v23;
	v52 =	vpop (erf)  }
0x2d6: {  	v51 =	vnsel vm3, $0x0, v27;
	v54 =	vor.u32 v2, v21;
	[tilespmem:v19+s4+$0x0] =	vst.idx.add.f32.msk $0xffff, v23;
	s3 =	spop (v2sf);
	v53 =	vpop (erf)  }
0x2d7: {  	vm2 =	vmmov vm2;
	[tilespmem:v20+s4+$0x0] =	vst.idx.add.f32.msk $0xffff, v51;
	s5 =	spop (v2sf);
	v55 =	vpop (erf);
	v18 =	vnsel vm7, $0x0, v53  }
0x2d8: {  	s8 =	spop (v2sf);
	v56 =	vnsel vm2, $0x0, v55;
	[tilespmem:v17+s4+$0x0] =	vst.idx.add.f32.msk $0xffff, v18;
	v57 =	vpop (erf)  }
0x2d9: {  	s8 =	sadd.s32 s26, s8;
	[tilespmem:v14+s4+$0x0] =	vst.idx.add.f32.msk $0xffff, v56;
	v58 =	vpop (erf);
	v61 =	vnsel vm8, $0x0, v57  }
0x2da: {  	s26 =	simm.s32 @!p1 $0x5FF0;
	p2 =	slt.s32 s8, $0x5FF0;
	v59 =	vnsel vm1, $0x0, v58;
	[tilespmem:v15+s4+$0x0] =	vst.idx.add.f32.msk $0xffff, v61  }
0x2db: {  	s0 =	sadd.s32 s8, s0;
	s8 =	simm.s32 @!p2 $0x5FF0;
	s28 =	spop (v2sf);
	[tilespmem:v54+s4+$0x0] =	vst.idx.add.f32.msk $0xffff, v59  }
0x2dc: {  	p2 =	slt.s32 s0, $0x5FF0;
	s9 =	smov.u32 s0;
	[tilespmem:s8+$0x17000] =	vst.msk vm2, v9;
	s0 =	sadd.s32 s0, s28  }
0x2dd: {  	s9 =	simm.s32 @!p2 $0x5FF0;
	vm2 =	vmmov vm5;
	[tilespmem:s26+$0x17000] =	vst.msk vm1, v12;
	s5 =	sadd.s32 s0, s5;
	s29 =	spop (v2sf)  }
0x2de: {  	[tilespmem:s9+$0x17000] =	vst.msk vm7, v13;
	v60 =	vnsel vm2, $0x0, v52;
	p2 =	slt.s32 s0, $0x5FF0;
	p1 =	slt.s32 s5, $0x5FF0;
	s8 =	sadd.s32 s5, s29  }
0x2df: {  	[tilespmem:v16+s4+$0x0] =	vst.idx.add.f32.msk $0xffff, v60;
	s0 =	simm.s32 @!p2 $0x5FF0;
	s5 =	simm.s32 @!p1 $0x5FF0;
	p1 =	slt.s32 s8, $0x5FF0  }
0x2e0: {  	[tilespmem:s0+$0x17000] =	vst.msk vm2, v7;
	s30 =	spop (v2sf);
	s2 =	sadd.s32 s8, s2;
	s8 =	simm.s32 @!p1 $0x5FF0  }
0x2e1: {  	vm1 =	vmmov vm3;
	[tilespmem:s5+$0x17000] =	vst.msk vm8, v11;
	p1 =	slt.s32 s2, $0x5FF0;
	s5 =	smov.u32 s2;
	s2 =	sadd.s32 s2, s30  }
0x2e2: {  	[tilespmem:s8+$0x17000] =	vst.msk vm1, v10;
	s5 =	simm.s32 @!p1 $0x5FF0;
	p1 =	slt.s32 s2, $0x5FF0  }
0x2e3: {  	s3 =	sadd.s32 s2, s3;
	vm1 =	vmmov vm4;
	[tilespmem:s5+$0x17000] =	vst.msk vm6, v8;
	s2 =	simm.s32 @!p1 $0x5FF0  }
0x2e4: {  	[tilespmem:s2+$0x17000] =	vst.msk vm1, v6  }
0x2e5: {  	v6 =	vld [tilespmem:$0x14E80];
	_ =	sdelay $0x4  }
0x2e6: {  	v6 =	vmul.f32 v6, v3;
	_ =	sdelay $0x1  }
0x2e7: {  	v7 =	vshra.s32 v6, $0x1F  }
0x2e8: {  	v7 =	vor.u32 $0x80000000, v7  }
0x2e9: {  	v7 =	vxor.u32 v6, v7  }
0x2ea: {  	v62 =	vshrl.u32 v7, $0x14  }
0x2eb: {  	vm1 =	veq.s32 v62, v5  }
0x2ec: {  	v8 =	vmpcnt.ones.xlane vm1;
	_ =	sdelay $0x1  }
0x2ed: {  	(v2sf) =	vpush v8, $0x0;
	_ =	sdelay $0x1  }
0x2ee: {  	v63 =	vmul.f32 $1.442695020e+00, v6;
	_ =	sdelay $0x1  }
0x2ef: {  	(erf) = vpow2.f32 v63;
	_ =	sdelay $0x3  }
0x2f0: {  	v7 =	vshrl.u32 v7, $0x8  }
0x2f1: {  	v7 =	vand.u32 $0xFFF, v7  }
0x2f2: {  	s25 =	sadd.s32 $0x1, s25;
	p1 =	slt.s32 s3, $0x5FF0;
	s2 =	smov.u32 s3;
	v7 =	vor.u32 v2, v7  }
0x2f3: {  	s2 =	simm.s32 @!p1 $0x5FF0;
	p1 =	sne.s32 s25, $0x19  }
.Ltmp13:
0x2f4: {  	_ = 	snop;
	(pc) =	sbr.rel @p1 .LBB2_24-.Ltmp13, $4  }
0x2f5: {  	v8 =	vpop (erf)  }
0x2f6: {  	s0 =	simm.s32 $0x0;
	v8 =	vnsel vm1, $0x0, v8  }
0x2f7: {  	[tilespmem:v7+s0+$0x0] =	vst.idx.add.f32.msk $0xffff, v8;
	s31 =	spop (v2sf)  }
0x2f8: {  	[tilespmem:s2+$0x17000] =	vst.msk vm1, v6;
	s26 =	sadd.s32 s3, s31  }
0x2f9: {  	s3 =	simm.s32 $0x0  }
0x2fa: {  	v5 =	vld [tilespmem:s3+$0x10]  }
0x2fb: {  	v6 =	vld [tilespmem:s3+$0x0]  }
0x2fc: {  	s2 =	sand.u32 $0xFE0, s0;
	v7 =	vld [tilespmem:s3+$0x1010]  }
0x2fd: {  	v8 =	vld [tilespmem:s2+$0x1000]  }
0x2fe: {  	v9 =	vld [tilespmem:s3+$0x2010]  }
0x2ff: {  	v10 =	vld [tilespmem:s2+$0x2000];
	v5 =	vadd.f32 $0.0e+00, v5  }
0x300: {  	v11 =	vld [tilespmem:s3+$0x3010];
	v6 =	vadd.f32 $0.0e+00, v6  }
0x301: {  	v12 =	vld [tilespmem:s2+$0x3000];
	v5 =	vadd.f32 v7, v5  }
0x302: {  	v6 =	vadd.f32 v8, v6;
	v7 =	vld [tilespmem:s3+$0x4010]  }
0x303: {  	v8 =	vld [tilespmem:s2+$0x4000];
	v5 =	vadd.f32 v9, v5  }
0x304: {  	v6 =	vadd.f32 v10, v6;
	v9 =	vld [tilespmem:s3+$0x5010]  }
0x305: {  	v10 =	vld [tilespmem:s2+$0x5000];
	v5 =	vadd.f32 v11, v5  }
0x306: {  	v6 =	vadd.f32 v12, v6;
	v11 =	vld [tilespmem:s3+$0x6010]  }
0x307: {  	v61 =	vld [tilespmem:s2+$0x6000];
	v5 =	vadd.f32 v7, v5  }
0x308: {  	v6 =	vadd.f32 v8, v6;
	v7 =	vld [tilespmem:s3+$0x7010]  }
0x309: {  	v8 =	vld [tilespmem:s2+$0x7000];
	v5 =	vadd.f32 v9, v5  }
0x30a: {  	v6 =	vadd.f32 v10, v6;
	v9 =	vld [tilespmem:s3+$0x8010]  }
0x30b: {  	v10 =	vld [tilespmem:s2+$0x8000];
	v5 =	vadd.f32 v11, v5  }
0x30c: {  	v6 =	vadd.f32 v61, v6;
	v11 =	vld [tilespmem:s3+$0x9010]  }
0x30d: {  	v62 =	vld [tilespmem:s2+$0x9000];
	v5 =	vadd.f32 v7, v5  }
0x30e: {  	v6 =	vadd.f32 v8, v6;
	v7 =	vld [tilespmem:s3+$0xA010]  }
0x30f: {  	v8 =	vld [tilespmem:s2+$0xA000];
	v5 =	vadd.f32 v9, v5  }
0x310: {  	v6 =	vadd.f32 v10, v6;
	v9 =	vld [tilespmem:s3+$0xB010]  }
0x311: {  	v10 =	vld [tilespmem:s2+$0xB000];
	v5 =	vadd.f32 v11, v5  }
0x312: {  	v6 =	vadd.f32 v62, v6;
	v11 =	vld [tilespmem:s3+$0xC010]  }
0x313: {  	v63 =	vld [tilespmem:s2+$0xC000];
	v13 =	vadd.f32 v7, v5  }
0x314: {  	v6 =	vadd.f32 v8, v6;
	v7 =	vld [tilespmem:s3+$0xD010]  }
0x315: {  	v5 =	vld [tilespmem:s2+$0xD000];
	v9 =	vadd.f32 v9, v13  }
0x316: {  	v8 =	vld [tilespmem:s3+$0xE010];
	v10 =	vadd.f32 v10, v6  }
0x317: {  	v6 =	vld [tilespmem:s2+$0xE000];
	v11 =	vadd.f32 v11, v9  }
0x318: {  	s5 =	simm.s32 $0x0;
	s8 =	simm.s32 $0x80;
	v10 =	vadd.f32 v63, v10;
	v9 =	vld [tilespmem:s3+$0xF010]  }
.LBB2_30:
0x319: {  	s9 =	sshra.s32 s8, $0x2;
	s5 =	sadd.s32 $0x2, s5;
	v12 =	vld [tilespmem:s2+$0xF000];
	v7 =	vadd.f32 v7, v11  }
0x31a: {  	v11 =	vld [tilespmem:s9+$0x10];
	p1 =	slt.u32 s5, $0xFE;
	v5 =	vadd.f32 v5, v10  }
0x31b: {  	s0 =	sadd.s32 $0x20, s0;
	v10 =	vld [tilespmem:s9+$0x0];
	v7 =	vadd.f32 v8, v7  }
0x31c: {  	s2 =	sand.u32 $0xFE0, s0;
	v8 =	vld [tilespmem:s9+$0x1010];
	v5 =	vadd.f32 v6, v5  }
0x31d: {  	v6 =	vld [tilespmem:s2+$0x1000];
	v7 =	vadd.f32 v9, v7  }
0x31e: {  	v9 =	vld [tilespmem:s9+$0x2010];
	v5 =	vadd.f32 v12, v5  }
0x31f: {  	v12 =	vld [tilespmem:s2+$0x2000];
	v11 =	vadd.f32 $0.0e+00, v11;
	[tilespmem:s3+$0x14F10] =	vst v7  }
0x320: {  	v7 =	vadd.f32 $0.0e+00, v10;
	v10 =	vld [tilespmem:s9+$0x3010];
	[tilespmem:s3+$0x14F00] =	vst v5;
	s3 =	smov.u32 s9  }
0x321: {  	v5 =	vld [tilespmem:s2+$0x3000];
	v8 =	vadd.f32 v8, v11  }
0x322: {  	v6 =	vadd.f32 v6, v7;
	v7 =	vld [tilespmem:s3+$0x4010]  }
0x323: {  	v11 =	vld [tilespmem:s2+$0x4000];
	v8 =	vadd.f32 v9, v8  }
0x324: {  	v6 =	vadd.f32 v12, v6;
	v9 =	vld [tilespmem:s3+$0x5010]  }
0x325: {  	v12 =	vld [tilespmem:s2+$0x5000];
	v8 =	vadd.f32 v10, v8  }
0x326: {  	v5 =	vadd.f32 v5, v6;
	v6 =	vld [tilespmem:s3+$0x6010]  }
0x327: {  	v10 =	vld [tilespmem:s2+$0x6000];
	v7 =	vadd.f32 v7, v8  }
0x328: {  	v5 =	vadd.f32 v11, v5;
	v8 =	vld [tilespmem:s3+$0x7010]  }
0x329: {  	v11 =	vld [tilespmem:s2+$0x7000];
	v7 =	vadd.f32 v9, v7  }
0x32a: {  	v5 =	vadd.f32 v12, v5;
	v9 =	vld [tilespmem:s3+$0x8010]  }
0x32b: {  	v12 =	vld [tilespmem:s2+$0x8000];
	v6 =	vadd.f32 v6, v7  }
0x32c: {  	v5 =	vadd.f32 v10, v5;
	v7 =	vld [tilespmem:s3+$0x9010]  }
0x32d: {  	v10 =	vld [tilespmem:s2+$0x9000];
	v6 =	vadd.f32 v8, v6  }
0x32e: {  	v5 =	vadd.f32 v11, v5;
	v8 =	vld [tilespmem:s3+$0xA010]  }
0x32f: {  	v11 =	vld [tilespmem:s2+$0xA000];
	v6 =	vadd.f32 v9, v6  }
0x330: {  	v5 =	vadd.f32 v12, v5;
	v9 =	vld [tilespmem:s3+$0xB010]  }
0x331: {  	v12 =	vld [tilespmem:s2+$0xB000];
	v6 =	vadd.f32 v7, v6  }
0x332: {  	v5 =	vadd.f32 v10, v5;
	v10 =	vld [tilespmem:s3+$0xC010]  }
0x333: {  	v13 =	vld [tilespmem:s2+$0xC000];
	v6 =	vadd.f32 v8, v6  }
.Ltmp14:
0x334: {  	v8 =	vadd.f32 v11, v5;
	v7 =	vld [tilespmem:s3+$0xD010];
	(pc) =	sbr.rel @p1 .LBB2_30-.Ltmp14, $4  }
0x335: {  	v5 =	vld [tilespmem:s2+$0xD000];
	v9 =	vadd.f32 v9, v6  }
0x336: {  	v12 =	vadd.f32 v12, v8;
	v8 =	vld [tilespmem:s3+$0xE010]  }
0x337: {  	v6 =	vld [tilespmem:s2+$0xE000];
	v11 =	vadd.f32 v10, v9  }
0x338: {  	s8 =	sadd.s32 $0x80, s8;
	v10 =	vadd.f32 v13, v12;
	v9 =	vld [tilespmem:s3+$0xF010]  }
0x339: {  	v12 =	vld [tilespmem:s2+$0xF000];
	v7 =	vadd.f32 v7, v11  }
0x33a: {  	v5 =	vadd.f32 v5, v10  }
0x33b: {  	v7 =	vadd.f32 v8, v7  }
0x33c: {  	v5 =	vadd.f32 v6, v5  }
0x33d: {  	v6 =	vadd.f32 v9, v7  }
0x33e: {  	v5 =	vadd.f32 v12, v5  }
0x33f: {  	[tilespmem:s3+$0x14F10] =	vst v6  }
0x340: {  	s29 =	simm.s32 $0x80;
	s30 =	simm.s32 $0x100;
	s0 =	simm.s32 $0x14F00;
	[tilespmem:s3+$0x14F00] =	vst v5  }
0x341: {  	[spmem:s13] =	stream.strided.scatter [tilespmem:s0], [sflag:$0x3], $0x1000, s30, s29, $0x38;
	[tilespmem:$0x1E000] =	vst v63  }
0x342: {  	_ =	swait.ge [sflag:s18], $0x1000  }
0x343: {  	[sflag:s18] =	ssyncset.done $0x0  }
0x344: {  	[sflag:s18] =	ssyncadd.s32 $0xFFFFF000  }
0x345: {  	[bflag:$0x0] =	sbarrier.arrive $0xFFFF  }
0x346: {  	s5 =	simm.s32 $0x15F00;
	s31 =	rddreg [dreg:$0x6]  }
0x347: {  	[tilespmem:s5], [sflag:$0x3] =	stream.strided.gather [spmem:s31], $0x1000, s30, s29, $0x38;
	[tilespmem:$0x1E000] =	vst v63  }
0x348: {  	_ =	swait.ge [sflag:s18], $0x1000  }
0x349: {  	[sflag:s18] =	ssyncset.done $0x0  }
0x34a: {  	s0 =	simm.s32 $0x14F20;
	[sflag:s18] =	ssyncadd.s32 $0xFFFFF000  }
0x34b: {  	s2 =	simm.s32 $0x15F20;
	v10 =	vld [tilespmem:s0+$0x10]  }
0x34c: {  	v11 =	vld [tilespmem:s2+$0x10]  }
0x34d: {  	v7 =	vld [tilespmem:s2+$0xFFFFFFE0]  }
0x34e: {  	v5 =	vld [tilespmem:s0+$0xFFFFFFF0]  }
0x34f: {  	v9 =	vld [tilespmem:s2+$0xFFFFFFF0]  }
0x350: {  	v6 =	vld [tilespmem:s0+$0x0]  }
0x351: {  	v8 =	vld [tilespmem:s2+$0x0];
	v11 =	vadd.f32 v11, v10  }
0x352: {  	s3 =	simm.s32 $0x0;
	s5 =	simm.s32 $0x14F60;
	v10 =	vld [tilespmem:s0+$0xFFFFFFE0]  }
.LBB2_32:
0x353: {  	v12 =	vld [tilespmem:s5+$0x10];
	[tilespmem:s0+$0x10] =	vst v11;
	s2 =	sadd.s32 $0x40, s2  }
0x354: {  	s3 =	sadd.s32 $0x4, s3;
	v11 =	vld [tilespmem:s2+$0x10];
	v9 =	vadd.f32 v9, v5  }
0x355: {  	p1 =	slt.u32 s3, $0xFC;
	v13 =	vld [tilespmem:s2+$0xFFFFFFE0]  }
.Ltmp15:
0x356: {  	v5 =	vld [tilespmem:s5+$0xFFFFFFF0];
	[tilespmem:s0+$0xFFFFFFF0] =	vst v9;
	v8 =	vadd.f32 v8, v6;
	(pc) =	sbr.rel @p1 .LBB2_32-.Ltmp15, $4  }
0x357: {  	v9 =	vld [tilespmem:s2+$0xFFFFFFF0];
	v14 =	vadd.f32 v7, v10  }
0x358: {  	v6 =	vld [tilespmem:s5+$0x0];
	[tilespmem:s0+$0x0] =	vst v8  }
0x359: {  	v8 =	vld [tilespmem:s2+$0x0];
	v11 =	vadd.f32 v11, v12;
	[tilespmem:s0+$0xFFFFFFE0] =	vst v14;
	s0 =	smov.u32 s5  }
0x35a: {  	s5 =	sadd.s32 $0x40, s5;
	v10 =	vld [tilespmem:s0+$0xFFFFFFE0];
	v7 =	vmov v13  }
0x35b: {  	_ =	sdelay $0x1  }
0x35c: {  	v5 =	vadd.f32 v9, v5  }
0x35d: {  	[tilespmem:s0+$0x10] =	vst v11;
	v6 =	vadd.f32 v8, v6  }
0x35e: {  	[tilespmem:s0+$0xFFFFFFF0] =	vst v5;
	v5 =	vadd.f32 v7, v10  }
0x35f: {  	[tilespmem:s0+$0x0] =	vst v6  }
0x360: {  	[tilespmem:s0+$0xFFFFFFE0] =	vst v5  }
0x361: {  	s2 =	simm.s32 $0x0;
	[bflag:$0x0] =	sbarrier.arrive $0xFFFF  }
0x362: {  	v5 =	vimm.f32 $0.0e+00;
	s0 =	simm.s32 $0x40;
	v6 =	vld [tilespmem:s2+$0x14F00]  }
.LBB2_34:
0x363: {  	p1 =	sne.s32 s0, $0x3FC0  }
.Ltmp16:
0x364: {  	_ = 	snop;
	(pc) =	sbr.rel @p1 .LBB2_34-.Ltmp16, $3  }
0x365: {  	_ =	sdelay $0x1  }
0x366: {  	s2 =	sshra.s32 s0, $0x2;
	s0 =	sadd.s32 $0x40, s0;
	v5 =	vadd.f32 v6, v5  }
0x367: {  	v6 =	vld [tilespmem:s2+$0x14F00]  }
0x368: {  	_ = 	snop  }
0x369: {  	s0 =	simm.s32 $0x14F00  }
0x36a: {  	v7 =	vld [tilespmem:s0+$0x0];
	_ =	sdelay $0x1  }
0x36b: {  	v5 =	vadd.f32 v6, v5;
	_ =	sdelay $0x1  }
0x36c: {  	s8 =	simm.s32 $0x14F10;
	(xrf2) =	vadd.scan.msk.f32 $0xffff, v5  }
0x36d: {  	v8 =	vld [tilespmem:s8+$0x0];
	(xrf2) =	vadd.scan.msk.f32 $0xffff, v7;
	_ =	sdelay $0x4  }
0x36e: {  	s9 =	simm.s32 $0x14F20;
	(xrf2) =	vadd.scan.msk.f32 $0xffff, v8  }
0x36f: {  	v9 =	vld [tilespmem:s9+$0x0];
	_ =	sdelay $0x2  }
0x370: {  	v5, _, _ =	vpop (xrf2)  }
0x371: {  	v10, _, _ =	vpop (xrf2)  }
0x372: {  	(xrf2) =	vadd.scan.msk.f32 $0xffff, v9;
	(v2sf) =	vpush v10, $0xF;
	_ =	sdelay $0x3  }
0x373: {  	v11, _, _ =	vpop (xrf2)  }
0x374: {  	(v2sf) =	vpush v11, $0xF;
	_ =	sdelay $0x1  }
0x375: {  	s25 =	simm.f32 $0.0e+00  }
0x376: {  	s10 =	simm.s32 $0x14F30;
	v6 =	vbroadcast v5, $0xF;
	v5 =	vadd.f32 s25, v10  }
0x377: {  	v12 =	vld [tilespmem:s10+$0x0]  }
0x378: {  	vm1 =	vgt.f32 v7, $0.0e+00;
	v10 =	vsub.f32 v6, v5;
	v7, _, _ =	vpop (xrf2)  }
0x379: {  	v5 =	vmov s24;
	(v2sf) =	vpush v7, $0xF  }
0x37a: {  	vm1 =	vmmov vm1;
	v10 =	vadd.f32 v10, v5  }
0x37b: {  	vm1 =	vmmov vm1  }
0x37c: {  	vm1 =	vmmov vm1;
	(xrf2) =	vadd.scan.msk.f32 $0xffff, v12;
	vm2 =	vle.f32 v10, v4  }
0x37d: {  	s11 =	simm.s32 $0x14F40;
	vm1 =	vmand vm1, vm2;
	s12 =	spop (v2sf)  }
0x37e: {  	v13 =	vld [tilespmem:s11+$0x0];
	s24 =	simm.s32 $0x0;
	v51 =	vmctz.xlane vm1;
	s0 =	sadd.f32 s12, s25  }
0x37f: {  	v52 =	vor.u32 s24, v0  }
0x380: {  	v14 =	vsel vm1, $0x3F800000, v1;
	vm1 =	veq.s32 v51, v0;
	v11 =	vadd.f32 s0, v11  }
0x381: {  	(xrf0) =	vmax.scan.msk.f32 $0xffff, v14;
	v14 =	vnsel vm1, $0x0, v52  }
0x382: {  	(xrf0) =	vadd.scan.msk.s32 $0xffff, v14;
	s3 =	spop (v2sf);
	v11 =	vsub.f32 v6, v11  }
0x383: {  	(xrf2) =	vadd.scan.msk.f32 $0xffff, v13;
	vm2 =	vgt.f32 v8, $0.0e+00;
	s0 =	sadd.f32 s3, s0  }
0x384: {  	s2 =	simm.s32 $0x14F50;
	vm2 =	vmmov vm2;
	v11 =	vadd.f32 v11, v5  }
0x385: {  	vm3 =	vgt.f32 v9, $0.0e+00;
	v9 =	vld [tilespmem:s2+$0x0];
	vm2 =	vmmov vm2;
	v7 =	vadd.f32 s0, v7  }
0x386: {  	v8, _, _ =	vpop (xrf2);
	vm2 =	vmmov vm2;
	v10 =	vnsel vm1, $0x0, v10;
	vm1 =	vle.f32 v11, v4  }
0x387: {  	(v2sf) =	vpush v8, $0xF;
	(xrf2) =	vadd.scan.msk.f32 $0xffff, v10;
	v53, _, _ =	vpop (xrf0);
	v7 =	vsub.f32 v6, v7;
	vm1 =	vmand vm2, vm1  }
0x388: {  	(v2sf) =	vpush v53, $0xF;
	v55, _, _ =	vpop (xrf0);
	s19 =	spop (v2sf);
	v10 =	vmctz.xlane vm1  }
0x389: {  	s14 =	simm.s32 $0x10;
	(v2sf) =	vpush v55, $0xF;
	v7 =	vadd.f32 v7, v5;
	vm2 =	vmmov vm3;
	s0 =	sadd.f32 s19, s0  }
0x38a: {  	(xrf2) =	vadd.scan.msk.f32 $0xffff, v9;
	v54 =	vsel vm1, $0x3F800000, v1;
	vm1 =	veq.s32 v10, v0;
	v10 =	vor.u32 s14, v0  }
0x38b: {  	vm2 =	vmmov vm2;
	(xrf0) =	vmax.scan.msk.f32 $0xffff, v54;
	v8 =	vadd.f32 s0, v8;
	v10 =	vnsel vm1, $0x0, v10  }
0x38c: {  	s20 =	simm.s32 $0x20;
	v11 =	vnsel vm1, $0x0, v11;
	vm1 =	vmmov vm2;
	vm2 =	vle.f32 v7, v4;
	(xrf0) =	vadd.scan.msk.s32 $0xffff, v10  }
0x38d: {  	v58 =	vor.u32 s20, v0;
	v56, _, _ =	vpop (xrf2);
	vm3 =	vgt.f32 v12, $0.0e+00;
	(xrf2) =	vadd.scan.msk.f32 $0xffff, v11;
	vm1 =	vmand vm1, vm2  }
0x38e: {  	vm3 =	vmmov vm3;
	v8 =	vsub.f32 v6, v8;
	v10 =	vmctz.xlane vm1  }
0x38f: {  	s18 =	simm.s32 $0x14F60;
	vm4 =	vgt.f32 v13, $0.0e+00;
	(v2sf) =	vpush v56, $0xF;
	vm3 =	vmmov vm3  }
0x390: {  	v57 =	vld [tilespmem:s18+$0x0];
	vm3 =	vmmov vm3;
	vm2 =	vmmov vm4;
	v8 =	vadd.f32 v8, v5  }
0x391: {  	vm4 =	vgt.f32 v9, $0.0e+00;
	v9 =	vsel vm1, $0x3F800000, v1;
	v11, _, _ =	vpop (xrf2);
	vm1 =	veq.s32 v10, v0  }
0x392: {  	(v2sf) =	vpush v11, $0xF;
	v11 =	vnsel vm1, $0x0, v58;
	vm5 =	vle.f32 v8, v4;
	v10, _, _ =	vpop (xrf0);
	(xrf0) =	vmax.scan.msk.f32 $0xffff, v9  }
0x393: {  	vm5 =	vmand vm3, vm5;
	(v2sf) =	vpush v10, $0xF;
	v10, _, _ =	vpop (xrf0);
	(xrf0) =	vadd.scan.msk.s32 $0xffff, v11  }
0x394: {  	(v2sf) =	vpush v10, $0xF;
	v10 =	vmctz.xlane vm5  }
0x395: {  	(xrf2) =	vadd.scan.msk.f32 $0xffff, v57  }
0x396: {  	v11 =	vnsel vm1, $0x0, v7;
	v7, _, _ =	vpop (xrf2)  }
0x397: {  	s21 =	simm.s32 $0x14F70;
	s30 =	spop (v2sf);
	vm4 =	vmmov vm4;
	(v2sf) =	vpush v7, $0xF;
	v59, _, _ =	vpop (xrf2)  }
0x398: {  	s5 =	spop (v2sf);
	v9 =	vld [tilespmem:s21+$0x0];
	vm1 =	vmmov vm4;
	vm4 =	veq.s32 v10, v0;
	(v2sf) =	vpush v59, $0xF;
	v10, _, _ =	vpop (xrf0)  }
0x399: {  	(xrf2) =	vadd.scan.msk.f32 $0xffff, v11;
	(v2sf) =	vpush v10, $0xF;
	v10, _, _ =	vpop (xrf0)  }
0x39a: {  	s12 =	sadd.f32 s30, s0;
	s0 =	spop (v2sf);
	(v2sf) =	vpush v10, $0xF  }
0x39b: {  	_ = 	snop  }
0x39c: {  	p1 =	por $0x0, $0x0;
	s31 =	simm.s32 $0x30;
	s28 =	simm.s32 $0x70;
	v11 =	vadd.f32 s12, v56  }
0x39d: {  	s29 =	simm.s32 $0x80;
	s10 =	simm.s32 $0x40;
	v61 =	vor.u32 s31, v0;
	p2 =	sgt.f32 s5, $0.0e+00;
	v60 =	vsel vm5, $0x3F800000, v1;
	(xrf2) =	vadd.scan.msk.f32 $0xffff, v9  }
0x39e: {  	s8 =	simm.s32 $0x90;
	p3 =	por !p1, !p1;
	s2 =	simm.s32 $0x60;
	vm2 =	vmmov vm2;
	v11 =	vsub.f32 v6, v11;
	v63 =	vnsel vm4, $0x0, v8;
	(xrf0) =	vmax.scan.msk.f32 $0xffff, v60  }
0x39f: {  	vm6 =	vgt.f32 v57, $0.0e+00;
	s3 =	simm.s32 $0x50;
	s5 =	simm.s32 $0x14F80;
	p3 =	por !p2, !p3;
	vm3 =	vmmov vm2;
	v62 =	vnsel vm4, $0x0, v61;
	v10, _, _ =	vpop (xrf2);
	(xrf2) =	vadd.scan.msk.f32 $0xffff, v63  }
0x3a0: {  	p1 =	por p1, p2;
	vm2 =	vmmov vm6;
	s9 =	spop (v2sf);
	p2 =	por !p3, !p3;
	vm4 =	vgt.f32 v9, $0.0e+00;
	v8 =	vld [tilespmem:s5+$0x0];
	v9 =	vadd.f32 v11, v5;
	(xrf0) =	vadd.scan.msk.s32 $0xffff, v62  }
.LBB2_36:
0x3a1: {  	s12 =	sadd.f32 s9, s12  }
0x3a2: {  	(v2sf) =	vpush v10, $0xF;
	vm5 =	vle.f32 v9, v4;
	s24 =	smov.u32 @p2 s0;
	s11 =	smov.u32 s8;
	s14 =	sadd.s32 $0x10, s8  }
0x3a3: {  	p3 =	sne.s32 s8, $0xFF0;
	vm5 =	vmand vm3, vm5;
	v11, _, _ =	vpop (xrf2);
	s0 =	spop (v2sf);
	vm3 =	vmmov vm1;
	vm1 =	vmmov vm2  }
0x3a4: {  	p4 =	por !p1, !p1;
	v12 =	vadd.f32 s12, v7;
	v15 =	vmctz.xlane vm5;
	(v2sf) =	vpush v11, $0xF;
	s25 =	smov.u32 @p2 s0;
	v7 =	vmovc v10  }
.Ltmp17:
0x3a5: {  	vm2 =	vmmov vm4;
	v10 =	vsel vm5, $0x3F800000, v1;
	v11 =	vor.u32 s10, v0;
	s10 =	smov.u32 s3;
	v14, _, _ =	vpop (xrf0);
	s0 =	spop (v2sf);
	(pc) =	sbr.rel @p3 .LBB2_36-.Ltmp17, $4  }
0x3a6: {  	s3 =	smov.u32 s2;
	(xrf2) =	vadd.scan.msk.f32 $0xffff, v8;
	v12 =	vsub.f32 v6, v12;
	vm4 =	veq.s32 v15, v0;
	(v2sf) =	vpush v14, $0xF;
	v13, _, _ =	vpop (xrf0);
	p2 =	sgt.f32 s0, $0.0e+00;
	s0 =	spop (v2sf)  }
0x3a7: {  	s5 =	sadd.s32 $0x10, s5;
	s2 =	smov.u32 s28;
	s28 =	smov.u32 s29;
	v11 =	vnsel vm4, $0x0, v11;
	v14 =	vnsel vm4, $0x0, v9;
	(xrf0) =	vmax.scan.msk.f32 $0xffff, v10;
	(v2sf) =	vpush v13, $0xF  }
0x3a8: {  	s8 =	smov.u32 s14;
	vm4 =	vgt.f32 v8, $0.0e+00;
	v10, _, _ =	vpop (xrf2);
	v9 =	vadd.f32 v12, v5;
	(xrf0) =	vadd.scan.msk.s32 $0xffff, v11;
	p4 =	por !p2, !p4;
	p1 =	por p1, p2  }
0x3a9: {  	s29 =	smov.u32 s11;
	v8 =	vld [tilespmem:s5+$0x0];
	s9 =	spop (v2sf);
	(xrf2) =	vadd.scan.msk.f32 $0xffff, v14;
	p2 =	por !p4, !p4  }
0x3aa: {  	_ =	sdelay $0x2  }
0x3ab: {  	(v2sf) =	vpush v10, $0xF;
	v11, _, _ =	vpop (xrf2)  }
0x3ac: {  	(v2sf) =	vpush v11, $0xF;
	v47, _, _ =	vpop (xrf0)  }
0x3ad: {  	(v2sf) =	vpush v47, $0xF;
	v48, _, _ =	vpop (xrf0)  }
0x3ae: {  	(v2sf) =	vpush v48, $0xF;
	v49, _, _ =	vpop (xrf2)  }
0x3af: {  	(v2sf) =	vpush v49, $0xF  }
0x3b0: {  	s9 =	sadd.f32 s9, s12;
	vm5 =	vle.f32 v9, v4;
	(xrf2) =	vadd.scan.msk.f32 $0xffff, v8  }
0x3b1: {  	vm3 =	vmand vm3, vm5  }
0x3b2: {  	s5 =	spop (v2sf);
	v7 =	vadd.f32 s9, v7;
	v13 =	vmctz.xlane vm3  }
0x3b3: {  	v50 =	vor.u32 s10, v0;
	s8 =	spop (v2sf)  }
0x3b4: {  	s20 =	spop (v2sf);
	v12 =	vsel vm3, $0x3F800000, v1;
	v7 =	vsub.f32 v6, v7;
	vm3 =	veq.s32 v13, v0  }
0x3b5: {  	(xrf0) =	vmax.scan.msk.f32 $0xffff, v12;
	v12 =	vnsel vm3, $0x0, v50;
	s18 =	spop (v2sf)  }
0x3b6: {  	v7 =	vadd.f32 v7, v5;
	(xrf0) =	vadd.scan.msk.s32 $0xffff, v12;
	s9 =	sadd.f32 s18, s9  }
0x3b7: {  	s11 =	spop (v2sf)  }
0x3b8: {  	vm1 =	vmmov vm1;
	vm11 =	vle.f32 v7, v4;
	v51 =	vadd.f32 s9, v10;
	s14 =	spop (v2sf)  }
0x3b9: {  	v53 =	vnsel vm3, $0x0, v9;
	v52, _, _ =	vpop (xrf2);
	vm1 =	vmand vm1, vm11;
	s31 =	spop (v2sf)  }
0x3ba: {  	v14 =	vor.u32 s3, v0;
	v55 =	vmctz.xlane vm1;
	v10 =	vsub.f32 v6, v51;
	s19 =	spop (v2sf);
	v54, _, _ =	vpop (xrf2);
	(xrf2) =	vadd.scan.msk.f32 $0xffff, v53  }
0x3bb: {  	vm2 =	vmmov vm2;
	vm4 =	vmmov vm4;
	(v2sf) =	vpush v52, $0xF;
	v56, _, _ =	vpop (xrf0);
	s12 =	spop (v2sf);
	s18 =	sadd.f32 s19, s9  }
0x3bc: {  	(v2sf) =	vpush v56, $0xF;
	vm3 =	veq.s32 v55, v0;
	v59, _, _ =	vpop (xrf0);
	v57 =	vadd.f32 v10, v5;
	s21 =	spop (v2sf)  }
0x3bd: {  	v7 =	vnsel vm3, $0x0, v7;
	(v2sf) =	vpush v59, $0xF;
	v11 =	vadd.f32 s18, v49;
	s30 =	spop (v2sf)  }
0x3be: {  	vm13 =	vle.f32 v57, v4;
	(xrf2) =	vadd.scan.msk.f32 $0xffff, v7;
	v7 =	vsel vm1, $0x3F800000, v1;
	vm1 =	vmmov vm2;
	s10 =	spop (v2sf)  }
0x3bf: {  	(xrf0) =	vmax.scan.msk.f32 $0xffff, v7;
	v7 =	vnsel vm3, $0x0, v14;
	vm1 =	vmand vm1, vm13;
	v58 =	vsub.f32 v6, v11;
	s9 =	sadd.f32 s10, s18  }
0x3c0: {  	vm12 =	vgt.f32 v8, $0.0e+00;
	(v2sf) =	vpush v54, $0xF;
	(xrf0) =	vadd.scan.msk.s32 $0xffff, v7;
	v7 =	vmctz.xlane vm1  }
0x3c1: {  	vm2 =	vmmov vm4;
	v8 =	vadd.f32 v58, v5;
	v15 =	vadd.f32 s9, v54  }
0x3c2: {  	vm3 =	vmmov vm12;
	vm2 =	vmmov vm2;
	v60 =	vsel vm1, $0x3F800000, v1  }
0x3c3: {  	vm14 =	veq.s32 v7, v0;
	vm1 =	vle.f32 v8, v4;
	v6 =	vsub.f32 v6, v15  }
0x3c4: {  	v9 =	vnsel vm14, $0x0, v57;
	vm1 =	vmand vm2, vm1;
	vm2 =	vmmov vm3;
	v7, _, _ =	vpop (xrf2)  }
0x3c5: {  	(xrf0) =	vmax.scan.msk.f32 $0xffff, v60;
	v61 =	vmctz.xlane vm1;
	(v2sf) =	vpush v7, $0xF;
	v7, _, _ =	vpop (xrf0);
	v5 =	vadd.f32 v6, v5  }
0x3c6: {  	v16 =	vor.u32 s2, v0;
	(xrf2) =	vadd.scan.msk.f32 $0xffff, v9;
	vm2 =	vmmov vm2;
	(v2sf) =	vpush v7, $0xF  }
0x3c7: {  	vm3 =	veq.s32 v61, v0;
	v7, _, _ =	vpop (xrf0);
	v6 =	vnsel vm14, $0x0, v16;
	vm15 =	vle.f32 v5, v4  }
0x3c8: {  	(v2sf) =	vpush v7, $0xF;
	v7, _, _ =	vpop (xrf2);
	(xrf0) =	vadd.scan.msk.s32 $0xffff, v6;
	v6 =	vnsel vm3, $0x0, v8;
	vm2 =	vmand vm2, vm15  }
0x3c9: {  	(v2sf) =	vpush v7, $0xF;
	(xrf2) =	vadd.scan.msk.f32 $0xffff, v6;
	v7 =	vmctz.xlane vm2  }
0x3ca: {  	v62 =	vor.u32 s28, v0;
	v6 =	vsel vm1, $0x3F800000, v1  }
0x3cb: {  	v8 =	vnsel vm3, $0x0, v62;
	(xrf0) =	vmax.scan.msk.f32 $0xffff, v6;
	vm1 =	veq.s32 v7, v0  }
0x3cc: {  	v63, _, _ =	vpop (xrf0);
	(xrf0) =	vadd.scan.msk.s32 $0xffff, v8;
	v6 =	vsel vm2, $0x3F800000, v1;
	v5 =	vnsel vm1, $0x0, v5  }
0x3cd: {  	(xrf0) =	vmax.scan.msk.f32 $0xffff, v6  }
0x3ce: {  	v6 =	vor.u32 s29, v0;
	(xrf2) =	vadd.scan.msk.f32 $0xffff, v5  }
0x3cf: {  	(v2sf) =	vpush v63, $0xF;
	v6 =	vnsel vm1, $0x0, v6;
	v5, _, _ =	vpop (xrf0)  }
0x3d0: {  	p4 =	por !p1, !p1;
	p3 =	sgt.f32 s8, $0.0e+00;
	(v2sf) =	vpush v5, $0xF;
	v5, _, _ =	vpop (xrf2)  }
0x3d1: {  	s24 =	smov.u32 @p2 s0;
	s25 =	smov.u32 @p2 s5;
	s0 =	spop (v2sf);
	(xrf0) =	vadd.scan.msk.s32 $0xffff, v6;
	(v2sf) =	vpush v5, $0xF;
	v5, _, _ =	vpop (xrf0)  }
0x3d2: {  	p4 =	por !p3, !p4;
	p3 =	por p1, p3;
	s19 =	spop (v2sf);
	v6, _, _ =	vpop (xrf0);
	(v2sf) =	vpush v5, $0xF  }
0x3d3: {  	p2 =	por !p4, !p4;
	p4 =	sgt.f32 s14, $0.0e+00;
	s3 =	spop (v2sf);
	v5, _, _ =	vpop (xrf2);
	(v2sf) =	vpush v6, $0xF  }
0x3d4: {  	p5 =	por !p3, !p3;
	s24 =	smov.u32 @p2 s20;
	s20 =	spop (v2sf);
	(v2sf) =	vpush v5, $0xF;
	v5, _, _ =	vpop (xrf0)  }
0x3d5: {  	s25 =	smov.u32 @p2 s11;
	p2 =	por !p4, !p5;
	s5 =	spop (v2sf);
	(v2sf) =	vpush v5, $0xF  }
0x3d6: {  	p1 =	por p3, p4;
	p2 =	por !p2, !p2;
	p6 =	sgt.f32 s21, $0.0e+00  }
0x3d7: {  	p5 =	por !p1, !p1;
	s24 =	smov.u32 @p2 s31;
	s25 =	smov.u32 @p2 s12;
	v5, _, _ =	vpop (xrf0)  }
0x3d8: {  	p4 =	por !p6, !p5;
	p1 =	por p1, p6;
	s28 =	spop (v2sf);
	(v2sf) =	vpush v5, $0xF;
	v5, _, _ =	vpop (xrf2)  }
0x3d9: {  	p2 =	por !p4, !p4;
	p6 =	sgt.f32 s19, $0.0e+00;
	s9 =	spop (v2sf);
	(v2sf) =	vpush v5, $0xF  }
0x3da: {  	p5 =	por !p1, !p1;
	s24 =	smov.u32 @p2 s30  }
0x3db: {  	s25 =	smov.u32 @p2 s0;
	s0 =	simm.s32 $0x40;
	p4 =	por !p6, !p5  }
0x3dc: {  	p1 =	por p1, p6;
	p3 =	por !p4, !p4;
	p6 =	sgt.f32 s28, $0.0e+00  }
0x3dd: {  	p5 =	por !p1, !p1;
	s24 =	smov.u32 @p3 s3;
	s2 =	spop (v2sf)  }
0x3de: {  	s25 =	smov.u32 @p3 s5;
	s29 =	spop (v2sf);
	p2 =	por !p6, !p5  }
0x3df: {  	p1 =	por p1, p6;
	p2 =	por !p2, !p2;
	s3 =	spop (v2sf)  }
0x3e0: {  	p6 =	sgt.f32 s29, $0.0e+00;
	p4 =	por !p1, !p1;
	s5 =	spop (v2sf)  }
0x3e1: {  	s24 =	smov.u32 @p2 s9;
	s25 =	smov.u32 @p2 s2;
	s30 =	spop (v2sf)  }
0x3e2: {  	p5 =	por !p6, !p4;
	p1 =	por p1, p6;
	s8 =	spop (v2sf)  }
0x3e3: {  	[tilespmem:s0+$0xFFFFFFC0] =	vst v1;
	p2 =	por !p5, !p5;
	p6 =	sgt.f32 s30, $0.0e+00;
	s2 =	spop (v2sf)  }
0x3e4: {  	[tilespmem:s0+$0x30] =	vst v1;
	p5 =	por !p1, !p1;
	s24 =	smov.u32 @p2 s3;
	s31 =	spop (v2sf)  }
0x3e5: {  	[tilespmem:s0+$0x20] =	vst v1;
	p4 =	por !p6, !p5;
	p1 =	por p1, p6;
	p6 =	sgt.f32 s31, $0.0e+00  }
0x3e6: {  	[tilespmem:s0+$0x10] =	vst v1;
	s25 =	smov.u32 @p2 s5;
	p2 =	por !p4, !p4;
	p1 =	por !p1, !p1  }
0x3e7: {  	[tilespmem:s0+$0x0] =	vst v1;
	s3 =	spop (v2sf);
	s24 =	smov.u32 @p2 s8;
	p1 =	por !p6, !p1  }
0x3e8: {  	[tilespmem:s0+$0xFFFFFFF0] =	vst v1;
	s25 =	smov.u32 @p2 s2;
	s2 =	spop (v2sf);
	p1 =	por !p1, !p1  }
0x3e9: {  	[tilespmem:s0+$0xFFFFFFE0] =	vst v1;
	s24 =	smov.u32 @p1 s3;
	s25 =	smov.u32 @p1 s2;
	s2 =	simm.s32 $0x0  }
.LBB2_38:
0x3ea: {  	s2 =	sadd.s32 $0x8, s2;
	[tilespmem:s0+$0xFFFFFFD0] =	vst v1;
	s0 =	sadd.s32 $0x80, s0  }
0x3eb: {  	[tilespmem:s0+$0xFFFFFFC0] =	vst v1;
	p1 =	slt.u32 s2, $0xFF8  }
0x3ec: {  	[tilespmem:s0+$0x30] =	vst v1  }
.Ltmp18:
0x3ed: {  	[tilespmem:s0+$0x20] =	vst v1;
	(pc) =	sbr.rel @p1 .LBB2_38-.Ltmp18, $4  }
0x3ee: {  	[tilespmem:s0+$0x10] =	vst v1  }
0x3ef: {  	[tilespmem:s0+$0x0] =	vst v1  }
0x3f0: {  	[tilespmem:s0+$0xFFFFFFF0] =	vst v1  }
0x3f1: {  	[tilespmem:s0+$0xFFFFFFE0] =	vst v1  }
0x3f2: {  	p1 =	sgt.s32 s26, $0x6000  }
.Ltmp19:
0x3f3: {  	_ = 	snop;
	(pc) =	sbr.rel @p1 .LBB2_47-.Ltmp19, $4  }
0x3f4: {  	_ = 	snop  }
0x3f5: {  	s2 =	sshll.u32 s23, $0xC  }
0x3f6: {  	s2 =	sor.u32 s2, s24  }
0x3f7: {  	[tilespmem:s0+$0xFFFFFFD0] =	vst v1;
	s10 =	simm.s32 $0x3;
	v5 =	vmov s2  }
0x3f8: {  	s0 =	sadd.s32 $0xF, s26  }
0x3f9: {  	s2 =	sshra.s32 s0, $0x4  }
0x3fa: {  	p1 =	slt.s32 s2, $0x1  }
.Ltmp20:
0x3fb: {  	_ = 	snop;
	(pc) =	sbr.rel @p1 .LBB2_53-.Ltmp20, $1  }
0x3fc: {  	_ =	sdelay $0x3  }
0x3fd: {  	p2 =	seq.s32 s2, $0x1  }
.Ltmp21:
0x3fe: {  	_ = 	snop;
	(pc) =	sbr.rel @p2 .LBB2_42-.Ltmp21, $3  }
0x3ff: {  	_ =	sdelay $0x1  }
0x400: {  	s3 =	simm.s32 $0x17000  }
0x401: {  	v3 =	vmov s26;
	s0 =	simm.s32 $0x0;
	s2 =	sadd.s32 $0xFFFFFFFF, s2;
	p1 =	por $0x0, $0x0;
	v6 =	vld [tilespmem:s3+$0x0]  }
0x402: {  	_ =	sdelay $0x3  }
0x403: {  	v7 =	vmul.f32 $1.442695020e+00, v6;
	_ =	sdelay $0x1  }
0x404: {  	(erf) = vpow2.f32 v7;
	_ =	sdelay $0x1  }
0x405: {  	v7 =	vshra.s32 v6, $0x1F  }
0x406: {  	v7 =	vor.u32 $0x80000000, v7  }
0x407: {  	v6 =	vxor.u32 v6, v7  }
0x408: {  	v7 =	vand.u32 $0xFF, v6  }
0x409: {  	v6 =	vshrl.u32 v6, $0x8;
	v7 =	vor.u32 v2, v7  }
0x40a: {  	v8 =	vor.u32 s0, v0;
	p2 =	seq.s32 s2, $0x1  }
.Ltmp22:
0x40b: {  	vm2 =	vlt.s32 v8, v3;
	vm1 =	veq.s32 v6, v5;
	(pc) =	sbr.rel @p2 .LBB2_44-.Ltmp22, $4  }
0x40c: {  	vm1 =	vmand vm2, vm1;
	v6 =	vpop (erf)  }
0x40d: {  	v6 =	vnsel vm1, $0x0, v6  }
0x40e: {  	s3 =	simm.s32 $0x17010;
	[tilespmem:v7+s4+$0x0] =	vst.idx.add.f32.msk $0xffff, v6  }
0x40f: {  	s5 =	sadd.s32 $0xFFFFFFFF, s2;
	p1 =	por $0x1, $0x1;
	s2 =	simm.s32 $0x0;
	v6 =	vld [tilespmem:s3+$0x0]  }
.LBB2_45:
0x410: {  	p2 =	seq.s32 s5, $0x1;
	_ =	sdelay $0x3  }
0x411: {  	v7 =	vmul.f32 $1.442695020e+00, v6;
	_ =	sdelay $0x1  }
0x412: {  	(erf) = vpow2.f32 v7;
	_ =	sdelay $0x1  }
0x413: {  	v7 =	vshra.s32 v6, $0x1F  }
0x414: {  	v7 =	vor.u32 $0x80000000, v7  }
0x415: {  	v6 =	vxor.u32 v6, v7  }
0x416: {  	v7 =	vand.u32 $0xFF, v6  }
0x417: {  	s2 =	sadd.s32 $0x10, s2;
	v7 =	vor.u32 v2, v7  }
0x418: {  	v8 =	vor.u32 s2, v0;
	v9 =	vshrl.u32 v6, $0x8  }
.Ltmp23:
0x419: {  	vm2 =	vlt.s32 v8, v3;
	vm1 =	veq.s32 v9, v5;
	(pc) =	sbr.rel @!p2 .LBB2_45-.Ltmp23, $4  }
0x41a: {  	vm1 =	vmand vm2, vm1;
	v6 =	vpop (erf)  }
0x41b: {  	v6 =	vnsel vm1, $0x0, v6  }
0x41c: {  	s3 =	sadd.s32 $0x10, s3;
	[tilespmem:v7+s4+$0x0] =	vst.idx.add.f32.msk $0xffff, v6  }
0x41d: {  	s5 =	sadd.s32 $0xFFFFFFFF, s5;
	v6 =	vld [tilespmem:s3+$0x0]  }
.LBB2_46:
0x41e: {  	_ =	sdelay $0x3  }
0x41f: {  	v7 =	vmul.f32 $1.442695020e+00, v6;
	_ =	sdelay $0x1  }
0x420: {  	(erf) = vpow2.f32 v7;
	_ =	sdelay $0x1  }
0x421: {  	v7 =	vshra.s32 v6, $0x1F  }
0x422: {  	v7 =	vor.u32 $0x80000000, v7  }
0x423: {  	v6 =	vxor.u32 v6, v7  }
0x424: {  	s2 =	sadd.s32 @p1 $0x10, s2;
	v7 =	vand.u32 $0xFF, v6  }
0x425: {  	s0 =	smov.u32 @p1 s2;
	v7 =	vor.u32 v2, v7  }
.Ltmp24:
0x426: {  	v8 =	vor.u32 s0, v0;
	v6 =	vshrl.u32 v6, $0x8;
	(pc) =	sbr.rel .LBB2_53-.Ltmp24, $4  }
0x427: {  	vm2 =	vlt.s32 v8, v3;
	vm1 =	veq.s32 v6, v5  }
0x428: {  	vm1 =	vmand vm2, vm1;
	v3 =	vpop (erf)  }
0x429: {  	v3 =	vnsel vm1, $0x0, v3  }
0x42a: {  	[tilespmem:v7+s4+$0x0] =	vst.idx.add.f32.msk $0xffff, v3  }
.LBB2_47:
0x42b: {  	s26 =	simm.s32 $0x0;
	s0 =	simm.s32 $0x10000  }
0x42c: {  	[tilespmem:s0], [sflag:$0x1] =	stream.linear.gather [hbm4b:s22+s26], $0x2710, $0x38;
	[tilespmem:$0x1E000] =	vst v63  }
.LBB2_48:
0x42d: {  	s28 =	smul.u32 $0x4E20, s26;
	_ =	sdelay $0x1  }
0x42e: {  	s0 =	sadd.s32 s28, s6  }
0x42f: {  	s0 =	sshrl.u32 s0, $0x3  }
0x430: {  	s0 =	sadd.s32 s1, s0  }
0x431: {  	[tilespmem:s15], [sflag:$0x2] =	stream.linear.gather [hbm4b:s0+s4], $0x2710, $0x38;
	[tilespmem:$0x1E000] =	vst v63  }
0x432: {  	_ =	swait.ge [sflag:s16], $0x2710  }
0x433: {  	[sflag:s16] =	ssyncset.done $0x0  }
0x434: {  	s31 =	simm.s32 $0x10040;
	[sflag:s16] =	ssyncadd.s32 $0xFFFFD8F0  }
0x435: {  	v6 =	vld [tilespmem:s31+$0x30]  }
0x436: {  	v7 =	vld [tilespmem:s31+$0xFFFFFFD0]  }
0x437: {  	v8 =	vld [tilespmem:s31+$0xFFFFFFE0]  }
0x438: {  	v9 =	vld [tilespmem:s31+$0xFFFFFFF0]  }
0x439: {  	v10 =	vld [tilespmem:s31+$0x0]  }
0x43a: {  	v11 =	vld [tilespmem:s31+$0x10]  }
0x43b: {  	v12 =	vld [tilespmem:s31+$0x20]  }
0x43c: {  	v13 =	vld [tilespmem:s31+$0xFFFFFFC0]  }
0x43d: {  	v6 =	vmul.f32 v6, v3  }
0x43e: {  	v7 =	vmul.f32 v7, v3;
	v8 =	vmul.f32 v8, v3  }
0x43f: {  	v9 =	vmul.f32 v9, v3;
	v10 =	vmul.f32 v10, v3  }
0x440: {  	v11 =	vmul.f32 v11, v3;
	v14 =	vmul.f32 $1.442695020e+00, v6  }
0x441: {  	v12 =	vmul.f32 v12, v3;
	v13 =	vmul.f32 v13, v3;
	v15 =	vshra.s32 v7, $0x1F  }
0x442: {  	v16 =	vmul.f32 $1.442695020e+00, v7;
	v17 =	vshra.s32 v8, $0x1F;
	(erf) = vpow2.f32 v14  }
0x443: {  	v18 =	vshra.s32 v9, $0x1F;
	v19 =	vmul.f32 $1.442695020e+00, v9;
	v21 =	vmul.f32 $1.442695020e+00, v10  }
0x444: {  	v20 =	vshra.s32 v6, $0x1F;
	v22 =	vmul.f32 $1.442695020e+00, v11;
	v23 =	vmul.f32 $1.442695020e+00, v12  }
0x445: {  	v20 =	vor.u32 $0x80000000, v20;
	v15 =	vor.u32 $0x80000000, v15;
	v14 =	vmul.f32 $1.442695020e+00, v8  }
0x446: {  	v6 =	vxor.u32 v6, v20;
	v20 =	vmul.f32 $1.442695020e+00, v13;
	(erf) = vpow2.f32 v16  }
0x447: {  	v25 =	vshra.s32 v11, $0x1F;
	v15 =	vxor.u32 v7, v15;
	(erf) = vpow2.f32 v14  }
0x448: {  	v24 =	vand.u32 $0xFF, v6;
	v6 =	vshrl.u32 v6, $0x8;
	(erf) = vpow2.f32 v20  }
0x449: {  	v16 =	vshra.s32 v13, $0x1F;
	v63 =	vshrl.u32 v15, $0x8;
	(erf) = vpow2.f32 v19  }
0x44a: {  	v24 =	vor.u32 v2, v24;
	v14 =	vshra.s32 v10, $0x1F;
	(erf) = vpow2.f32 v21  }
0x44b: {  	v16 =	vor.u32 $0x80000000, v16;
	vm1 =	veq.s32 v6, v5;
	v6 =	vpop (erf);
	(erf) = vpow2.f32 v22  }
0x44c: {  	v21 =	vnsel vm1, $0x0, v6;
	v6 =	vor.u32 $0x80000000, v17;
	(erf) = vpow2.f32 v23  }
0x44d: {  	vm2 =	veq.s32 v63, v5;
	v20 =	vshra.s32 v12, $0x1F;
	v14 =	vor.u32 $0x80000000, v14  }
0x44e: {  	v13 =	vxor.u32 v13, v16;
	v19 =	vor.u32 $0x80000000, v20;
	v17 =	vor.u32 $0x80000000, v18  }
0x44f: {  	v10 =	vxor.u32 v10, v14;
	v14 =	vand.u32 $0xFF, v13;
	v16 =	vxor.u32 v8, v6;
	v6 =	vpop (erf)  }
0x450: {  	v26 =	vxor.u32 v12, v19;
	v18 =	vor.u32 $0x80000000, v25;
	v23 =	vshrl.u32 v13, $0x8;
	v7 =	vpop (erf)  }
0x451: {  	v20 =	vxor.u32 v9, v17;
	v22 =	vxor.u32 v11, v18;
	v11 =	vshrl.u32 v10, $0x8;
	v17 =	vpop (erf)  }
0x452: {  	v8 =	vshrl.u32 v26, $0x8;
	v18 =	vand.u32 $0xFF, v15;
	[tilespmem:v24+s4+$0x0] =	vst.idx.add.f32.msk $0xffff, v21;
	v21 =	vand.u32 $0xFF, v10;
	v9 =	vpop (erf)  }
0x453: {  	v10 =	vand.u32 $0xFF, v26;
	vm3 =	veq.s32 v23, v5;
	v27 =	vshrl.u32 v16, $0x8;
	v15 =	vpop (erf)  }
0x454: {  	v13 =	vshrl.u32 v22, $0x8;
	v19 =	vand.u32 $0xFF, v16;
	v16 =	vand.u32 $0xFF, v22;
	v22 =	vpop (erf)  }
0x455: {  	s2 =	simm.s32 $0x100C0;
	s0 =	simm.s32 $0x0;
	v12 =	vshrl.u32 v20, $0x8;
	v20 =	vand.u32 $0xFF, v20;
	vm1 =	veq.s32 v27, v5;
	v23 =	vpop (erf)  }
.LBB2_49:
0x456: {  	v24 =	vld [tilespmem:s2+$0x30];
	s0 =	sadd.s32 $0x8, s0;
	vm4 =	veq.s32 v12, v5;
	vm5 =	veq.s32 v11, v5;
	vm6 =	veq.s32 v13, v5  }
0x457: {  	v12 =	vnsel vm3, $0x0, v17;
	v6 =	vnsel vm2, $0x0, v6;
	vm2 =	veq.s32 v8, v5;
	v11 =	vld [tilespmem:s2+$0xFFFFFFD0];
	p1 =	slt.u32 s0, $0x268  }
0x458: {  	v7 =	vnsel vm1, $0x0, v7;
	v9 =	vnsel vm4, $0x0, v9;
	v13 =	vnsel vm5, $0x0, v15;
	v8 =	vld [tilespmem:s2+$0xFFFFFFE0]  }
0x459: {  	v14 =	vor.u32 v2, v14;
	v17 =	vnsel vm6, $0x0, v22;
	v22 =	vnsel vm2, $0x0, v23;
	v15 =	vld [tilespmem:s2+$0xFFFFFFF0]  }
0x45a: {  	v18 =	vor.u32 v2, v18;
	v19 =	vor.u32 v2, v19;
	v20 =	vor.u32 v2, v20;
	v23 =	vld [tilespmem:s2+$0x0]  }
0x45b: {  	v21 =	vor.u32 v2, v21;
	v16 =	vor.u32 v2, v16;
	v25 =	vld [tilespmem:s2+$0x10];
	v24 =	vmul.f32 v24, v3  }
0x45c: {  	v10 =	vor.u32 v2, v10;
	v11 =	vmul.f32 v11, v3;
	v26 =	vld [tilespmem:s2+$0x20]  }
0x45d: {  	v27 =	vld [tilespmem:s2+$0xFFFFFFC0];
	v8 =	vmul.f32 v8, v3;
	v28 =	vmul.f32 $1.442695020e+00, v24  }
0x45e: {  	v29 =	vshra.s32 v11, $0x1F;
	v30 =	vmul.f32 $1.442695020e+00, v11;
	v15 =	vmul.f32 v15, v3;
	[tilespmem:v14+s4+$0x0] =	vst.idx.add.f32.msk $0xffff, v12  }
0x45f: {  	v12 =	vshra.s32 v8, $0x1F;
	v14 =	vmul.f32 v23, v3;
	(erf) = vpow2.f32 v28;
	[tilespmem:v18+s4+$0x0] =	vst.idx.add.f32.msk $0xffff, v6  }
0x460: {  	v6 =	vmul.f32 $1.442695020e+00, v8;
	v18 =	vshra.s32 v15, $0x1F;
	v23 =	vmul.f32 v25, v3;
	[tilespmem:v19+s4+$0x0] =	vst.idx.add.f32.msk $0xffff, v7  }
0x461: {  	v7 =	vmul.f32 $1.442695020e+00, v15;
	v25 =	vshra.s32 v24, $0x1F;
	v19 =	vmul.f32 v26, v3;
	[tilespmem:v20+s4+$0x0] =	vst.idx.add.f32.msk $0xffff, v9  }
0x462: {  	v20 =	vmul.f32 $1.442695020e+00, v14;
	v25 =	vor.u32 $0x80000000, v25;
	v9 =	vmul.f32 v27, v3;
	[tilespmem:v21+s4+$0x0] =	vst.idx.add.f32.msk $0xffff, v13  }
0x463: {  	v13 =	vmul.f32 $1.442695020e+00, v23;
	v24 =	vxor.u32 v24, v25;
	v21 =	vmul.f32 $1.442695020e+00, v19;
	[tilespmem:v16+s4+$0x0] =	vst.idx.add.f32.msk $0xffff, v17  }
0x464: {  	v17 =	vand.u32 $0xFF, v24;
	v16 =	vmul.f32 $1.442695020e+00, v9;
	(erf) = vpow2.f32 v30;
	[tilespmem:v10+s4+$0x0] =	vst.idx.add.f32.msk $0xffff, v22  }
0x465: {  	v10 =	vshra.s32 v9, $0x1F;
	v17 =	vor.u32 v2, v17;
	(erf) = vpow2.f32 v6  }
0x466: {  	v22 =	vshra.s32 v23, $0x1F;
	v6 =	vshra.s32 v14, $0x1F;
	(erf) = vpow2.f32 v16  }
0x467: {  	v24 =	vshrl.u32 v24, $0x8;
	v16 =	vshra.s32 v19, $0x1F;
	(erf) = vpow2.f32 v7  }
0x468: {  	vm1 =	veq.s32 v24, v5;
	v7 =	vor.u32 $0x80000000, v10;
	(erf) = vpow2.f32 v20;
	v10 =	vpop (erf)  }
0x469: {  	v20 =	vor.u32 $0x80000000, v29;
	v10 =	vnsel vm1, $0x0, v10;
	(erf) = vpow2.f32 v13  }
0x46a: {  	v12 =	vor.u32 $0x80000000, v12;
	v13 =	vor.u32 $0x80000000, v18;
	[tilespmem:v17+s4+$0x0] =	vst.idx.add.f32.msk $0xffff, v10;
	(erf) = vpow2.f32 v21  }
0x46b: {  	v16 =	vor.u32 $0x80000000, v16;
	v17 =	vor.u32 $0x80000000, v6;
	v10 =	vor.u32 $0x80000000, v22  }
0x46c: {  	v9 =	vxor.u32 v9, v7;
	v18 =	vxor.u32 v11, v20;
	v20 =	vxor.u32 v8, v12  }
0x46d: {  	v15 =	vxor.u32 v15, v13;
	v21 =	vxor.u32 v14, v17;
	v10 =	vxor.u32 v23, v10;
	v6 =	vpop (erf)  }
0x46e: {  	v24 =	vshrl.u32 v18, $0x8;
	v22 =	vxor.u32 v19, v16;
	v23 =	vshrl.u32 v9, $0x8;
	v7 =	vpop (erf)  }
.Ltmp25:
0x46f: {  	v25 =	vshrl.u32 v20, $0x8;
	v12 =	vshrl.u32 v15, $0x8;
	v11 =	vshrl.u32 v21, $0x8;
	v17 =	vpop (erf);
	(pc) =	sbr.rel @p1 .LBB2_49-.Ltmp25, $4  }
0x470: {  	v14 =	vand.u32 $0xFF, v9;
	v8 =	vshrl.u32 v22, $0x8;
	v13 =	vshrl.u32 v10, $0x8;
	v9 =	vpop (erf)  }
0x471: {  	v18 =	vand.u32 $0xFF, v18;
	v19 =	vand.u32 $0xFF, v20;
	v20 =	vand.u32 $0xFF, v15;
	v15 =	vpop (erf)  }
0x472: {  	v21 =	vand.u32 $0xFF, v21;
	v16 =	vand.u32 $0xFF, v10;
	v10 =	vand.u32 $0xFF, v22;
	v22 =	vpop (erf)  }
0x473: {  	s2 =	sadd.s32 $0x80, s2;
	vm2 =	veq.s32 v24, v5;
	vm1 =	veq.s32 v25, v5;
	vm3 =	veq.s32 v23, v5;
	v23 =	vpop (erf)  }
0x474: {  	v14 =	vor.u32 v2, v14  }
0x475: {  	v18 =	vor.u32 v2, v18  }
0x476: {  	v19 =	vor.u32 v2, v19  }
0x477: {  	v20 =	vor.u32 v2, v20  }
0x478: {  	v17 =	vnsel vm3, $0x0, v17;
	v21 =	vor.u32 v2, v21  }
0x479: {  	v6 =	vnsel vm2, $0x0, v6;
	v16 =	vor.u32 v2, v16;
	[tilespmem:v14+s4+$0x0] =	vst.idx.add.f32.msk $0xffff, v17  }
0x47a: {  	vm2 =	veq.s32 v12, v5;
	v7 =	vnsel vm1, $0x0, v7;
	v10 =	vor.u32 v2, v10;
	[tilespmem:v18+s4+$0x0] =	vst.idx.add.f32.msk $0xffff, v6  }
0x47b: {  	vm1 =	veq.s32 v11, v5;
	v6 =	vnsel vm2, $0x0, v9;
	[tilespmem:v19+s4+$0x0] =	vst.idx.add.f32.msk $0xffff, v7  }
0x47c: {  	vm2 =	veq.s32 v13, v5;
	v7 =	vnsel vm1, $0x0, v15;
	[tilespmem:v20+s4+$0x0] =	vst.idx.add.f32.msk $0xffff, v6  }
0x47d: {  	vm1 =	veq.s32 v8, v5;
	v6 =	vnsel vm2, $0x0, v22;
	[tilespmem:v21+s4+$0x0] =	vst.idx.add.f32.msk $0xffff, v7  }
0x47e: {  	v7 =	vnsel vm1, $0x0, v23;
	[tilespmem:v16+s4+$0x0] =	vst.idx.add.f32.msk $0xffff, v6  }
0x47f: {  	[tilespmem:v10+s4+$0x0] =	vst.idx.add.f32.msk $0xffff, v7  }
0x480: {  	v6 =	vld [tilespmem:$0x12700];
	_ =	sdelay $0x4  }
0x481: {  	v6 =	vmul.f32 v6, v3;
	_ =	sdelay $0x1  }
0x482: {  	v7 =	vmul.f32 $1.442695020e+00, v6;
	_ =	sdelay $0x1  }
0x483: {  	(erf) = vpow2.f32 v7;
	_ =	sdelay $0x1  }
0x484: {  	v7 =	vshra.s32 v6, $0x1F  }
0x485: {  	v7 =	vor.u32 $0x80000000, v7  }
0x486: {  	v6 =	vxor.u32 v6, v7  }
0x487: {  	v7 =	vand.u32 $0xFF, v6  }
0x488: {  	v7 =	vor.u32 v2, v7;
	_ =	sdelay $0x1  }
0x489: {  	p1 =	seq.s32 s26, $0x18;
	v6 =	vshrl.u32 v6, $0x8  }
0x48a: {  	s0 =	sadd.s32 @!p1 s28, s7;
	vm1 =	veq.s32 v6, v5;
	v8 =	vpop (erf)  }
0x48b: {  	s0 =	sshrl.u32 @!p1 s0, $0x3;
	v6 =	vnsel vm1, $0x0, v8  }
0x48c: {  	s2 =	simm.s32 @!p1 $0x0;
	s3 =	simm.s32 @!p1 $0x10000;
	s0 =	sadd.s32 @!p1 s1, s0;
	[tilespmem:v7+s4+$0x0] =	vst.idx.add.f32.msk $0xffff, v6  }
0x48d: {  	[tilespmem:s3], [sflag:$0x1] =	stream.linear.gather @!p1 [hbm4b:s0+s2], $0x2710, $0x38;
	[tilespmem:$0x1E000] =	vst v63  }
0x48e: {  	_ =	swait.ge [sflag:s17], $0x2710  }
0x48f: {  	[sflag:s17] =	ssyncset.done $0x0  }
0x490: {  	s31 =	simm.s32 $0x127C0;
	[sflag:s17] =	ssyncadd.s32 $0xFFFFD8F0  }
0x491: {  	v6 =	vld [tilespmem:s31+$0x30]  }
0x492: {  	v7 =	vld [tilespmem:s31+$0xFFFFFFD0]  }
0x493: {  	v8 =	vld [tilespmem:s31+$0xFFFFFFE0]  }
0x494: {  	v9 =	vld [tilespmem:s31+$0xFFFFFFF0]  }
0x495: {  	v10 =	vld [tilespmem:s31+$0x0]  }
0x496: {  	v11 =	vld [tilespmem:s31+$0x10]  }
0x497: {  	v12 =	vld [tilespmem:s31+$0x20]  }
0x498: {  	v13 =	vld [tilespmem:s31+$0xFFFFFFC0]  }
0x499: {  	v6 =	vmul.f32 v6, v3  }
0x49a: {  	v7 =	vmul.f32 v7, v3;
	v8 =	vmul.f32 v8, v3  }
0x49b: {  	v9 =	vmul.f32 v9, v3;
	v10 =	vmul.f32 v10, v3  }
0x49c: {  	v11 =	vmul.f32 v11, v3;
	v14 =	vmul.f32 $1.442695020e+00, v6  }
0x49d: {  	v12 =	vmul.f32 v12, v3;
	v13 =	vmul.f32 v13, v3;
	v15 =	vshra.s32 v7, $0x1F  }
0x49e: {  	v16 =	vmul.f32 $1.442695020e+00, v7;
	v17 =	vshra.s32 v8, $0x1F;
	(erf) = vpow2.f32 v14  }
0x49f: {  	v18 =	vshra.s32 v9, $0x1F;
	v19 =	vmul.f32 $1.442695020e+00, v9;
	v21 =	vmul.f32 $1.442695020e+00, v10  }
0x4a0: {  	v20 =	vshra.s32 v6, $0x1F;
	v22 =	vmul.f32 $1.442695020e+00, v11;
	v23 =	vmul.f32 $1.442695020e+00, v12  }
0x4a1: {  	v20 =	vor.u32 $0x80000000, v20;
	v15 =	vor.u32 $0x80000000, v15;
	v14 =	vmul.f32 $1.442695020e+00, v8  }
0x4a2: {  	v6 =	vxor.u32 v6, v20;
	v20 =	vmul.f32 $1.442695020e+00, v13;
	(erf) = vpow2.f32 v16  }
0x4a3: {  	v25 =	vshra.s32 v11, $0x1F;
	v15 =	vxor.u32 v7, v15;
	(erf) = vpow2.f32 v14  }
0x4a4: {  	v24 =	vand.u32 $0xFF, v6;
	v6 =	vshrl.u32 v6, $0x8;
	(erf) = vpow2.f32 v20  }
0x4a5: {  	v16 =	vshra.s32 v13, $0x1F;
	v63 =	vshrl.u32 v15, $0x8;
	(erf) = vpow2.f32 v19  }
0x4a6: {  	v24 =	vor.u32 v2, v24;
	v14 =	vshra.s32 v10, $0x1F;
	(erf) = vpow2.f32 v21  }
0x4a7: {  	v16 =	vor.u32 $0x80000000, v16;
	vm1 =	veq.s32 v6, v5;
	(erf) = vpow2.f32 v22;
	v6 =	vpop (erf)  }
0x4a8: {  	(erf) = vpow2.f32 v23;
	v21 =	vnsel vm1, $0x0, v6;
	v6 =	vor.u32 $0x80000000, v17  }
0x4a9: {  	vm2 =	veq.s32 v63, v5;
	v20 =	vshra.s32 v12, $0x1F;
	v14 =	vor.u32 $0x80000000, v14  }
0x4aa: {  	v13 =	vxor.u32 v13, v16;
	v19 =	vor.u32 $0x80000000, v20;
	v17 =	vor.u32 $0x80000000, v18  }
0x4ab: {  	v10 =	vxor.u32 v10, v14;
	v14 =	vand.u32 $0xFF, v13;
	v16 =	vxor.u32 v8, v6;
	v6 =	vpop (erf)  }
0x4ac: {  	v26 =	vxor.u32 v12, v19;
	v23 =	vshrl.u32 v13, $0x8;
	v18 =	vor.u32 $0x80000000, v25;
	v7 =	vpop (erf)  }
0x4ad: {  	vm3 =	veq.s32 v23, v5;
	v20 =	vxor.u32 v9, v17;
	v22 =	vxor.u32 v11, v18;
	v17 =	vpop (erf)  }
0x4ae: {  	v11 =	vshrl.u32 v10, $0x8;
	v8 =	vshrl.u32 v26, $0x8;
	v18 =	vand.u32 $0xFF, v15;
	v9 =	vpop (erf)  }
0x4af: {  	[tilespmem:v24+s4+$0x0] =	vst.idx.add.f32.msk $0xffff, v21;
	v21 =	vand.u32 $0xFF, v10;
	v10 =	vand.u32 $0xFF, v26;
	v27 =	vshrl.u32 v16, $0x8;
	v15 =	vpop (erf)  }
0x4b0: {  	v13 =	vshrl.u32 v22, $0x8;
	v19 =	vand.u32 $0xFF, v16;
	v16 =	vand.u32 $0xFF, v22;
	v22 =	vpop (erf)  }
0x4b1: {  	s0 =	simm.s32 $0x0;
	s2 =	simm.s32 $0x12840;
	v12 =	vshrl.u32 v20, $0x8;
	v20 =	vand.u32 $0xFF, v20;
	vm1 =	veq.s32 v27, v5;
	v23 =	vpop (erf)  }
.LBB2_51:
0x4b2: {  	v24 =	vld [tilespmem:s2+$0x30];
	s0 =	sadd.s32 $0x8, s0;
	vm4 =	veq.s32 v12, v5;
	vm5 =	veq.s32 v11, v5;
	vm6 =	veq.s32 v13, v5  }
0x4b3: {  	v12 =	vnsel vm3, $0x0, v17;
	v6 =	vnsel vm2, $0x0, v6;
	vm2 =	veq.s32 v8, v5;
	v11 =	vld [tilespmem:s2+$0xFFFFFFD0];
	p1 =	slt.u32 s0, $0x268  }
0x4b4: {  	v7 =	vnsel vm1, $0x0, v7;
	v9 =	vnsel vm4, $0x0, v9;
	v13 =	vnsel vm5, $0x0, v15;
	v8 =	vld [tilespmem:s2+$0xFFFFFFE0]  }
0x4b5: {  	v14 =	vor.u32 v2, v14;
	v17 =	vnsel vm6, $0x0, v22;
	v22 =	vnsel vm2, $0x0, v23;
	v15 =	vld [tilespmem:s2+$0xFFFFFFF0]  }
0x4b6: {  	v18 =	vor.u32 v2, v18;
	v19 =	vor.u32 v2, v19;
	v20 =	vor.u32 v2, v20;
	v23 =	vld [tilespmem:s2+$0x0]  }
0x4b7: {  	v21 =	vor.u32 v2, v21;
	v16 =	vor.u32 v2, v16;
	v25 =	vld [tilespmem:s2+$0x10];
	v24 =	vmul.f32 v24, v3  }
0x4b8: {  	v10 =	vor.u32 v2, v10;
	v11 =	vmul.f32 v11, v3;
	v26 =	vld [tilespmem:s2+$0x20]  }
0x4b9: {  	v27 =	vld [tilespmem:s2+$0xFFFFFFC0];
	v8 =	vmul.f32 v8, v3;
	v28 =	vmul.f32 $1.442695020e+00, v24  }
0x4ba: {  	v29 =	vshra.s32 v11, $0x1F;
	v30 =	vmul.f32 $1.442695020e+00, v11;
	v15 =	vmul.f32 v15, v3;
	[tilespmem:v14+s4+$0x0] =	vst.idx.add.f32.msk $0xffff, v12  }
0x4bb: {  	v12 =	vshra.s32 v8, $0x1F;
	v14 =	vmul.f32 v23, v3;
	(erf) = vpow2.f32 v28;
	[tilespmem:v18+s4+$0x0] =	vst.idx.add.f32.msk $0xffff, v6  }
0x4bc: {  	v6 =	vmul.f32 $1.442695020e+00, v8;
	v18 =	vshra.s32 v15, $0x1F;
	v23 =	vmul.f32 v25, v3;
	[tilespmem:v19+s4+$0x0] =	vst.idx.add.f32.msk $0xffff, v7  }
0x4bd: {  	v7 =	vmul.f32 $1.442695020e+00, v15;
	v25 =	vshra.s32 v24, $0x1F;
	v19 =	vmul.f32 v26, v3;
	[tilespmem:v20+s4+$0x0] =	vst.idx.add.f32.msk $0xffff, v9  }
0x4be: {  	v20 =	vmul.f32 $1.442695020e+00, v14;
	v25 =	vor.u32 $0x80000000, v25;
	v9 =	vmul.f32 v27, v3;
	[tilespmem:v21+s4+$0x0] =	vst.idx.add.f32.msk $0xffff, v13  }
0x4bf: {  	v13 =	vmul.f32 $1.442695020e+00, v23;
	v24 =	vxor.u32 v24, v25;
	v21 =	vmul.f32 $1.442695020e+00, v19;
	[tilespmem:v16+s4+$0x0] =	vst.idx.add.f32.msk $0xffff, v17  }
0x4c0: {  	v17 =	vand.u32 $0xFF, v24;
	v16 =	vmul.f32 $1.442695020e+00, v9;
	(erf) = vpow2.f32 v30;
	[tilespmem:v10+s4+$0x0] =	vst.idx.add.f32.msk $0xffff, v22  }
0x4c1: {  	v10 =	vshra.s32 v9, $0x1F;
	v17 =	vor.u32 v2, v17;
	(erf) = vpow2.f32 v6  }
0x4c2: {  	v22 =	vshra.s32 v23, $0x1F;
	v6 =	vshra.s32 v14, $0x1F;
	(erf) = vpow2.f32 v16  }
0x4c3: {  	v24 =	vshrl.u32 v24, $0x8;
	v16 =	vshra.s32 v19, $0x1F;
	(erf) = vpow2.f32 v7  }
0x4c4: {  	vm1 =	veq.s32 v24, v5;
	v7 =	vor.u32 $0x80000000, v10;
	(erf) = vpow2.f32 v20;
	v10 =	vpop (erf)  }
0x4c5: {  	v20 =	vor.u32 $0x80000000, v29;
	v10 =	vnsel vm1, $0x0, v10;
	(erf) = vpow2.f32 v13  }
0x4c6: {  	v12 =	vor.u32 $0x80000000, v12;
	v13 =	vor.u32 $0x80000000, v18;
	[tilespmem:v17+s4+$0x0] =	vst.idx.add.f32.msk $0xffff, v10;
	(erf) = vpow2.f32 v21  }
0x4c7: {  	v16 =	vor.u32 $0x80000000, v16;
	v17 =	vor.u32 $0x80000000, v6;
	v10 =	vor.u32 $0x80000000, v22  }
0x4c8: {  	v9 =	vxor.u32 v9, v7;
	v18 =	vxor.u32 v11, v20;
	v20 =	vxor.u32 v8, v12  }
0x4c9: {  	v15 =	vxor.u32 v15, v13;
	v21 =	vxor.u32 v14, v17;
	v10 =	vxor.u32 v23, v10;
	v6 =	vpop (erf)  }
0x4ca: {  	v24 =	vshrl.u32 v18, $0x8;
	v22 =	vxor.u32 v19, v16;
	v23 =	vshrl.u32 v9, $0x8;
	v7 =	vpop (erf)  }
.Ltmp26:
0x4cb: {  	v25 =	vshrl.u32 v20, $0x8;
	v12 =	vshrl.u32 v15, $0x8;
	v11 =	vshrl.u32 v21, $0x8;
	v17 =	vpop (erf);
	(pc) =	sbr.rel @p1 .LBB2_51-.Ltmp26, $4  }
0x4cc: {  	v14 =	vand.u32 $0xFF, v9;
	v8 =	vshrl.u32 v22, $0x8;
	v13 =	vshrl.u32 v10, $0x8;
	v9 =	vpop (erf)  }
0x4cd: {  	v18 =	vand.u32 $0xFF, v18;
	v19 =	vand.u32 $0xFF, v20;
	v20 =	vand.u32 $0xFF, v15;
	v15 =	vpop (erf)  }
0x4ce: {  	v21 =	vand.u32 $0xFF, v21;
	v16 =	vand.u32 $0xFF, v10;
	v10 =	vand.u32 $0xFF, v22;
	v22 =	vpop (erf)  }
0x4cf: {  	s2 =	sadd.s32 $0x80, s2;
	vm2 =	veq.s32 v24, v5;
	vm1 =	veq.s32 v25, v5;
	vm3 =	veq.s32 v23, v5;
	v23 =	vpop (erf)  }
0x4d0: {  	v14 =	vor.u32 v2, v14  }
0x4d1: {  	v18 =	vor.u32 v2, v18  }
0x4d2: {  	v19 =	vor.u32 v2, v19  }
0x4d3: {  	v20 =	vor.u32 v2, v20  }
0x4d4: {  	v17 =	vnsel vm3, $0x0, v17;
	v21 =	vor.u32 v2, v21  }
0x4d5: {  	v6 =	vnsel vm2, $0x0, v6;
	v16 =	vor.u32 v2, v16;
	[tilespmem:v14+s4+$0x0] =	vst.idx.add.f32.msk $0xffff, v17  }
0x4d6: {  	vm2 =	veq.s32 v12, v5;
	v7 =	vnsel vm1, $0x0, v7;
	v10 =	vor.u32 v2, v10;
	[tilespmem:v18+s4+$0x0] =	vst.idx.add.f32.msk $0xffff, v6  }
0x4d7: {  	vm1 =	veq.s32 v11, v5;
	v6 =	vnsel vm2, $0x0, v9;
	[tilespmem:v19+s4+$0x0] =	vst.idx.add.f32.msk $0xffff, v7  }
0x4d8: {  	vm2 =	veq.s32 v13, v5;
	v7 =	vnsel vm1, $0x0, v15;
	[tilespmem:v20+s4+$0x0] =	vst.idx.add.f32.msk $0xffff, v6  }
0x4d9: {  	vm1 =	veq.s32 v8, v5;
	v6 =	vnsel vm2, $0x0, v22;
	[tilespmem:v21+s4+$0x0] =	vst.idx.add.f32.msk $0xffff, v7  }
0x4da: {  	v7 =	vnsel vm1, $0x0, v23;
	[tilespmem:v16+s4+$0x0] =	vst.idx.add.f32.msk $0xffff, v6  }
0x4db: {  	[tilespmem:v10+s4+$0x0] =	vst.idx.add.f32.msk $0xffff, v7  }
0x4dc: {  	v6 =	vld [tilespmem:$0x14E80];
	_ =	sdelay $0x4  }
0x4dd: {  	v6 =	vmul.f32 v6, v3;
	_ =	sdelay $0x1  }
0x4de: {  	v7 =	vmul.f32 $1.442695020e+00, v6;
	_ =	sdelay $0x1  }
0x4df: {  	(erf) = vpow2.f32 v7;
	_ =	sdelay $0x1  }
0x4e0: {  	v7 =	vshra.s32 v6, $0x1F  }
0x4e1: {  	v7 =	vor.u32 $0x80000000, v7  }
0x4e2: {  	v6 =	vxor.u32 v6, v7  }
0x4e3: {  	s26 =	sadd.s32 $0x1, s26;
	v7 =	vand.u32 $0xFF, v6  }
0x4e4: {  	p1 =	sne.s32 s26, $0x19;
	v7 =	vor.u32 v2, v7  }
.Ltmp27:
0x4e5: {  	_ = 	snop;
	(pc) =	sbr.rel @p1 .LBB2_48-.Ltmp27, $4  }
0x4e6: {  	v6 =	vshrl.u32 v6, $0x8  }
0x4e7: {  	vm1 =	veq.s32 v6, v5;
	v63 =	vpop (erf)  }
0x4e8: {  	v6 =	vnsel vm1, $0x0, v63  }
0x4e9: {  	[tilespmem:v7+s4+$0x0] =	vst.idx.add.f32.msk $0xffff, v6  }
.LBB2_53:
0x4ea: {  	s0 =	simm.s32 $0x0  }
0x4eb: {  	v3 =	vld [tilespmem:s0+$0x10]  }
0x4ec: {  	s3 =	simm.s32 $0x0;
	v5 =	vld [tilespmem:s0+$0x0]  }
0x4ed: {  	s2 =	sand.u32 $0xFE0, s3;
	v6 =	vld [tilespmem:s0+$0x1010]  }
0x4ee: {  	v7 =	vld [tilespmem:s2+$0x1000]  }
0x4ef: {  	v8 =	vld [tilespmem:s0+$0x2010]  }
0x4f0: {  	v9 =	vld [tilespmem:s2+$0x2000];
	v3 =	vadd.f32 $0.0e+00, v3  }
0x4f1: {  	v10 =	vld [tilespmem:s0+$0x3010];
	v5 =	vadd.f32 $0.0e+00, v5  }
0x4f2: {  	v11 =	vld [tilespmem:s2+$0x3000];
	v3 =	vadd.f32 v6, v3  }
0x4f3: {  	v5 =	vadd.f32 v7, v5;
	v6 =	vld [tilespmem:s0+$0x4010]  }
0x4f4: {  	v7 =	vld [tilespmem:s2+$0x4000];
	v3 =	vadd.f32 v8, v3  }
0x4f5: {  	v5 =	vadd.f32 v9, v5;
	v8 =	vld [tilespmem:s0+$0x5010]  }
0x4f6: {  	v9 =	vld [tilespmem:s2+$0x5000];
	v3 =	vadd.f32 v10, v3  }
0x4f7: {  	v5 =	vadd.f32 v11, v5;
	v10 =	vld [tilespmem:s0+$0x6010]  }
0x4f8: {  	v11 =	vld [tilespmem:s2+$0x6000];
	v3 =	vadd.f32 v6, v3  }
0x4f9: {  	v5 =	vadd.f32 v7, v5;
	v6 =	vld [tilespmem:s0+$0x7010]  }
0x4fa: {  	v7 =	vld [tilespmem:s2+$0x7000];
	v3 =	vadd.f32 v8, v3  }
0x4fb: {  	v5 =	vadd.f32 v9, v5;
	v8 =	vld [tilespmem:s0+$0x8010]  }
0x4fc: {  	v9 =	vld [tilespmem:s2+$0x8000];
	v3 =	vadd.f32 v10, v3  }
0x4fd: {  	v5 =	vadd.f32 v11, v5;
	v10 =	vld [tilespmem:s0+$0x9010]  }
0x4fe: {  	v11 =	vld [tilespmem:s2+$0x9000];
	v3 =	vadd.f32 v6, v3  }
0x4ff: {  	v5 =	vadd.f32 v7, v5;
	v6 =	vld [tilespmem:s0+$0xA010]  }
0x500: {  	v7 =	vld [tilespmem:s2+$0xA000];
	v3 =	vadd.f32 v8, v3  }
0x501: {  	v5 =	vadd.f32 v9, v5;
	v8 =	vld [tilespmem:s0+$0xB010]  }
0x502: {  	v9 =	vld [tilespmem:s2+$0xB000];
	v3 =	vadd.f32 v10, v3  }
0x503: {  	v5 =	vadd.f32 v11, v5;
	v10 =	vld [tilespmem:s0+$0xC010]  }
0x504: {  	v11 =	vld [tilespmem:s2+$0xC000];
	v12 =	vadd.f32 v6, v3  }
0x505: {  	v5 =	vadd.f32 v7, v5;
	v6 =	vld [tilespmem:s0+$0xD010]  }
0x506: {  	v3 =	vld [tilespmem:s2+$0xD000];
	v8 =	vadd.f32 v8, v12  }
0x507: {  	v7 =	vld [tilespmem:s0+$0xE010];
	v9 =	vadd.f32 v9, v5  }
0x508: {  	v5 =	vld [tilespmem:s2+$0xE000];
	v10 =	vadd.f32 v10, v8  }
0x509: {  	s5 =	simm.s32 $0x0;
	s8 =	simm.s32 $0x80;
	v9 =	vadd.f32 v11, v9;
	v8 =	vld [tilespmem:s0+$0xF010]  }
.LBB2_54:
0x50a: {  	s9 =	sshra.s32 s8, $0x2;
	s5 =	sadd.s32 $0x2, s5;
	v11 =	vld [tilespmem:s2+$0xF000];
	v6 =	vadd.f32 v6, v10  }
0x50b: {  	v10 =	vld [tilespmem:s9+$0x10];
	p1 =	slt.u32 s5, $0xFE;
	v3 =	vadd.f32 v3, v9  }
0x50c: {  	s3 =	sadd.s32 $0x20, s3;
	v9 =	vld [tilespmem:s9+$0x0];
	v6 =	vadd.f32 v7, v6  }
0x50d: {  	s2 =	sand.u32 $0xFE0, s3;
	v7 =	vld [tilespmem:s9+$0x1010];
	v3 =	vadd.f32 v5, v3  }
0x50e: {  	v5 =	vld [tilespmem:s2+$0x1000];
	v6 =	vadd.f32 v8, v6  }
0x50f: {  	v8 =	vld [tilespmem:s9+$0x2010];
	v3 =	vadd.f32 v11, v3  }
0x510: {  	v11 =	vld [tilespmem:s2+$0x2000];
	v10 =	vadd.f32 $0.0e+00, v10;
	[tilespmem:s0+$0x14F10] =	vst v6  }
0x511: {  	v6 =	vadd.f32 $0.0e+00, v9;
	v9 =	vld [tilespmem:s9+$0x3010];
	[tilespmem:s0+$0x14F00] =	vst v3;
	s0 =	smov.u32 s9  }
0x512: {  	v3 =	vld [tilespmem:s2+$0x3000];
	v7 =	vadd.f32 v7, v10  }
0x513: {  	v5 =	vadd.f32 v5, v6;
	v6 =	vld [tilespmem:s0+$0x4010]  }
0x514: {  	v10 =	vld [tilespmem:s2+$0x4000];
	v7 =	vadd.f32 v8, v7  }
0x515: {  	v5 =	vadd.f32 v11, v5;
	v8 =	vld [tilespmem:s0+$0x5010]  }
0x516: {  	v11 =	vld [tilespmem:s2+$0x5000];
	v7 =	vadd.f32 v9, v7  }
0x517: {  	v3 =	vadd.f32 v3, v5;
	v5 =	vld [tilespmem:s0+$0x6010]  }
0x518: {  	v9 =	vld [tilespmem:s2+$0x6000];
	v6 =	vadd.f32 v6, v7  }
0x519: {  	v3 =	vadd.f32 v10, v3;
	v7 =	vld [tilespmem:s0+$0x7010]  }
0x51a: {  	v10 =	vld [tilespmem:s2+$0x7000];
	v6 =	vadd.f32 v8, v6  }
0x51b: {  	v3 =	vadd.f32 v11, v3;
	v8 =	vld [tilespmem:s0+$0x8010]  }
0x51c: {  	v11 =	vld [tilespmem:s2+$0x8000];
	v5 =	vadd.f32 v5, v6  }
0x51d: {  	v3 =	vadd.f32 v9, v3;
	v6 =	vld [tilespmem:s0+$0x9010]  }
0x51e: {  	v9 =	vld [tilespmem:s2+$0x9000];
	v5 =	vadd.f32 v7, v5  }
0x51f: {  	v3 =	vadd.f32 v10, v3;
	v7 =	vld [tilespmem:s0+$0xA010]  }
0x520: {  	v10 =	vld [tilespmem:s2+$0xA000];
	v5 =	vadd.f32 v8, v5  }
0x521: {  	v3 =	vadd.f32 v11, v3;
	v8 =	vld [tilespmem:s0+$0xB010]  }
0x522: {  	v11 =	vld [tilespmem:s2+$0xB000];
	v5 =	vadd.f32 v6, v5  }
0x523: {  	v3 =	vadd.f32 v9, v3;
	v9 =	vld [tilespmem:s0+$0xC010]  }
0x524: {  	v12 =	vld [tilespmem:s2+$0xC000];
	v5 =	vadd.f32 v7, v5  }
.Ltmp28:
0x525: {  	v7 =	vadd.f32 v10, v3;
	v6 =	vld [tilespmem:s0+$0xD010];
	(pc) =	sbr.rel @p1 .LBB2_54-.Ltmp28, $4  }
0x526: {  	v3 =	vld [tilespmem:s2+$0xD000];
	v8 =	vadd.f32 v8, v5  }
0x527: {  	v11 =	vadd.f32 v11, v7;
	v7 =	vld [tilespmem:s0+$0xE010]  }
0x528: {  	v5 =	vld [tilespmem:s2+$0xE000];
	v10 =	vadd.f32 v9, v8  }
0x529: {  	s8 =	sadd.s32 $0x80, s8;
	v9 =	vadd.f32 v12, v11;
	v8 =	vld [tilespmem:s0+$0xF010]  }
0x52a: {  	v11 =	vld [tilespmem:s2+$0xF000];
	v6 =	vadd.f32 v6, v10  }
0x52b: {  	v3 =	vadd.f32 v3, v9  }
0x52c: {  	v6 =	vadd.f32 v7, v6  }
0x52d: {  	v3 =	vadd.f32 v5, v3  }
0x52e: {  	v5 =	vadd.f32 v8, v6  }
0x52f: {  	v3 =	vadd.f32 v11, v3  }
0x530: {  	[tilespmem:s0+$0x14F10] =	vst v5  }
0x531: {  	s29 =	simm.s32 $0x80;
	s3 =	simm.s32 $0x100;
	s30 =	simm.s32 $0x14F00;
	[tilespmem:s0+$0x14F00] =	vst v3  }
0x532: {  	[spmem:s13] =	stream.strided.scatter [tilespmem:s30], [sflag:$0x3], $0x1000, s3, s29, $0x38;
	[tilespmem:$0x1E000] =	vst v63  }
0x533: {  	_ =	swait.ge [sflag:s10], $0x1000  }
0x534: {  	[sflag:s10] =	ssyncset.done $0x0  }
0x535: {  	[sflag:s10] =	ssyncadd.s32 $0xFFFFF000  }
0x536: {  	[bflag:$0x0] =	sbarrier.arrive $0xFFFF  }
0x537: {  	s5 =	simm.s32 $0x15F00;
	s31 =	rddreg [dreg:$0x6]  }
0x538: {  	[tilespmem:s5], [sflag:$0x3] =	stream.strided.gather [spmem:s31], $0x1000, s3, s29, $0x38;
	[tilespmem:$0x1E000] =	vst v63  }
0x539: {  	_ =	swait.ge [sflag:s10], $0x1000  }
0x53a: {  	[sflag:s10] =	ssyncset.done $0x0  }
0x53b: {  	s0 =	simm.s32 $0x14F20;
	[sflag:s10] =	ssyncadd.s32 $0xFFFFF000  }
0x53c: {  	s2 =	simm.s32 $0x15F20;
	v9 =	vld [tilespmem:s0+$0x10]  }
0x53d: {  	v10 =	vld [tilespmem:s2+$0x10]  }
0x53e: {  	v6 =	vld [tilespmem:s2+$0xFFFFFFE0]  }
0x53f: {  	v3 =	vld [tilespmem:s0+$0xFFFFFFF0]  }
0x540: {  	v8 =	vld [tilespmem:s2+$0xFFFFFFF0]  }
0x541: {  	v5 =	vld [tilespmem:s0+$0x0]  }
0x542: {  	v7 =	vld [tilespmem:s2+$0x0];
	v10 =	vadd.f32 v10, v9  }
0x543: {  	s3 =	simm.s32 $0x0;
	s5 =	simm.s32 $0x14F60;
	v9 =	vld [tilespmem:s0+$0xFFFFFFE0]  }
.LBB2_56:
0x544: {  	v11 =	vld [tilespmem:s5+$0x10];
	[tilespmem:s0+$0x10] =	vst v10;
	s2 =	sadd.s32 $0x40, s2  }
0x545: {  	s3 =	sadd.s32 $0x4, s3;
	v10 =	vld [tilespmem:s2+$0x10];
	v8 =	vadd.f32 v8, v3  }
0x546: {  	p1 =	slt.u32 s3, $0xFC;
	v12 =	vld [tilespmem:s2+$0xFFFFFFE0]  }
.Ltmp29:
0x547: {  	v3 =	vld [tilespmem:s5+$0xFFFFFFF0];
	[tilespmem:s0+$0xFFFFFFF0] =	vst v8;
	v7 =	vadd.f32 v7, v5;
	(pc) =	sbr.rel @p1 .LBB2_56-.Ltmp29, $4  }
0x548: {  	v8 =	vld [tilespmem:s2+$0xFFFFFFF0];
	v13 =	vadd.f32 v6, v9  }
0x549: {  	v5 =	vld [tilespmem:s5+$0x0];
	[tilespmem:s0+$0x0] =	vst v7  }
0x54a: {  	v7 =	vld [tilespmem:s2+$0x0];
	v10 =	vadd.f32 v10, v11;
	[tilespmem:s0+$0xFFFFFFE0] =	vst v13;
	s0 =	smov.u32 s5  }
0x54b: {  	s5 =	sadd.s32 $0x40, s5;
	v9 =	vld [tilespmem:s0+$0xFFFFFFE0];
	v6 =	vmov v12  }
0x54c: {  	_ =	sdelay $0x1  }
0x54d: {  	v3 =	vadd.f32 v8, v3  }
0x54e: {  	[tilespmem:s0+$0x10] =	vst v10;
	v5 =	vadd.f32 v7, v5  }
0x54f: {  	[tilespmem:s0+$0xFFFFFFF0] =	vst v3;
	v3 =	vadd.f32 v6, v9  }
0x550: {  	[tilespmem:s0+$0x0] =	vst v5  }
0x551: {  	[tilespmem:s0+$0xFFFFFFE0] =	vst v3  }
0x552: {  	[bflag:$0x0] =	sbarrier.arrive $0xFFFF  }
0x553: {  	v3 =	vld [tilespmem:$0x14F00];
	_ =	sdelay $0x1  }
0x554: {  	v5 =	vld [tilespmem:$0x14F10];
	_ =	sdelay $0x1  }
0x555: {  	v6 =	vld [tilespmem:$0x14F20]  }
0x556: {  	v3 =	vadd.f32 $0.0e+00, v3  }
0x557: {  	v7 =	vld [tilespmem:$0x14F30]  }
0x558: {  	v3 =	vadd.f32 v5, v3  }
0x559: {  	v5 =	vld [tilespmem:$0x14F40]  }
0x55a: {  	v3 =	vadd.f32 v6, v3  }
0x55b: {  	v6 =	vld [tilespmem:$0x14F50]  }
0x55c: {  	v3 =	vadd.f32 v7, v3  }
0x55d: {  	v7 =	vld [tilespmem:$0x14F60]  }
0x55e: {  	v3 =	vadd.f32 v5, v3  }
0x55f: {  	v5 =	vld [tilespmem:$0x14F70]  }
0x560: {  	v3 =	vadd.f32 v6, v3  }
0x561: {  	v6 =	vld [tilespmem:$0x14F80]  }
0x562: {  	v3 =	vadd.f32 v7, v3  }
0x563: {  	v7 =	vld [tilespmem:$0x14F90]  }
0x564: {  	v3 =	vadd.f32 v5, v3  }
0x565: {  	v5 =	vld [tilespmem:$0x14FA0]  }
0x566: {  	v3 =	vadd.f32 v6, v3  }
0x567: {  	v6 =	vld [tilespmem:$0x14FB0]  }
0x568: {  	v3 =	vadd.f32 v7, v3  }
0x569: {  	v7 =	vld [tilespmem:$0x14FC0]  }
0x56a: {  	v3 =	vadd.f32 v5, v3  }
0x56b: {  	v5 =	vld [tilespmem:$0x14FD0]  }
0x56c: {  	v3 =	vadd.f32 v6, v3  }
0x56d: {  	v6 =	vld [tilespmem:$0x14FE0]  }
0x56e: {  	v3 =	vadd.f32 v7, v3  }
0x56f: {  	v7 =	vld [tilespmem:$0x14FF0]  }
0x570: {  	v3 =	vadd.f32 v5, v3  }
0x571: {  	s3 =	simm.s32 $0x14F00  }
0x572: {  	v3 =	vadd.f32 v6, v3;
	v6 =	vld [tilespmem:s3+$0x0];
	_ =	sdelay $0x1  }
0x573: {  	v3 =	vadd.f32 v7, v3;
	_ =	sdelay $0x1  }
0x574: {  	(xrf2) =	vadd.scan.msk.f32 $0xffff, v3  }
0x575: {  	(xrf2) =	vadd.scan.msk.f32 $0xffff, v6;
	_ =	sdelay $0x3  }
0x576: {  	s5 =	simm.s32 $0x14F10  }
0x577: {  	v7 =	vld [tilespmem:s5+$0x0];
	_ =	sdelay $0x3  }
0x578: {  	v3, _, _ =	vpop (xrf2)  }
0x579: {  	s8 =	simm.s32 $0x14F20;
	v8, _, _ =	vpop (xrf2);
	(xrf2) =	vadd.scan.msk.f32 $0xffff, v7  }
0x57a: {  	v10 =	vld [tilespmem:s8+$0x0];
	(v2sf) =	vpush v8, $0xF;
	_ =	sdelay $0x4  }
0x57b: {  	(xrf2) =	vadd.scan.msk.f32 $0xffff, v10;
	_ =	sdelay $0x2  }
0x57c: {  	s26 =	simm.f32 $0.0e+00  }
0x57d: {  	v5 =	vbroadcast v3, $0xF;
	v3 =	vadd.f32 s26, v8;
	v8, _, _ =	vpop (xrf2)  }
0x57e: {  	(v2sf) =	vpush v8, $0xF;
	_ =	sdelay $0x2  }
0x57f: {  	v11 =	vsub.f32 v5, v3  }
0x580: {  	v3 =	vmov s25  }
0x581: {  	v11 =	vadd.f32 v11, v3;
	v12, _, _ =	vpop (xrf2);
	s10 =	spop (v2sf)  }
0x582: {  	s9 =	simm.s32 $0x14F30;
	(v2sf) =	vpush v12, $0xF;
	s0 =	sadd.f32 s10, s26  }
0x583: {  	v9 =	vld [tilespmem:s9+$0x0];
	vm1 =	vgt.f32 v6, $0.0e+00;
	vm2 =	vle.f32 v11, v4  }
0x584: {  	vm1 =	vmand vm1, vm2;
	v8 =	vadd.f32 s0, v8  }
0x585: {  	v13 =	vsel vm1, $0x3F800000, v1  }
0x586: {  	v14 =	vmctz.xlane vm1;
	(xrf0) =	vmax.scan.msk.f32 $0xffff, v13;
	v8 =	vsub.f32 v5, v8  }
0x587: {  	s25 =	simm.s32 $0x0  }
0x588: {  	(xrf2) =	vadd.scan.msk.f32 $0xffff, v9;
	vm1 =	veq.s32 v14, v0;
	v13 =	vadd.f32 v8, v3;
	v8 =	vor.u32 s25, v0  }
0x589: {  	s2 =	simm.s32 $0x14F40;
	v11 =	vnsel vm1, $0x0, v11;
	v8 =	vnsel vm1, $0x0, v8  }
0x58a: {  	(xrf0) =	vadd.scan.msk.s32 $0xffff, v8;
	v8 =	vld [tilespmem:s2+$0x0]  }
0x58b: {  	vm2 =	vgt.f32 v7, $0.0e+00;
	vm3 =	vle.f32 v13, v4;
	s11 =	spop (v2sf)  }
0x58c: {  	(xrf2) =	vadd.scan.msk.f32 $0xffff, v11;
	v11, _, _ =	vpop (xrf0);
	vm2 =	vmand vm2, vm3;
	s0 =	sadd.f32 s11, s0  }
0x58d: {  	(v2sf) =	vpush v11, $0xF;
	v14 =	vsel vm2, $0x3F800000, v1  }
0x58e: {  	(xrf0) =	vmax.scan.msk.f32 $0xffff, v14;
	v14 =	vmctz.xlane vm2;
	v12 =	vadd.f32 s0, v12  }
0x58f: {  	v15 =	vnsel vm1, $0x0, v6;
	(xrf2) =	vadd.scan.msk.f32 $0xffff, v8  }
0x590: {  	vm1 =	veq.s32 v14, v0;
	(xrf2) =	vadd.scan.msk.f32 $0xffff, v15;
	v12 =	vsub.f32 v5, v12  }
0x591: {  	s12 =	simm.s32 $0x14F50;
	s3 =	spop (v2sf);
	v13 =	vnsel vm1, $0x0, v13  }
0x592: {  	s14 =	simm.s32 $0x10;
	v6 =	vld [tilespmem:s12+$0x0];
	v11, _, _ =	vpop (xrf2);
	s0 =	sadd.f32 s3, s0;
	(xrf2) =	vadd.scan.msk.f32 $0xffff, v13;
	v12 =	vadd.f32 v12, v3  }
0x593: {  	(v2sf) =	vpush v11, $0xF;
	vm2 =	vgt.f32 v10, $0.0e+00;
	v13 =	vor.u32 s14, v0  }
0x594: {  	v16, _, _ =	vpop (xrf0);
	v11 =	vadd.f32 s0, v11;
	v13 =	vnsel vm1, $0x0, v13;
	vm3 =	vle.f32 v12, v4  }
0x595: {  	v7 =	vnsel vm1, $0x0, v7;
	(v2sf) =	vpush v16, $0xF;
	v15, _, _ =	vpop (xrf0);
	(xrf0) =	vadd.scan.msk.s32 $0xffff, v13;
	vm1 =	vmand vm2, vm3  }
0x596: {  	v11 =	vsub.f32 v5, v11;
	v13 =	vsel vm1, $0x3F800000, v1  }
0x597: {  	v14, _, _ =	vpop (xrf2);
	(xrf2) =	vadd.scan.msk.f32 $0xffff, v6  }
0x598: {  	(v2sf) =	vpush v14, $0xF;
	(xrf2) =	vadd.scan.msk.f32 $0xffff, v7  }
0x599: {  	(v2sf) =	vpush v15, $0xF;
	v14 =	vmctz.xlane vm1;
	(xrf0) =	vmax.scan.msk.f32 $0xffff, v13;
	v13, _, _ =	vpop (xrf2)  }
0x59a: {  	v15 =	vadd.f32 v11, v3;
	(v2sf) =	vpush v13, $0xF;
	v11, _, _ =	vpop (xrf2)  }
0x59b: {  	vm1 =	veq.s32 v14, v0;
	v16, _, _ =	vpop (xrf0);
	(v2sf) =	vpush v11, $0xF  }
0x59c: {  	s20 =	spop (v2sf);
	v11 =	vnsel vm1, $0x0, v12;
	v12, _, _ =	vpop (xrf2);
	(v2sf) =	vpush v16, $0xF  }
0x59d: {  	(v2sf) =	vpush v12, $0xF  }
0x59e: {  	s19 =	simm.s32 $0x14F60;
	vm2 =	vgt.f32 v9, $0.0e+00;
	vm3 =	vle.f32 v15, v4  }
0x59f: {  	s18 =	simm.s32 $0x20;
	v7 =	vld [tilespmem:s19+$0x0];
	vm2 =	vmand vm2, vm3  }
0x5a0: {  	v14 =	vor.u32 s18, v0;
	v12 =	vmctz.xlane vm2  }
0x5a1: {  	v14 =	vnsel vm1, $0x0, v14;
	(xrf2) =	vadd.scan.msk.f32 $0xffff, v11;
	v11, _, _ =	vpop (xrf0)  }
0x5a2: {  	s13 =	smov.u32 s22;
	s21 =	spop (v2sf);
	(xrf0) =	vadd.scan.msk.s32 $0xffff, v14;
	v14 =	vnsel vm1, $0x0, v10;
	(v2sf) =	vpush v11, $0xF;
	v11, _, _ =	vpop (xrf2);
	vm1 =	veq.s32 v12, v0  }
0x5a3: {  	p1 =	por $0x0, $0x0;
	s30 =	simm.s32 $0x70;
	s10 =	sadd.f32 s21, s0;
	(v2sf) =	vpush v11, $0xF;
	v12 =	vnsel vm1, $0x0, v9;
	v9, _, _ =	vpop (xrf2)  }
0x5a4: {  	s29 =	simm.s32 $0x80;
	s22 =	simm.s32 $0x14F70;
	(xrf2) =	vadd.scan.msk.f32 $0xffff, v7;
	s31 =	spop (v2sf);
	(v2sf) =	vpush v9, $0xF  }
0x5a5: {  	s28 =	simm.f32 $0.0e+00;
	p2 =	por !p1, !p1;
	p3 =	sgt.f32 s20, $0.0e+00;
	v13 =	vadd.f32 s10, v13;
	v10 =	vsel vm2, $0x3F800000, v1  }
0x5a6: {  	s9 =	simm.s32 $0x30;
	s8 =	simm.s32 $0x14F80;
	s5 =	simm.s32 $0x90;
	(xrf0) =	vmax.scan.msk.f32 $0xffff, v10  }
0x5a7: {  	s12 =	simm.s32 $0x40;
	s3 =	simm.s32 $0x60;
	p2 =	por !p3, !p2;
	v13 =	vsub.f32 v5, v13;
	(xrf2) =	vadd.scan.msk.f32 $0xffff, v14  }
0x5a8: {  	s0 =	simm.s32 $0x50;
	p2 =	por !p2, !p2;
	v10 =	vld [tilespmem:s22+$0x0];
	v16 =	vor.u32 s9, v0;
	v17 =	vnsel vm1, $0x0, v15;
	s9 =	spop (v2sf)  }
0x5a9: {  	p1 =	por p1, p3;
	v13 =	vadd.f32 v13, v3;
	v14 =	vnsel vm1, $0x0, v16;
	v15, _, _ =	vpop (xrf0);
	v9 =	vld [tilespmem:s8+$0x0];
	(xrf2) =	vadd.scan.msk.f32 $0xffff, v17;
	s28 =	smov.u32 @p2 s9;
	s2 =	spop (v2sf)  }
.LBB2_58:
0x5aa: {  	p3 =	sne.s32 s5, $0xF0  }
0x5ab: {  	(v2sf) =	vpush v15, $0xF;
	v15, _, _ =	vpop (xrf2);
	s25 =	smov.u32 @p2 s31;
	s9 =	smov.u32 s5;
	s5 =	sadd.s32 $0x10, s5  }
0x5ac: {  	vm1 =	vgt.f32 v8, $0.0e+00;
	p5 =	sgt.f32 s2, $0.0e+00;
	vm2 =	vle.f32 v13, v4;
	s11 =	spop (v2sf);
	v16, _, _ =	vpop (xrf0);
	(xrf0) =	vadd.scan.msk.s32 $0xffff, v14;
	(v2sf) =	vpush v15, $0xF  }
0x5ad: {  	p4 =	por !p1, !p1;
	(xrf2) =	vadd.scan.msk.f32 $0xffff, v10;
	vm1 =	vmand vm1, vm2;
	s10 =	sadd.f32 s11, s10;
	(v2sf) =	vpush v16, $0xF  }
0x5ae: {  	p4 =	por !p5, !p4;
	p1 =	por p1, p5;
	v14, _, _ =	vpop (xrf2);
	v15 =	vsel vm1, $0x3F800000, v1;
	v16 =	vmctz.xlane vm1  }
.Ltmp30:
0x5af: {  	(v2sf) =	vpush v14, $0xF;
	v17 =	vadd.f32 s10, v11;
	(xrf0) =	vmax.scan.msk.f32 $0xffff, v15;
	s2 =	spop (v2sf);
	v11 =	vmov v14;
	(pc) =	sbr.rel @p3 .LBB2_58-.Ltmp30, $4  }
0x5b0: {  	v14 =	vor.u32 s12, v0;
	s12 =	smov.u32 s0;
	s0 =	smov.u32 s3;
	vm1 =	veq.s32 v16, v0;
	(xrf2) =	vadd.scan.msk.f32 $0xffff, v12;
	s26 =	smov.u32 @p2 s2  }
0x5b1: {  	s3 =	smov.u32 s30;
	s30 =	smov.u32 s29;
	v16 =	vsub.f32 v5, v17;
	v17 =	vnsel vm1, $0x0, v13;
	v12 =	vnsel vm1, $0x0, v8;
	v8, _, _ =	vpop (xrf2);
	s31 =	spop (v2sf)  }
0x5b2: {  	s8 =	sadd.s32 $0x10, s8;
	p2 =	por !p4, !p4;
	v14 =	vnsel vm1, $0x0, v14;
	v15, _, _ =	vpop (xrf0);
	(v2sf) =	vpush v8, $0xF;
	s11 =	spop (v2sf);
	v8 =	vmov v6  }
0x5b3: {  	s29 =	smov.u32 s9;
	v6 =	vmovc v7;
	v7 =	vmov v10;
	v10 =	vmov v9;
	v13 =	vadd.f32 v16, v3;
	(xrf2) =	vadd.scan.msk.f32 $0xffff, v17;
	s2 =	spop (v2sf);
	s28 =	smov.u32 @p2 s11;
	v9 =	vld [tilespmem:s8+$0x0]  }
0x5b4: {  	_ = 	snop  }
0x5b5: {  	vm1 =	vgt.f32 v8, $0.0e+00;
	(xrf2) =	vadd.scan.msk.f32 $0xffff, v10;
	vm2 =	vle.f32 v13, v4  }
0x5b6: {  	(xrf0) =	vadd.scan.msk.s32 $0xffff, v14;
	vm1 =	vmand vm1, vm2  }
0x5b7: {  	v55 =	vsel vm1, $0x3F800000, v1  }
0x5b8: {  	(v2sf) =	vpush v15, $0xF;
	v56, _, _ =	vpop (xrf2);
	(xrf0) =	vmax.scan.msk.f32 $0xffff, v55  }
0x5b9: {  	v57, _, _ =	vpop (xrf0);
	(v2sf) =	vpush v56, $0xF  }
0x5ba: {  	(v2sf) =	vpush v57, $0xF;
	v58, _, _ =	vpop (xrf2)  }
0x5bb: {  	(v2sf) =	vpush v58, $0xF;
	v59, _, _ =	vpop (xrf2)  }
0x5bc: {  	v16, _, _ =	vpop (xrf0);
	(v2sf) =	vpush v59, $0xF  }
0x5bd: {  	(v2sf) =	vpush v16, $0xF;
	v60, _, _ =	vpop (xrf2)  }
0x5be: {  	v61, _, _ =	vpop (xrf0);
	(v2sf) =	vpush v60, $0xF  }
0x5bf: {  	s5 =	spop (v2sf);
	v62, _, _ =	vpop (xrf2);
	(v2sf) =	vpush v61, $0xF  }
0x5c0: {  	(v2sf) =	vpush v62, $0xF  }
0x5c1: {  	s8 =	sadd.f32 s5, s10;
	s20 =	spop (v2sf)  }
0x5c2: {  	v63 =	vmctz.xlane vm1;
	s11 =	spop (v2sf)  }
0x5c3: {  	v11 =	vadd.f32 s8, v11;
	s19 =	spop (v2sf)  }
0x5c4: {  	vm1 =	veq.s32 v63, v0;
	s9 =	spop (v2sf)  }
0x5c5: {  	(xrf2) =	vadd.scan.msk.f32 $0xffff, v12;
	v11 =	vsub.f32 v5, v11;
	v20 =	vnsel vm1, $0x0, v13;
	s22 =	spop (v2sf)  }
0x5c6: {  	(xrf2) =	vadd.scan.msk.f32 $0xffff, v20;
	s8 =	sadd.f32 s22, s8;
	s5 =	spop (v2sf)  }
0x5c7: {  	v11 =	vadd.f32 v11, v3;
	(xrf2) =	vadd.scan.msk.f32 $0xffff, v9;
	s10 =	spop (v2sf)  }
0x5c8: {  	v21 =	vor.u32 s12, v0;
	v22 =	vadd.f32 s8, v58;
	s18 =	spop (v2sf)  }
0x5c9: {  	vm2 =	vgt.f32 v6, $0.0e+00;
	v12 =	vnsel vm1, $0x0, v21;
	vm3 =	vle.f32 v11, v4;
	s21 =	spop (v2sf)  }
0x5ca: {  	(xrf0) =	vadd.scan.msk.s32 $0xffff, v12;
	vm2 =	vmand vm2, vm3;
	v12 =	vsub.f32 v5, v22;
	s14 =	spop (v2sf)  }
0x5cb: {  	v26 =	vor.u32 s0, v0;
	v23 =	vmctz.xlane vm2;
	s22 =	sadd.f32 s14, s8;
	s14 =	spop (v2sf)  }
0x5cc: {  	v30 =	vor.u32 s3, v0;
	v24 =	vnsel vm1, $0x0, v8;
	v12 =	vadd.f32 v12, v3;
	s12 =	spop (v2sf)  }
0x5cd: {  	v25 =	vsel vm2, $0x3F800000, v1;
	vm2 =	vgt.f32 v7, $0.0e+00;
	vm1 =	veq.s32 v23, v0;
	s0 =	spop (v2sf)  }
0x5ce: {  	(xrf2) =	vadd.scan.msk.f32 $0xffff, v24;
	v11 =	vnsel vm1, $0x0, v11;
	vm3 =	vle.f32 v12, v4;
	v27 =	vadd.f32 s22, v62;
	s8 =	spop (v2sf)  }
0x5cf: {  	(xrf0) =	vmax.scan.msk.f32 $0xffff, v25;
	v28, _, _ =	vpop (xrf2);
	v8 =	vnsel vm1, $0x0, v26;
	v31 =	vnsel vm1, $0x0, v6;
	vm1 =	vmand vm2, vm3;
	s3 =	spop (v2sf)  }
0x5d0: {  	(xrf2) =	vadd.scan.msk.f32 $0xffff, v11;
	v32, _, _ =	vpop (xrf2);
	v34 =	vmctz.xlane vm1;
	v13 =	vsub.f32 v5, v27;
	s3 =	sadd.f32 s3, s22  }
0x5d1: {  	v33, _, _ =	vpop (xrf2);
	v37 =	vsel vm1, $0x3F800000, v1;
	(v2sf) =	vpush v28, $0xF  }
0x5d2: {  	(xrf0) =	vadd.scan.msk.s32 $0xffff, v8;
	vm1 =	veq.s32 v34, v0;
	v35 =	vadd.f32 v13, v3;
	v36 =	vadd.f32 s3, v33  }
0x5d3: {  	v29, _, _ =	vpop (xrf0);
	(xrf2) =	vadd.scan.msk.f32 $0xffff, v31;
	vm2 =	vgt.f32 v10, $0.0e+00;
	v12 =	vnsel vm1, $0x0, v12  }
0x5d4: {  	(xrf0) =	vmax.scan.msk.f32 $0xffff, v37;
	(v2sf) =	vpush v29, $0xF;
	vm3 =	vle.f32 v35, v4;
	v40 =	vsub.f32 v5, v36  }
0x5d5: {  	v38, _, _ =	vpop (xrf0);
	v11 =	vnsel vm1, $0x0, v30;
	(xrf2) =	vadd.scan.msk.f32 $0xffff, v12;
	(v2sf) =	vpush v32, $0xF;
	vm2 =	vmand vm2, vm3  }
0x5d6: {  	(v2sf) =	vpush v38, $0xF;
	v39 =	vmctz.xlane vm2;
	v3 =	vadd.f32 v40, v3  }
0x5d7: {  	v41 =	vnsel vm1, $0x0, v7;
	(xrf0) =	vadd.scan.msk.s32 $0xffff, v11;
	(v2sf) =	vpush v33, $0xF;
	v46 =	vsel vm2, $0x3F800000, v1  }
0x5d8: {  	v42, _, _ =	vpop (xrf2);
	(xrf2) =	vadd.scan.msk.f32 $0xffff, v41;
	vm2 =	vgt.f32 v9, $0.0e+00;
	vm1 =	veq.s32 v39, v0;
	vm3 =	vle.f32 v3, v4  }
0x5d9: {  	v43, _, _ =	vpop (xrf0);
	(v2sf) =	vpush v42, $0xF;
	(xrf0) =	vmax.scan.msk.f32 $0xffff, v46;
	v44 =	vnsel vm1, $0x0, v35;
	vm2 =	vmand vm2, vm3  }
0x5da: {  	v45, _, _ =	vpop (xrf2);
	(v2sf) =	vpush v43, $0xF;
	(xrf2) =	vadd.scan.msk.f32 $0xffff, v44;
	v50 =	vmctz.xlane vm2  }
0x5db: {  	v47 =	vor.u32 s30, v0;
	v48, _, _ =	vpop (xrf0);
	(v2sf) =	vpush v45, $0xF;
	v51 =	vnsel vm1, $0x0, v10  }
0x5dc: {  	(v2sf) =	vpush v48, $0xF;
	(xrf2) =	vadd.scan.msk.f32 $0xffff, v51;
	v4 =	vnsel vm1, $0x0, v47;
	vm1 =	veq.s32 v50, v0  }
0x5dd: {  	p4 =	sgt.f32 s2, $0.0e+00;
	v49, _, _ =	vpop (xrf2);
	(xrf0) =	vadd.scan.msk.s32 $0xffff, v4;
	v53 =	vsel vm2, $0x3F800000, v1;
	v3 =	vnsel vm1, $0x0, v3  }
0x5de: {  	p3 =	por !p1, !p1;
	s25 =	smov.u32 @p2 s31;
	v52, _, _ =	vpop (xrf0);
	(v2sf) =	vpush v49, $0xF;
	(xrf0) =	vmax.scan.msk.f32 $0xffff, v53  }
0x5df: {  	s23 =	sshll.u32 s23, $0x14;
	p5 =	por !p4, !p3;
	p6 =	por p1, p4;
	v54, _, _ =	vpop (xrf2);
	(v2sf) =	vpush v52, $0xF;
	v55 =	vnsel vm1, $0x0, v9;
	(xrf2) =	vadd.scan.msk.f32 $0xffff, v3  }
0x5e0: {  	v56 =	vor.u32 s29, v0;
	s26 =	smov.u32 @p2 s20;
	p4 =	por !p5, !p5;
	p3 =	sgt.f32 s9, $0.0e+00;
	(v2sf) =	vpush v54, $0xF;
	(xrf2) =	vadd.scan.msk.f32 $0xffff, v55;
	v3, _, _ =	vpop (xrf0)  }
0x5e1: {  	p5 =	por !p6, !p6;
	s25 =	smov.u32 @p4 s11;
	s2 =	spop (v2sf);
	(v2sf) =	vpush v3, $0xF;
	v3 =	vnsel vm1, $0x0, v56  }
0x5e2: {  	s28 =	smov.u32 @p4 s19;
	p2 =	por !p3, !p5;
	p1 =	por p6, p3;
	v57, _, _ =	vpop (xrf2);
	(xrf0) =	vadd.scan.msk.s32 $0xffff, v3  }
0x5e3: {  	p2 =	por !p2, !p2;
	p6 =	por !p1, !p1;
	s3 =	spop (v2sf);
	v58, _, _ =	vpop (xrf0);
	(v2sf) =	vpush v57, $0xF  }
0x5e4: {  	s26 =	smov.u32 @p4 s5;
	p3 =	sgt.f32 s21, $0.0e+00;
	s5 =	spop (v2sf);
	(v2sf) =	vpush v58, $0xF;
	v3, _, _ =	vpop (xrf2)  }
0x5e5: {  	s25 =	smov.u32 @p2 s10;
	s28 =	smov.u32 @p2 s18;
	s18 =	spop (v2sf);
	v59, _, _ =	vpop (xrf0);
	(v2sf) =	vpush v3, $0xF  }
0x5e6: {  	p5 =	por !p3, !p6;
	p1 =	por p1, p3;
	s19 =	spop (v2sf);
	(v2sf) =	vpush v59, $0xF  }
0x5e7: {  	s26 =	smov.u32 @p2 s14;
	p2 =	por !p5, !p5;
	p6 =	sgt.f32 s8, $0.0e+00;
	v3, _, _ =	vpop (xrf2)  }
0x5e8: {  	p5 =	por !p1, !p1;
	s25 =	smov.u32 @p2 s12;
	s10 =	spop (v2sf);
	(v2sf) =	vpush v3, $0xF;
	v60, _, _ =	vpop (xrf0)  }
0x5e9: {  	s28 =	smov.u32 @p2 s0;
	p4 =	por !p6, !p5;
	s0 =	spop (v2sf);
	v3, _, _ =	vpop (xrf2);
	(v2sf) =	vpush v60, $0xF  }
0x5ea: {  	p1 =	por p1, p6;
	s26 =	smov.u32 @p2 s2;
	s8 =	spop (v2sf);
	(v2sf) =	vpush v3, $0xF;
	v3, _, _ =	vpop (xrf2)  }
0x5eb: {  	p2 =	por !p4, !p4;
	p6 =	sgt.f32 s18, $0.0e+00;
	s20 =	spop (v2sf);
	(v2sf) =	vpush v3, $0xF  }
0x5ec: {  	s24 =	sshll.u32 s24, $0x8;
	p5 =	por !p1, !p1;
	s25 =	smov.u32 @p2 s3  }
0x5ed: {  	s28 =	smov.u32 @p2 s5;
	p4 =	por !p6, !p5;
	p1 =	por p1, p6  }
0x5ee: {  	s26 =	smov.u32 @p2 s10;
	p2 =	por !p4, !p4;
	s9 =	spop (v2sf)  }
0x5ef: {  	p5 =	por !p1, !p1;
	p6 =	sgt.f32 s20, $0.0e+00;
	s11 =	spop (v2sf)  }
0x5f0: {  	s28 =	smov.u32 @p2 s8;
	s25 =	smov.u32 @p2 s0;
	s2 =	spop (v2sf)  }
0x5f1: {  	s26 =	smov.u32 @p2 s9;
	p4 =	por !p6, !p5;
	s21 =	spop (v2sf)  }
0x5f2: {  	p1 =	por p1, p6;
	p2 =	por !p4, !p4;
	s3 =	spop (v2sf)  }
0x5f3: {  	p5 =	por !p1, !p1;
	p6 =	sgt.f32 s21, $0.0e+00;
	s0 =	spop (v2sf)  }
0x5f4: {  	s28 =	smov.u32 @p2 s2;
	s25 =	smov.u32 @p2 s11;
	s2 =	spop (v2sf)  }
0x5f5: {  	s26 =	smov.u32 @p2 s3;
	p4 =	por !p6, !p5;
	s22 =	spop (v2sf)  }
0x5f6: {  	p1 =	por p1, p6;
	p3 =	por !p4, !p4;
	p6 =	sgt.f32 s22, $0.0e+00  }
0x5f7: {  	p1 =	por !p1, !p1;
	s25 =	smov.u32 @p3 s0;
	s0 =	spop (v2sf)  }
0x5f8: {  	s26 =	smov.u32 @p3 s0;
	p1 =	por !p6, !p1;
	s0 =	spop (v2sf)  }
0x5f9: {  	s28 =	smov.u32 @p3 s2;
	p1 =	por !p1, !p1;
	s2 =	spop (v2sf)  }
0x5fa: {  	s3 =	sor.u32 s23, s24;
	s25 =	smov.u32 @p1 s0;
	s0 =	spop (v2sf)  }
0x5fb: {  	s28 =	smov.u32 @p1 s2;
	s26 =	smov.u32 @p1 s0;
	s29 =	sor.u32 s25, s3  }
0x5fc: {  	s2 =	sadd.f32 s26, s28;
	v3 =	vmov s29  }
0x5fd: {  	vm1 =	vlt.s32 v3, $0x0  }
0x5fe: {  	v61 =	vand.u32 $0x7FFFFFFF, v3;
	v3 =	vxor.u32 $0xFFFFFFFF, v3;
	v62 =	vmov s2  }
0x5ff: {  	v3 =	vsel vm1, v61, v3;
	vm1 =	vmmov $0x1;
	v63 =	vnsel vm0, $0x0, v62  }
0x600: {  	v3 =	vsel vm1, v3, v63  }
0x601: {  	s0 =	simm.s32 @!p0 $0x0;
	s3 =	rddreg [dreg:$0x7];
	s2 =	simm.s32 @!p0 $0x16F80;
	[tilespmem:$0x16F80] =	vst v3  }
0x602: {  	[hbm4b:s3+s0] =	stream.linear.scatter @!p0 [tilespmem:s2], [sflag:$0x3], $0x10, $0x38;
	[tilespmem:$0x1E000] =	vst v63  }
0x603: {  	s0 =	simm.s32 @!p0 $0x3  }
0x604: {  	_ =	swait.ge @!p0 [sflag:s0], $0x10  }
0x605: {  	s30 =	rddreg [dreg:$0x9]  }
0x606: {  	s31 =	rddreg [dreg:$0x8];
	s3 =	sadd.s32 $0x1, s30  }
0x607: {  	p1 =	sne.s32 s3, s31  }
.Ltmp31:
0x608: {  	_ = 	snop;
	(pc) =	sbr.rel @p1 .LBB2_1-.Ltmp31, $4  }
.Ltmp32:
0x609: {  	_ = 	snop;
	(pc) =	sbr.rel @!p1 .LBB2_60-.Ltmp32, $4  }
0x60a: {  	_ = 	snop  }
0x60b: {  	s18 =	simm.s32 $0x3;
	[sflag:s0] =	ssyncset.done @!p0 $0x0  }
0x60c: {  	s22 =	smov.u32 s13;
	s13 =	rddreg [dreg:$0x5];
	[sflag:s0] =	ssyncadd.s32 @!p0 $0xFFFFFFF0  }
0x60d: {  	_ = 	snop  }
.LBB2_42:
.Ltmp33:
0x60e: {  	(pc) =	sbr.rel .LBB2_46-.Ltmp33, $2  }
0x60f: {  	_ =	sdelay $0x2  }
0x610: {  	s2 =	simm.s32 $0x0  }
.LBB2_44:
.Ltmp34:
0x611: {  	(pc) =	sbr.rel .LBB2_46-.Ltmp34, $2  }
0x612: {  	_ =	sdelay $0x2  }
0x613: {  	s2 =	simm.s32 $0x0  }
.LBB2_60:
0x614: {  	_ =	sfence.sel $0x180000  }
0x615: {  	[bflag:$0x0] =	sbarrier.arrive $0xFFFF  }
0x616: {  	_ =	strace $0x90000047  }
0x617: {  	s0 =	stileid.u32;
	[bflag:$0x2] =	sbarrier.arrive $0xFFFF  }
0x618: {  	p0 =	sne.s32 s0, $0x0;
	s0 =	rddreg [dreg:$0x4]  }
0x619: {  	s0 =	sadd.s32 @!p0 $0x100000, s0  }
0x61a: {  	[sflag:s0] =	ssyncadd.tile.s32 @!p0 $0x1;
	_ =	shalt  }
.Lfunc_end2:
_tile_overlayer_lowered:
.L_overlay_start_2:
0x61b: {  	(tag) =	ssettag $0x2  }
0x61c: {  	s0 =	rddreg [dreg:$0x0];
	s2 =	stileid.u32  }
0x61d: {  	s1 =	rddreg [dreg:$0x1];
	p0 =	sne.s32 s2, $0x0  }
0x61e: {  	s3 =	rddreg [dreg:$0x2];
	[bflag:$0x3] =	sbarrier.arrive $0xFFFF;
	s2 =	simm.s32 @!p0 $0x1C03  }
0x61f: {  	[timem:s3], [sflag:s2] =	dma.local @!p0 [hbm:s0], s1  }
0x620: {  	s0 =	simm.s32 @!p0 $0x3  }
0x621: {  	_ =	swait.ge @!p0 [sflag:s0], s1  }
0x622: {  	s1 =	ssub.s32 @!p0 $0x0, s1;
	[sflag:s0] =	ssyncset.done @!p0 $0x0  }
0x623: {  	[sflag:s0] =	ssyncadd.s32 @!p0 s1  }
0x624: {  	[bflag:$0x3] =	sbarrier.arrive $0xFFFF  }
0x625: {  	_ =	shalt  }

</sc_bundles>
